<compile_context>
chip_gen: v7x
topology: tpu7x:2x2x1
jax: 0.10.2.dev20260603
libtpu: 0.0.44.dev20260713+nightly
codegen_flags: <defaults>
</compile_context>

<pallas_src>
import functools

import jax
import jax.numpy as jnp
from jax import lax
from jax.experimental import pallas as pl
from jax.experimental.pallas import tpu as pltpu
from jax.experimental.pallas import tpu_sc as plsc

N = 10000
E = 160000
D = 256
H = 256
O = 128
G = 64

NC = 2
NS = 16
L = 16

B = 128
EP = 163840
ER = EP // B
NROW = 10240
TRASH = 10008
STRIPE = NROW // NS
CH = 128
CH128 = 32
IB = 8

BLK = 1000
NB = N // BLK

_MESH = plsc.VectorSubcoreMesh(core_axis_name="c", subcore_axis_name="s")


def _sc_degree(dst2d):
    rpt = ER // (NC * NS)

    @functools.partial(
        pl.kernel,
        mesh=_MESH,
        out_type=[jax.ShapeDtypeStruct((NROW, 128), jnp.float32),
                  jax.ShapeDtypeStruct((NROW, 128), jnp.float32)],
        scratch_types=[pltpu.VMEM((IB, B), jnp.int32),
                       pltpu.VMEM((B, 128), jnp.float32),
                       pltpu.VMEM_SHARED((NROW, 128), jnp.float32)],
    )
    def k(dst_hbm, deg0_hbm, deg1_hbm, idx_v, ones_v, acc):
        c = lax.axis_index("c")
        s = lax.axis_index("s")
        w = c * NS + s

        @pl.loop(0, B)
        def _(i):
            for q in range(128 // L):
                ones_v[i, pl.ds(q * L, L)] = jnp.ones((L,), jnp.float32)

        @pl.loop(0, STRIPE // CH128)
        def _(t):
            pltpu.sync_copy(ones_v.at[pl.ds(0, CH128)],
                            acc.at[pl.ds(s * STRIPE + t * CH128, CH128)])

        plsc.subcore_barrier()

        @pl.loop(0, rpt // IB)
        def _(t):
            pltpu.sync_copy(dst_hbm.at[pl.ds(w * rpt + t * IB, IB)], idx_v)
            for r in range(IB):
                pltpu.sync_copy(ones_v, acc.at[idx_v.at[r]], add=True)

        plsc.subcore_barrier()

        def write(deg_hbm):
            @pl.loop(0, STRIPE // CH128)
            def _(t):
                o = s * STRIPE + t * CH128
                pltpu.sync_copy(acc.at[pl.ds(o, CH128)],
                                deg_hbm.at[pl.ds(o, CH128)])

        @pl.when(c == 0)
        def _():
            write(deg0_hbm)

        @pl.when(c == 1)
        def _():
            write(deg1_hbm)

    return k(dst2d)


def _sc_scatter(y0, y1, src2d, dst2d):
    rpt = ER // NS

    @functools.partial(
        pl.kernel,
        mesh=_MESH,
        out_type=[jax.ShapeDtypeStruct((NROW, 128), jnp.float32),
                  jax.ShapeDtypeStruct((NROW, 128), jnp.float32)],
        scratch_types=[pltpu.VMEM((IB, B), jnp.int32),
                       pltpu.VMEM((IB, B), jnp.int32),
                       pltpu.VMEM((B, 128), jnp.float32),
                       pltpu.VMEM((B, 128), jnp.float32),
                       pltpu.VMEM_SHARED((NROW, 128), jnp.float32),
                       pltpu.SemaphoreType.DMA,
                       pltpu.SemaphoreType.DMA],
    )
    def k(y0_hbm, y1_hbm, src2d_hbm, dst2d_hbm, s0_hbm, s1_hbm,
          src_v, dst_v, rb0, rb1, acc, gsem0, gsem1):
        c = lax.axis_index("c")
        s = lax.axis_index("s")

        def run(y_hbm, out_hbm):
            @pl.loop(0, STRIPE // CH128)
            def _(t):
                o = s * STRIPE + t * CH128
                pltpu.sync_copy(y_hbm.at[pl.ds(o, CH128)],
                                acc.at[pl.ds(o, CH128)])

            plsc.subcore_barrier()

            @pl.loop(0, rpt // IB)
            def _(t):
                pltpu.sync_copy(src2d_hbm.at[pl.ds(s * rpt + t * IB, IB)],
                                src_v)
                pltpu.sync_copy(dst2d_hbm.at[pl.ds(s * rpt + t * IB, IB)],
                                dst_v)
                pltpu.make_async_copy(y_hbm.at[src_v.at[0]], rb0,
                                      gsem0).start()
                for r in range(IB):
                    rb, sem = (rb0, gsem0) if r % 2 == 0 else (rb1, gsem1)
                    pltpu.make_async_copy(y_hbm.at[src_v.at[r]], rb,
                                          sem).wait()
                    if r + 1 < IB:
                        nrb, nsem = ((rb1, gsem1) if r % 2 == 0
                                     else (rb0, gsem0))
                        pltpu.make_async_copy(y_hbm.at[src_v.at[r + 1]], nrb,
                                              nsem).start()
                    pltpu.sync_copy(rb, acc.at[dst_v.at[r]], add=True)

            plsc.subcore_barrier()

            @pl.loop(0, STRIPE // CH128)
            def _(t):
                o = s * STRIPE + t * CH128
                pltpu.sync_copy(acc.at[pl.ds(o, CH128)],
                                out_hbm.at[pl.ds(o, CH128)])

        @pl.when(c == 0)
        def _():
            run(y0_hbm, s0_hbm)

        @pl.when(c == 1)
        def _():
            run(y1_hbm, s1_hbm)

    return k(y0, y1, src2d, dst2d)


def _tc_xw(x, W):
    def body(x_ref, w_ref, o0_ref, o1_ref):
        xw = jnp.dot(x_ref[...], w_ref[...], preferred_element_type=jnp.float32)
        o0_ref[...] = xw[:, :128]
        o1_ref[...] = xw[:, 128:]

    return pl.pallas_call(
        body,
        grid=(NB,),
        in_specs=[pl.BlockSpec((BLK, D), lambda i: (i, 0)),
                  pl.BlockSpec((D, H), lambda i: (0, 0))],
        out_specs=[pl.BlockSpec((BLK, 128), lambda i: (i, 0)),
                   pl.BlockSpec((BLK, 128), lambda i: (i, 0))],
        out_shape=[jax.ShapeDtypeStruct((N, 128), jnp.float32),
                   jax.ShapeDtypeStruct((N, 128), jnp.float32)],
    )(x, W)


def _tc_scale(xw0, xw1, deg0, deg1):
    def body(a0, a1, d0, d1, y0, y1, dv):
        dsum = d0[...][:, :1] + d1[...][:, :1] - 1.0
        dinv = lax.rsqrt(jnp.maximum(dsum, 1e-12))
        dvb = jnp.broadcast_to(dinv, (BLK, 128))
        dv[...] = dvb
        y0[...] = a0[...] * dvb
        y1[...] = a1[...] * dvb

    return pl.pallas_call(
        body,
        grid=(NB,),
        in_specs=[pl.BlockSpec((BLK, 128), lambda i: (i, 0)),
                  pl.BlockSpec((BLK, 128), lambda i: (i, 0)),
                  pl.BlockSpec((BLK, 128), lambda i: (i, 0)),
                  pl.BlockSpec((BLK, 128), lambda i: (i, 0))],
        out_specs=[pl.BlockSpec((BLK, 128), lambda i: (i, 0)),
                   pl.BlockSpec((BLK, 128), lambda i: (i, 0)),
                   pl.BlockSpec((BLK, 128), lambda i: (i, 0))],
        out_shape=[jax.ShapeDtypeStruct((NROW, 128), jnp.float32),
                   jax.ShapeDtypeStruct((NROW, 128), jnp.float32),
                   jax.ShapeDtypeStruct((N, 128), jnp.float32)],
    )(xw0, xw1, deg0, deg1)


def _tc_layer2(S0, S1, dv, b1, W2):
    def body(s0, s1, d, b, w, y0, y1):
        dvb = d[...]
        h0 = jnp.maximum(s0[...] * dvb + b[...][:, :128], 0.0)
        h1 = jnp.maximum(s1[...] * dvb + b[...][:, 128:], 0.0)
        yw = (jnp.dot(h0, w[...][:128, :], preferred_element_type=jnp.float32)
              + jnp.dot(h1, w[...][128:, :], preferred_element_type=jnp.float32))
        y0[...] = yw[:, :128] * dvb
        y1[...] = yw[:, 128:] * dvb

    return pl.pallas_call(
        body,
        grid=(NB,),
        in_specs=[pl.BlockSpec((BLK, 128), lambda i: (i, 0)),
                  pl.BlockSpec((BLK, 128), lambda i: (i, 0)),
                  pl.BlockSpec((BLK, 128), lambda i: (i, 0)),
                  pl.BlockSpec((1, H), lambda i: (0, 0)),
                  pl.BlockSpec((H, H), lambda i: (0, 0))],
        out_specs=[pl.BlockSpec((BLK, 128), lambda i: (i, 0)),
                   pl.BlockSpec((BLK, 128), lambda i: (i, 0))],
        out_shape=[jax.ShapeDtypeStruct((NROW, 128), jnp.float32),
                   jax.ShapeDtypeStruct((NROW, 128), jnp.float32)],
    )(S0, S1, dv, b1, W2)


def _tc_pool_fc(S0, S1, dv, b2, batch3, Wfc, bfc):
    def body(s0, s1, d, b, bt, w, bf, o_ref, pool_acc, cnt_acc):
        i = pl.program_id(0)

        @pl.when(i == 0)
        def _():
            pool_acc[...] = jnp.zeros_like(pool_acc)
            cnt_acc[...] = jnp.zeros_like(cnt_acc)

        dvb = d[...]
        h0 = jnp.maximum(s0[...] * dvb + b[...][:, :128], 0.0)
        h1 = jnp.maximum(s1[...] * dvb + b[...][:, 128:], 0.0)
        bt_row = bt[...].reshape(1, BLK)
        gid = lax.broadcasted_iota(jnp.int32, (G, BLK), 0)
        oh = (gid == jnp.broadcast_to(bt_row, (G, BLK))).astype(jnp.float32)
        pool_acc[:, :128] += jnp.dot(oh, h0, preferred_element_type=jnp.float32)
        pool_acc[:, 128:] += jnp.dot(oh, h1, preferred_element_type=jnp.float32)
        cnt_acc[...] += jnp.broadcast_to(
            jnp.sum(oh, axis=1, keepdims=True), (G, 128))

        @pl.when(i == NB - 1)
        def _():
            pooled = pool_acc[...] / jnp.maximum(cnt_acc[...][:, :1], 1.0)
            logits = jnp.dot(pooled, w[...],
                             preferred_element_type=jnp.float32) + bf[...]
            o_ref[...] = jax.nn.sigmoid(logits)

    return pl.pallas_call(
        body,
        grid=(NB,),
        in_specs=[pl.BlockSpec((BLK, 128), lambda i: (i, 0)),
                  pl.BlockSpec((BLK, 128), lambda i: (i, 0)),
                  pl.BlockSpec((BLK, 128), lambda i: (i, 0)),
                  pl.BlockSpec((1, H), lambda i: (0, 0)),
                  pl.BlockSpec((1, 1, BLK), lambda i: (i, 0, 0)),
                  pl.BlockSpec((H, O), lambda i: (0, 0)),
                  pl.BlockSpec((1, O), lambda i: (0, 0))],
        out_specs=pl.BlockSpec((G, O), lambda i: (0, 0)),
        out_shape=jax.ShapeDtypeStruct((G, O), jnp.float32),
        scratch_shapes=[pltpu.VMEM((G, H), jnp.float32),
                        pltpu.VMEM((G, 128), jnp.float32)],
    )(S0, S1, dv, b2, batch3, Wfc, bfc)


def kernel(x, edge_index, batch, W1, b1, W2, b2, Wfc, bfc):
    src = edge_index[0]
    dst = edge_index[1]
    pad = EP - E
    srcp = jnp.concatenate(
        [src, jnp.zeros((pad,), jnp.int32)]).reshape(ER, B)
    dstp = jnp.concatenate(
        [dst, jnp.full((pad,), TRASH, jnp.int32)]).reshape(ER, B)

    deg0, deg1 = _sc_degree(dstp)
    xw0, xw1 = _tc_xw(x, W1)
    y0, y1, dv = _tc_scale(xw0, xw1, deg0, deg1)
    S0, S1 = _sc_scatter(y0, y1, srcp, dstp)
    y20, y21 = _tc_layer2(S0, S1, dv, b1.reshape(1, H), W2)
    T0, T1 = _sc_scatter(y20, y21, srcp, dstp)
    out = _tc_pool_fc(T0, T1, dv, b2.reshape(1, H),
                      batch.reshape(NB, 1, BLK), Wfc, bfc.reshape(1, O))
    return out

# --- scband reference (transcript-rebuilt; emitter-appended) ---
"""Pipeline reference for scband-gnn-49795850830442 (READ-ONLY COPY).

The authoritative reference and input builder live on the scoring server;
editing this copy changes nothing except your own understanding.
"""

import jax, jax.numpy as jnp
import numpy as np

N = 10000
E = 160000
D = 256
H = 256
O = 128
G = 64


def setup_inputs(seed: int = 0) -> dict:
    key = jax.random.key(seed)
    ks = jax.random.split(key, 10)
    x = jax.random.normal(ks[0], (N, D), dtype=jnp.float32)
    edge_index = jax.random.randint(ks[1], (2, E), 0, N, dtype=jnp.int32)
    batch = jnp.sort(jax.random.randint(ks[2], (N,), 0, G, dtype=jnp.int32))
    W1 = jax.random.normal(ks[3], (D, H), dtype=jnp.float32) * (1.0 / np.sqrt(D))
    b1 = jnp.zeros((H,), dtype=jnp.float32)
    W2 = jax.random.normal(ks[4], (H, H), dtype=jnp.float32) * (1.0 / np.sqrt(H))
    b2 = jnp.zeros((H,), dtype=jnp.float32)
    Wfc = jax.random.normal(ks[5], (H, O), dtype=jnp.float32) * (1.0 / np.sqrt(H))
    bfc = jnp.zeros((O,), dtype=jnp.float32)
    return {"x": x, "edge_index": edge_index, "batch": batch,
            "W1": W1, "b1": b1, "W2": W2, "b2": b2, "Wfc": Wfc, "bfc": bfc}


def _gcn_conv(x, src, dst, W, b, num_nodes):
    # GCNConv: add self-loops, symmetric normalization, linear transform, scatter-add
    loop = jnp.arange(num_nodes, dtype=src.dtype)
    src2 = jnp.concatenate([src, loop])
    dst2 = jnp.concatenate([dst, loop])
    xW = x @ W
    deg = jax.ops.segment_sum(jnp.ones_like(dst2, dtype=xW.dtype), dst2, num_segments=num_nodes)
    dinv = jax.lax.rsqrt(jnp.maximum(deg, 1e-12))
    coeff = dinv[src2] * dinv[dst2]
    msgs = xW[src2] * coeff[:, None]
    out = jax.ops.segment_sum(msgs, dst2, num_segments=num_nodes)
    return out + b


def _global_mean_pool(x, batch, num_graphs):
    sums = jax.ops.segment_sum(x, batch, num_segments=num_graphs)
    counts = jax.ops.segment_sum(jnp.ones((x.shape[0],), dtype=x.dtype), batch, num_segments=num_graphs)
    return sums / jnp.maximum(counts, 1.0)[:, None]


def reference(x, edge_index, batch, W1, b1, W2, b2, Wfc, bfc):
    src = edge_index[0]
    dst = edge_index[1]
    h = jax.nn.relu(_gcn_conv(x, src, dst, W1, b1, N))
    h = jax.nn.relu(_gcn_conv(h, src, dst, W2, b2, N))
    pooled = _global_mean_pool(h, batch, G)
    out = jax.nn.sigmoid(pooled @ Wfc + bfc)
    return out

if __name__ == "__main__":
    import jax
    _d = setup_inputs()
    print(jax.jit(kernel)(*tuple(_d.values())))

</pallas_src>

<mosaic_0001>
#map = affine_map<(d0, d1) -> (0, 0)>
module attributes {stable_mosaic.version = 14 : i64} {
  func.func @k(%arg0: i32, %arg1: i32, %arg2: memref<10240x128xf32, #tpu.memory_space<hbm>>, %arg3: memref<10240x128xf32, #tpu.memory_space<hbm>>, %arg4: memref<1280x128xi32, #tpu.memory_space<hbm>>, %arg5: memref<1280x128xi32, #tpu.memory_space<hbm>>, %arg6: memref<10240x128xf32, #tpu.memory_space<hbm>>, %arg7: memref<10240x128xf32, #tpu.memory_space<hbm>>, %arg8: memref<8x128xi32, #tpu.memory_space<vmem>>, %arg9: memref<8x128xi32, #tpu.memory_space<vmem>>, %arg10: memref<128x128xf32, #tpu.memory_space<vmem>>, %arg11: memref<128x128xf32, #tpu.memory_space<vmem>>, %arg12: memref<10240x128xf32, #tpu.memory_space<vmem_shared>>, %arg13: memref<!tpu.dma_semaphore, #tpu.memory_space<semaphore_mem>>, %arg14: memref<!tpu.dma_semaphore, #tpu.memory_space<semaphore_mem>>) attributes {dimension_semantics = [#tpu.dimension_semantics<core_parallel>, #tpu.dimension_semantics<subcore_parallel>], iteration_bounds = array<i64: 2, 16>, scalar_prefetch = 0 : i64, scratch_operands = 7 : i64, tpu.core_type = #tpu.core_type<sc_vector_subcore>, window_params = [{transform_indices = #map}, {transform_indices = #map}, {transform_indices = #map}, {transform_indices = #map}, {transform_indices = #map}, {transform_indices = #map}]} {
    %eq3A = arith.constant 0 : i32
    %eq3A_0 = arith.cmpi eq, %arg0, %eq3A : i32
    %convert_element_type3A = arith.extui %eq3A_0 : i1 to i32
    %cond3A = arith.constant 0 : i32
    %cond3A_1 = arith.cmpi ne, %convert_element_type3A, %cond3A : i32
    scf.if %cond3A_1 {
      %scan3A = arith.constant 0 : i32
      %scan3A_7 = arith.constant 20 : i32
      %scan3A_8 = arith.addi %scan3A, %scan3A_7 : i32
      %scan3A_9 = arith.constant 1 : i32
      scf.for %scan3A_22 = %scan3A to %scan3A_8 step %scan3A_9  : i32 {
        %mul3A = arith.constant 1 : i32
        %mul3A_23 = arith.muli %scan3A_22, %mul3A : i32
        %add3A = arith.constant 0 : i32
        %add3A_24 = arith.addi %add3A, %mul3A_23 : i32
        %mul3A_25 = arith.constant 640 : i32
        %mul3A_26 = arith.muli %arg1, %mul3A_25 : i32
        %mul3A_27 = arith.constant 32 : i32
        %mul3A_28 = arith.muli %add3A_24, %mul3A_27 : i32
        %add3A_29 = arith.addi %mul3A_26, %mul3A_28 : i32
        "tpu.region"() ({
          %run_scoped3A = tpu.sem_alloc : memref<!tpu.dma_semaphore, #tpu.memory_space<semaphore_mem>>
          %dma_start3A = arith.constant 0 : i32
          %dma_start3A_30 = tpu.memref_slice %arg12[%add3A_29, %dma_start3A] : memref<10240x128xf32, #tpu.memory_space<vmem_shared>> -> memref<32x128xf32, #tpu.memory_space<vmem_shared>>
          %dma_start3A_31 = arith.constant 0 : i32
          %dma_start3A_32 = tpu.memref_slice %arg2[%add3A_29, %dma_start3A_31] : memref<10240x128xf32, #tpu.memory_space<hbm>> -> memref<32x128xf32, #tpu.memory_space<hbm>>
          tpu.enqueue_dma source(%dma_start3A_32 : memref<32x128xf32, #tpu.memory_space<hbm>>) target(%dma_start3A_30 : memref<32x128xf32, #tpu.memory_space<vmem_shared>>) target_semaphore(%run_scoped3A : memref<!tpu.dma_semaphore, #tpu.memory_space<semaphore_mem>>)
          %dma_wait3A = arith.constant 0 : i32
          %dma_wait3A_33 = tpu.memref_slice %arg12[%add3A_29, %dma_wait3A] : memref<10240x128xf32, #tpu.memory_space<vmem_shared>> -> memref<32x128xf32, #tpu.memory_space<vmem_shared>>
          %dma_wait3A_34 = arith.constant 0 : i32
          %dma_wait3A_35 = tpu.memref_slice %arg2[%add3A_29, %dma_wait3A_34] : memref<10240x128xf32, #tpu.memory_space<hbm>> -> memref<32x128xf32, #tpu.memory_space<hbm>>
          tpu.wait_dma2 semaphore(%run_scoped3A : memref<!tpu.dma_semaphore, #tpu.memory_space<semaphore_mem>>) src(%dma_wait3A_35 : memref<32x128xf32, #tpu.memory_space<hbm>>) dst(%dma_wait3A_33 : memref<32x128xf32, #tpu.memory_space<vmem_shared>>)
          tpu.yield
        }) : () -> ()
      }
      %scan3A_10 = arith.constant 20 : i32
      %barrier3A = arith.constant 0 : index
      tpu.barrier barrier_id(%barrier3A)
      %scan3A_11 = arith.constant 0 : i32
      %scan3A_12 = arith.constant 10 : i32
      %scan3A_13 = arith.addi %scan3A_11, %scan3A_12 : i32
      %scan3A_14 = arith.constant 1 : i32
      scf.for %scan3A_22 = %scan3A_11 to %scan3A_13 step %scan3A_14  : i32 {
        %mul3A = arith.constant 1 : i32
        %mul3A_23 = arith.muli %scan3A_22, %mul3A : i32
        %add3A = arith.constant 0 : i32
        %add3A_24 = arith.addi %add3A, %mul3A_23 : i32
        %mul3A_25 = arith.constant 80 : i32
        %mul3A_26 = arith.muli %arg1, %mul3A_25 : i32
        %mul3A_27 = arith.constant 8 : i32
        %mul3A_28 = arith.muli %add3A_24, %mul3A_27 : i32
        %add3A_29 = arith.addi %mul3A_26, %mul3A_28 : i32
        "tpu.region"() ({
          %run_scoped3A_152 = tpu.sem_alloc : memref<!tpu.dma_semaphore, #tpu.memory_space<semaphore_mem>>
          %dma_start3A_153 = arith.constant 0 : i32
          %dma_start3A_154 = tpu.memref_slice %arg4[%add3A_29, %dma_start3A_153] : memref<1280x128xi32, #tpu.memory_space<hbm>> -> memref<8x128xi32, #tpu.memory_space<hbm>>
          %dma_start3A_155 = arith.constant 0 : i32
          %dma_start3A_156 = tpu.memref_slice %arg4[%add3A_29, %dma_start3A_155] : memref<1280x128xi32, #tpu.memory_space<hbm>> -> memref<8x128xi32, #tpu.memory_space<hbm>>
          tpu.enqueue_dma source(%dma_start3A_156 : memref<8x128xi32, #tpu.memory_space<hbm>>) target(%arg8 : memref<8x128xi32, #tpu.memory_space<vmem>>) target_semaphore(%run_scoped3A_152 : memref<!tpu.dma_semaphore, #tpu.memory_space<semaphore_mem>>)
          %dma_wait3A_157 = arith.constant 0 : i32
          %dma_wait3A_158 = tpu.memref_slice %arg4[%add3A_29, %dma_wait3A_157] : memref<1280x128xi32, #tpu.memory_space<hbm>> -> memref<8x128xi32, #tpu.memory_space<hbm>>
          %dma_wait3A_159 = arith.constant 0 : i32
          %dma_wait3A_160 = tpu.memref_slice %arg4[%add3A_29, %dma_wait3A_159] : memref<1280x128xi32, #tpu.memory_space<hbm>> -> memref<8x128xi32, #tpu.memory_space<hbm>>
          tpu.wait_dma2 semaphore(%run_scoped3A_152 : memref<!tpu.dma_semaphore, #tpu.memory_space<semaphore_mem>>) src(%dma_wait3A_160 : memref<8x128xi32, #tpu.memory_space<hbm>>) dst(%arg8 : memref<8x128xi32, #tpu.memory_space<vmem>>)
          tpu.yield
        }) : () -> ()
        %mul3A_30 = arith.constant 80 : i32
        %mul3A_31 = arith.muli %arg1, %mul3A_30 : i32
        %mul3A_32 = arith.constant 8 : i32
        %mul3A_33 = arith.muli %add3A_24, %mul3A_32 : i32
        %add3A_34 = arith.addi %mul3A_31, %mul3A_33 : i32
        "tpu.region"() ({
          %run_scoped3A_152 = tpu.sem_alloc : memref<!tpu.dma_semaphore, #tpu.memory_space<semaphore_mem>>
          %dma_start3A_153 = arith.constant 0 : i32
          %dma_start3A_154 = tpu.memref_slice %arg5[%add3A_34, %dma_start3A_153] : memref<1280x128xi32, #tpu.memory_space<hbm>> -> memref<8x128xi32, #tpu.memory_space<hbm>>
          %dma_start3A_155 = arith.constant 0 : i32
          %dma_start3A_156 = tpu.memref_slice %arg5[%add3A_34, %dma_start3A_155] : memref<1280x128xi32, #tpu.memory_space<hbm>> -> memref<8x128xi32, #tpu.memory_space<hbm>>
          tpu.enqueue_dma source(%dma_start3A_156 : memref<8x128xi32, #tpu.memory_space<hbm>>) target(%arg9 : memref<8x128xi32, #tpu.memory_space<vmem>>) target_semaphore(%run_scoped3A_152 : memref<!tpu.dma_semaphore, #tpu.memory_space<semaphore_mem>>)
          %dma_wait3A_157 = arith.constant 0 : i32
          %dma_wait3A_158 = tpu.memref_slice %arg5[%add3A_34, %dma_wait3A_157] : memref<1280x128xi32, #tpu.memory_space<hbm>> -> memref<8x128xi32, #tpu.memory_space<hbm>>
          %dma_wait3A_159 = arith.constant 0 : i32
          %dma_wait3A_160 = tpu.memref_slice %arg5[%add3A_34, %dma_wait3A_159] : memref<1280x128xi32, #tpu.memory_space<hbm>> -> memref<8x128xi32, #tpu.memory_space<hbm>>
          tpu.wait_dma2 semaphore(%run_scoped3A_152 : memref<!tpu.dma_semaphore, #tpu.memory_space<semaphore_mem>>) src(%dma_wait3A_160 : memref<8x128xi32, #tpu.memory_space<hbm>>) dst(%arg9 : memref<8x128xi32, #tpu.memory_space<vmem>>)
          tpu.yield
        }) : () -> ()
        %dma_start3A = arith.constant 0 : i32
        %dma_start3A_35 = arith.constant 0 : i32
        %dma_start3A_36 = tpu.memref_slice %arg8[%dma_start3A, %dma_start3A_35] : memref<8x128xi32, #tpu.memory_space<vmem>> -> memref<1x128xi32, #tpu.memory_space<vmem>>
        %dma_start3A_37 = tpu.memref_squeeze %dma_start3A_36 : memref<1x128xi32, #tpu.memory_space<vmem>> -> memref<128xi32, #tpu.memory_space<vmem>>
        %dma_start3A_38 = arith.constant 0 : i32
        %dma_start3A_39 = arith.constant 0 : i32
        %dma_start3A_40 = tpu.memref_slice %arg2[%dma_start3A_38, %dma_start3A_39] : memref<10240x128xf32, #tpu.memory_space<hbm>> -> memref<10240x128xf32, #tpu.memory_space<hbm>>
        tpu.enqueue_indirect_dma source(%dma_start3A_40 : memref<10240x128xf32, #tpu.memory_space<hbm>>) target(%arg10 : memref<128x128xf32, #tpu.memory_space<vmem>>) offsets(%dma_start3A_37 : memref<128xi32, #tpu.memory_space<vmem>>) semaphore(%arg13 : memref<!tpu.dma_semaphore, #tpu.memory_space<semaphore_mem>>)
        %dma_wait3A = arith.constant 0 : i32
        %dma_wait3A_41 = arith.constant 0 : i32
        %dma_wait3A_42 = tpu.memref_slice %arg8[%dma_wait3A, %dma_wait3A_41] : memref<8x128xi32, #tpu.memory_space<vmem>> -> memref<1x128xi32, #tpu.memory_space<vmem>>
        %dma_wait3A_43 = tpu.memref_squeeze %dma_wait3A_42 : memref<1x128xi32, #tpu.memory_space<vmem>> -> memref<128xi32, #tpu.memory_space<vmem>>
        %dma_wait3A_44 = arith.constant 0 : i32
        %dma_wait3A_45 = arith.constant 0 : i32
        %dma_wait3A_46 = tpu.memref_slice %arg2[%dma_wait3A_44, %dma_wait3A_45] : memref<10240x128xf32, #tpu.memory_space<hbm>> -> memref<10240x128xf32, #tpu.memory_space<hbm>>
        tpu.wait_indirect_dma semaphore(%arg13 : memref<!tpu.dma_semaphore, #tpu.memory_space<semaphore_mem>>) src(%dma_wait3A_46 : memref<10240x128xf32, #tpu.memory_space<hbm>>) dst(%arg10 : memref<128x128xf32, #tpu.memory_space<vmem>>)
        %dma_start3A_47 = arith.constant 1 : i32
        %dma_start3A_48 = arith.constant 0 : i32
        %dma_start3A_49 = tpu.memref_slice %arg8[%dma_start3A_47, %dma_start3A_48] : memref<8x128xi32, #tpu.memory_space<vmem>> -> memref<1x128xi32, #tpu.memory_space<vmem>>
        %dma_start3A_50 = tpu.memref_squeeze %dma_start3A_49 : memref<1x128xi32, #tpu.memory_space<vmem>> -> memref<128xi32, #tpu.memory_space<vmem>>
        %dma_start3A_51 = arith.constant 0 : i32
        %dma_start3A_52 = arith.constant 0 : i32
        %dma_start3A_53 = tpu.memref_slice %arg2[%dma_start3A_51, %dma_start3A_52] : memref<10240x128xf32, #tpu.memory_space<hbm>> -> memref<10240x128xf32, #tpu.memory_space<hbm>>
        tpu.enqueue_indirect_dma source(%dma_start3A_53 : memref<10240x128xf32, #tpu.memory_space<hbm>>) target(%arg11 : memref<128x128xf32, #tpu.memory_space<vmem>>) offsets(%dma_start3A_50 : memref<128xi32, #tpu.memory_space<vmem>>) semaphore(%arg14 : memref<!tpu.dma_semaphore, #tpu.memory_space<semaphore_mem>>)
        %run_scoped3A = arith.constant 0 : i32
        "tpu.region"() ({
          %run_scoped3A_152 = tpu.sem_alloc : memref<!tpu.dma_semaphore, #tpu.memory_space<semaphore_mem>>
          %dma_start3A_153 = arith.constant 0 : i32
          %dma_start3A_154 = tpu.memref_slice %arg9[%run_scoped3A, %dma_start3A_153] : memref<8x128xi32, #tpu.memory_space<vmem>> -> memref<1x128xi32, #tpu.memory_space<vmem>>
          %dma_start3A_155 = tpu.memref_squeeze %dma_start3A_154 : memref<1x128xi32, #tpu.memory_space<vmem>> -> memref<128xi32, #tpu.memory_space<vmem>>
          %dma_start3A_156 = arith.constant 0 : i32
          %dma_start3A_157 = arith.constant 0 : i32
          %dma_start3A_158 = tpu.memref_slice %arg12[%dma_start3A_156, %dma_start3A_157] : memref<10240x128xf32, #tpu.memory_space<vmem_shared>> -> memref<10240x128xf32, #tpu.memory_space<vmem_shared>>
          tpu.enqueue_indirect_dma source(%arg10 : memref<128x128xf32, #tpu.memory_space<vmem>>) target(%dma_start3A_158 : memref<10240x128xf32, #tpu.memory_space<vmem_shared>>) offsets(%dma_start3A_155 : memref<128xi32, #tpu.memory_space<vmem>>) semaphore(%run_scoped3A_152 : memref<!tpu.dma_semaphore, #tpu.memory_space<semaphore_mem>>) {add = true}
          %dma_wait3A_159 = arith.constant 0 : i32
          %dma_wait3A_160 = tpu.memref_slice %arg9[%run_scoped3A, %dma_wait3A_159] : memref<8x128xi32, #tpu.memory_space<vmem>> -> memref<1x128xi32, #tpu.memory_space<vmem>>
          %dma_wait3A_161 = tpu.memref_squeeze %dma_wait3A_160 : memref<1x128xi32, #tpu.memory_space<vmem>> -> memref<128xi32, #tpu.memory_space<vmem>>
          %dma_wait3A_162 = arith.constant 0 : i32
          %dma_wait3A_163 = arith.constant 0 : i32
          %dma_wait3A_164 = tpu.memref_slice %arg12[%dma_wait3A_162, %dma_wait3A_163] : memref<10240x128xf32, #tpu.memory_space<vmem_shared>> -> memref<10240x128xf32, #tpu.memory_space<vmem_shared>>
          tpu.wait_indirect_dma semaphore(%run_scoped3A_152 : memref<!tpu.dma_semaphore, #tpu.memory_space<semaphore_mem>>) src(%arg10 : memref<128x128xf32, #tpu.memory_space<vmem>>) dst(%dma_wait3A_164 : memref<10240x128xf32, #tpu.memory_space<vmem_shared>>)
          tpu.yield
        }) : () -> ()
        %dma_wait3A_54 = arith.constant 1 : i32
        %dma_wait3A_55 = arith.constant 0 : i32
        %dma_wait3A_56 = tpu.memref_slice %arg8[%dma_wait3A_54, %dma_wait3A_55] : memref<8x128xi32, #tpu.memory_space<vmem>> -> memref<1x128xi32, #tpu.memory_space<vmem>>
        %dma_wait3A_57 = tpu.memref_squeeze %dma_wait3A_56 : memref<1x128xi32, #tpu.memory_space<vmem>> -> memref<128xi32, #tpu.memory_space<vmem>>
        %dma_wait3A_58 = arith.constant 0 : i32
        %dma_wait3A_59 = arith.constant 0 : i32
        %dma_wait3A_60 = tpu.memref_slice %arg2[%dma_wait3A_58, %dma_wait3A_59] : memref<10240x128xf32, #tpu.memory_space<hbm>> -> memref<10240x128xf32, #tpu.memory_space<hbm>>
        tpu.wait_indirect_dma semaphore(%arg14 : memref<!tpu.dma_semaphore, #tpu.memory_space<semaphore_mem>>) src(%dma_wait3A_60 : memref<10240x128xf32, #tpu.memory_space<hbm>>) dst(%arg11 : memref<128x128xf32, #tpu.memory_space<vmem>>)
        %dma_start3A_61 = arith.constant 2 : i32
        %dma_start3A_62 = arith.constant 0 : i32
        %dma_start3A_63 = tpu.memref_slice %arg8[%dma_start3A_61, %dma_start3A_62] : memref<8x128xi32, #tpu.memory_space<vmem>> -> memref<1x128xi32, #tpu.memory_space<vmem>>
        %dma_start3A_64 = tpu.memref_squeeze %dma_start3A_63 : memref<1x128xi32, #tpu.memory_space<vmem>> -> memref<128xi32, #tpu.memory_space<vmem>>
        %dma_start3A_65 = arith.constant 0 : i32
        %dma_start3A_66 = arith.constant 0 : i32
        %dma_start3A_67 = tpu.memref_slice %arg2[%dma_start3A_65, %dma_start3A_66] : memref<10240x128xf32, #tpu.memory_space<hbm>> -> memref<10240x128xf32, #tpu.memory_space<hbm>>
        tpu.enqueue_indirect_dma source(%dma_start3A_67 : memref<10240x128xf32, #tpu.memory_space<hbm>>) target(%arg10 : memref<128x128xf32, #tpu.memory_space<vmem>>) offsets(%dma_start3A_64 : memref<128xi32, #tpu.memory_space<vmem>>) semaphore(%arg13 : memref<!tpu.dma_semaphore, #tpu.memory_space<semaphore_mem>>)
        %run_scoped3A_68 = arith.constant 1 : i32
        "tpu.region"() ({
          %run_scoped3A_152 = tpu.sem_alloc : memref<!tpu.dma_semaphore, #tpu.memory_space<semaphore_mem>>
          %dma_start3A_153 = arith.constant 0 : i32
          %dma_start3A_154 = tpu.memref_slice %arg9[%run_scoped3A_68, %dma_start3A_153] : memref<8x128xi32, #tpu.memory_space<vmem>> -> memref<1x128xi32, #tpu.memory_space<vmem>>
          %dma_start3A_155 = tpu.memref_squeeze %dma_start3A_154 : memref<1x128xi32, #tpu.memory_space<vmem>> -> memref<128xi32, #tpu.memory_space<vmem>>
          %dma_start3A_156 = arith.constant 0 : i32
          %dma_start3A_157 = arith.constant 0 : i32
          %dma_start3A_158 = tpu.memref_slice %arg12[%dma_start3A_156, %dma_start3A_157] : memref<10240x128xf32, #tpu.memory_space<vmem_shared>> -> memref<10240x128xf32, #tpu.memory_space<vmem_shared>>
          tpu.enqueue_indirect_dma source(%arg11 : memref<128x128xf32, #tpu.memory_space<vmem>>) target(%dma_start3A_158 : memref<10240x128xf32, #tpu.memory_space<vmem_shared>>) offsets(%dma_start3A_155 : memref<128xi32, #tpu.memory_space<vmem>>) semaphore(%run_scoped3A_152 : memref<!tpu.dma_semaphore, #tpu.memory_space<semaphore_mem>>) {add = true}
          %dma_wait3A_159 = arith.constant 0 : i32
          %dma_wait3A_160 = tpu.memref_slice %arg9[%run_scoped3A_68, %dma_wait3A_159] : memref<8x128xi32, #tpu.memory_space<vmem>> -> memref<1x128xi32, #tpu.memory_space<vmem>>
          %dma_wait3A_161 = tpu.memref_squeeze %dma_wait3A_160 : memref<1x128xi32, #tpu.memory_space<vmem>> -> memref<128xi32, #tpu.memory_space<vmem>>
          %dma_wait3A_162 = arith.constant 0 : i32
          %dma_wait3A_163 = arith.constant 0 : i32
          %dma_wait3A_164 = tpu.memref_slice %arg12[%dma_wait3A_162, %dma_wait3A_163] : memref<10240x128xf32, #tpu.memory_space<vmem_shared>> -> memref<10240x128xf32, #tpu.memory_space<vmem_shared>>
          tpu.wait_indirect_dma semaphore(%run_scoped3A_152 : memref<!tpu.dma_semaphore, #tpu.memory_space<semaphore_mem>>) src(%arg11 : memref<128x128xf32, #tpu.memory_space<vmem>>) dst(%dma_wait3A_164 : memref<10240x128xf32, #tpu.memory_space<vmem_shared>>)
          tpu.yield
        }) : () -> ()
        %dma_wait3A_69 = arith.constant 2 : i32
        %dma_wait3A_70 = arith.constant 0 : i32
        %dma_wait3A_71 = tpu.memref_slice %arg8[%dma_wait3A_69, %dma_wait3A_70] : memref<8x128xi32, #tpu.memory_space<vmem>> -> memref<1x128xi32, #tpu.memory_space<vmem>>
        %dma_wait3A_72 = tpu.memref_squeeze %dma_wait3A_71 : memref<1x128xi32, #tpu.memory_space<vmem>> -> memref<128xi32, #tpu.memory_space<vmem>>
        %dma_wait3A_73 = arith.constant 0 : i32
        %dma_wait3A_74 = arith.constant 0 : i32
        %dma_wait3A_75 = tpu.memref_slice %arg2[%dma_wait3A_73, %dma_wait3A_74] : memref<10240x128xf32, #tpu.memory_space<hbm>> -> memref<10240x128xf32, #tpu.memory_space<hbm>>
        tpu.wait_indirect_dma semaphore(%arg13 : memref<!tpu.dma_semaphore, #tpu.memory_space<semaphore_mem>>) src(%dma_wait3A_75 : memref<10240x128xf32, #tpu.memory_space<hbm>>) dst(%arg10 : memref<128x128xf32, #tpu.memory_space<vmem>>)
        %dma_start3A_76 = arith.constant 3 : i32
        %dma_start3A_77 = arith.constant 0 : i32
        %dma_start3A_78 = tpu.memref_slice %arg8[%dma_start3A_76, %dma_start3A_77] : memref<8x128xi32, #tpu.memory_space<vmem>> -> memref<1x128xi32, #tpu.memory_space<vmem>>
        %dma_start3A_79 = tpu.memref_squeeze %dma_start3A_78 : memref<1x128xi32, #tpu.memory_space<vmem>> -> memref<128xi32, #tpu.memory_space<vmem>>
        %dma_start3A_80 = arith.constant 0 : i32
        %dma_start3A_81 = arith.constant 0 : i32
        %dma_start3A_82 = tpu.memref_slice %arg2[%dma_start3A_80, %dma_start3A_81] : memref<10240x128xf32, #tpu.memory_space<hbm>> -> memref<10240x128xf32, #tpu.memory_space<hbm>>
        tpu.enqueue_indirect_dma source(%dma_start3A_82 : memref<10240x128xf32, #tpu.memory_space<hbm>>) target(%arg11 : memref<128x128xf32, #tpu.memory_space<vmem>>) offsets(%dma_start3A_79 : memref<128xi32, #tpu.memory_space<vmem>>) semaphore(%arg14 : memref<!tpu.dma_semaphore, #tpu.memory_space<semaphore_mem>>)
        %run_scoped3A_83 = arith.constant 2 : i32
        "tpu.region"() ({
          %run_scoped3A_152 = tpu.sem_alloc : memref<!tpu.dma_semaphore, #tpu.memory_space<semaphore_mem>>
          %dma_start3A_153 = arith.constant 0 : i32
          %dma_start3A_154 = tpu.memref_slice %arg9[%run_scoped3A_83, %dma_start3A_153] : memref<8x128xi32, #tpu.memory_space<vmem>> -> memref<1x128xi32, #tpu.memory_space<vmem>>
          %dma_start3A_155 = tpu.memref_squeeze %dma_start3A_154 : memref<1x128xi32, #tpu.memory_space<vmem>> -> memref<128xi32, #tpu.memory_space<vmem>>
          %dma_start3A_156 = arith.constant 0 : i32
          %dma_start3A_157 = arith.constant 0 : i32
          %dma_start3A_158 = tpu.memref_slice %arg12[%dma_start3A_156, %dma_start3A_157] : memref<10240x128xf32, #tpu.memory_space<vmem_shared>> -> memref<10240x128xf32, #tpu.memory_space<vmem_shared>>
          tpu.enqueue_indirect_dma source(%arg10 : memref<128x128xf32, #tpu.memory_space<vmem>>) target(%dma_start3A_158 : memref<10240x128xf32, #tpu.memory_space<vmem_shared>>) offsets(%dma_start3A_155 : memref<128xi32, #tpu.memory_space<vmem>>) semaphore(%run_scoped3A_152 : memref<!tpu.dma_semaphore, #tpu.memory_space<semaphore_mem>>) {add = true}
          %dma_wait3A_159 = arith.constant 0 : i32
          %dma_wait3A_160 = tpu.memref_slice %arg9[%run_scoped3A_83, %dma_wait3A_159] : memref<8x128xi32, #tpu.memory_space<vmem>> -> memref<1x128xi32, #tpu.memory_space<vmem>>
          %dma_wait3A_161 = tpu.memref_squeeze %dma_wait3A_160 : memref<1x128xi32, #tpu.memory_space<vmem>> -> memref<128xi32, #tpu.memory_space<vmem>>
          %dma_wait3A_162 = arith.constant 0 : i32
          %dma_wait3A_163 = arith.constant 0 : i32
          %dma_wait3A_164 = tpu.memref_slice %arg12[%dma_wait3A_162, %dma_wait3A_163] : memref<10240x128xf32, #tpu.memory_space<vmem_shared>> -> memref<10240x128xf32, #tpu.memory_space<vmem_shared>>
          tpu.wait_indirect_dma semaphore(%run_scoped3A_152 : memref<!tpu.dma_semaphore, #tpu.memory_space<semaphore_mem>>) src(%arg10 : memref<128x128xf32, #tpu.memory_space<vmem>>) dst(%dma_wait3A_164 : memref<10240x128xf32, #tpu.memory_space<vmem_shared>>)
          tpu.yield
        }) : () -> ()
        %dma_wait3A_84 = arith.constant 3 : i32
        %dma_wait3A_85 = arith.constant 0 : i32
        %dma_wait3A_86 = tpu.memref_slice %arg8[%dma_wait3A_84, %dma_wait3A_85] : memref<8x128xi32, #tpu.memory_space<vmem>> -> memref<1x128xi32, #tpu.memory_space<vmem>>
        %dma_wait3A_87 = tpu.memref_squeeze %dma_wait3A_86 : memref<1x128xi32, #tpu.memory_space<vmem>> -> memref<128xi32, #tpu.memory_space<vmem>>
        %dma_wait3A_88 = arith.constant 0 : i32
        %dma_wait3A_89 = arith.constant 0 : i32
        %dma_wait3A_90 = tpu.memref_slice %arg2[%dma_wait3A_88, %dma_wait3A_89] : memref<10240x128xf32, #tpu.memory_space<hbm>> -> memref<10240x128xf32, #tpu.memory_space<hbm>>
        tpu.wait_indirect_dma semaphore(%arg14 : memref<!tpu.dma_semaphore, #tpu.memory_space<semaphore_mem>>) src(%dma_wait3A_90 : memref<10240x128xf32, #tpu.memory_space<hbm>>) dst(%arg11 : memref<128x128xf32, #tpu.memory_space<vmem>>)
        %dma_start3A_91 = arith.constant 4 : i32
        %dma_start3A_92 = arith.constant 0 : i32
        %dma_start3A_93 = tpu.memref_slice %arg8[%dma_start3A_91, %dma_start3A_92] : memref<8x128xi32, #tpu.memory_space<vmem>> -> memref<1x128xi32, #tpu.memory_space<vmem>>
        %dma_start3A_94 = tpu.memref_squeeze %dma_start3A_93 : memref<1x128xi32, #tpu.memory_space<vmem>> -> memref<128xi32, #tpu.memory_space<vmem>>
        %dma_start3A_95 = arith.constant 0 : i32
        %dma_start3A_96 = arith.constant 0 : i32
        %dma_start3A_97 = tpu.memref_slice %arg2[%dma_start3A_95, %dma_start3A_96] : memref<10240x128xf32, #tpu.memory_space<hbm>> -> memref<10240x128xf32, #tpu.memory_space<hbm>>
        tpu.enqueue_indirect_dma source(%dma_start3A_97 : memref<10240x128xf32, #tpu.memory_space<hbm>>) target(%arg10 : memref<128x128xf32, #tpu.memory_space<vmem>>) offsets(%dma_start3A_94 : memref<128xi32, #tpu.memory_space<vmem>>) semaphore(%arg13 : memref<!tpu.dma_semaphore, #tpu.memory_space<semaphore_mem>>)
        %run_scoped3A_98 = arith.constant 3 : i32
        "tpu.region"() ({
          %run_scoped3A_152 = tpu.sem_alloc : memref<!tpu.dma_semaphore, #tpu.memory_space<semaphore_mem>>
          %dma_start3A_153 = arith.constant 0 : i32
          %dma_start3A_154 = tpu.memref_slice %arg9[%run_scoped3A_98, %dma_start3A_153] : memref<8x128xi32, #tpu.memory_space<vmem>> -> memref<1x128xi32, #tpu.memory_space<vmem>>
          %dma_start3A_155 = tpu.memref_squeeze %dma_start3A_154 : memref<1x128xi32, #tpu.memory_space<vmem>> -> memref<128xi32, #tpu.memory_space<vmem>>
          %dma_start3A_156 = arith.constant 0 : i32
          %dma_start3A_157 = arith.constant 0 : i32
          %dma_start3A_158 = tpu.memref_slice %arg12[%dma_start3A_156, %dma_start3A_157] : memref<10240x128xf32, #tpu.memory_space<vmem_shared>> -> memref<10240x128xf32, #tpu.memory_space<vmem_shared>>
          tpu.enqueue_indirect_dma source(%arg11 : memref<128x128xf32, #tpu.memory_space<vmem>>) target(%dma_start3A_158 : memref<10240x128xf32, #tpu.memory_space<vmem_shared>>) offsets(%dma_start3A_155 : memref<128xi32, #tpu.memory_space<vmem>>) semaphore(%run_scoped3A_152 : memref<!tpu.dma_semaphore, #tpu.memory_space<semaphore_mem>>) {add = true}
          %dma_wait3A_159 = arith.constant 0 : i32
          %dma_wait3A_160 = tpu.memref_slice %arg9[%run_scoped3A_98, %dma_wait3A_159] : memref<8x128xi32, #tpu.memory_space<vmem>> -> memref<1x128xi32, #tpu.memory_space<vmem>>
          %dma_wait3A_161 = tpu.memref_squeeze %dma_wait3A_160 : memref<1x128xi32, #tpu.memory_space<vmem>> -> memref<128xi32, #tpu.memory_space<vmem>>
          %dma_wait3A_162 = arith.constant 0 : i32
          %dma_wait3A_163 = arith.constant 0 : i32
          %dma_wait3A_164 = tpu.memref_slice %arg12[%dma_wait3A_162, %dma_wait3A_163] : memref<10240x128xf32, #tpu.memory_space<vmem_shared>> -> memref<10240x128xf32, #tpu.memory_space<vmem_shared>>
          tpu.wait_indirect_dma semaphore(%run_scoped3A_152 : memref<!tpu.dma_semaphore, #tpu.memory_space<semaphore_mem>>) src(%arg11 : memref<128x128xf32, #tpu.memory_space<vmem>>) dst(%dma_wait3A_164 : memref<10240x128xf32, #tpu.memory_space<vmem_shared>>)
          tpu.yield
        }) : () -> ()
        %dma_wait3A_99 = arith.constant 4 : i32
        %dma_wait3A_100 = arith.constant 0 : i32
        %dma_wait3A_101 = tpu.memref_slice %arg8[%dma_wait3A_99, %dma_wait3A_100] : memref<8x128xi32, #tpu.memory_space<vmem>> -> memref<1x128xi32, #tpu.memory_space<vmem>>
        %dma_wait3A_102 = tpu.memref_squeeze %dma_wait3A_101 : memref<1x128xi32, #tpu.memory_space<vmem>> -> memref<128xi32, #tpu.memory_space<vmem>>
        %dma_wait3A_103 = arith.constant 0 : i32
        %dma_wait3A_104 = arith.constant 0 : i32
        %dma_wait3A_105 = tpu.memref_slice %arg2[%dma_wait3A_103, %dma_wait3A_104] : memref<10240x128xf32, #tpu.memory_space<hbm>> -> memref<10240x128xf32, #tpu.memory_space<hbm>>
        tpu.wait_indirect_dma semaphore(%arg13 : memref<!tpu.dma_semaphore, #tpu.memory_space<semaphore_mem>>) src(%dma_wait3A_105 : memref<10240x128xf32, #tpu.memory_space<hbm>>) dst(%arg10 : memref<128x128xf32, #tpu.memory_space<vmem>>)
        %dma_start3A_106 = arith.constant 5 : i32
        %dma_start3A_107 = arith.constant 0 : i32
        %dma_start3A_108 = tpu.memref_slice %arg8[%dma_start3A_106, %dma_start3A_107] : memref<8x128xi32, #tpu.memory_space<vmem>> -> memref<1x128xi32, #tpu.memory_space<vmem>>
        %dma_start3A_109 = tpu.memref_squeeze %dma_start3A_108 : memref<1x128xi32, #tpu.memory_space<vmem>> -> memref<128xi32, #tpu.memory_space<vmem>>
        %dma_start3A_110 = arith.constant 0 : i32
        %dma_start3A_111 = arith.constant 0 : i32
        %dma_start3A_112 = tpu.memref_slice %arg2[%dma_start3A_110, %dma_start3A_111] : memref<10240x128xf32, #tpu.memory_space<hbm>> -> memref<10240x128xf32, #tpu.memory_space<hbm>>
        tpu.enqueue_indirect_dma source(%dma_start3A_112 : memref<10240x128xf32, #tpu.memory_space<hbm>>) target(%arg11 : memref<128x128xf32, #tpu.memory_space<vmem>>) offsets(%dma_start3A_109 : memref<128xi32, #tpu.memory_space<vmem>>) semaphore(%arg14 : memref<!tpu.dma_semaphore, #tpu.memory_space<semaphore_mem>>)
        %run_scoped3A_113 = arith.constant 4 : i32
        "tpu.region"() ({
          %run_scoped3A_152 = tpu.sem_alloc : memref<!tpu.dma_semaphore, #tpu.memory_space<semaphore_mem>>
          %dma_start3A_153 = arith.constant 0 : i32
          %dma_start3A_154 = tpu.memref_slice %arg9[%run_scoped3A_113, %dma_start3A_153] : memref<8x128xi32, #tpu.memory_space<vmem>> -> memref<1x128xi32, #tpu.memory_space<vmem>>
          %dma_start3A_155 = tpu.memref_squeeze %dma_start3A_154 : memref<1x128xi32, #tpu.memory_space<vmem>> -> memref<128xi32, #tpu.memory_space<vmem>>
          %dma_start3A_156 = arith.constant 0 : i32
          %dma_start3A_157 = arith.constant 0 : i32
          %dma_start3A_158 = tpu.memref_slice %arg12[%dma_start3A_156, %dma_start3A_157] : memref<10240x128xf32, #tpu.memory_space<vmem_shared>> -> memref<10240x128xf32, #tpu.memory_space<vmem_shared>>
          tpu.enqueue_indirect_dma source(%arg10 : memref<128x128xf32, #tpu.memory_space<vmem>>) target(%dma_start3A_158 : memref<10240x128xf32, #tpu.memory_space<vmem_shared>>) offsets(%dma_start3A_155 : memref<128xi32, #tpu.memory_space<vmem>>) semaphore(%run_scoped3A_152 : memref<!tpu.dma_semaphore, #tpu.memory_space<semaphore_mem>>) {add = true}
          %dma_wait3A_159 = arith.constant 0 : i32
          %dma_wait3A_160 = tpu.memref_slice %arg9[%run_scoped3A_113, %dma_wait3A_159] : memref<8x128xi32, #tpu.memory_space<vmem>> -> memref<1x128xi32, #tpu.memory_space<vmem>>
          %dma_wait3A_161 = tpu.memref_squeeze %dma_wait3A_160 : memref<1x128xi32, #tpu.memory_space<vmem>> -> memref<128xi32, #tpu.memory_space<vmem>>
          %dma_wait3A_162 = arith.constant 0 : i32
          %dma_wait3A_163 = arith.constant 0 : i32
          %dma_wait3A_164 = tpu.memref_slice %arg12[%dma_wait3A_162, %dma_wait3A_163] : memref<10240x128xf32, #tpu.memory_space<vmem_shared>> -> memref<10240x128xf32, #tpu.memory_space<vmem_shared>>
          tpu.wait_indirect_dma semaphore(%run_scoped3A_152 : memref<!tpu.dma_semaphore, #tpu.memory_space<semaphore_mem>>) src(%arg10 : memref<128x128xf32, #tpu.memory_space<vmem>>) dst(%dma_wait3A_164 : memref<10240x128xf32, #tpu.memory_space<vmem_shared>>)
          tpu.yield
        }) : () -> ()
        %dma_wait3A_114 = arith.constant 5 : i32
        %dma_wait3A_115 = arith.constant 0 : i32
        %dma_wait3A_116 = tpu.memref_slice %arg8[%dma_wait3A_114, %dma_wait3A_115] : memref<8x128xi32, #tpu.memory_space<vmem>> -> memref<1x128xi32, #tpu.memory_space<vmem>>
        %dma_wait3A_117 = tpu.memref_squeeze %dma_wait3A_116 : memref<1x128xi32, #tpu.memory_space<vmem>> -> memref<128xi32, #tpu.memory_space<vmem>>
        %dma_wait3A_118 = arith.constant 0 : i32
        %dma_wait3A_119 = arith.constant 0 : i32
        %dma_wait3A_120 = tpu.memref_slice %arg2[%dma_wait3A_118, %dma_wait3A_119] : memref<10240x128xf32, #tpu.memory_space<hbm>> -> memref<10240x128xf32, #tpu.memory_space<hbm>>
        tpu.wait_indirect_dma semaphore(%arg14 : memref<!tpu.dma_semaphore, #tpu.memory_space<semaphore_mem>>) src(%dma_wait3A_120 : memref<10240x128xf32, #tpu.memory_space<hbm>>) dst(%arg11 : memref<128x128xf32, #tpu.memory_space<vmem>>)
        %dma_start3A_121 = arith.constant 6 : i32
        %dma_start3A_122 = arith.constant 0 : i32
        %dma_start3A_123 = tpu.memref_slice %arg8[%dma_start3A_121, %dma_start3A_122] : memref<8x128xi32, #tpu.memory_space<vmem>> -> memref<1x128xi32, #tpu.memory_space<vmem>>
        %dma_start3A_124 = tpu.memref_squeeze %dma_start3A_123 : memref<1x128xi32, #tpu.memory_space<vmem>> -> memref<128xi32, #tpu.memory_space<vmem>>
        %dma_start3A_125 = arith.constant 0 : i32
        %dma_start3A_126 = arith.constant 0 : i32
        %dma_start3A_127 = tpu.memref_slice %arg2[%dma_start3A_125, %dma_start3A_126] : memref<10240x128xf32, #tpu.memory_space<hbm>> -> memref<10240x128xf32, #tpu.memory_space<hbm>>
        tpu.enqueue_indirect_dma source(%dma_start3A_127 : memref<10240x128xf32, #tpu.memory_space<hbm>>) target(%arg10 : memref<128x128xf32, #tpu.memory_space<vmem>>) offsets(%dma_start3A_124 : memref<128xi32, #tpu.memory_space<vmem>>) semaphore(%arg13 : memref<!tpu.dma_semaphore, #tpu.memory_space<semaphore_mem>>)
        %run_scoped3A_128 = arith.constant 5 : i32
        "tpu.region"() ({
          %run_scoped3A_152 = tpu.sem_alloc : memref<!tpu.dma_semaphore, #tpu.memory_space<semaphore_mem>>
          %dma_start3A_153 = arith.constant 0 : i32
          %dma_start3A_154 = tpu.memref_slice %arg9[%run_scoped3A_128, %dma_start3A_153] : memref<8x128xi32, #tpu.memory_space<vmem>> -> memref<1x128xi32, #tpu.memory_space<vmem>>
          %dma_start3A_155 = tpu.memref_squeeze %dma_start3A_154 : memref<1x128xi32, #tpu.memory_space<vmem>> -> memref<128xi32, #tpu.memory_space<vmem>>
          %dma_start3A_156 = arith.constant 0 : i32
          %dma_start3A_157 = arith.constant 0 : i32
          %dma_start3A_158 = tpu.memref_slice %arg12[%dma_start3A_156, %dma_start3A_157] : memref<10240x128xf32, #tpu.memory_space<vmem_shared>> -> memref<10240x128xf32, #tpu.memory_space<vmem_shared>>
          tpu.enqueue_indirect_dma source(%arg11 : memref<128x128xf32, #tpu.memory_space<vmem>>) target(%dma_start3A_158 : memref<10240x128xf32, #tpu.memory_space<vmem_shared>>) offsets(%dma_start3A_155 : memref<128xi32, #tpu.memory_space<vmem>>) semaphore(%run_scoped3A_152 : memref<!tpu.dma_semaphore, #tpu.memory_space<semaphore_mem>>) {add = true}
          %dma_wait3A_159 = arith.constant 0 : i32
          %dma_wait3A_160 = tpu.memref_slice %arg9[%run_scoped3A_128, %dma_wait3A_159] : memref<8x128xi32, #tpu.memory_space<vmem>> -> memref<1x128xi32, #tpu.memory_space<vmem>>
          %dma_wait3A_161 = tpu.memref_squeeze %dma_wait3A_160 : memref<1x128xi32, #tpu.memory_space<vmem>> -> memref<128xi32, #tpu.memory_space<vmem>>
          %dma_wait3A_162 = arith.constant 0 : i32
          %dma_wait3A_163 = arith.constant 0 : i32
          %dma_wait3A_164 = tpu.memref_slice %arg12[%dma_wait3A_162, %dma_wait3A_163] : memref<10240x128xf32, #tpu.memory_space<vmem_shared>> -> memref<10240x128xf32, #tpu.memory_space<vmem_shared>>
          tpu.wait_indirect_dma semaphore(%run_scoped3A_152 : memref<!tpu.dma_semaphore, #tpu.memory_space<semaphore_mem>>) src(%arg11 : memref<128x128xf32, #tpu.memory_space<vmem>>) dst(%dma_wait3A_164 : memref<10240x128xf32, #tpu.memory_space<vmem_shared>>)
          tpu.yield
        }) : () -> ()
        %dma_wait3A_129 = arith.constant 6 : i32
        %dma_wait3A_130 = arith.constant 0 : i32
        %dma_wait3A_131 = tpu.memref_slice %arg8[%dma_wait3A_129, %dma_wait3A_130] : memref<8x128xi32, #tpu.memory_space<vmem>> -> memref<1x128xi32, #tpu.memory_space<vmem>>
        %dma_wait3A_132 = tpu.memref_squeeze %dma_wait3A_131 : memref<1x128xi32, #tpu.memory_space<vmem>> -> memref<128xi32, #tpu.memory_space<vmem>>
        %dma_wait3A_133 = arith.constant 0 : i32
        %dma_wait3A_134 = arith.constant 0 : i32
        %dma_wait3A_135 = tpu.memref_slice %arg2[%dma_wait3A_133, %dma_wait3A_134] : memref<10240x128xf32, #tpu.memory_space<hbm>> -> memref<10240x128xf32, #tpu.memory_space<hbm>>
        tpu.wait_indirect_dma semaphore(%arg13 : memref<!tpu.dma_semaphore, #tpu.memory_space<semaphore_mem>>) src(%dma_wait3A_135 : memref<10240x128xf32, #tpu.memory_space<hbm>>) dst(%arg10 : memref<128x128xf32, #tpu.memory_space<vmem>>)
        %dma_start3A_136 = arith.constant 7 : i32
        %dma_start3A_137 = arith.constant 0 : i32
        %dma_start3A_138 = tpu.memref_slice %arg8[%dma_start3A_136, %dma_start3A_137] : memref<8x128xi32, #tpu.memory_space<vmem>> -> memref<1x128xi32, #tpu.memory_space<vmem>>
        %dma_start3A_139 = tpu.memref_squeeze %dma_start3A_138 : memref<1x128xi32, #tpu.memory_space<vmem>> -> memref<128xi32, #tpu.memory_space<vmem>>
        %dma_start3A_140 = arith.constant 0 : i32
        %dma_start3A_141 = arith.constant 0 : i32
        %dma_start3A_142 = tpu.memref_slice %arg2[%dma_start3A_140, %dma_start3A_141] : memref<10240x128xf32, #tpu.memory_space<hbm>> -> memref<10240x128xf32, #tpu.memory_space<hbm>>
        tpu.enqueue_indirect_dma source(%dma_start3A_142 : memref<10240x128xf32, #tpu.memory_space<hbm>>) target(%arg11 : memref<128x128xf32, #tpu.memory_space<vmem>>) offsets(%dma_start3A_139 : memref<128xi32, #tpu.memory_space<vmem>>) semaphore(%arg14 : memref<!tpu.dma_semaphore, #tpu.memory_space<semaphore_mem>>)
        %run_scoped3A_143 = arith.constant 6 : i32
        "tpu.region"() ({
          %run_scoped3A_152 = tpu.sem_alloc : memref<!tpu.dma_semaphore, #tpu.memory_space<semaphore_mem>>
          %dma_start3A_153 = arith.constant 0 : i32
          %dma_start3A_154 = tpu.memref_slice %arg9[%run_scoped3A_143, %dma_start3A_153] : memref<8x128xi32, #tpu.memory_space<vmem>> -> memref<1x128xi32, #tpu.memory_space<vmem>>
          %dma_start3A_155 = tpu.memref_squeeze %dma_start3A_154 : memref<1x128xi32, #tpu.memory_space<vmem>> -> memref<128xi32, #tpu.memory_space<vmem>>
          %dma_start3A_156 = arith.constant 0 : i32
          %dma_start3A_157 = arith.constant 0 : i32
          %dma_start3A_158 = tpu.memref_slice %arg12[%dma_start3A_156, %dma_start3A_157] : memref<10240x128xf32, #tpu.memory_space<vmem_shared>> -> memref<10240x128xf32, #tpu.memory_space<vmem_shared>>
          tpu.enqueue_indirect_dma source(%arg10 : memref<128x128xf32, #tpu.memory_space<vmem>>) target(%dma_start3A_158 : memref<10240x128xf32, #tpu.memory_space<vmem_shared>>) offsets(%dma_start3A_155 : memref<128xi32, #tpu.memory_space<vmem>>) semaphore(%run_scoped3A_152 : memref<!tpu.dma_semaphore, #tpu.memory_space<semaphore_mem>>) {add = true}
          %dma_wait3A_159 = arith.constant 0 : i32
          %dma_wait3A_160 = tpu.memref_slice %arg9[%run_scoped3A_143, %dma_wait3A_159] : memref<8x128xi32, #tpu.memory_space<vmem>> -> memref<1x128xi32, #tpu.memory_space<vmem>>
          %dma_wait3A_161 = tpu.memref_squeeze %dma_wait3A_160 : memref<1x128xi32, #tpu.memory_space<vmem>> -> memref<128xi32, #tpu.memory_space<vmem>>
          %dma_wait3A_162 = arith.constant 0 : i32
          %dma_wait3A_163 = arith.constant 0 : i32
          %dma_wait3A_164 = tpu.memref_slice %arg12[%dma_wait3A_162, %dma_wait3A_163] : memref<10240x128xf32, #tpu.memory_space<vmem_shared>> -> memref<10240x128xf32, #tpu.memory_space<vmem_shared>>
          tpu.wait_indirect_dma semaphore(%run_scoped3A_152 : memref<!tpu.dma_semaphore, #tpu.memory_space<semaphore_mem>>) src(%arg10 : memref<128x128xf32, #tpu.memory_space<vmem>>) dst(%dma_wait3A_164 : memref<10240x128xf32, #tpu.memory_space<vmem_shared>>)
          tpu.yield
        }) : () -> ()
        %dma_wait3A_144 = arith.constant 7 : i32
        %dma_wait3A_145 = arith.constant 0 : i32
        %dma_wait3A_146 = tpu.memref_slice %arg8[%dma_wait3A_144, %dma_wait3A_145] : memref<8x128xi32, #tpu.memory_space<vmem>> -> memref<1x128xi32, #tpu.memory_space<vmem>>
        %dma_wait3A_147 = tpu.memref_squeeze %dma_wait3A_146 : memref<1x128xi32, #tpu.memory_space<vmem>> -> memref<128xi32, #tpu.memory_space<vmem>>
        %dma_wait3A_148 = arith.constant 0 : i32
        %dma_wait3A_149 = arith.constant 0 : i32
        %dma_wait3A_150 = tpu.memref_slice %arg2[%dma_wait3A_148, %dma_wait3A_149] : memref<10240x128xf32, #tpu.memory_space<hbm>> -> memref<10240x128xf32, #tpu.memory_space<hbm>>
        tpu.wait_indirect_dma semaphore(%arg14 : memref<!tpu.dma_semaphore, #tpu.memory_space<semaphore_mem>>) src(%dma_wait3A_150 : memref<10240x128xf32, #tpu.memory_space<hbm>>) dst(%arg11 : memref<128x128xf32, #tpu.memory_space<vmem>>)
        %run_scoped3A_151 = arith.constant 7 : i32
        "tpu.region"() ({
          %run_scoped3A_152 = tpu.sem_alloc : memref<!tpu.dma_semaphore, #tpu.memory_space<semaphore_mem>>
          %dma_start3A_153 = arith.constant 0 : i32
          %dma_start3A_154 = tpu.memref_slice %arg9[%run_scoped3A_151, %dma_start3A_153] : memref<8x128xi32, #tpu.memory_space<vmem>> -> memref<1x128xi32, #tpu.memory_space<vmem>>
          %dma_start3A_155 = tpu.memref_squeeze %dma_start3A_154 : memref<1x128xi32, #tpu.memory_space<vmem>> -> memref<128xi32, #tpu.memory_space<vmem>>
          %dma_start3A_156 = arith.constant 0 : i32
          %dma_start3A_157 = arith.constant 0 : i32
          %dma_start3A_158 = tpu.memref_slice %arg12[%dma_start3A_156, %dma_start3A_157] : memref<10240x128xf32, #tpu.memory_space<vmem_shared>> -> memref<10240x128xf32, #tpu.memory_space<vmem_shared>>
          tpu.enqueue_indirect_dma source(%arg11 : memref<128x128xf32, #tpu.memory_space<vmem>>) target(%dma_start3A_158 : memref<10240x128xf32, #tpu.memory_space<vmem_shared>>) offsets(%dma_start3A_155 : memref<128xi32, #tpu.memory_space<vmem>>) semaphore(%run_scoped3A_152 : memref<!tpu.dma_semaphore, #tpu.memory_space<semaphore_mem>>) {add = true}
          %dma_wait3A_159 = arith.constant 0 : i32
          %dma_wait3A_160 = tpu.memref_slice %arg9[%run_scoped3A_151, %dma_wait3A_159] : memref<8x128xi32, #tpu.memory_space<vmem>> -> memref<1x128xi32, #tpu.memory_space<vmem>>
          %dma_wait3A_161 = tpu.memref_squeeze %dma_wait3A_160 : memref<1x128xi32, #tpu.memory_space<vmem>> -> memref<128xi32, #tpu.memory_space<vmem>>
          %dma_wait3A_162 = arith.constant 0 : i32
          %dma_wait3A_163 = arith.constant 0 : i32
          %dma_wait3A_164 = tpu.memref_slice %arg12[%dma_wait3A_162, %dma_wait3A_163] : memref<10240x128xf32, #tpu.memory_space<vmem_shared>> -> memref<10240x128xf32, #tpu.memory_space<vmem_shared>>
          tpu.wait_indirect_dma semaphore(%run_scoped3A_152 : memref<!tpu.dma_semaphore, #tpu.memory_space<semaphore_mem>>) src(%arg11 : memref<128x128xf32, #tpu.memory_space<vmem>>) dst(%dma_wait3A_164 : memref<10240x128xf32, #tpu.memory_space<vmem_shared>>)
          tpu.yield
        }) : () -> ()
      }
      %scan3A_15 = arith.constant 10 : i32
      %barrier3A_16 = arith.constant 0 : index
      tpu.barrier barrier_id(%barrier3A_16)
      %scan3A_17 = arith.constant 0 : i32
      %scan3A_18 = arith.constant 20 : i32
      %scan3A_19 = arith.addi %scan3A_17, %scan3A_18 : i32
      %scan3A_20 = arith.constant 1 : i32
      scf.for %scan3A_22 = %scan3A_17 to %scan3A_19 step %scan3A_20  : i32 {
        %mul3A = arith.constant 1 : i32
        %mul3A_23 = arith.muli %scan3A_22, %mul3A : i32
        %add3A = arith.constant 0 : i32
        %add3A_24 = arith.addi %add3A, %mul3A_23 : i32
        %mul3A_25 = arith.constant 640 : i32
        %mul3A_26 = arith.muli %arg1, %mul3A_25 : i32
        %mul3A_27 = arith.constant 32 : i32
        %mul3A_28 = arith.muli %add3A_24, %mul3A_27 : i32
        %add3A_29 = arith.addi %mul3A_26, %mul3A_28 : i32
        "tpu.region"() ({
          %run_scoped3A = tpu.sem_alloc : memref<!tpu.dma_semaphore, #tpu.memory_space<semaphore_mem>>
          %dma_start3A = arith.constant 0 : i32
          %dma_start3A_30 = tpu.memref_slice %arg6[%add3A_29, %dma_start3A] : memref<10240x128xf32, #tpu.memory_space<hbm>> -> memref<32x128xf32, #tpu.memory_space<hbm>>
          %dma_start3A_31 = arith.constant 0 : i32
          %dma_start3A_32 = tpu.memref_slice %arg12[%add3A_29, %dma_start3A_31] : memref<10240x128xf32, #tpu.memory_space<vmem_shared>> -> memref<32x128xf32, #tpu.memory_space<vmem_shared>>
          tpu.enqueue_dma source(%dma_start3A_32 : memref<32x128xf32, #tpu.memory_space<vmem_shared>>) target(%dma_start3A_30 : memref<32x128xf32, #tpu.memory_space<hbm>>) target_semaphore(%run_scoped3A : memref<!tpu.dma_semaphore, #tpu.memory_space<semaphore_mem>>)
          %dma_wait3A = arith.constant 0 : i32
          %dma_wait3A_33 = tpu.memref_slice %arg6[%add3A_29, %dma_wait3A] : memref<10240x128xf32, #tpu.memory_space<hbm>> -> memref<32x128xf32, #tpu.memory_space<hbm>>
          %dma_wait3A_34 = arith.constant 0 : i32
          %dma_wait3A_35 = tpu.memref_slice %arg12[%add3A_29, %dma_wait3A_34] : memref<10240x128xf32, #tpu.memory_space<vmem_shared>> -> memref<32x128xf32, #tpu.memory_space<vmem_shared>>
          tpu.wait_dma2 semaphore(%run_scoped3A : memref<!tpu.dma_semaphore, #tpu.memory_space<semaphore_mem>>) src(%dma_wait3A_35 : memref<32x128xf32, #tpu.memory_space<vmem_shared>>) dst(%dma_wait3A_33 : memref<32x128xf32, #tpu.memory_space<hbm>>)
          tpu.yield
        }) : () -> ()
      }
      %scan3A_21 = arith.constant 20 : i32
    } else {
    }
    %eq3A_2 = arith.constant 1 : i32
    %eq3A_3 = arith.cmpi eq, %arg0, %eq3A_2 : i32
    %convert_element_type3A_4 = arith.extui %eq3A_3 : i1 to i32
    %cond3A_5 = arith.constant 0 : i32
    %cond3A_6 = arith.cmpi ne, %convert_element_type3A_4, %cond3A_5 : i32
    scf.if %cond3A_6 {
      %scan3A = arith.constant 0 : i32
      %scan3A_7 = arith.constant 20 : i32
      %scan3A_8 = arith.addi %scan3A, %scan3A_7 : i32
      %scan3A_9 = arith.constant 1 : i32
      scf.for %scan3A_22 = %scan3A to %scan3A_8 step %scan3A_9  : i32 {
        %mul3A = arith.constant 1 : i32
        %mul3A_23 = arith.muli %scan3A_22, %mul3A : i32
        %add3A = arith.constant 0 : i32
        %add3A_24 = arith.addi %add3A, %mul3A_23 : i32
        %mul3A_25 = arith.constant 640 : i32
        %mul3A_26 = arith.muli %arg1, %mul3A_25 : i32
        %mul3A_27 = arith.constant 32 : i32
        %mul3A_28 = arith.muli %add3A_24, %mul3A_27 : i32
        %add3A_29 = arith.addi %mul3A_26, %mul3A_28 : i32
        "tpu.region"() ({
          %run_scoped3A = tpu.sem_alloc : memref<!tpu.dma_semaphore, #tpu.memory_space<semaphore_mem>>
          %dma_start3A = arith.constant 0 : i32
          %dma_start3A_30 = tpu.memref_slice %arg12[%add3A_29, %dma_start3A] : memref<10240x128xf32, #tpu.memory_space<vmem_shared>> -> memref<32x128xf32, #tpu.memory_space<vmem_shared>>
          %dma_start3A_31 = arith.constant 0 : i32
          %dma_start3A_32 = tpu.memref_slice %arg3[%add3A_29, %dma_start3A_31] : memref<10240x128xf32, #tpu.memory_space<hbm>> -> memref<32x128xf32, #tpu.memory_space<hbm>>
          tpu.enqueue_dma source(%dma_start3A_32 : memref<32x128xf32, #tpu.memory_space<hbm>>) target(%dma_start3A_30 : memref<32x128xf32, #tpu.memory_space<vmem_shared>>) target_semaphore(%run_scoped3A : memref<!tpu.dma_semaphore, #tpu.memory_space<semaphore_mem>>)
          %dma_wait3A = arith.constant 0 : i32
          %dma_wait3A_33 = tpu.memref_slice %arg12[%add3A_29, %dma_wait3A] : memref<10240x128xf32, #tpu.memory_space<vmem_shared>> -> memref<32x128xf32, #tpu.memory_space<vmem_shared>>
          %dma_wait3A_34 = arith.constant 0 : i32
          %dma_wait3A_35 = tpu.memref_slice %arg3[%add3A_29, %dma_wait3A_34] : memref<10240x128xf32, #tpu.memory_space<hbm>> -> memref<32x128xf32, #tpu.memory_space<hbm>>
          tpu.wait_dma2 semaphore(%run_scoped3A : memref<!tpu.dma_semaphore, #tpu.memory_space<semaphore_mem>>) src(%dma_wait3A_35 : memref<32x128xf32, #tpu.memory_space<hbm>>) dst(%dma_wait3A_33 : memref<32x128xf32, #tpu.memory_space<vmem_shared>>)
          tpu.yield
        }) : () -> ()
      }
      %scan3A_10 = arith.constant 20 : i32
      %barrier3A = arith.constant 0 : index
      tpu.barrier barrier_id(%barrier3A)
      %scan3A_11 = arith.constant 0 : i32
      %scan3A_12 = arith.constant 10 : i32
      %scan3A_13 = arith.addi %scan3A_11, %scan3A_12 : i32
      %scan3A_14 = arith.constant 1 : i32
      scf.for %scan3A_22 = %scan3A_11 to %scan3A_13 step %scan3A_14  : i32 {
        %mul3A = arith.constant 1 : i32
        %mul3A_23 = arith.muli %scan3A_22, %mul3A : i32
        %add3A = arith.constant 0 : i32
        %add3A_24 = arith.addi %add3A, %mul3A_23 : i32
        %mul3A_25 = arith.constant 80 : i32
        %mul3A_26 = arith.muli %arg1, %mul3A_25 : i32
        %mul3A_27 = arith.constant 8 : i32
        %mul3A_28 = arith.muli %add3A_24, %mul3A_27 : i32
        %add3A_29 = arith.addi %mul3A_26, %mul3A_28 : i32
        "tpu.region"() ({
          %run_scoped3A_152 = tpu.sem_alloc : memref<!tpu.dma_semaphore, #tpu.memory_space<semaphore_mem>>
          %dma_start3A_153 = arith.constant 0 : i32
          %dma_start3A_154 = tpu.memref_slice %arg4[%add3A_29, %dma_start3A_153] : memref<1280x128xi32, #tpu.memory_space<hbm>> -> memref<8x128xi32, #tpu.memory_space<hbm>>
          %dma_start3A_155 = arith.constant 0 : i32
          %dma_start3A_156 = tpu.memref_slice %arg4[%add3A_29, %dma_start3A_155] : memref<1280x128xi32, #tpu.memory_space<hbm>> -> memref<8x128xi32, #tpu.memory_space<hbm>>
          tpu.enqueue_dma source(%dma_start3A_156 : memref<8x128xi32, #tpu.memory_space<hbm>>) target(%arg8 : memref<8x128xi32, #tpu.memory_space<vmem>>) target_semaphore(%run_scoped3A_152 : memref<!tpu.dma_semaphore, #tpu.memory_space<semaphore_mem>>)
          %dma_wait3A_157 = arith.constant 0 : i32
          %dma_wait3A_158 = tpu.memref_slice %arg4[%add3A_29, %dma_wait3A_157] : memref<1280x128xi32, #tpu.memory_space<hbm>> -> memref<8x128xi32, #tpu.memory_space<hbm>>
          %dma_wait3A_159 = arith.constant 0 : i32
          %dma_wait3A_160 = tpu.memref_slice %arg4[%add3A_29, %dma_wait3A_159] : memref<1280x128xi32, #tpu.memory_space<hbm>> -> memref<8x128xi32, #tpu.memory_space<hbm>>
          tpu.wait_dma2 semaphore(%run_scoped3A_152 : memref<!tpu.dma_semaphore, #tpu.memory_space<semaphore_mem>>) src(%dma_wait3A_160 : memref<8x128xi32, #tpu.memory_space<hbm>>) dst(%arg8 : memref<8x128xi32, #tpu.memory_space<vmem>>)
          tpu.yield
        }) : () -> ()
        %mul3A_30 = arith.constant 80 : i32
        %mul3A_31 = arith.muli %arg1, %mul3A_30 : i32
        %mul3A_32 = arith.constant 8 : i32
        %mul3A_33 = arith.muli %add3A_24, %mul3A_32 : i32
        %add3A_34 = arith.addi %mul3A_31, %mul3A_33 : i32
        "tpu.region"() ({
          %run_scoped3A_152 = tpu.sem_alloc : memref<!tpu.dma_semaphore, #tpu.memory_space<semaphore_mem>>
          %dma_start3A_153 = arith.constant 0 : i32
          %dma_start3A_154 = tpu.memref_slice %arg5[%add3A_34, %dma_start3A_153] : memref<1280x128xi32, #tpu.memory_space<hbm>> -> memref<8x128xi32, #tpu.memory_space<hbm>>
          %dma_start3A_155 = arith.constant 0 : i32
          %dma_start3A_156 = tpu.memref_slice %arg5[%add3A_34, %dma_start3A_155] : memref<1280x128xi32, #tpu.memory_space<hbm>> -> memref<8x128xi32, #tpu.memory_space<hbm>>
          tpu.enqueue_dma source(%dma_start3A_156 : memref<8x128xi32, #tpu.memory_space<hbm>>) target(%arg9 : memref<8x128xi32, #tpu.memory_space<vmem>>) target_semaphore(%run_scoped3A_152 : memref<!tpu.dma_semaphore, #tpu.memory_space<semaphore_mem>>)
          %dma_wait3A_157 = arith.constant 0 : i32
          %dma_wait3A_158 = tpu.memref_slice %arg5[%add3A_34, %dma_wait3A_157] : memref<1280x128xi32, #tpu.memory_space<hbm>> -> memref<8x128xi32, #tpu.memory_space<hbm>>
          %dma_wait3A_159 = arith.constant 0 : i32
          %dma_wait3A_160 = tpu.memref_slice %arg5[%add3A_34, %dma_wait3A_159] : memref<1280x128xi32, #tpu.memory_space<hbm>> -> memref<8x128xi32, #tpu.memory_space<hbm>>
          tpu.wait_dma2 semaphore(%run_scoped3A_152 : memref<!tpu.dma_semaphore, #tpu.memory_space<semaphore_mem>>) src(%dma_wait3A_160 : memref<8x128xi32, #tpu.memory_space<hbm>>) dst(%arg9 : memref<8x128xi32, #tpu.memory_space<vmem>>)
          tpu.yield
        }) : () -> ()
        %dma_start3A = arith.constant 0 : i32
        %dma_start3A_35 = arith.constant 0 : i32
        %dma_start3A_36 = tpu.memref_slice %arg8[%dma_start3A, %dma_start3A_35] : memref<8x128xi32, #tpu.memory_space<vmem>> -> memref<1x128xi32, #tpu.memory_space<vmem>>
        %dma_start3A_37 = tpu.memref_squeeze %dma_start3A_36 : memref<1x128xi32, #tpu.memory_space<vmem>> -> memref<128xi32, #tpu.memory_space<vmem>>
        %dma_start3A_38 = arith.constant 0 : i32
        %dma_start3A_39 = arith.constant 0 : i32
        %dma_start3A_40 = tpu.memref_slice %arg3[%dma_start3A_38, %dma_start3A_39] : memref<10240x128xf32, #tpu.memory_space<hbm>> -> memref<10240x128xf32, #tpu.memory_space<hbm>>
        tpu.enqueue_indirect_dma source(%dma_start3A_40 : memref<10240x128xf32, #tpu.memory_space<hbm>>) target(%arg10 : memref<128x128xf32, #tpu.memory_space<vmem>>) offsets(%dma_start3A_37 : memref<128xi32, #tpu.memory_space<vmem>>) semaphore(%arg13 : memref<!tpu.dma_semaphore, #tpu.memory_space<semaphore_mem>>)
        %dma_wait3A = arith.constant 0 : i32
        %dma_wait3A_41 = arith.constant 0 : i32
        %dma_wait3A_42 = tpu.memref_slice %arg8[%dma_wait3A, %dma_wait3A_41] : memref<8x128xi32, #tpu.memory_space<vmem>> -> memref<1x128xi32, #tpu.memory_space<vmem>>
        %dma_wait3A_43 = tpu.memref_squeeze %dma_wait3A_42 : memref<1x128xi32, #tpu.memory_space<vmem>> -> memref<128xi32, #tpu.memory_space<vmem>>
        %dma_wait3A_44 = arith.constant 0 : i32
        %dma_wait3A_45 = arith.constant 0 : i32
        %dma_wait3A_46 = tpu.memref_slice %arg3[%dma_wait3A_44, %dma_wait3A_45] : memref<10240x128xf32, #tpu.memory_space<hbm>> -> memref<10240x128xf32, #tpu.memory_space<hbm>>
        tpu.wait_indirect_dma semaphore(%arg13 : memref<!tpu.dma_semaphore, #tpu.memory_space<semaphore_mem>>) src(%dma_wait3A_46 : memref<10240x128xf32, #tpu.memory_space<hbm>>) dst(%arg10 : memref<128x128xf32, #tpu.memory_space<vmem>>)
        %dma_start3A_47 = arith.constant 1 : i32
        %dma_start3A_48 = arith.constant 0 : i32
        %dma_start3A_49 = tpu.memref_slice %arg8[%dma_start3A_47, %dma_start3A_48] : memref<8x128xi32, #tpu.memory_space<vmem>> -> memref<1x128xi32, #tpu.memory_space<vmem>>
        %dma_start3A_50 = tpu.memref_squeeze %dma_start3A_49 : memref<1x128xi32, #tpu.memory_space<vmem>> -> memref<128xi32, #tpu.memory_space<vmem>>
        %dma_start3A_51 = arith.constant 0 : i32
        %dma_start3A_52 = arith.constant 0 : i32
        %dma_start3A_53 = tpu.memref_slice %arg3[%dma_start3A_51, %dma_start3A_52] : memref<10240x128xf32, #tpu.memory_space<hbm>> -> memref<10240x128xf32, #tpu.memory_space<hbm>>
        tpu.enqueue_indirect_dma source(%dma_start3A_53 : memref<10240x128xf32, #tpu.memory_space<hbm>>) target(%arg11 : memref<128x128xf32, #tpu.memory_space<vmem>>) offsets(%dma_start3A_50 : memref<128xi32, #tpu.memory_space<vmem>>) semaphore(%arg14 : memref<!tpu.dma_semaphore, #tpu.memory_space<semaphore_mem>>)
        %run_scoped3A = arith.constant 0 : i32
        "tpu.region"() ({
          %run_scoped3A_152 = tpu.sem_alloc : memref<!tpu.dma_semaphore, #tpu.memory_space<semaphore_mem>>
          %dma_start3A_153 = arith.constant 0 : i32
          %dma_start3A_154 = tpu.memref_slice %arg9[%run_scoped3A, %dma_start3A_153] : memref<8x128xi32, #tpu.memory_space<vmem>> -> memref<1x128xi32, #tpu.memory_space<vmem>>
          %dma_start3A_155 = tpu.memref_squeeze %dma_start3A_154 : memref<1x128xi32, #tpu.memory_space<vmem>> -> memref<128xi32, #tpu.memory_space<vmem>>
          %dma_start3A_156 = arith.constant 0 : i32
          %dma_start3A_157 = arith.constant 0 : i32
          %dma_start3A_158 = tpu.memref_slice %arg12[%dma_start3A_156, %dma_start3A_157] : memref<10240x128xf32, #tpu.memory_space<vmem_shared>> -> memref<10240x128xf32, #tpu.memory_space<vmem_shared>>
          tpu.enqueue_indirect_dma source(%arg10 : memref<128x128xf32, #tpu.memory_space<vmem>>) target(%dma_start3A_158 : memref<10240x128xf32, #tpu.memory_space<vmem_shared>>) offsets(%dma_start3A_155 : memref<128xi32, #tpu.memory_space<vmem>>) semaphore(%run_scoped3A_152 : memref<!tpu.dma_semaphore, #tpu.memory_space<semaphore_mem>>) {add = true}
          %dma_wait3A_159 = arith.constant 0 : i32
          %dma_wait3A_160 = tpu.memref_slice %arg9[%run_scoped3A, %dma_wait3A_159] : memref<8x128xi32, #tpu.memory_space<vmem>> -> memref<1x128xi32, #tpu.memory_space<vmem>>
          %dma_wait3A_161 = tpu.memref_squeeze %dma_wait3A_160 : memref<1x128xi32, #tpu.memory_space<vmem>> -> memref<128xi32, #tpu.memory_space<vmem>>
          %dma_wait3A_162 = arith.constant 0 : i32
          %dma_wait3A_163 = arith.constant 0 : i32
          %dma_wait3A_164 = tpu.memref_slice %arg12[%dma_wait3A_162, %dma_wait3A_163] : memref<10240x128xf32, #tpu.memory_space<vmem_shared>> -> memref<10240x128xf32, #tpu.memory_space<vmem_shared>>
          tpu.wait_indirect_dma semaphore(%run_scoped3A_152 : memref<!tpu.dma_semaphore, #tpu.memory_space<semaphore_mem>>) src(%arg10 : memref<128x128xf32, #tpu.memory_space<vmem>>) dst(%dma_wait3A_164 : memref<10240x128xf32, #tpu.memory_space<vmem_shared>>)
          tpu.yield
        }) : () -> ()
        %dma_wait3A_54 = arith.constant 1 : i32
        %dma_wait3A_55 = arith.constant 0 : i32
        %dma_wait3A_56 = tpu.memref_slice %arg8[%dma_wait3A_54, %dma_wait3A_55] : memref<8x128xi32, #tpu.memory_space<vmem>> -> memref<1x128xi32, #tpu.memory_space<vmem>>
        %dma_wait3A_57 = tpu.memref_squeeze %dma_wait3A_56 : memref<1x128xi32, #tpu.memory_space<vmem>> -> memref<128xi32, #tpu.memory_space<vmem>>
        %dma_wait3A_58 = arith.constant 0 : i32
        %dma_wait3A_59 = arith.constant 0 : i32
        %dma_wait3A_60 = tpu.memref_slice %arg3[%dma_wait3A_58, %dma_wait3A_59] : memref<10240x128xf32, #tpu.memory_space<hbm>> -> memref<10240x128xf32, #tpu.memory_space<hbm>>
        tpu.wait_indirect_dma semaphore(%arg14 : memref<!tpu.dma_semaphore, #tpu.memory_space<semaphore_mem>>) src(%dma_wait3A_60 : memref<10240x128xf32, #tpu.memory_space<hbm>>) dst(%arg11 : memref<128x128xf32, #tpu.memory_space<vmem>>)
        %dma_start3A_61 = arith.constant 2 : i32
        %dma_start3A_62 = arith.constant 0 : i32
        %dma_start3A_63 = tpu.memref_slice %arg8[%dma_start3A_61, %dma_start3A_62] : memref<8x128xi32, #tpu.memory_space<vmem>> -> memref<1x128xi32, #tpu.memory_space<vmem>>
        %dma_start3A_64 = tpu.memref_squeeze %dma_start3A_63 : memref<1x128xi32, #tpu.memory_space<vmem>> -> memref<128xi32, #tpu.memory_space<vmem>>
        %dma_start3A_65 = arith.constant 0 : i32
        %dma_start3A_66 = arith.constant 0 : i32
        %dma_start3A_67 = tpu.memref_slice %arg3[%dma_start3A_65, %dma_start3A_66] : memref<10240x128xf32, #tpu.memory_space<hbm>> -> memref<10240x128xf32, #tpu.memory_space<hbm>>
        tpu.enqueue_indirect_dma source(%dma_start3A_67 : memref<10240x128xf32, #tpu.memory_space<hbm>>) target(%arg10 : memref<128x128xf32, #tpu.memory_space<vmem>>) offsets(%dma_start3A_64 : memref<128xi32, #tpu.memory_space<vmem>>) semaphore(%arg13 : memref<!tpu.dma_semaphore, #tpu.memory_space<semaphore_mem>>)
        %run_scoped3A_68 = arith.constant 1 : i32
        "tpu.region"() ({
          %run_scoped3A_152 = tpu.sem_alloc : memref<!tpu.dma_semaphore, #tpu.memory_space<semaphore_mem>>
          %dma_start3A_153 = arith.constant 0 : i32
          %dma_start3A_154 = tpu.memref_slice %arg9[%run_scoped3A_68, %dma_start3A_153] : memref<8x128xi32, #tpu.memory_space<vmem>> -> memref<1x128xi32, #tpu.memory_space<vmem>>
          %dma_start3A_155 = tpu.memref_squeeze %dma_start3A_154 : memref<1x128xi32, #tpu.memory_space<vmem>> -> memref<128xi32, #tpu.memory_space<vmem>>
          %dma_start3A_156 = arith.constant 0 : i32
          %dma_start3A_157 = arith.constant 0 : i32
          %dma_start3A_158 = tpu.memref_slice %arg12[%dma_start3A_156, %dma_start3A_157] : memref<10240x128xf32, #tpu.memory_space<vmem_shared>> -> memref<10240x128xf32, #tpu.memory_space<vmem_shared>>
          tpu.enqueue_indirect_dma source(%arg11 : memref<128x128xf32, #tpu.memory_space<vmem>>) target(%dma_start3A_158 : memref<10240x128xf32, #tpu.memory_space<vmem_shared>>) offsets(%dma_start3A_155 : memref<128xi32, #tpu.memory_space<vmem>>) semaphore(%run_scoped3A_152 : memref<!tpu.dma_semaphore, #tpu.memory_space<semaphore_mem>>) {add = true}
          %dma_wait3A_159 = arith.constant 0 : i32
          %dma_wait3A_160 = tpu.memref_slice %arg9[%run_scoped3A_68, %dma_wait3A_159] : memref<8x128xi32, #tpu.memory_space<vmem>> -> memref<1x128xi32, #tpu.memory_space<vmem>>
          %dma_wait3A_161 = tpu.memref_squeeze %dma_wait3A_160 : memref<1x128xi32, #tpu.memory_space<vmem>> -> memref<128xi32, #tpu.memory_space<vmem>>
          %dma_wait3A_162 = arith.constant 0 : i32
          %dma_wait3A_163 = arith.constant 0 : i32
          %dma_wait3A_164 = tpu.memref_slice %arg12[%dma_wait3A_162, %dma_wait3A_163] : memref<10240x128xf32, #tpu.memory_space<vmem_shared>> -> memref<10240x128xf32, #tpu.memory_space<vmem_shared>>
          tpu.wait_indirect_dma semaphore(%run_scoped3A_152 : memref<!tpu.dma_semaphore, #tpu.memory_space<semaphore_mem>>) src(%arg11 : memref<128x128xf32, #tpu.memory_space<vmem>>) dst(%dma_wait3A_164 : memref<10240x128xf32, #tpu.memory_space<vmem_shared>>)
          tpu.yield
        }) : () -> ()
        %dma_wait3A_69 = arith.constant 2 : i32
        %dma_wait3A_70 = arith.constant 0 : i32
        %dma_wait3A_71 = tpu.memref_slice %arg8[%dma_wait3A_69, %dma_wait3A_70] : memref<8x128xi32, #tpu.memory_space<vmem>> -> memref<1x128xi32, #tpu.memory_space<vmem>>
        %dma_wait3A_72 = tpu.memref_squeeze %dma_wait3A_71 : memref<1x128xi32, #tpu.memory_space<vmem>> -> memref<128xi32, #tpu.memory_space<vmem>>
        %dma_wait3A_73 = arith.constant 0 : i32
        %dma_wait3A_74 = arith.constant 0 : i32
        %dma_wait3A_75 = tpu.memref_slice %arg3[%dma_wait3A_73, %dma_wait3A_74] : memref<10240x128xf32, #tpu.memory_space<hbm>> -> memref<10240x128xf32, #tpu.memory_space<hbm>>
        tpu.wait_indirect_dma semaphore(%arg13 : memref<!tpu.dma_semaphore, #tpu.memory_space<semaphore_mem>>) src(%dma_wait3A_75 : memref<10240x128xf32, #tpu.memory_space<hbm>>) dst(%arg10 : memref<128x128xf32, #tpu.memory_space<vmem>>)
        %dma_start3A_76 = arith.constant 3 : i32
        %dma_start3A_77 = arith.constant 0 : i32
        %dma_start3A_78 = tpu.memref_slice %arg8[%dma_start3A_76, %dma_start3A_77] : memref<8x128xi32, #tpu.memory_space<vmem>> -> memref<1x128xi32, #tpu.memory_space<vmem>>
        %dma_start3A_79 = tpu.memref_squeeze %dma_start3A_78 : memref<1x128xi32, #tpu.memory_space<vmem>> -> memref<128xi32, #tpu.memory_space<vmem>>
        %dma_start3A_80 = arith.constant 0 : i32
        %dma_start3A_81 = arith.constant 0 : i32
        %dma_start3A_82 = tpu.memref_slice %arg3[%dma_start3A_80, %dma_start3A_81] : memref<10240x128xf32, #tpu.memory_space<hbm>> -> memref<10240x128xf32, #tpu.memory_space<hbm>>
        tpu.enqueue_indirect_dma source(%dma_start3A_82 : memref<10240x128xf32, #tpu.memory_space<hbm>>) target(%arg11 : memref<128x128xf32, #tpu.memory_space<vmem>>) offsets(%dma_start3A_79 : memref<128xi32, #tpu.memory_space<vmem>>) semaphore(%arg14 : memref<!tpu.dma_semaphore, #tpu.memory_space<semaphore_mem>>)
        %run_scoped3A_83 = arith.constant 2 : i32
        "tpu.region"() ({
          %run_scoped3A_152 = tpu.sem_alloc : memref<!tpu.dma_semaphore, #tpu.memory_space<semaphore_mem>>
          %dma_start3A_153 = arith.constant 0 : i32
          %dma_start3A_154 = tpu.memref_slice %arg9[%run_scoped3A_83, %dma_start3A_153] : memref<8x128xi32, #tpu.memory_space<vmem>> -> memref<1x128xi32, #tpu.memory_space<vmem>>
          %dma_start3A_155 = tpu.memref_squeeze %dma_start3A_154 : memref<1x128xi32, #tpu.memory_space<vmem>> -> memref<128xi32, #tpu.memory_space<vmem>>
          %dma_start3A_156 = arith.constant 0 : i32
          %dma_start3A_157 = arith.constant 0 : i32
          %dma_start3A_158 = tpu.memref_slice %arg12[%dma_start3A_156, %dma_start3A_157] : memref<10240x128xf32, #tpu.memory_space<vmem_shared>> -> memref<10240x128xf32, #tpu.memory_space<vmem_shared>>
          tpu.enqueue_indirect_dma source(%arg10 : memref<128x128xf32, #tpu.memory_space<vmem>>) target(%dma_start3A_158 : memref<10240x128xf32, #tpu.memory_space<vmem_shared>>) offsets(%dma_start3A_155 : memref<128xi32, #tpu.memory_space<vmem>>) semaphore(%run_scoped3A_152 : memref<!tpu.dma_semaphore, #tpu.memory_space<semaphore_mem>>) {add = true}
          %dma_wait3A_159 = arith.constant 0 : i32
          %dma_wait3A_160 = tpu.memref_slice %arg9[%run_scoped3A_83, %dma_wait3A_159] : memref<8x128xi32, #tpu.memory_space<vmem>> -> memref<1x128xi32, #tpu.memory_space<vmem>>
          %dma_wait3A_161 = tpu.memref_squeeze %dma_wait3A_160 : memref<1x128xi32, #tpu.memory_space<vmem>> -> memref<128xi32, #tpu.memory_space<vmem>>
          %dma_wait3A_162 = arith.constant 0 : i32
          %dma_wait3A_163 = arith.constant 0 : i32
          %dma_wait3A_164 = tpu.memref_slice %arg12[%dma_wait3A_162, %dma_wait3A_163] : memref<10240x128xf32, #tpu.memory_space<vmem_shared>> -> memref<10240x128xf32, #tpu.memory_space<vmem_shared>>
          tpu.wait_indirect_dma semaphore(%run_scoped3A_152 : memref<!tpu.dma_semaphore, #tpu.memory_space<semaphore_mem>>) src(%arg10 : memref<128x128xf32, #tpu.memory_space<vmem>>) dst(%dma_wait3A_164 : memref<10240x128xf32, #tpu.memory_space<vmem_shared>>)
          tpu.yield
        }) : () -> ()
        %dma_wait3A_84 = arith.constant 3 : i32
        %dma_wait3A_85 = arith.constant 0 : i32
        %dma_wait3A_86 = tpu.memref_slice %arg8[%dma_wait3A_84, %dma_wait3A_85] : memref<8x128xi32, #tpu.memory_space<vmem>> -> memref<1x128xi32, #tpu.memory_space<vmem>>
        %dma_wait3A_87 = tpu.memref_squeeze %dma_wait3A_86 : memref<1x128xi32, #tpu.memory_space<vmem>> -> memref<128xi32, #tpu.memory_space<vmem>>
        %dma_wait3A_88 = arith.constant 0 : i32
        %dma_wait3A_89 = arith.constant 0 : i32
        %dma_wait3A_90 = tpu.memref_slice %arg3[%dma_wait3A_88, %dma_wait3A_89] : memref<10240x128xf32, #tpu.memory_space<hbm>> -> memref<10240x128xf32, #tpu.memory_space<hbm>>
        tpu.wait_indirect_dma semaphore(%arg14 : memref<!tpu.dma_semaphore, #tpu.memory_space<semaphore_mem>>) src(%dma_wait3A_90 : memref<10240x128xf32, #tpu.memory_space<hbm>>) dst(%arg11 : memref<128x128xf32, #tpu.memory_space<vmem>>)
        %dma_start3A_91 = arith.constant 4 : i32
        %dma_start3A_92 = arith.constant 0 : i32
        %dma_start3A_93 = tpu.memref_slice %arg8[%dma_start3A_91, %dma_start3A_92] : memref<8x128xi32, #tpu.memory_space<vmem>> -> memref<1x128xi32, #tpu.memory_space<vmem>>
        %dma_start3A_94 = tpu.memref_squeeze %dma_start3A_93 : memref<1x128xi32, #tpu.memory_space<vmem>> -> memref<128xi32, #tpu.memory_space<vmem>>
        %dma_start3A_95 = arith.constant 0 : i32
        %dma_start3A_96 = arith.constant 0 : i32
        %dma_start3A_97 = tpu.memref_slice %arg3[%dma_start3A_95, %dma_start3A_96] : memref<10240x128xf32, #tpu.memory_space<hbm>> -> memref<10240x128xf32, #tpu.memory_space<hbm>>
        tpu.enqueue_indirect_dma source(%dma_start3A_97 : memref<10240x128xf32, #tpu.memory_space<hbm>>) target(%arg10 : memref<128x128xf32, #tpu.memory_space<vmem>>) offsets(%dma_start3A_94 : memref<128xi32, #tpu.memory_space<vmem>>) semaphore(%arg13 : memref<!tpu.dma_semaphore, #tpu.memory_space<semaphore_mem>>)
        %run_scoped3A_98 = arith.constant 3 : i32
        "tpu.region"() ({
          %run_scoped3A_152 = tpu.sem_alloc : memref<!tpu.dma_semaphore, #tpu.memory_space<semaphore_mem>>
          %dma_start3A_153 = arith.constant 0 : i32
          %dma_start3A_154 = tpu.memref_slice %arg9[%run_scoped3A_98, %dma_start3A_153] : memref<8x128xi32, #tpu.memory_space<vmem>> -> memref<1x128xi32, #tpu.memory_space<vmem>>
          %dma_start3A_155 = tpu.memref_squeeze %dma_start3A_154 : memref<1x128xi32, #tpu.memory_space<vmem>> -> memref<128xi32, #tpu.memory_space<vmem>>
          %dma_start3A_156 = arith.constant 0 : i32
          %dma_start3A_157 = arith.constant 0 : i32
          %dma_start3A_158 = tpu.memref_slice %arg12[%dma_start3A_156, %dma_start3A_157] : memref<10240x128xf32, #tpu.memory_space<vmem_shared>> -> memref<10240x128xf32, #tpu.memory_space<vmem_shared>>
          tpu.enqueue_indirect_dma source(%arg11 : memref<128x128xf32, #tpu.memory_space<vmem>>) target(%dma_start3A_158 : memref<10240x128xf32, #tpu.memory_space<vmem_shared>>) offsets(%dma_start3A_155 : memref<128xi32, #tpu.memory_space<vmem>>) semaphore(%run_scoped3A_152 : memref<!tpu.dma_semaphore, #tpu.memory_space<semaphore_mem>>) {add = true}
          %dma_wait3A_159 = arith.constant 0 : i32
          %dma_wait3A_160 = tpu.memref_slice %arg9[%run_scoped3A_98, %dma_wait3A_159] : memref<8x128xi32, #tpu.memory_space<vmem>> -> memref<1x128xi32, #tpu.memory_space<vmem>>
          %dma_wait3A_161 = tpu.memref_squeeze %dma_wait3A_160 : memref<1x128xi32, #tpu.memory_space<vmem>> -> memref<128xi32, #tpu.memory_space<vmem>>
          %dma_wait3A_162 = arith.constant 0 : i32
          %dma_wait3A_163 = arith.constant 0 : i32
          %dma_wait3A_164 = tpu.memref_slice %arg12[%dma_wait3A_162, %dma_wait3A_163] : memref<10240x128xf32, #tpu.memory_space<vmem_shared>> -> memref<10240x128xf32, #tpu.memory_space<vmem_shared>>
          tpu.wait_indirect_dma semaphore(%run_scoped3A_152 : memref<!tpu.dma_semaphore, #tpu.memory_space<semaphore_mem>>) src(%arg11 : memref<128x128xf32, #tpu.memory_space<vmem>>) dst(%dma_wait3A_164 : memref<10240x128xf32, #tpu.memory_space<vmem_shared>>)
          tpu.yield
        }) : () -> ()
        %dma_wait3A_99 = arith.constant 4 : i32
        %dma_wait3A_100 = arith.constant 0 : i32
        %dma_wait3A_101 = tpu.memref_slice %arg8[%dma_wait3A_99, %dma_wait3A_100] : memref<8x128xi32, #tpu.memory_space<vmem>> -> memref<1x128xi32, #tpu.memory_space<vmem>>
        %dma_wait3A_102 = tpu.memref_squeeze %dma_wait3A_101 : memref<1x128xi32, #tpu.memory_space<vmem>> -> memref<128xi32, #tpu.memory_space<vmem>>
        %dma_wait3A_103 = arith.constant 0 : i32
        %dma_wait3A_104 = arith.constant 0 : i32
        %dma_wait3A_105 = tpu.memref_slice %arg3[%dma_wait3A_103, %dma_wait3A_104] : memref<10240x128xf32, #tpu.memory_space<hbm>> -> memref<10240x128xf32, #tpu.memory_space<hbm>>
        tpu.wait_indirect_dma semaphore(%arg13 : memref<!tpu.dma_semaphore, #tpu.memory_space<semaphore_mem>>) src(%dma_wait3A_105 : memref<10240x128xf32, #tpu.memory_space<hbm>>) dst(%arg10 : memref<128x128xf32, #tpu.memory_space<vmem>>)
        %dma_start3A_106 = arith.constant 5 : i32
        %dma_start3A_107 = arith.constant 0 : i32
        %dma_start3A_108 = tpu.memref_slice %arg8[%dma_start3A_106, %dma_start3A_107] : memref<8x128xi32, #tpu.memory_space<vmem>> -> memref<1x128xi32, #tpu.memory_space<vmem>>
        %dma_start3A_109 = tpu.memref_squeeze %dma_start3A_108 : memref<1x128xi32, #tpu.memory_space<vmem>> -> memref<128xi32, #tpu.memory_space<vmem>>
        %dma_start3A_110 = arith.constant 0 : i32
        %dma_start3A_111 = arith.constant 0 : i32
        %dma_start3A_112 = tpu.memref_slice %arg3[%dma_start3A_110, %dma_start3A_111] : memref<10240x128xf32, #tpu.memory_space<hbm>> -> memref<10240x128xf32, #tpu.memory_space<hbm>>
        tpu.enqueue_indirect_dma source(%dma_start3A_112 : memref<10240x128xf32, #tpu.memory_space<hbm>>) target(%arg11 : memref<128x128xf32, #tpu.memory_space<vmem>>) offsets(%dma_start3A_109 : memref<128xi32, #tpu.memory_space<vmem>>) semaphore(%arg14 : memref<!tpu.dma_semaphore, #tpu.memory_space<semaphore_mem>>)
        %run_scoped3A_113 = arith.constant 4 : i32
        "tpu.region"() ({
          %run_scoped3A_152 = tpu.sem_alloc : memref<!tpu.dma_semaphore, #tpu.memory_space<semaphore_mem>>
          %dma_start3A_153 = arith.constant 0 : i32
          %dma_start3A_154 = tpu.memref_slice %arg9[%run_scoped3A_113, %dma_start3A_153] : memref<8x128xi32, #tpu.memory_space<vmem>> -> memref<1x128xi32, #tpu.memory_space<vmem>>
          %dma_start3A_155 = tpu.memref_squeeze %dma_start3A_154 : memref<1x128xi32, #tpu.memory_space<vmem>> -> memref<128xi32, #tpu.memory_space<vmem>>
          %dma_start3A_156 = arith.constant 0 : i32
          %dma_start3A_157 = arith.constant 0 : i32
          %dma_start3A_158 = tpu.memref_slice %arg12[%dma_start3A_156, %dma_start3A_157] : memref<10240x128xf32, #tpu.memory_space<vmem_shared>> -> memref<10240x128xf32, #tpu.memory_space<vmem_shared>>
          tpu.enqueue_indirect_dma source(%arg10 : memref<128x128xf32, #tpu.memory_space<vmem>>) target(%dma_start3A_158 : memref<10240x128xf32, #tpu.memory_space<vmem_shared>>) offsets(%dma_start3A_155 : memref<128xi32, #tpu.memory_space<vmem>>) semaphore(%run_scoped3A_152 : memref<!tpu.dma_semaphore, #tpu.memory_space<semaphore_mem>>) {add = true}
          %dma_wait3A_159 = arith.constant 0 : i32
          %dma_wait3A_160 = tpu.memref_slice %arg9[%run_scoped3A_113, %dma_wait3A_159] : memref<8x128xi32, #tpu.memory_space<vmem>> -> memref<1x128xi32, #tpu.memory_space<vmem>>
          %dma_wait3A_161 = tpu.memref_squeeze %dma_wait3A_160 : memref<1x128xi32, #tpu.memory_space<vmem>> -> memref<128xi32, #tpu.memory_space<vmem>>
          %dma_wait3A_162 = arith.constant 0 : i32
          %dma_wait3A_163 = arith.constant 0 : i32
          %dma_wait3A_164 = tpu.memref_slice %arg12[%dma_wait3A_162, %dma_wait3A_163] : memref<10240x128xf32, #tpu.memory_space<vmem_shared>> -> memref<10240x128xf32, #tpu.memory_space<vmem_shared>>
          tpu.wait_indirect_dma semaphore(%run_scoped3A_152 : memref<!tpu.dma_semaphore, #tpu.memory_space<semaphore_mem>>) src(%arg10 : memref<128x128xf32, #tpu.memory_space<vmem>>) dst(%dma_wait3A_164 : memref<10240x128xf32, #tpu.memory_space<vmem_shared>>)
          tpu.yield
        }) : () -> ()
        %dma_wait3A_114 = arith.constant 5 : i32
        %dma_wait3A_115 = arith.constant 0 : i32
        %dma_wait3A_116 = tpu.memref_slice %arg8[%dma_wait3A_114, %dma_wait3A_115] : memref<8x128xi32, #tpu.memory_space<vmem>> -> memref<1x128xi32, #tpu.memory_space<vmem>>
        %dma_wait3A_117 = tpu.memref_squeeze %dma_wait3A_116 : memref<1x128xi32, #tpu.memory_space<vmem>> -> memref<128xi32, #tpu.memory_space<vmem>>
        %dma_wait3A_118 = arith.constant 0 : i32
        %dma_wait3A_119 = arith.constant 0 : i32
        %dma_wait3A_120 = tpu.memref_slice %arg3[%dma_wait3A_118, %dma_wait3A_119] : memref<10240x128xf32, #tpu.memory_space<hbm>> -> memref<10240x128xf32, #tpu.memory_space<hbm>>
        tpu.wait_indirect_dma semaphore(%arg14 : memref<!tpu.dma_semaphore, #tpu.memory_space<semaphore_mem>>) src(%dma_wait3A_120 : memref<10240x128xf32, #tpu.memory_space<hbm>>) dst(%arg11 : memref<128x128xf32, #tpu.memory_space<vmem>>)
        %dma_start3A_121 = arith.constant 6 : i32
        %dma_start3A_122 = arith.constant 0 : i32
        %dma_start3A_123 = tpu.memref_slice %arg8[%dma_start3A_121, %dma_start3A_122] : memref<8x128xi32, #tpu.memory_space<vmem>> -> memref<1x128xi32, #tpu.memory_space<vmem>>
        %dma_start3A_124 = tpu.memref_squeeze %dma_start3A_123 : memref<1x128xi32, #tpu.memory_space<vmem>> -> memref<128xi32, #tpu.memory_space<vmem>>
        %dma_start3A_125 = arith.constant 0 : i32
        %dma_start3A_126 = arith.constant 0 : i32
        %dma_start3A_127 = tpu.memref_slice %arg3[%dma_start3A_125, %dma_start3A_126] : memref<10240x128xf32, #tpu.memory_space<hbm>> -> memref<10240x128xf32, #tpu.memory_space<hbm>>
        tpu.enqueue_indirect_dma source(%dma_start3A_127 : memref<10240x128xf32, #tpu.memory_space<hbm>>) target(%arg10 : memref<128x128xf32, #tpu.memory_space<vmem>>) offsets(%dma_start3A_124 : memref<128xi32, #tpu.memory_space<vmem>>) semaphore(%arg13 : memref<!tpu.dma_semaphore, #tpu.memory_space<semaphore_mem>>)
        %run_scoped3A_128 = arith.constant 5 : i32
        "tpu.region"() ({
          %run_scoped3A_152 = tpu.sem_alloc : memref<!tpu.dma_semaphore, #tpu.memory_space<semaphore_mem>>
          %dma_start3A_153 = arith.constant 0 : i32
          %dma_start3A_154 = tpu.memref_slice %arg9[%run_scoped3A_128, %dma_start3A_153] : memref<8x128xi32, #tpu.memory_space<vmem>> -> memref<1x128xi32, #tpu.memory_space<vmem>>
          %dma_start3A_155 = tpu.memref_squeeze %dma_start3A_154 : memref<1x128xi32, #tpu.memory_space<vmem>> -> memref<128xi32, #tpu.memory_space<vmem>>
          %dma_start3A_156 = arith.constant 0 : i32
          %dma_start3A_157 = arith.constant 0 : i32
          %dma_start3A_158 = tpu.memref_slice %arg12[%dma_start3A_156, %dma_start3A_157] : memref<10240x128xf32, #tpu.memory_space<vmem_shared>> -> memref<10240x128xf32, #tpu.memory_space<vmem_shared>>
          tpu.enqueue_indirect_dma source(%arg11 : memref<128x128xf32, #tpu.memory_space<vmem>>) target(%dma_start3A_158 : memref<10240x128xf32, #tpu.memory_space<vmem_shared>>) offsets(%dma_start3A_155 : memref<128xi32, #tpu.memory_space<vmem>>) semaphore(%run_scoped3A_152 : memref<!tpu.dma_semaphore, #tpu.memory_space<semaphore_mem>>) {add = true}
          %dma_wait3A_159 = arith.constant 0 : i32
          %dma_wait3A_160 = tpu.memref_slice %arg9[%run_scoped3A_128, %dma_wait3A_159] : memref<8x128xi32, #tpu.memory_space<vmem>> -> memref<1x128xi32, #tpu.memory_space<vmem>>
          %dma_wait3A_161 = tpu.memref_squeeze %dma_wait3A_160 : memref<1x128xi32, #tpu.memory_space<vmem>> -> memref<128xi32, #tpu.memory_space<vmem>>
          %dma_wait3A_162 = arith.constant 0 : i32
          %dma_wait3A_163 = arith.constant 0 : i32
          %dma_wait3A_164 = tpu.memref_slice %arg12[%dma_wait3A_162, %dma_wait3A_163] : memref<10240x128xf32, #tpu.memory_space<vmem_shared>> -> memref<10240x128xf32, #tpu.memory_space<vmem_shared>>
          tpu.wait_indirect_dma semaphore(%run_scoped3A_152 : memref<!tpu.dma_semaphore, #tpu.memory_space<semaphore_mem>>) src(%arg11 : memref<128x128xf32, #tpu.memory_space<vmem>>) dst(%dma_wait3A_164 : memref<10240x128xf32, #tpu.memory_space<vmem_shared>>)
          tpu.yield
        }) : () -> ()
        %dma_wait3A_129 = arith.constant 6 : i32
        %dma_wait3A_130 = arith.constant 0 : i32
        %dma_wait3A_131 = tpu.memref_slice %arg8[%dma_wait3A_129, %dma_wait3A_130] : memref<8x128xi32, #tpu.memory_space<vmem>> -> memref<1x128xi32, #tpu.memory_space<vmem>>
        %dma_wait3A_132 = tpu.memref_squeeze %dma_wait3A_131 : memref<1x128xi32, #tpu.memory_space<vmem>> -> memref<128xi32, #tpu.memory_space<vmem>>
        %dma_wait3A_133 = arith.constant 0 : i32
        %dma_wait3A_134 = arith.constant 0 : i32
        %dma_wait3A_135 = tpu.memref_slice %arg3[%dma_wait3A_133, %dma_wait3A_134] : memref<10240x128xf32, #tpu.memory_space<hbm>> -> memref<10240x128xf32, #tpu.memory_space<hbm>>
        tpu.wait_indirect_dma semaphore(%arg13 : memref<!tpu.dma_semaphore, #tpu.memory_space<semaphore_mem>>) src(%dma_wait3A_135 : memref<10240x128xf32, #tpu.memory_space<hbm>>) dst(%arg10 : memref<128x128xf32, #tpu.memory_space<vmem>>)
        %dma_start3A_136 = arith.constant 7 : i32
        %dma_start3A_137 = arith.constant 0 : i32
        %dma_start3A_138 = tpu.memref_slice %arg8[%dma_start3A_136, %dma_start3A_137] : memref<8x128xi32, #tpu.memory_space<vmem>> -> memref<1x128xi32, #tpu.memory_space<vmem>>
        %dma_start3A_139 = tpu.memref_squeeze %dma_start3A_138 : memref<1x128xi32, #tpu.memory_space<vmem>> -> memref<128xi32, #tpu.memory_space<vmem>>
        %dma_start3A_140 = arith.constant 0 : i32
        %dma_start3A_141 = arith.constant 0 : i32
        %dma_start3A_142 = tpu.memref_slice %arg3[%dma_start3A_140, %dma_start3A_141] : memref<10240x128xf32, #tpu.memory_space<hbm>> -> memref<10240x128xf32, #tpu.memory_space<hbm>>
        tpu.enqueue_indirect_dma source(%dma_start3A_142 : memref<10240x128xf32, #tpu.memory_space<hbm>>) target(%arg11 : memref<128x128xf32, #tpu.memory_space<vmem>>) offsets(%dma_start3A_139 : memref<128xi32, #tpu.memory_space<vmem>>) semaphore(%arg14 : memref<!tpu.dma_semaphore, #tpu.memory_space<semaphore_mem>>)
        %run_scoped3A_143 = arith.constant 6 : i32
        "tpu.region"() ({
          %run_scoped3A_152 = tpu.sem_alloc : memref<!tpu.dma_semaphore, #tpu.memory_space<semaphore_mem>>
          %dma_start3A_153 = arith.constant 0 : i32
          %dma_start3A_154 = tpu.memref_slice %arg9[%run_scoped3A_143, %dma_start3A_153] : memref<8x128xi32, #tpu.memory_space<vmem>> -> memref<1x128xi32, #tpu.memory_space<vmem>>
          %dma_start3A_155 = tpu.memref_squeeze %dma_start3A_154 : memref<1x128xi32, #tpu.memory_space<vmem>> -> memref<128xi32, #tpu.memory_space<vmem>>
          %dma_start3A_156 = arith.constant 0 : i32
          %dma_start3A_157 = arith.constant 0 : i32
          %dma_start3A_158 = tpu.memref_slice %arg12[%dma_start3A_156, %dma_start3A_157] : memref<10240x128xf32, #tpu.memory_space<vmem_shared>> -> memref<10240x128xf32, #tpu.memory_space<vmem_shared>>
          tpu.enqueue_indirect_dma source(%arg10 : memref<128x128xf32, #tpu.memory_space<vmem>>) target(%dma_start3A_158 : memref<10240x128xf32, #tpu.memory_space<vmem_shared>>) offsets(%dma_start3A_155 : memref<128xi32, #tpu.memory_space<vmem>>) semaphore(%run_scoped3A_152 : memref<!tpu.dma_semaphore, #tpu.memory_space<semaphore_mem>>) {add = true}
          %dma_wait3A_159 = arith.constant 0 : i32
          %dma_wait3A_160 = tpu.memref_slice %arg9[%run_scoped3A_143, %dma_wait3A_159] : memref<8x128xi32, #tpu.memory_space<vmem>> -> memref<1x128xi32, #tpu.memory_space<vmem>>
          %dma_wait3A_161 = tpu.memref_squeeze %dma_wait3A_160 : memref<1x128xi32, #tpu.memory_space<vmem>> -> memref<128xi32, #tpu.memory_space<vmem>>
          %dma_wait3A_162 = arith.constant 0 : i32
          %dma_wait3A_163 = arith.constant 0 : i32
          %dma_wait3A_164 = tpu.memref_slice %arg12[%dma_wait3A_162, %dma_wait3A_163] : memref<10240x128xf32, #tpu.memory_space<vmem_shared>> -> memref<10240x128xf32, #tpu.memory_space<vmem_shared>>
          tpu.wait_indirect_dma semaphore(%run_scoped3A_152 : memref<!tpu.dma_semaphore, #tpu.memory_space<semaphore_mem>>) src(%arg10 : memref<128x128xf32, #tpu.memory_space<vmem>>) dst(%dma_wait3A_164 : memref<10240x128xf32, #tpu.memory_space<vmem_shared>>)
          tpu.yield
        }) : () -> ()
        %dma_wait3A_144 = arith.constant 7 : i32
        %dma_wait3A_145 = arith.constant 0 : i32
        %dma_wait3A_146 = tpu.memref_slice %arg8[%dma_wait3A_144, %dma_wait3A_145] : memref<8x128xi32, #tpu.memory_space<vmem>> -> memref<1x128xi32, #tpu.memory_space<vmem>>
        %dma_wait3A_147 = tpu.memref_squeeze %dma_wait3A_146 : memref<1x128xi32, #tpu.memory_space<vmem>> -> memref<128xi32, #tpu.memory_space<vmem>>
        %dma_wait3A_148 = arith.constant 0 : i32
        %dma_wait3A_149 = arith.constant 0 : i32
        %dma_wait3A_150 = tpu.memref_slice %arg3[%dma_wait3A_148, %dma_wait3A_149] : memref<10240x128xf32, #tpu.memory_space<hbm>> -> memref<10240x128xf32, #tpu.memory_space<hbm>>
        tpu.wait_indirect_dma semaphore(%arg14 : memref<!tpu.dma_semaphore, #tpu.memory_space<semaphore_mem>>) src(%dma_wait3A_150 : memref<10240x128xf32, #tpu.memory_space<hbm>>) dst(%arg11 : memref<128x128xf32, #tpu.memory_space<vmem>>)
        %run_scoped3A_151 = arith.constant 7 : i32
        "tpu.region"() ({
          %run_scoped3A_152 = tpu.sem_alloc : memref<!tpu.dma_semaphore, #tpu.memory_space<semaphore_mem>>
          %dma_start3A_153 = arith.constant 0 : i32
          %dma_start3A_154 = tpu.memref_slice %arg9[%run_scoped3A_151, %dma_start3A_153] : memref<8x128xi32, #tpu.memory_space<vmem>> -> memref<1x128xi32, #tpu.memory_space<vmem>>
          %dma_start3A_155 = tpu.memref_squeeze %dma_start3A_154 : memref<1x128xi32, #tpu.memory_space<vmem>> -> memref<128xi32, #tpu.memory_space<vmem>>
          %dma_start3A_156 = arith.constant 0 : i32
          %dma_start3A_157 = arith.constant 0 : i32
          %dma_start3A_158 = tpu.memref_slice %arg12[%dma_start3A_156, %dma_start3A_157] : memref<10240x128xf32, #tpu.memory_space<vmem_shared>> -> memref<10240x128xf32, #tpu.memory_space<vmem_shared>>
          tpu.enqueue_indirect_dma source(%arg11 : memref<128x128xf32, #tpu.memory_space<vmem>>) target(%dma_start3A_158 : memref<10240x128xf32, #tpu.memory_space<vmem_shared>>) offsets(%dma_start3A_155 : memref<128xi32, #tpu.memory_space<vmem>>) semaphore(%run_scoped3A_152 : memref<!tpu.dma_semaphore, #tpu.memory_space<semaphore_mem>>) {add = true}
          %dma_wait3A_159 = arith.constant 0 : i32
          %dma_wait3A_160 = tpu.memref_slice %arg9[%run_scoped3A_151, %dma_wait3A_159] : memref<8x128xi32, #tpu.memory_space<vmem>> -> memref<1x128xi32, #tpu.memory_space<vmem>>
          %dma_wait3A_161 = tpu.memref_squeeze %dma_wait3A_160 : memref<1x128xi32, #tpu.memory_space<vmem>> -> memref<128xi32, #tpu.memory_space<vmem>>
          %dma_wait3A_162 = arith.constant 0 : i32
          %dma_wait3A_163 = arith.constant 0 : i32
          %dma_wait3A_164 = tpu.memref_slice %arg12[%dma_wait3A_162, %dma_wait3A_163] : memref<10240x128xf32, #tpu.memory_space<vmem_shared>> -> memref<10240x128xf32, #tpu.memory_space<vmem_shared>>
          tpu.wait_indirect_dma semaphore(%run_scoped3A_152 : memref<!tpu.dma_semaphore, #tpu.memory_space<semaphore_mem>>) src(%arg11 : memref<128x128xf32, #tpu.memory_space<vmem>>) dst(%dma_wait3A_164 : memref<10240x128xf32, #tpu.memory_space<vmem_shared>>)
          tpu.yield
        }) : () -> ()
      }
      %scan3A_15 = arith.constant 10 : i32
      %barrier3A_16 = arith.constant 0 : index
      tpu.barrier barrier_id(%barrier3A_16)
      %scan3A_17 = arith.constant 0 : i32
      %scan3A_18 = arith.constant 20 : i32
      %scan3A_19 = arith.addi %scan3A_17, %scan3A_18 : i32
      %scan3A_20 = arith.constant 1 : i32
      scf.for %scan3A_22 = %scan3A_17 to %scan3A_19 step %scan3A_20  : i32 {
        %mul3A = arith.constant 1 : i32
        %mul3A_23 = arith.muli %scan3A_22, %mul3A : i32
        %add3A = arith.constant 0 : i32
        %add3A_24 = arith.addi %add3A, %mul3A_23 : i32
        %mul3A_25 = arith.constant 640 : i32
        %mul3A_26 = arith.muli %arg1, %mul3A_25 : i32
        %mul3A_27 = arith.constant 32 : i32
        %mul3A_28 = arith.muli %add3A_24, %mul3A_27 : i32
        %add3A_29 = arith.addi %mul3A_26, %mul3A_28 : i32
        "tpu.region"() ({
          %run_scoped3A = tpu.sem_alloc : memref<!tpu.dma_semaphore, #tpu.memory_space<semaphore_mem>>
          %dma_start3A = arith.constant 0 : i32
          %dma_start3A_30 = tpu.memref_slice %arg7[%add3A_29, %dma_start3A] : memref<10240x128xf32, #tpu.memory_space<hbm>> -> memref<32x128xf32, #tpu.memory_space<hbm>>
          %dma_start3A_31 = arith.constant 0 : i32
          %dma_start3A_32 = tpu.memref_slice %arg12[%add3A_29, %dma_start3A_31] : memref<10240x128xf32, #tpu.memory_space<vmem_shared>> -> memref<32x128xf32, #tpu.memory_space<vmem_shared>>
          tpu.enqueue_dma source(%dma_start3A_32 : memref<32x128xf32, #tpu.memory_space<vmem_shared>>) target(%dma_start3A_30 : memref<32x128xf32, #tpu.memory_space<hbm>>) target_semaphore(%run_scoped3A : memref<!tpu.dma_semaphore, #tpu.memory_space<semaphore_mem>>)
          %dma_wait3A = arith.constant 0 : i32
          %dma_wait3A_33 = tpu.memref_slice %arg7[%add3A_29, %dma_wait3A] : memref<10240x128xf32, #tpu.memory_space<hbm>> -> memref<32x128xf32, #tpu.memory_space<hbm>>
          %dma_wait3A_34 = arith.constant 0 : i32
          %dma_wait3A_35 = tpu.memref_slice %arg12[%add3A_29, %dma_wait3A_34] : memref<10240x128xf32, #tpu.memory_space<vmem_shared>> -> memref<32x128xf32, #tpu.memory_space<vmem_shared>>
          tpu.wait_dma2 semaphore(%run_scoped3A : memref<!tpu.dma_semaphore, #tpu.memory_space<semaphore_mem>>) src(%dma_wait3A_35 : memref<32x128xf32, #tpu.memory_space<vmem_shared>>) dst(%dma_wait3A_33 : memref<32x128xf32, #tpu.memory_space<hbm>>)
          tpu.yield
        }) : () -> ()
      }
      %scan3A_21 = arith.constant 20 : i32
    } else {
    }
    return
  }
}

#map = affine_map<(d0, d1) -> (0, 0)>
module attributes {stable_mosaic.version = 14 : i64} {
  func.func @k(%arg0: i32, %arg1: i32, %arg2: memref<10240x128xf32, #tpu.memory_space<hbm>>, %arg3: memref<10240x128xf32, #tpu.memory_space<hbm>>, %arg4: memref<1280x128xi32, #tpu.memory_space<hbm>>, %arg5: memref<1280x128xi32, #tpu.memory_space<hbm>>, %arg6: memref<10240x128xf32, #tpu.memory_space<hbm>>, %arg7: memref<10240x128xf32, #tpu.memory_space<hbm>>, %arg8: memref<8x128xi32, #tpu.memory_space<vmem>>, %arg9: memref<8x128xi32, #tpu.memory_space<vmem>>, %arg10: memref<128x128xf32, #tpu.memory_space<vmem>>, %arg11: memref<128x128xf32, #tpu.memory_space<vmem>>, %arg12: memref<10240x128xf32, #tpu.memory_space<vmem_shared>>, %arg13: memref<!tpu.dma_semaphore, #tpu.memory_space<semaphore_mem>>, %arg14: memref<!tpu.dma_semaphore, #tpu.memory_space<semaphore_mem>>) attributes {dimension_semantics = [#tpu.dimension_semantics<core_parallel>, #tpu.dimension_semantics<subcore_parallel>], iteration_bounds = array<i64: 2, 16>, scalar_prefetch = 0 : i64, scratch_operands = 7 : i64, tpu.core_type = #tpu.core_type<sc_vector_subcore>, window_params = [{transform_indices = #map}, {transform_indices = #map}, {transform_indices = #map}, {transform_indices = #map}, {transform_indices = #map}, {transform_indices = #map}]} {
    %eq3A = arith.constant 0 : i32
    %eq3A_0 = arith.cmpi eq, %arg0, %eq3A : i32
    %convert_element_type3A = arith.extui %eq3A_0 : i1 to i32
    %cond3A = arith.constant 0 : i32
    %cond3A_1 = arith.cmpi ne, %convert_element_type3A, %cond3A : i32
    scf.if %cond3A_1 {
      %scan3A = arith.constant 0 : i32
      %scan3A_7 = arith.constant 20 : i32
      %scan3A_8 = arith.addi %scan3A, %scan3A_7 : i32
      %scan3A_9 = arith.constant 1 : i32
      scf.for %scan3A_22 = %scan3A to %scan3A_8 step %scan3A_9  : i32 {
        %mul3A = arith.constant 1 : i32
        %mul3A_23 = arith.muli %scan3A_22, %mul3A : i32
        %add3A = arith.constant 0 : i32
        %add3A_24 = arith.addi %add3A, %mul3A_23 : i32
        %mul3A_25 = arith.constant 640 : i32
        %mul3A_26 = arith.muli %arg1, %mul3A_25 : i32
        %mul3A_27 = arith.constant 32 : i32
        %mul3A_28 = arith.muli %add3A_24, %mul3A_27 : i32
        %add3A_29 = arith.addi %mul3A_26, %mul3A_28 : i32
        "tpu.region"() ({
          %run_scoped3A = tpu.sem_alloc : memref<!tpu.dma_semaphore, #tpu.memory_space<semaphore_mem>>
          %dma_start3A = arith.constant 0 : i32
          %dma_start3A_30 = tpu.memref_slice %arg12[%add3A_29, %dma_start3A] : memref<10240x128xf32, #tpu.memory_space<vmem_shared>> -> memref<32x128xf32, #tpu.memory_space<vmem_shared>>
          %dma_start3A_31 = arith.constant 0 : i32
          %dma_start3A_32 = tpu.memref_slice %arg2[%add3A_29, %dma_start3A_31] : memref<10240x128xf32, #tpu.memory_space<hbm>> -> memref<32x128xf32, #tpu.memory_space<hbm>>
          tpu.enqueue_dma source(%dma_start3A_32 : memref<32x128xf32, #tpu.memory_space<hbm>>) target(%dma_start3A_30 : memref<32x128xf32, #tpu.memory_space<vmem_shared>>) target_semaphore(%run_scoped3A : memref<!tpu.dma_semaphore, #tpu.memory_space<semaphore_mem>>)
          %dma_wait3A = arith.constant 0 : i32
          %dma_wait3A_33 = tpu.memref_slice %arg12[%add3A_29, %dma_wait3A] : memref<10240x128xf32, #tpu.memory_space<vmem_shared>> -> memref<32x128xf32, #tpu.memory_space<vmem_shared>>
          %dma_wait3A_34 = arith.constant 0 : i32
          %dma_wait3A_35 = tpu.memref_slice %arg2[%add3A_29, %dma_wait3A_34] : memref<10240x128xf32, #tpu.memory_space<hbm>> -> memref<32x128xf32, #tpu.memory_space<hbm>>
          tpu.wait_dma2 semaphore(%run_scoped3A : memref<!tpu.dma_semaphore, #tpu.memory_space<semaphore_mem>>) src(%dma_wait3A_35 : memref<32x128xf32, #tpu.memory_space<hbm>>) dst(%dma_wait3A_33 : memref<32x128xf32, #tpu.memory_space<vmem_shared>>)
          tpu.yield
        }) : () -> ()
      }
      %scan3A_10 = arith.constant 20 : i32
      %barrier3A = arith.constant 0 : index
      tpu.barrier barrier_id(%barrier3A)
      %scan3A_11 = arith.constant 0 : i32
      %scan3A_12 = arith.constant 10 : i32
      %scan3A_13 = arith.addi %scan3A_11, %scan3A_12 : i32
      %scan3A_14 = arith.constant 1 : i32
      scf.for %scan3A_22 = %scan3A_11 to %scan3A_13 step %scan3A_14  : i32 {
        %mul3A = arith.constant 1 : i32
        %mul3A_23 = arith.muli %scan3A_22, %mul3A : i32
        %add3A = arith.constant 0 : i32
        %add3A_24 = arith.addi %add3A, %mul3A_23 : i32
        %mul3A_25 = arith.constant 80 : i32
        %mul3A_26 = arith.muli %arg1, %mul3A_25 : i32
        %mul3A_27 = arith.constant 8 : i32
        %mul3A_28 = arith.muli %add3A_24, %mul3A_27 : i32
        %add3A_29 = arith.addi %mul3A_26, %mul3A_28 : i32
        "tpu.region"() ({
          %run_scoped3A_152 = tpu.sem_alloc : memref<!tpu.dma_semaphore, #tpu.memory_space<semaphore_mem>>
          %dma_start3A_153 = arith.constant 0 : i32
          %dma_start3A_154 = tpu.memref_slice %arg4[%add3A_29, %dma_start3A_153] : memref<1280x128xi32, #tpu.memory_space<hbm>> -> memref<8x128xi32, #tpu.memory_space<hbm>>
          %dma_start3A_155 = arith.constant 0 : i32
          %dma_start3A_156 = tpu.memref_slice %arg4[%add3A_29, %dma_start3A_155] : memref<1280x128xi32, #tpu.memory_space<hbm>> -> memref<8x128xi32, #tpu.memory_space<hbm>>
          tpu.enqueue_dma source(%dma_start3A_156 : memref<8x128xi32, #tpu.memory_space<hbm>>) target(%arg8 : memref<8x128xi32, #tpu.memory_space<vmem>>) target_semaphore(%run_scoped3A_152 : memref<!tpu.dma_semaphore, #tpu.memory_space<semaphore_mem>>)
          %dma_wait3A_157 = arith.constant 0 : i32
          %dma_wait3A_158 = tpu.memref_slice %arg4[%add3A_29, %dma_wait3A_157] : memref<1280x128xi32, #tpu.memory_space<hbm>> -> memref<8x128xi32, #tpu.memory_space<hbm>>
          %dma_wait3A_159 = arith.constant 0 : i32
          %dma_wait3A_160 = tpu.memref_slice %arg4[%add3A_29, %dma_wait3A_159] : memref<1280x128xi32, #tpu.memory_space<hbm>> -> memref<8x128xi32, #tpu.memory_space<hbm>>
          tpu.wait_dma2 semaphore(%run_scoped3A_152 : memref<!tpu.dma_semaphore, #tpu.memory_space<semaphore_mem>>) src(%dma_wait3A_160 : memref<8x128xi32, #tpu.memory_space<hbm>>) dst(%arg8 : memref<8x128xi32, #tpu.memory_space<vmem>>)
          tpu.yield
        }) : () -> ()
        %mul3A_30 = arith.constant 80 : i32
        %mul3A_31 = arith.muli %arg1, %mul3A_30 : i32
        %mul3A_32 = arith.constant 8 : i32
        %mul3A_33 = arith.muli %add3A_24, %mul3A_32 : i32
        %add3A_34 = arith.addi %mul3A_31, %mul3A_33 : i32
        "tpu.region"() ({
          %run_scoped3A_152 = tpu.sem_alloc : memref<!tpu.dma_semaphore, #tpu.memory_space<semaphore_mem>>
          %dma_start3A_153 = arith.constant 0 : i32
          %dma_start3A_154 = tpu.memref_slice %arg5[%add3A_34, %dma_start3A_153] : memref<1280x128xi32, #tpu.memory_space<hbm>> -> memref<8x128xi32, #tpu.memory_space<hbm>>
          %dma_start3A_155 = arith.constant 0 : i32
          %dma_start3A_156 = tpu.memref_slice %arg5[%add3A_34, %dma_start3A_155] : memref<1280x128xi32, #tpu.memory_space<hbm>> -> memref<8x128xi32, #tpu.memory_space<hbm>>
          tpu.enqueue_dma source(%dma_start3A_156 : memref<8x128xi32, #tpu.memory_space<hbm>>) target(%arg9 : memref<8x128xi32, #tpu.memory_space<vmem>>) target_semaphore(%run_scoped3A_152 : memref<!tpu.dma_semaphore, #tpu.memory_space<semaphore_mem>>)
          %dma_wait3A_157 = arith.constant 0 : i32
          %dma_wait3A_158 = tpu.memref_slice %arg5[%add3A_34, %dma_wait3A_157] : memref<1280x128xi32, #tpu.memory_space<hbm>> -> memref<8x128xi32, #tpu.memory_space<hbm>>
          %dma_wait3A_159 = arith.constant 0 : i32
          %dma_wait3A_160 = tpu.memref_slice %arg5[%add3A_34, %dma_wait3A_159] : memref<1280x128xi32, #tpu.memory_space<hbm>> -> memref<8x128xi32, #tpu.memory_space<hbm>>
          tpu.wait_dma2 semaphore(%run_scoped3A_152 : memref<!tpu.dma_semaphore, #tpu.memory_space<semaphore_mem>>) src(%dma_wait3A_160 : memref<8x128xi32, #tpu.memory_space<hbm>>) dst(%arg9 : memref<8x128xi32, #tpu.memory_space<vmem>>)
          tpu.yield
        }) : () -> ()
        %dma_start3A = arith.constant 0 : i32
        %dma_start3A_35 = arith.constant 0 : i32
        %dma_start3A_36 = tpu.memref_slice %arg8[%dma_start3A, %dma_start3A_35] : memref<8x128xi32, #tpu.memory_space<vmem>> -> memref<1x128xi32, #tpu.memory_space<vmem>>
        %dma_start3A_37 = tpu.memref_squeeze %dma_start3A_36 : memref<1x128xi32, #tpu.memory_space<vmem>> -> memref<128xi32, #tpu.memory_space<vmem>>
        %dma_start3A_38 = arith.constant 0 : i32
        %dma_start3A_39 = arith.constant 0 : i32
        %dma_start3A_40 = tpu.memref_slice %arg2[%dma_start3A_38, %dma_start3A_39] : memref<10240x128xf32, #tpu.memory_space<hbm>> -> memref<10240x128xf32, #tpu.memory_space<hbm>>
        tpu.enqueue_indirect_dma source(%dma_start3A_40 : memref<10240x128xf32, #tpu.memory_space<hbm>>) target(%arg10 : memref<128x128xf32, #tpu.memory_space<vmem>>) offsets(%dma_start3A_37 : memref<128xi32, #tpu.memory_space<vmem>>) semaphore(%arg13 : memref<!tpu.dma_semaphore, #tpu.memory_space<semaphore_mem>>)
        %dma_wait3A = arith.constant 0 : i32
        %dma_wait3A_41 = arith.constant 0 : i32
        %dma_wait3A_42 = tpu.memref_slice %arg8[%dma_wait3A, %dma_wait3A_41] : memref<8x128xi32, #tpu.memory_space<vmem>> -> memref<1x128xi32, #tpu.memory_space<vmem>>
        %dma_wait3A_43 = tpu.memref_squeeze %dma_wait3A_42 : memref<1x128xi32, #tpu.memory_space<vmem>> -> memref<128xi32, #tpu.memory_space<vmem>>
        %dma_wait3A_44 = arith.constant 0 : i32
        %dma_wait3A_45 = arith.constant 0 : i32
        %dma_wait3A_46 = tpu.memref_slice %arg2[%dma_wait3A_44, %dma_wait3A_45] : memref<10240x128xf32, #tpu.memory_space<hbm>> -> memref<10240x128xf32, #tpu.memory_space<hbm>>
        tpu.wait_indirect_dma semaphore(%arg13 : memref<!tpu.dma_semaphore, #tpu.memory_space<semaphore_mem>>) src(%dma_wait3A_46 : memref<10240x128xf32, #tpu.memory_space<hbm>>) dst(%arg10 : memref<128x128xf32, #tpu.memory_space<vmem>>)
        %dma_start3A_47 = arith.constant 1 : i32
        %dma_start3A_48 = arith.constant 0 : i32
        %dma_start3A_49 = tpu.memref_slice %arg8[%dma_start3A_47, %dma_start3A_48] : memref<8x128xi32, #tpu.memory_space<vmem>> -> memref<1x128xi32, #tpu.memory_space<vmem>>
        %dma_start3A_50 = tpu.memref_squeeze %dma_start3A_49 : memref<1x128xi32, #tpu.memory_space<vmem>> -> memref<128xi32, #tpu.memory_space<vmem>>
        %dma_start3A_51 = arith.constant 0 : i32
        %dma_start3A_52 = arith.constant 0 : i32
        %dma_start3A_53 = tpu.memref_slice %arg2[%dma_start3A_51, %dma_start3A_52] : memref<10240x128xf32, #tpu.memory_space<hbm>> -> memref<10240x128xf32, #tpu.memory_space<hbm>>
        tpu.enqueue_indirect_dma source(%dma_start3A_53 : memref<10240x128xf32, #tpu.memory_space<hbm>>) target(%arg11 : memref<128x128xf32, #tpu.memory_space<vmem>>) offsets(%dma_start3A_50 : memref<128xi32, #tpu.memory_space<vmem>>) semaphore(%arg14 : memref<!tpu.dma_semaphore, #tpu.memory_space<semaphore_mem>>)
        %run_scoped3A = arith.constant 0 : i32
        "tpu.region"() ({
          %run_scoped3A_152 = tpu.sem_alloc : memref<!tpu.dma_semaphore, #tpu.memory_space<semaphore_mem>>
          %dma_start3A_153 = arith.constant 0 : i32
          %dma_start3A_154 = tpu.memref_slice %arg9[%run_scoped3A, %dma_start3A_153] : memref<8x128xi32, #tpu.memory_space<vmem>> -> memref<1x128xi32, #tpu.memory_space<vmem>>
          %dma_start3A_155 = tpu.memref_squeeze %dma_start3A_154 : memref<1x128xi32, #tpu.memory_space<vmem>> -> memref<128xi32, #tpu.memory_space<vmem>>
          %dma_start3A_156 = arith.constant 0 : i32
          %dma_start3A_157 = arith.constant 0 : i32
          %dma_start3A_158 = tpu.memref_slice %arg12[%dma_start3A_156, %dma_start3A_157] : memref<10240x128xf32, #tpu.memory_space<vmem_shared>> -> memref<10240x128xf32, #tpu.memory_space<vmem_shared>>
          tpu.enqueue_indirect_dma source(%arg10 : memref<128x128xf32, #tpu.memory_space<vmem>>) target(%dma_start3A_158 : memref<10240x128xf32, #tpu.memory_space<vmem_shared>>) offsets(%dma_start3A_155 : memref<128xi32, #tpu.memory_space<vmem>>) semaphore(%run_scoped3A_152 : memref<!tpu.dma_semaphore, #tpu.memory_space<semaphore_mem>>) {add = true}
          %dma_wait3A_159 = arith.constant 0 : i32
          %dma_wait3A_160 = tpu.memref_slice %arg9[%run_scoped3A, %dma_wait3A_159] : memref<8x128xi32, #tpu.memory_space<vmem>> -> memref<1x128xi32, #tpu.memory_space<vmem>>
          %dma_wait3A_161 = tpu.memref_squeeze %dma_wait3A_160 : memref<1x128xi32, #tpu.memory_space<vmem>> -> memref<128xi32, #tpu.memory_space<vmem>>
          %dma_wait3A_162 = arith.constant 0 : i32
          %dma_wait3A_163 = arith.constant 0 : i32
          %dma_wait3A_164 = tpu.memref_slice %arg12[%dma_wait3A_162, %dma_wait3A_163] : memref<10240x128xf32, #tpu.memory_space<vmem_shared>> -> memref<10240x128xf32, #tpu.memory_space<vmem_shared>>
          tpu.wait_indirect_dma semaphore(%run_scoped3A_152 : memref<!tpu.dma_semaphore, #tpu.memory_space<semaphore_mem>>) src(%arg10 : memref<128x128xf32, #tpu.memory_space<vmem>>) dst(%dma_wait3A_164 : memref<10240x128xf32, #tpu.memory_space<vmem_shared>>)
          tpu.yield
        }) : () -> ()
        %dma_wait3A_54 = arith.constant 1 : i32
        %dma_wait3A_55 = arith.constant 0 : i32
        %dma_wait3A_56 = tpu.memref_slice %arg8[%dma_wait3A_54, %dma_wait3A_55] : memref<8x128xi32, #tpu.memory_space<vmem>> -> memref<1x128xi32, #tpu.memory_space<vmem>>
        %dma_wait3A_57 = tpu.memref_squeeze %dma_wait3A_56 : memref<1x128xi32, #tpu.memory_space<vmem>> -> memref<128xi32, #tpu.memory_space<vmem>>
        %dma_wait3A_58 = arith.constant 0 : i32
        %dma_wait3A_59 = arith.constant 0 : i32
        %dma_wait3A_60 = tpu.memref_slice %arg2[%dma_wait3A_58, %dma_wait3A_59] : memref<10240x128xf32, #tpu.memory_space<hbm>> -> memref<10240x128xf32, #tpu.memory_space<hbm>>
        tpu.wait_indirect_dma semaphore(%arg14 : memref<!tpu.dma_semaphore, #tpu.memory_space<semaphore_mem>>) src(%dma_wait3A_60 : memref<10240x128xf32, #tpu.memory_space<hbm>>) dst(%arg11 : memref<128x128xf32, #tpu.memory_space<vmem>>)
        %dma_start3A_61 = arith.constant 2 : i32
        %dma_start3A_62 = arith.constant 0 : i32
        %dma_start3A_63 = tpu.memref_slice %arg8[%dma_start3A_61, %dma_start3A_62] : memref<8x128xi32, #tpu.memory_space<vmem>> -> memref<1x128xi32, #tpu.memory_space<vmem>>
        %dma_start3A_64 = tpu.memref_squeeze %dma_start3A_63 : memref<1x128xi32, #tpu.memory_space<vmem>> -> memref<128xi32, #tpu.memory_space<vmem>>
        %dma_start3A_65 = arith.constant 0 : i32
        %dma_start3A_66 = arith.constant 0 : i32
        %dma_start3A_67 = tpu.memref_slice %arg2[%dma_start3A_65, %dma_start3A_66] : memref<10240x128xf32, #tpu.memory_space<hbm>> -> memref<10240x128xf32, #tpu.memory_space<hbm>>
        tpu.enqueue_indirect_dma source(%dma_start3A_67 : memref<10240x128xf32, #tpu.memory_space<hbm>>) target(%arg10 : memref<128x128xf32, #tpu.memory_space<vmem>>) offsets(%dma_start3A_64 : memref<128xi32, #tpu.memory_space<vmem>>) semaphore(%arg13 : memref<!tpu.dma_semaphore, #tpu.memory_space<semaphore_mem>>)
        %run_scoped3A_68 = arith.constant 1 : i32
        "tpu.region"() ({
          %run_scoped3A_152 = tpu.sem_alloc : memref<!tpu.dma_semaphore, #tpu.memory_space<semaphore_mem>>
          %dma_start3A_153 = arith.constant 0 : i32
          %dma_start3A_154 = tpu.memref_slice %arg9[%run_scoped3A_68, %dma_start3A_153] : memref<8x128xi32, #tpu.memory_space<vmem>> -> memref<1x128xi32, #tpu.memory_space<vmem>>
          %dma_start3A_155 = tpu.memref_squeeze %dma_start3A_154 : memref<1x128xi32, #tpu.memory_space<vmem>> -> memref<128xi32, #tpu.memory_space<vmem>>
          %dma_start3A_156 = arith.constant 0 : i32
          %dma_start3A_157 = arith.constant 0 : i32
          %dma_start3A_158 = tpu.memref_slice %arg12[%dma_start3A_156, %dma_start3A_157] : memref<10240x128xf32, #tpu.memory_space<vmem_shared>> -> memref<10240x128xf32, #tpu.memory_space<vmem_shared>>
          tpu.enqueue_indirect_dma source(%arg11 : memref<128x128xf32, #tpu.memory_space<vmem>>) target(%dma_start3A_158 : memref<10240x128xf32, #tpu.memory_space<vmem_shared>>) offsets(%dma_start3A_155 : memref<128xi32, #tpu.memory_space<vmem>>) semaphore(%run_scoped3A_152 : memref<!tpu.dma_semaphore, #tpu.memory_space<semaphore_mem>>) {add = true}
          %dma_wait3A_159 = arith.constant 0 : i32
          %dma_wait3A_160 = tpu.memref_slice %arg9[%run_scoped3A_68, %dma_wait3A_159] : memref<8x128xi32, #tpu.memory_space<vmem>> -> memref<1x128xi32, #tpu.memory_space<vmem>>
          %dma_wait3A_161 = tpu.memref_squeeze %dma_wait3A_160 : memref<1x128xi32, #tpu.memory_space<vmem>> -> memref<128xi32, #tpu.memory_space<vmem>>
          %dma_wait3A_162 = arith.constant 0 : i32
          %dma_wait3A_163 = arith.constant 0 : i32
          %dma_wait3A_164 = tpu.memref_slice %arg12[%dma_wait3A_162, %dma_wait3A_163] : memref<10240x128xf32, #tpu.memory_space<vmem_shared>> -> memref<10240x128xf32, #tpu.memory_space<vmem_shared>>
          tpu.wait_indirect_dma semaphore(%run_scoped3A_152 : memref<!tpu.dma_semaphore, #tpu.memory_space<semaphore_mem>>) src(%arg11 : memref<128x128xf32, #tpu.memory_space<vmem>>) dst(%dma_wait3A_164 : memref<10240x128xf32, #tpu.memory_space<vmem_shared>>)
          tpu.yield
        }) : () -> ()
        %dma_wait3A_69 = arith.constant 2 : i32
        %dma_wait3A_70 = arith.constant 0 : i32
        %dma_wait3A_71 = tpu.memref_slice %arg8[%dma_wait3A_69, %dma_wait3A_70] : memref<8x128xi32, #tpu.memory_space<vmem>> -> memref<1x128xi32, #tpu.memory_space<vmem>>
        %dma_wait3A_72 = tpu.memref_squeeze %dma_wait3A_71 : memref<1x128xi32, #tpu.memory_space<vmem>> -> memref<128xi32, #tpu.memory_space<vmem>>
        %dma_wait3A_73 = arith.constant 0 : i32
        %dma_wait3A_74 = arith.constant 0 : i32
        %dma_wait3A_75 = tpu.memref_slice %arg2[%dma_wait3A_73, %dma_wait3A_74] : memref<10240x128xf32, #tpu.memory_space<hbm>> -> memref<10240x128xf32, #tpu.memory_space<hbm>>
        tpu.wait_indirect_dma semaphore(%arg13 : memref<!tpu.dma_semaphore, #tpu.memory_space<semaphore_mem>>) src(%dma_wait3A_75 : memref<10240x128xf32, #tpu.memory_space<hbm>>) dst(%arg10 : memref<128x128xf32, #tpu.memory_space<vmem>>)
        %dma_start3A_76 = arith.constant 3 : i32
        %dma_start3A_77 = arith.constant 0 : i32
        %dma_start3A_78 = tpu.memref_slice %arg8[%dma_start3A_76, %dma_start3A_77] : memref<8x128xi32, #tpu.memory_space<vmem>> -> memref<1x128xi32, #tpu.memory_space<vmem>>
        %dma_start3A_79 = tpu.memref_squeeze %dma_start3A_78 : memref<1x128xi32, #tpu.memory_space<vmem>> -> memref<128xi32, #tpu.memory_space<vmem>>
        %dma_start3A_80 = arith.constant 0 : i32
        %dma_start3A_81 = arith.constant 0 : i32
        %dma_start3A_82 = tpu.memref_slice %arg2[%dma_start3A_80, %dma_start3A_81] : memref<10240x128xf32, #tpu.memory_space<hbm>> -> memref<10240x128xf32, #tpu.memory_space<hbm>>
        tpu.enqueue_indirect_dma source(%dma_start3A_82 : memref<10240x128xf32, #tpu.memory_space<hbm>>) target(%arg11 : memref<128x128xf32, #tpu.memory_space<vmem>>) offsets(%dma_start3A_79 : memref<128xi32, #tpu.memory_space<vmem>>) semaphore(%arg14 : memref<!tpu.dma_semaphore, #tpu.memory_space<semaphore_mem>>)
        %run_scoped3A_83 = arith.constant 2 : i32
        "tpu.region"() ({
          %run_scoped3A_152 = tpu.sem_alloc : memref<!tpu.dma_semaphore, #tpu.memory_space<semaphore_mem>>
          %dma_start3A_153 = arith.constant 0 : i32
          %dma_start3A_154 = tpu.memref_slice %arg9[%run_scoped3A_83, %dma_start3A_153] : memref<8x128xi32, #tpu.memory_space<vmem>> -> memref<1x128xi32, #tpu.memory_space<vmem>>
          %dma_start3A_155 = tpu.memref_squeeze %dma_start3A_154 : memref<1x128xi32, #tpu.memory_space<vmem>> -> memref<128xi32, #tpu.memory_space<vmem>>
          %dma_start3A_156 = arith.constant 0 : i32
          %dma_start3A_157 = arith.constant 0 : i32
          %dma_start3A_158 = tpu.memref_slice %arg12[%dma_start3A_156, %dma_start3A_157] : memref<10240x128xf32, #tpu.memory_space<vmem_shared>> -> memref<10240x128xf32, #tpu.memory_space<vmem_shared>>
          tpu.enqueue_indirect_dma source(%arg10 : memref<128x128xf32, #tpu.memory_space<vmem>>) target(%dma_start3A_158 : memref<10240x128xf32, #tpu.memory_space<vmem_shared>>) offsets(%dma_start3A_155 : memref<128xi32, #tpu.memory_space<vmem>>) semaphore(%run_scoped3A_152 : memref<!tpu.dma_semaphore, #tpu.memory_space<semaphore_mem>>) {add = true}
          %dma_wait3A_159 = arith.constant 0 : i32
          %dma_wait3A_160 = tpu.memref_slice %arg9[%run_scoped3A_83, %dma_wait3A_159] : memref<8x128xi32, #tpu.memory_space<vmem>> -> memref<1x128xi32, #tpu.memory_space<vmem>>
          %dma_wait3A_161 = tpu.memref_squeeze %dma_wait3A_160 : memref<1x128xi32, #tpu.memory_space<vmem>> -> memref<128xi32, #tpu.memory_space<vmem>>
          %dma_wait3A_162 = arith.constant 0 : i32
          %dma_wait3A_163 = arith.constant 0 : i32
          %dma_wait3A_164 = tpu.memref_slice %arg12[%dma_wait3A_162, %dma_wait3A_163] : memref<10240x128xf32, #tpu.memory_space<vmem_shared>> -> memref<10240x128xf32, #tpu.memory_space<vmem_shared>>
          tpu.wait_indirect_dma semaphore(%run_scoped3A_152 : memref<!tpu.dma_semaphore, #tpu.memory_space<semaphore_mem>>) src(%arg10 : memref<128x128xf32, #tpu.memory_space<vmem>>) dst(%dma_wait3A_164 : memref<10240x128xf32, #tpu.memory_space<vmem_shared>>)
          tpu.yield
        }) : () -> ()
        %dma_wait3A_84 = arith.constant 3 : i32
        %dma_wait3A_85 = arith.constant 0 : i32
        %dma_wait3A_86 = tpu.memref_slice %arg8[%dma_wait3A_84, %dma_wait3A_85] : memref<8x128xi32, #tpu.memory_space<vmem>> -> memref<1x128xi32, #tpu.memory_space<vmem>>
        %dma_wait3A_87 = tpu.memref_squeeze %dma_wait3A_86 : memref<1x128xi32, #tpu.memory_space<vmem>> -> memref<128xi32, #tpu.memory_space<vmem>>
        %dma_wait3A_88 = arith.constant 0 : i32
        %dma_wait3A_89 = arith.constant 0 : i32
        %dma_wait3A_90 = tpu.memref_slice %arg2[%dma_wait3A_88, %dma_wait3A_89] : memref<10240x128xf32, #tpu.memory_space<hbm>> -> memref<10240x128xf32, #tpu.memory_space<hbm>>
        tpu.wait_indirect_dma semaphore(%arg14 : memref<!tpu.dma_semaphore, #tpu.memory_space<semaphore_mem>>) src(%dma_wait3A_90 : memref<10240x128xf32, #tpu.memory_space<hbm>>) dst(%arg11 : memref<128x128xf32, #tpu.memory_space<vmem>>)
        %dma_start3A_91 = arith.constant 4 : i32
        %dma_start3A_92 = arith.constant 0 : i32
        %dma_start3A_93 = tpu.memref_slice %arg8[%dma_start3A_91, %dma_start3A_92] : memref<8x128xi32, #tpu.memory_space<vmem>> -> memref<1x128xi32, #tpu.memory_space<vmem>>
        %dma_start3A_94 = tpu.memref_squeeze %dma_start3A_93 : memref<1x128xi32, #tpu.memory_space<vmem>> -> memref<128xi32, #tpu.memory_space<vmem>>
        %dma_start3A_95 = arith.constant 0 : i32
        %dma_start3A_96 = arith.constant 0 : i32
        %dma_start3A_97 = tpu.memref_slice %arg2[%dma_start3A_95, %dma_start3A_96] : memref<10240x128xf32, #tpu.memory_space<hbm>> -> memref<10240x128xf32, #tpu.memory_space<hbm>>
        tpu.enqueue_indirect_dma source(%dma_start3A_97 : memref<10240x128xf32, #tpu.memory_space<hbm>>) target(%arg10 : memref<128x128xf32, #tpu.memory_space<vmem>>) offsets(%dma_start3A_94 : memref<128xi32, #tpu.memory_space<vmem>>) semaphore(%arg13 : memref<!tpu.dma_semaphore, #tpu.memory_space<semaphore_mem>>)
        %run_scoped3A_98 = arith.constant 3 : i32
        "tpu.region"() ({
          %run_scoped3A_152 = tpu.sem_alloc : memref<!tpu.dma_semaphore, #tpu.memory_space<semaphore_mem>>
          %dma_start3A_153 = arith.constant 0 : i32
          %dma_start3A_154 = tpu.memref_slice %arg9[%run_scoped3A_98, %dma_start3A_153] : memref<8x128xi32, #tpu.memory_space<vmem>> -> memref<1x128xi32, #tpu.memory_space<vmem>>
          %dma_start3A_155 = tpu.memref_squeeze %dma_start3A_154 : memref<1x128xi32, #tpu.memory_space<vmem>> -> memref<128xi32, #tpu.memory_space<vmem>>
          %dma_start3A_156 = arith.constant 0 : i32
          %dma_start3A_157 = arith.constant 0 : i32
          %dma_start3A_158 = tpu.memref_slice %arg12[%dma_start3A_156, %dma_start3A_157] : memref<10240x128xf32, #tpu.memory_space<vmem_shared>> -> memref<10240x128xf32, #tpu.memory_space<vmem_shared>>
          tpu.enqueue_indirect_dma source(%arg11 : memref<128x128xf32, #tpu.memory_space<vmem>>) target(%dma_start3A_158 : memref<10240x128xf32, #tpu.memory_space<vmem_shared>>) offsets(%dma_start3A_155 : memref<128xi32, #tpu.memory_space<vmem>>) semaphore(%run_scoped3A_152 : memref<!tpu.dma_semaphore, #tpu.memory_space<semaphore_mem>>) {add = true}
          %dma_wait3A_159 = arith.constant 0 : i32
          %dma_wait3A_160 = tpu.memref_slice %arg9[%run_scoped3A_98, %dma_wait3A_159] : memref<8x128xi32, #tpu.memory_space<vmem>> -> memref<1x128xi32, #tpu.memory_space<vmem>>
          %dma_wait3A_161 = tpu.memref_squeeze %dma_wait3A_160 : memref<1x128xi32, #tpu.memory_space<vmem>> -> memref<128xi32, #tpu.memory_space<vmem>>
          %dma_wait3A_162 = arith.constant 0 : i32
          %dma_wait3A_163 = arith.constant 0 : i32
          %dma_wait3A_164 = tpu.memref_slice %arg12[%dma_wait3A_162, %dma_wait3A_163] : memref<10240x128xf32, #tpu.memory_space<vmem_shared>> -> memref<10240x128xf32, #tpu.memory_space<vmem_shared>>
          tpu.wait_indirect_dma semaphore(%run_scoped3A_152 : memref<!tpu.dma_semaphore, #tpu.memory_space<semaphore_mem>>) src(%arg11 : memref<128x128xf32, #tpu.memory_space<vmem>>) dst(%dma_wait3A_164 : memref<10240x128xf32, #tpu.memory_space<vmem_shared>>)
          tpu.yield
        }) : () -> ()
        %dma_wait3A_99 = arith.constant 4 : i32
        %dma_wait3A_100 = arith.constant 0 : i32
        %dma_wait3A_101 = tpu.memref_slice %arg8[%dma_wait3A_99, %dma_wait3A_100] : memref<8x128xi32, #tpu.memory_space<vmem>> -> memref<1x128xi32, #tpu.memory_space<vmem>>
        %dma_wait3A_102 = tpu.memref_squeeze %dma_wait3A_101 : memref<1x128xi32, #tpu.memory_space<vmem>> -> memref<128xi32, #tpu.memory_space<vmem>>
        %dma_wait3A_103 = arith.constant 0 : i32
        %dma_wait3A_104 = arith.constant 0 : i32
        %dma_wait3A_105 = tpu.memref_slice %arg2[%dma_wait3A_103, %dma_wait3A_104] : memref<10240x128xf32, #tpu.memory_space<hbm>> -> memref<10240x128xf32, #tpu.memory_space<hbm>>
        tpu.wait_indirect_dma semaphore(%arg13 : memref<!tpu.dma_semaphore, #tpu.memory_space<semaphore_mem>>) src(%dma_wait3A_105 : memref<10240x128xf32, #tpu.memory_space<hbm>>) dst(%arg10 : memref<128x128xf32, #tpu.memory_space<vmem>>)
        %dma_start3A_106 = arith.constant 5 : i32
        %dma_start3A_107 = arith.constant 0 : i32
        %dma_start3A_108 = tpu.memref_slice %arg8[%dma_start3A_106, %dma_start3A_107] : memref<8x128xi32, #tpu.memory_space<vmem>> -> memref<1x128xi32, #tpu.memory_space<vmem>>
        %dma_start3A_109 = tpu.memref_squeeze %dma_start3A_108 : memref<1x128xi32, #tpu.memory_space<vmem>> -> memref<128xi32, #tpu.memory_space<vmem>>
        %dma_start3A_110 = arith.constant 0 : i32
        %dma_start3A_111 = arith.constant 0 : i32
        %dma_start3A_112 = tpu.memref_slice %arg2[%dma_start3A_110, %dma_start3A_111] : memref<10240x128xf32, #tpu.memory_space<hbm>> -> memref<10240x128xf32, #tpu.memory_space<hbm>>
        tpu.enqueue_indirect_dma source(%dma_start3A_112 : memref<10240x128xf32, #tpu.memory_space<hbm>>) target(%arg11 : memref<128x128xf32, #tpu.memory_space<vmem>>) offsets(%dma_start3A_109 : memref<128xi32, #tpu.memory_space<vmem>>) semaphore(%arg14 : memref<!tpu.dma_semaphore, #tpu.memory_space<semaphore_mem>>)
        %run_scoped3A_113 = arith.constant 4 : i32
        "tpu.region"() ({
          %run_scoped3A_152 = tpu.sem_alloc : memref<!tpu.dma_semaphore, #tpu.memory_space<semaphore_mem>>
          %dma_start3A_153 = arith.constant 0 : i32
          %dma_start3A_154 = tpu.memref_slice %arg9[%run_scoped3A_113, %dma_start3A_153] : memref<8x128xi32, #tpu.memory_space<vmem>> -> memref<1x128xi32, #tpu.memory_space<vmem>>
          %dma_start3A_155 = tpu.memref_squeeze %dma_start3A_154 : memref<1x128xi32, #tpu.memory_space<vmem>> -> memref<128xi32, #tpu.memory_space<vmem>>
          %dma_start3A_156 = arith.constant 0 : i32
          %dma_start3A_157 = arith.constant 0 : i32
          %dma_start3A_158 = tpu.memref_slice %arg12[%dma_start3A_156, %dma_start3A_157] : memref<10240x128xf32, #tpu.memory_space<vmem_shared>> -> memref<10240x128xf32, #tpu.memory_space<vmem_shared>>
          tpu.enqueue_indirect_dma source(%arg10 : memref<128x128xf32, #tpu.memory_space<vmem>>) target(%dma_start3A_158 : memref<10240x128xf32, #tpu.memory_space<vmem_shared>>) offsets(%dma_start3A_155 : memref<128xi32, #tpu.memory_space<vmem>>) semaphore(%run_scoped3A_152 : memref<!tpu.dma_semaphore, #tpu.memory_space<semaphore_mem>>) {add = true}
          %dma_wait3A_159 = arith.constant 0 : i32
          %dma_wait3A_160 = tpu.memref_slice %arg9[%run_scoped3A_113, %dma_wait3A_159] : memref<8x128xi32, #tpu.memory_space<vmem>> -> memref<1x128xi32, #tpu.memory_space<vmem>>
          %dma_wait3A_161 = tpu.memref_squeeze %dma_wait3A_160 : memref<1x128xi32, #tpu.memory_space<vmem>> -> memref<128xi32, #tpu.memory_space<vmem>>
          %dma_wait3A_162 = arith.constant 0 : i32
          %dma_wait3A_163 = arith.constant 0 : i32
          %dma_wait3A_164 = tpu.memref_slice %arg12[%dma_wait3A_162, %dma_wait3A_163] : memref<10240x128xf32, #tpu.memory_space<vmem_shared>> -> memref<10240x128xf32, #tpu.memory_space<vmem_shared>>
          tpu.wait_indirect_dma semaphore(%run_scoped3A_152 : memref<!tpu.dma_semaphore, #tpu.memory_space<semaphore_mem>>) src(%arg10 : memref<128x128xf32, #tpu.memory_space<vmem>>) dst(%dma_wait3A_164 : memref<10240x128xf32, #tpu.memory_space<vmem_shared>>)
          tpu.yield
        }) : () -> ()
        %dma_wait3A_114 = arith.constant 5 : i32
        %dma_wait3A_115 = arith.constant 0 : i32
        %dma_wait3A_116 = tpu.memref_slice %arg8[%dma_wait3A_114, %dma_wait3A_115] : memref<8x128xi32, #tpu.memory_space<vmem>> -> memref<1x128xi32, #tpu.memory_space<vmem>>
        %dma_wait3A_117 = tpu.memref_squeeze %dma_wait3A_116 : memref<1x128xi32, #tpu.memory_space<vmem>> -> memref<128xi32, #tpu.memory_space<vmem>>
        %dma_wait3A_118 = arith.constant 0 : i32
        %dma_wait3A_119 = arith.constant 0 : i32
        %dma_wait3A_120 = tpu.memref_slice %arg2[%dma_wait3A_118, %dma_wait3A_119] : memref<10240x128xf32, #tpu.memory_space<hbm>> -> memref<10240x128xf32, #tpu.memory_space<hbm>>
        tpu.wait_indirect_dma semaphore(%arg14 : memref<!tpu.dma_semaphore, #tpu.memory_space<semaphore_mem>>) src(%dma_wait3A_120 : memref<10240x128xf32, #tpu.memory_space<hbm>>) dst(%arg11 : memref<128x128xf32, #tpu.memory_space<vmem>>)
        %dma_start3A_121 = arith.constant 6 : i32
        %dma_start3A_122 = arith.constant 0 : i32
        %dma_start3A_123 = tpu.memref_slice %arg8[%dma_start3A_121, %dma_start3A_122] : memref<8x128xi32, #tpu.memory_space<vmem>> -> memref<1x128xi32, #tpu.memory_space<vmem>>
        %dma_start3A_124 = tpu.memref_squeeze %dma_start3A_123 : memref<1x128xi32, #tpu.memory_space<vmem>> -> memref<128xi32, #tpu.memory_space<vmem>>
        %dma_start3A_125 = arith.constant 0 : i32
        %dma_start3A_126 = arith.constant 0 : i32
        %dma_start3A_127 = tpu.memref_slice %arg2[%dma_start3A_125, %dma_start3A_126] : memref<10240x128xf32, #tpu.memory_space<hbm>> -> memref<10240x128xf32, #tpu.memory_space<hbm>>
        tpu.enqueue_indirect_dma source(%dma_start3A_127 : memref<10240x128xf32, #tpu.memory_space<hbm>>) target(%arg10 : memref<128x128xf32, #tpu.memory_space<vmem>>) offsets(%dma_start3A_124 : memref<128xi32, #tpu.memory_space<vmem>>) semaphore(%arg13 : memref<!tpu.dma_semaphore, #tpu.memory_space<semaphore_mem>>)
        %run_scoped3A_128 = arith.constant 5 : i32
        "tpu.region"() ({
          %run_scoped3A_152 = tpu.sem_alloc : memref<!tpu.dma_semaphore, #tpu.memory_space<semaphore_mem>>
          %dma_start3A_153 = arith.constant 0 : i32
          %dma_start3A_154 = tpu.memref_slice %arg9[%run_scoped3A_128, %dma_start3A_153] : memref<8x128xi32, #tpu.memory_space<vmem>> -> memref<1x128xi32, #tpu.memory_space<vmem>>
          %dma_start3A_155 = tpu.memref_squeeze %dma_start3A_154 : memref<1x128xi32, #tpu.memory_space<vmem>> -> memref<128xi32, #tpu.memory_space<vmem>>
          %dma_start3A_156 = arith.constant 0 : i32
          %dma_start3A_157 = arith.constant 0 : i32
          %dma_start3A_158 = tpu.memref_slice %arg12[%dma_start3A_156, %dma_start3A_157] : memref<10240x128xf32, #tpu.memory_space<vmem_shared>> -> memref<10240x128xf32, #tpu.memory_space<vmem_shared>>
          tpu.enqueue_indirect_dma source(%arg11 : memref<128x128xf32, #tpu.memory_space<vmem>>) target(%dma_start3A_158 : memref<10240x128xf32, #tpu.memory_space<vmem_shared>>) offsets(%dma_start3A_155 : memref<128xi32, #tpu.memory_space<vmem>>) semaphore(%run_scoped3A_152 : memref<!tpu.dma_semaphore, #tpu.memory_space<semaphore_mem>>) {add = true}
          %dma_wait3A_159 = arith.constant 0 : i32
          %dma_wait3A_160 = tpu.memref_slice %arg9[%run_scoped3A_128, %dma_wait3A_159] : memref<8x128xi32, #tpu.memory_space<vmem>> -> memref<1x128xi32, #tpu.memory_space<vmem>>
          %dma_wait3A_161 = tpu.memref_squeeze %dma_wait3A_160 : memref<1x128xi32, #tpu.memory_space<vmem>> -> memref<128xi32, #tpu.memory_space<vmem>>
          %dma_wait3A_162 = arith.constant 0 : i32
          %dma_wait3A_163 = arith.constant 0 : i32
          %dma_wait3A_164 = tpu.memref_slice %arg12[%dma_wait3A_162, %dma_wait3A_163] : memref<10240x128xf32, #tpu.memory_space<vmem_shared>> -> memref<10240x128xf32, #tpu.memory_space<vmem_shared>>
          tpu.wait_indirect_dma semaphore(%run_scoped3A_152 : memref<!tpu.dma_semaphore, #tpu.memory_space<semaphore_mem>>) src(%arg11 : memref<128x128xf32, #tpu.memory_space<vmem>>) dst(%dma_wait3A_164 : memref<10240x128xf32, #tpu.memory_space<vmem_shared>>)
          tpu.yield
        }) : () -> ()
        %dma_wait3A_129 = arith.constant 6 : i32
        %dma_wait3A_130 = arith.constant 0 : i32
        %dma_wait3A_131 = tpu.memref_slice %arg8[%dma_wait3A_129, %dma_wait3A_130] : memref<8x128xi32, #tpu.memory_space<vmem>> -> memref<1x128xi32, #tpu.memory_space<vmem>>
        %dma_wait3A_132 = tpu.memref_squeeze %dma_wait3A_131 : memref<1x128xi32, #tpu.memory_space<vmem>> -> memref<128xi32, #tpu.memory_space<vmem>>
        %dma_wait3A_133 = arith.constant 0 : i32
        %dma_wait3A_134 = arith.constant 0 : i32
        %dma_wait3A_135 = tpu.memref_slice %arg2[%dma_wait3A_133, %dma_wait3A_134] : memref<10240x128xf32, #tpu.memory_space<hbm>> -> memref<10240x128xf32, #tpu.memory_space<hbm>>
        tpu.wait_indirect_dma semaphore(%arg13 : memref<!tpu.dma_semaphore, #tpu.memory_space<semaphore_mem>>) src(%dma_wait3A_135 : memref<10240x128xf32, #tpu.memory_space<hbm>>) dst(%arg10 : memref<128x128xf32, #tpu.memory_space<vmem>>)
        %dma_start3A_136 = arith.constant 7 : i32
        %dma_start3A_137 = arith.constant 0 : i32
        %dma_start3A_138 = tpu.memref_slice %arg8[%dma_start3A_136, %dma_start3A_137] : memref<8x128xi32, #tpu.memory_space<vmem>> -> memref<1x128xi32, #tpu.memory_space<vmem>>
        %dma_start3A_139 = tpu.memref_squeeze %dma_start3A_138 : memref<1x128xi32, #tpu.memory_space<vmem>> -> memref<128xi32, #tpu.memory_space<vmem>>
        %dma_start3A_140 = arith.constant 0 : i32
        %dma_start3A_141 = arith.constant 0 : i32
        %dma_start3A_142 = tpu.memref_slice %arg2[%dma_start3A_140, %dma_start3A_141] : memref<10240x128xf32, #tpu.memory_space<hbm>> -> memref<10240x128xf32, #tpu.memory_space<hbm>>
        tpu.enqueue_indirect_dma source(%dma_start3A_142 : memref<10240x128xf32, #tpu.memory_space<hbm>>) target(%arg11 : memref<128x128xf32, #tpu.memory_space<vmem>>) offsets(%dma_start3A_139 : memref<128xi32, #tpu.memory_space<vmem>>) semaphore(%arg14 : memref<!tpu.dma_semaphore, #tpu.memory_space<semaphore_mem>>)
        %run_scoped3A_143 = arith.constant 6 : i32
        "tpu.region"() ({
          %run_scoped3A_152 = tpu.sem_alloc : memref<!tpu.dma_semaphore, #tpu.memory_space<semaphore_mem>>
          %dma_start3A_153 = arith.constant 0 : i32
          %dma_start3A_154 = tpu.memref_slice %arg9[%run_scoped3A_143, %dma_start3A_153] : memref<8x128xi32, #tpu.memory_space<vmem>> -> memref<1x128xi32, #tpu.memory_space<vmem>>
          %dma_start3A_155 = tpu.memref_squeeze %dma_start3A_154 : memref<1x128xi32, #tpu.memory_space<vmem>> -> memref<128xi32, #tpu.memory_space<vmem>>
          %dma_start3A_156 = arith.constant 0 : i32
          %dma_start3A_157 = arith.constant 0 : i32
          %dma_start3A_158 = tpu.memref_slice %arg12[%dma_start3A_156, %dma_start3A_157] : memref<10240x128xf32, #tpu.memory_space<vmem_shared>> -> memref<10240x128xf32, #tpu.memory_space<vmem_shared>>
          tpu.enqueue_indirect_dma source(%arg10 : memref<128x128xf32, #tpu.memory_space<vmem>>) target(%dma_start3A_158 : memref<10240x128xf32, #tpu.memory_space<vmem_shared>>) offsets(%dma_start3A_155 : memref<128xi32, #tpu.memory_space<vmem>>) semaphore(%run_scoped3A_152 : memref<!tpu.dma_semaphore, #tpu.memory_space<semaphore_mem>>) {add = true}
          %dma_wait3A_159 = arith.constant 0 : i32
          %dma_wait3A_160 = tpu.memref_slice %arg9[%run_scoped3A_143, %dma_wait3A_159] : memref<8x128xi32, #tpu.memory_space<vmem>> -> memref<1x128xi32, #tpu.memory_space<vmem>>
          %dma_wait3A_161 = tpu.memref_squeeze %dma_wait3A_160 : memref<1x128xi32, #tpu.memory_space<vmem>> -> memref<128xi32, #tpu.memory_space<vmem>>
          %dma_wait3A_162 = arith.constant 0 : i32
          %dma_wait3A_163 = arith.constant 0 : i32
          %dma_wait3A_164 = tpu.memref_slice %arg12[%dma_wait3A_162, %dma_wait3A_163] : memref<10240x128xf32, #tpu.memory_space<vmem_shared>> -> memref<10240x128xf32, #tpu.memory_space<vmem_shared>>
          tpu.wait_indirect_dma semaphore(%run_scoped3A_152 : memref<!tpu.dma_semaphore, #tpu.memory_space<semaphore_mem>>) src(%arg10 : memref<128x128xf32, #tpu.memory_space<vmem>>) dst(%dma_wait3A_164 : memref<10240x128xf32, #tpu.memory_space<vmem_shared>>)
          tpu.yield
        }) : () -> ()
        %dma_wait3A_144 = arith.constant 7 : i32
        %dma_wait3A_145 = arith.constant 0 : i32
        %dma_wait3A_146 = tpu.memref_slice %arg8[%dma_wait3A_144, %dma_wait3A_145] : memref<8x128xi32, #tpu.memory_space<vmem>> -> memref<1x128xi32, #tpu.memory_space<vmem>>
        %dma_wait3A_147 = tpu.memref_squeeze %dma_wait3A_146 : memref<1x128xi32, #tpu.memory_space<vmem>> -> memref<128xi32, #tpu.memory_space<vmem>>
        %dma_wait3A_148 = arith.constant 0 : i32
        %dma_wait3A_149 = arith.constant 0 : i32
        %dma_wait3A_150 = tpu.memref_slice %arg2[%dma_wait3A_148, %dma_wait3A_149] : memref<10240x128xf32, #tpu.memory_space<hbm>> -> memref<10240x128xf32, #tpu.memory_space<hbm>>
        tpu.wait_indirect_dma semaphore(%arg14 : memref<!tpu.dma_semaphore, #tpu.memory_space<semaphore_mem>>) src(%dma_wait3A_150 : memref<10240x128xf32, #tpu.memory_space<hbm>>) dst(%arg11 : memref<128x128xf32, #tpu.memory_space<vmem>>)
        %run_scoped3A_151 = arith.constant 7 : i32
        "tpu.region"() ({
          %run_scoped3A_152 = tpu.sem_alloc : memref<!tpu.dma_semaphore, #tpu.memory_space<semaphore_mem>>
          %dma_start3A_153 = arith.constant 0 : i32
          %dma_start3A_154 = tpu.memref_slice %arg9[%run_scoped3A_151, %dma_start3A_153] : memref<8x128xi32, #tpu.memory_space<vmem>> -> memref<1x128xi32, #tpu.memory_space<vmem>>
          %dma_start3A_155 = tpu.memref_squeeze %dma_start3A_154 : memref<1x128xi32, #tpu.memory_space<vmem>> -> memref<128xi32, #tpu.memory_space<vmem>>
          %dma_start3A_156 = arith.constant 0 : i32
          %dma_start3A_157 = arith.constant 0 : i32
          %dma_start3A_158 = tpu.memref_slice %arg12[%dma_start3A_156, %dma_start3A_157] : memref<10240x128xf32, #tpu.memory_space<vmem_shared>> -> memref<10240x128xf32, #tpu.memory_space<vmem_shared>>
          tpu.enqueue_indirect_dma source(%arg11 : memref<128x128xf32, #tpu.memory_space<vmem>>) target(%dma_start3A_158 : memref<10240x128xf32, #tpu.memory_space<vmem_shared>>) offsets(%dma_start3A_155 : memref<128xi32, #tpu.memory_space<vmem>>) semaphore(%run_scoped3A_152 : memref<!tpu.dma_semaphore, #tpu.memory_space<semaphore_mem>>) {add = true}
          %dma_wait3A_159 = arith.constant 0 : i32
          %dma_wait3A_160 = tpu.memref_slice %arg9[%run_scoped3A_151, %dma_wait3A_159] : memref<8x128xi32, #tpu.memory_space<vmem>> -> memref<1x128xi32, #tpu.memory_space<vmem>>
          %dma_wait3A_161 = tpu.memref_squeeze %dma_wait3A_160 : memref<1x128xi32, #tpu.memory_space<vmem>> -> memref<128xi32, #tpu.memory_space<vmem>>
          %dma_wait3A_162 = arith.constant 0 : i32
          %dma_wait3A_163 = arith.constant 0 : i32
          %dma_wait3A_164 = tpu.memref_slice %arg12[%dma_wait3A_162, %dma_wait3A_163] : memref<10240x128xf32, #tpu.memory_space<vmem_shared>> -> memref<10240x128xf32, #tpu.memory_space<vmem_shared>>
          tpu.wait_indirect_dma semaphore(%run_scoped3A_152 : memref<!tpu.dma_semaphore, #tpu.memory_space<semaphore_mem>>) src(%arg11 : memref<128x128xf32, #tpu.memory_space<vmem>>) dst(%dma_wait3A_164 : memref<10240x128xf32, #tpu.memory_space<vmem_shared>>)
          tpu.yield
        }) : () -> ()
      }
      %scan3A_15 = arith.constant 10 : i32
      %barrier3A_16 = arith.constant 0 : index
      tpu.barrier barrier_id(%barrier3A_16)
      %scan3A_17 = arith.constant 0 : i32
      %scan3A_18 = arith.constant 20 : i32
      %scan3A_19 = arith.addi %scan3A_17, %scan3A_18 : i32
      %scan3A_20 = arith.constant 1 : i32
      scf.for %scan3A_22 = %scan3A_17 to %scan3A_19 step %scan3A_20  : i32 {
        %mul3A = arith.constant 1 : i32
        %mul3A_23 = arith.muli %scan3A_22, %mul3A : i32
        %add3A = arith.constant 0 : i32
        %add3A_24 = arith.addi %add3A, %mul3A_23 : i32
        %mul3A_25 = arith.constant 640 : i32
        %mul3A_26 = arith.muli %arg1, %mul3A_25 : i32
        %mul3A_27 = arith.constant 32 : i32
        %mul3A_28 = arith.muli %add3A_24, %mul3A_27 : i32
        %add3A_29 = arith.addi %mul3A_26, %mul3A_28 : i32
        "tpu.region"() ({
          %run_scoped3A = tpu.sem_alloc : memref<!tpu.dma_semaphore, #tpu.memory_space<semaphore_mem>>
          %dma_start3A = arith.constant 0 : i32
          %dma_start3A_30 = tpu.memref_slice %arg6[%add3A_29, %dma_start3A] : memref<10240x128xf32, #tpu.memory_space<hbm>> -> memref<32x128xf32, #tpu.memory_space<hbm>>
          %dma_start3A_31 = arith.constant 0 : i32
          %dma_start3A_32 = tpu.memref_slice %arg12[%add3A_29, %dma_start3A_31] : memref<10240x128xf32, #tpu.memory_space<vmem_shared>> -> memref<32x128xf32, #tpu.memory_space<vmem_shared>>
          tpu.enqueue_dma source(%dma_start3A_32 : memref<32x128xf32, #tpu.memory_space<vmem_shared>>) target(%dma_start3A_30 : memref<32x128xf32, #tpu.memory_space<hbm>>) target_semaphore(%run_scoped3A : memref<!tpu.dma_semaphore, #tpu.memory_space<semaphore_mem>>)
          %dma_wait3A = arith.constant 0 : i32
          %dma_wait3A_33 = tpu.memref_slice %arg6[%add3A_29, %dma_wait3A] : memref<10240x128xf32, #tpu.memory_space<hbm>> -> memref<32x128xf32, #tpu.memory_space<hbm>>
          %dma_wait3A_34 = arith.constant 0 : i32
          %dma_wait3A_35 = tpu.memref_slice %arg12[%add3A_29, %dma_wait3A_34] : memref<10240x128xf32, #tpu.memory_space<vmem_shared>> -> memref<32x128xf32, #tpu.memory_space<vmem_shared>>
          tpu.wait_dma2 semaphore(%run_scoped3A : memref<!tpu.dma_semaphore, #tpu.memory_space<semaphore_mem>>) src(%dma_wait3A_35 : memref<32x128xf32, #tpu.memory_space<vmem_shared>>) dst(%dma_wait3A_33 : memref<32x128xf32, #tpu.memory_space<hbm>>)
          tpu.yield
        }) : () -> ()
      }
      %scan3A_21 = arith.constant 20 : i32
    } else {
    }
    %eq3A_2 = arith.constant 1 : i32
    %eq3A_3 = arith.cmpi eq, %arg0, %eq3A_2 : i32
    %convert_element_type3A_4 = arith.extui %eq3A_3 : i1 to i32
    %cond3A_5 = arith.constant 0 : i32
    %cond3A_6 = arith.cmpi ne, %convert_element_type3A_4, %cond3A_5 : i32
    scf.if %cond3A_6 {
      %scan3A = arith.constant 0 : i32
      %scan3A_7 = arith.constant 20 : i32
      %scan3A_8 = arith.addi %scan3A, %scan3A_7 : i32
      %scan3A_9 = arith.constant 1 : i32
      scf.for %scan3A_22 = %scan3A to %scan3A_8 step %scan3A_9  : i32 {
        %mul3A = arith.constant 1 : i32
        %mul3A_23 = arith.muli %scan3A_22, %mul3A : i32
        %add3A = arith.constant 0 : i32
        %add3A_24 = arith.addi %add3A, %mul3A_23 : i32
        %mul3A_25 = arith.constant 640 : i32
        %mul3A_26 = arith.muli %arg1, %mul3A_25 : i32
        %mul3A_27 = arith.constant 32 : i32
        %mul3A_28 = arith.muli %add3A_24, %mul3A_27 : i32
        %add3A_29 = arith.addi %mul3A_26, %mul3A_28 : i32
        "tpu.region"() ({
          %run_scoped3A = tpu.sem_alloc : memref<!tpu.dma_semaphore, #tpu.memory_space<semaphore_mem>>
          %dma_start3A = arith.constant 0 : i32
          %dma_start3A_30 = tpu.memref_slice %arg12[%add3A_29, %dma_start3A] : memref<10240x128xf32, #tpu.memory_space<vmem_shared>> -> memref<32x128xf32, #tpu.memory_space<vmem_shared>>
          %dma_start3A_31 = arith.constant 0 : i32
          %dma_start3A_32 = tpu.memref_slice %arg3[%add3A_29, %dma_start3A_31] : memref<10240x128xf32, #tpu.memory_space<hbm>> -> memref<32x128xf32, #tpu.memory_space<hbm>>
          tpu.enqueue_dma source(%dma_start3A_32 : memref<32x128xf32, #tpu.memory_space<hbm>>) target(%dma_start3A_30 : memref<32x128xf32, #tpu.memory_space<vmem_shared>>) target_semaphore(%run_scoped3A : memref<!tpu.dma_semaphore, #tpu.memory_space<semaphore_mem>>)
          %dma_wait3A = arith.constant 0 : i32
          %dma_wait3A_33 = tpu.memref_slice %arg12[%add3A_29, %dma_wait3A] : memref<10240x128xf32, #tpu.memory_space<vmem_shared>> -> memref<32x128xf32, #tpu.memory_space<vmem_shared>>
          %dma_wait3A_34 = arith.constant 0 : i32
          %dma_wait3A_35 = tpu.memref_slice %arg3[%add3A_29, %dma_wait3A_34] : memref<10240x128xf32, #tpu.memory_space<hbm>> -> memref<32x128xf32, #tpu.memory_space<hbm>>
          tpu.wait_dma2 semaphore(%run_scoped3A : memref<!tpu.dma_semaphore, #tpu.memory_space<semaphore_mem>>) src(%dma_wait3A_35 : memref<32x128xf32, #tpu.memory_space<hbm>>) dst(%dma_wait3A_33 : memref<32x128xf32, #tpu.memory_space<vmem_shared>>)
          tpu.yield
        }) : () -> ()
      }
      %scan3A_10 = arith.constant 20 : i32
      %barrier3A = arith.constant 0 : index
      tpu.barrier barrier_id(%barrier3A)
      %scan3A_11 = arith.constant 0 : i32
      %scan3A_12 = arith.constant 10 : i32
      %scan3A_13 = arith.addi %scan3A_11, %scan3A_12 : i32
      %scan3A_14 = arith.constant 1 : i32
      scf.for %scan3A_22 = %scan3A_11 to %scan3A_13 step %scan3A_14  : i32 {
        %mul3A = arith.constant 1 : i32
        %mul3A_23 = arith.muli %scan3A_22, %mul3A : i32
        %add3A = arith.constant 0 : i32
        %add3A_24 = arith.addi %add3A, %mul3A_23 : i32
        %mul3A_25 = arith.constant 80 : i32
        %mul3A_26 = arith.muli %arg1, %mul3A_25 : i32
        %mul3A_27 = arith.constant 8 : i32
        %mul3A_28 = arith.muli %add3A_24, %mul3A_27 : i32
        %add3A_29 = arith.addi %mul3A_26, %mul3A_28 : i32
        "tpu.region"() ({
          %run_scoped3A_152 = tpu.sem_alloc : memref<!tpu.dma_semaphore, #tpu.memory_space<semaphore_mem>>
          %dma_start3A_153 = arith.constant 0 : i32
          %dma_start3A_154 = tpu.memref_slice %arg4[%add3A_29, %dma_start3A_153] : memref<1280x128xi32, #tpu.memory_space<hbm>> -> memref<8x128xi32, #tpu.memory_space<hbm>>
          %dma_start3A_155 = arith.constant 0 : i32
          %dma_start3A_156 = tpu.memref_slice %arg4[%add3A_29, %dma_start3A_155] : memref<1280x128xi32, #tpu.memory_space<hbm>> -> memref<8x128xi32, #tpu.memory_space<hbm>>
          tpu.enqueue_dma source(%dma_start3A_156 : memref<8x128xi32, #tpu.memory_space<hbm>>) target(%arg8 : memref<8x128xi32, #tpu.memory_space<vmem>>) target_semaphore(%run_scoped3A_152 : memref<!tpu.dma_semaphore, #tpu.memory_space<semaphore_mem>>)
          %dma_wait3A_157 = arith.constant 0 : i32
          %dma_wait3A_158 = tpu.memref_slice %arg4[%add3A_29, %dma_wait3A_157] : memref<1280x128xi32, #tpu.memory_space<hbm>> -> memref<8x128xi32, #tpu.memory_space<hbm>>
          %dma_wait3A_159 = arith.constant 0 : i32
          %dma_wait3A_160 = tpu.memref_slice %arg4[%add3A_29, %dma_wait3A_159] : memref<1280x128xi32, #tpu.memory_space<hbm>> -> memref<8x128xi32, #tpu.memory_space<hbm>>
          tpu.wait_dma2 semaphore(%run_scoped3A_152 : memref<!tpu.dma_semaphore, #tpu.memory_space<semaphore_mem>>) src(%dma_wait3A_160 : memref<8x128xi32, #tpu.memory_space<hbm>>) dst(%arg8 : memref<8x128xi32, #tpu.memory_space<vmem>>)
          tpu.yield
        }) : () -> ()
        %mul3A_30 = arith.constant 80 : i32
        %mul3A_31 = arith.muli %arg1, %mul3A_30 : i32
        %mul3A_32 = arith.constant 8 : i32
        %mul3A_33 = arith.muli %add3A_24, %mul3A_32 : i32
        %add3A_34 = arith.addi %mul3A_31, %mul3A_33 : i32
        "tpu.region"() ({
          %run_scoped3A_152 = tpu.sem_alloc : memref<!tpu.dma_semaphore, #tpu.memory_space<semaphore_mem>>
          %dma_start3A_153 = arith.constant 0 : i32
          %dma_start3A_154 = tpu.memref_slice %arg5[%add3A_34, %dma_start3A_153] : memref<1280x128xi32, #tpu.memory_space<hbm>> -> memref<8x128xi32, #tpu.memory_space<hbm>>
          %dma_start3A_155 = arith.constant 0 : i32
          %dma_start3A_156 = tpu.memref_slice %arg5[%add3A_34, %dma_start3A_155] : memref<1280x128xi32, #tpu.memory_space<hbm>> -> memref<8x128xi32, #tpu.memory_space<hbm>>
          tpu.enqueue_dma source(%dma_start3A_156 : memref<8x128xi32, #tpu.memory_space<hbm>>) target(%arg9 : memref<8x128xi32, #tpu.memory_space<vmem>>) target_semaphore(%run_scoped3A_152 : memref<!tpu.dma_semaphore, #tpu.memory_space<semaphore_mem>>)
          %dma_wait3A_157 = arith.constant 0 : i32
          %dma_wait3A_158 = tpu.memref_slice %arg5[%add3A_34, %dma_wait3A_157] : memref<1280x128xi32, #tpu.memory_space<hbm>> -> memref<8x128xi32, #tpu.memory_space<hbm>>
          %dma_wait3A_159 = arith.constant 0 : i32
          %dma_wait3A_160 = tpu.memref_slice %arg5[%add3A_34, %dma_wait3A_159] : memref<1280x128xi32, #tpu.memory_space<hbm>> -> memref<8x128xi32, #tpu.memory_space<hbm>>
          tpu.wait_dma2 semaphore(%run_scoped3A_152 : memref<!tpu.dma_semaphore, #tpu.memory_space<semaphore_mem>>) src(%dma_wait3A_160 : memref<8x128xi32, #tpu.memory_space<hbm>>) dst(%arg9 : memref<8x128xi32, #tpu.memory_space<vmem>>)
          tpu.yield
        }) : () -> ()
        %dma_start3A = arith.constant 0 : i32
        %dma_start3A_35 = arith.constant 0 : i32
        %dma_start3A_36 = tpu.memref_slice %arg8[%dma_start3A, %dma_start3A_35] : memref<8x128xi32, #tpu.memory_space<vmem>> -> memref<1x128xi32, #tpu.memory_space<vmem>>
        %dma_start3A_37 = tpu.memref_squeeze %dma_start3A_36 : memref<1x128xi32, #tpu.memory_space<vmem>> -> memref<128xi32, #tpu.memory_space<vmem>>
        %dma_start3A_38 = arith.constant 0 : i32
        %dma_start3A_39 = arith.constant 0 : i32
        %dma_start3A_40 = tpu.memref_slice %arg3[%dma_start3A_38, %dma_start3A_39] : memref<10240x128xf32, #tpu.memory_space<hbm>> -> memref<10240x128xf32, #tpu.memory_space<hbm>>
        tpu.enqueue_indirect_dma source(%dma_start3A_40 : memref<10240x128xf32, #tpu.memory_space<hbm>>) target(%arg10 : memref<128x128xf32, #tpu.memory_space<vmem>>) offsets(%dma_start3A_37 : memref<128xi32, #tpu.memory_space<vmem>>) semaphore(%arg13 : memref<!tpu.dma_semaphore, #tpu.memory_space<semaphore_mem>>)
        %dma_wait3A = arith.constant 0 : i32
        %dma_wait3A_41 = arith.constant 0 : i32
        %dma_wait3A_42 = tpu.memref_slice %arg8[%dma_wait3A, %dma_wait3A_41] : memref<8x128xi32, #tpu.memory_space<vmem>> -> memref<1x128xi32, #tpu.memory_space<vmem>>
        %dma_wait3A_43 = tpu.memref_squeeze %dma_wait3A_42 : memref<1x128xi32, #tpu.memory_space<vmem>> -> memref<128xi32, #tpu.memory_space<vmem>>
        %dma_wait3A_44 = arith.constant 0 : i32
        %dma_wait3A_45 = arith.constant 0 : i32
        %dma_wait3A_46 = tpu.memref_slice %arg3[%dma_wait3A_44, %dma_wait3A_45] : memref<10240x128xf32, #tpu.memory_space<hbm>> -> memref<10240x128xf32, #tpu.memory_space<hbm>>
        tpu.wait_indirect_dma semaphore(%arg13 : memref<!tpu.dma_semaphore, #tpu.memory_space<semaphore_mem>>) src(%dma_wait3A_46 : memref<10240x128xf32, #tpu.memory_space<hbm>>) dst(%arg10 : memref<128x128xf32, #tpu.memory_space<vmem>>)
        %dma_start3A_47 = arith.constant 1 : i32
        %dma_start3A_48 = arith.constant 0 : i32
        %dma_start3A_49 = tpu.memref_slice %arg8[%dma_start3A_47, %dma_start3A_48] : memref<8x128xi32, #tpu.memory_space<vmem>> -> memref<1x128xi32, #tpu.memory_space<vmem>>
        %dma_start3A_50 = tpu.memref_squeeze %dma_start3A_49 : memref<1x128xi32, #tpu.memory_space<vmem>> -> memref<128xi32, #tpu.memory_space<vmem>>
        %dma_start3A_51 = arith.constant 0 : i32
        %dma_start3A_52 = arith.constant 0 : i32
        %dma_start3A_53 = tpu.memref_slice %arg3[%dma_start3A_51, %dma_start3A_52] : memref<10240x128xf32, #tpu.memory_space<hbm>> -> memref<10240x128xf32, #tpu.memory_space<hbm>>
        tpu.enqueue_indirect_dma source(%dma_start3A_53 : memref<10240x128xf32, #tpu.memory_space<hbm>>) target(%arg11 : memref<128x128xf32, #tpu.memory_space<vmem>>) offsets(%dma_start3A_50 : memref<128xi32, #tpu.memory_space<vmem>>) semaphore(%arg14 : memref<!tpu.dma_semaphore, #tpu.memory_space<semaphore_mem>>)
        %run_scoped3A = arith.constant 0 : i32
        "tpu.region"() ({
          %run_scoped3A_152 = tpu.sem_alloc : memref<!tpu.dma_semaphore, #tpu.memory_space<semaphore_mem>>
          %dma_start3A_153 = arith.constant 0 : i32
          %dma_start3A_154 = tpu.memref_slice %arg9[%run_scoped3A, %dma_start3A_153] : memref<8x128xi32, #tpu.memory_space<vmem>> -> memref<1x128xi32, #tpu.memory_space<vmem>>
          %dma_start3A_155 = tpu.memref_squeeze %dma_start3A_154 : memref<1x128xi32, #tpu.memory_space<vmem>> -> memref<128xi32, #tpu.memory_space<vmem>>
          %dma_start3A_156 = arith.constant 0 : i32
          %dma_start3A_157 = arith.constant 0 : i32
          %dma_start3A_158 = tpu.memref_slice %arg12[%dma_start3A_156, %dma_start3A_157] : memref<10240x128xf32, #tpu.memory_space<vmem_shared>> -> memref<10240x128xf32, #tpu.memory_space<vmem_shared>>
          tpu.enqueue_indirect_dma source(%arg10 : memref<128x128xf32, #tpu.memory_space<vmem>>) target(%dma_start3A_158 : memref<10240x128xf32, #tpu.memory_space<vmem_shared>>) offsets(%dma_start3A_155 : memref<128xi32, #tpu.memory_space<vmem>>) semaphore(%run_scoped3A_152 : memref<!tpu.dma_semaphore, #tpu.memory_space<semaphore_mem>>) {add = true}
          %dma_wait3A_159 = arith.constant 0 : i32
          %dma_wait3A_160 = tpu.memref_slice %arg9[%run_scoped3A, %dma_wait3A_159] : memref<8x128xi32, #tpu.memory_space<vmem>> -> memref<1x128xi32, #tpu.memory_space<vmem>>
          %dma_wait3A_161 = tpu.memref_squeeze %dma_wait3A_160 : memref<1x128xi32, #tpu.memory_space<vmem>> -> memref<128xi32, #tpu.memory_space<vmem>>
          %dma_wait3A_162 = arith.constant 0 : i32
          %dma_wait3A_163 = arith.constant 0 : i32
          %dma_wait3A_164 = tpu.memref_slice %arg12[%dma_wait3A_162, %dma_wait3A_163] : memref<10240x128xf32, #tpu.memory_space<vmem_shared>> -> memref<10240x128xf32, #tpu.memory_space<vmem_shared>>
          tpu.wait_indirect_dma semaphore(%run_scoped3A_152 : memref<!tpu.dma_semaphore, #tpu.memory_space<semaphore_mem>>) src(%arg10 : memref<128x128xf32, #tpu.memory_space<vmem>>) dst(%dma_wait3A_164 : memref<10240x128xf32, #tpu.memory_space<vmem_shared>>)
          tpu.yield
        }) : () -> ()
        %dma_wait3A_54 = arith.constant 1 : i32
        %dma_wait3A_55 = arith.constant 0 : i32
        %dma_wait3A_56 = tpu.memref_slice %arg8[%dma_wait3A_54, %dma_wait3A_55] : memref<8x128xi32, #tpu.memory_space<vmem>> -> memref<1x128xi32, #tpu.memory_space<vmem>>
        %dma_wait3A_57 = tpu.memref_squeeze %dma_wait3A_56 : memref<1x128xi32, #tpu.memory_space<vmem>> -> memref<128xi32, #tpu.memory_space<vmem>>
        %dma_wait3A_58 = arith.constant 0 : i32
        %dma_wait3A_59 = arith.constant 0 : i32
        %dma_wait3A_60 = tpu.memref_slice %arg3[%dma_wait3A_58, %dma_wait3A_59] : memref<10240x128xf32, #tpu.memory_space<hbm>> -> memref<10240x128xf32, #tpu.memory_space<hbm>>
        tpu.wait_indirect_dma semaphore(%arg14 : memref<!tpu.dma_semaphore, #tpu.memory_space<semaphore_mem>>) src(%dma_wait3A_60 : memref<10240x128xf32, #tpu.memory_space<hbm>>) dst(%arg11 : memref<128x128xf32, #tpu.memory_space<vmem>>)
        %dma_start3A_61 = arith.constant 2 : i32
        %dma_start3A_62 = arith.constant 0 : i32
        %dma_start3A_63 = tpu.memref_slice %arg8[%dma_start3A_61, %dma_start3A_62] : memref<8x128xi32, #tpu.memory_space<vmem>> -> memref<1x128xi32, #tpu.memory_space<vmem>>
        %dma_start3A_64 = tpu.memref_squeeze %dma_start3A_63 : memref<1x128xi32, #tpu.memory_space<vmem>> -> memref<128xi32, #tpu.memory_space<vmem>>
        %dma_start3A_65 = arith.constant 0 : i32
        %dma_start3A_66 = arith.constant 0 : i32
        %dma_start3A_67 = tpu.memref_slice %arg3[%dma_start3A_65, %dma_start3A_66] : memref<10240x128xf32, #tpu.memory_space<hbm>> -> memref<10240x128xf32, #tpu.memory_space<hbm>>
        tpu.enqueue_indirect_dma source(%dma_start3A_67 : memref<10240x128xf32, #tpu.memory_space<hbm>>) target(%arg10 : memref<128x128xf32, #tpu.memory_space<vmem>>) offsets(%dma_start3A_64 : memref<128xi32, #tpu.memory_space<vmem>>) semaphore(%arg13 : memref<!tpu.dma_semaphore, #tpu.memory_space<semaphore_mem>>)
        %run_scoped3A_68 = arith.constant 1 : i32
        "tpu.region"() ({
          %run_scoped3A_152 = tpu.sem_alloc : memref<!tpu.dma_semaphore, #tpu.memory_space<semaphore_mem>>
          %dma_start3A_153 = arith.constant 0 : i32
          %dma_start3A_154 = tpu.memref_slice %arg9[%run_scoped3A_68, %dma_start3A_153] : memref<8x128xi32, #tpu.memory_space<vmem>> -> memref<1x128xi32, #tpu.memory_space<vmem>>
          %dma_start3A_155 = tpu.memref_squeeze %dma_start3A_154 : memref<1x128xi32, #tpu.memory_space<vmem>> -> memref<128xi32, #tpu.memory_space<vmem>>
          %dma_start3A_156 = arith.constant 0 : i32
          %dma_start3A_157 = arith.constant 0 : i32
          %dma_start3A_158 = tpu.memref_slice %arg12[%dma_start3A_156, %dma_start3A_157] : memref<10240x128xf32, #tpu.memory_space<vmem_shared>> -> memref<10240x128xf32, #tpu.memory_space<vmem_shared>>
          tpu.enqueue_indirect_dma source(%arg11 : memref<128x128xf32, #tpu.memory_space<vmem>>) target(%dma_start3A_158 : memref<10240x128xf32, #tpu.memory_space<vmem_shared>>) offsets(%dma_start3A_155 : memref<128xi32, #tpu.memory_space<vmem>>) semaphore(%run_scoped3A_152 : memref<!tpu.dma_semaphore, #tpu.memory_space<semaphore_mem>>) {add = true}
          %dma_wait3A_159 = arith.constant 0 : i32
          %dma_wait3A_160 = tpu.memref_slice %arg9[%run_scoped3A_68, %dma_wait3A_159] : memref<8x128xi32, #tpu.memory_space<vmem>> -> memref<1x128xi32, #tpu.memory_space<vmem>>
          %dma_wait3A_161 = tpu.memref_squeeze %dma_wait3A_160 : memref<1x128xi32, #tpu.memory_space<vmem>> -> memref<128xi32, #tpu.memory_space<vmem>>
          %dma_wait3A_162 = arith.constant 0 : i32
          %dma_wait3A_163 = arith.constant 0 : i32
          %dma_wait3A_164 = tpu.memref_slice %arg12[%dma_wait3A_162, %dma_wait3A_163] : memref<10240x128xf32, #tpu.memory_space<vmem_shared>> -> memref<10240x128xf32, #tpu.memory_space<vmem_shared>>
          tpu.wait_indirect_dma semaphore(%run_scoped3A_152 : memref<!tpu.dma_semaphore, #tpu.memory_space<semaphore_mem>>) src(%arg11 : memref<128x128xf32, #tpu.memory_space<vmem>>) dst(%dma_wait3A_164 : memref<10240x128xf32, #tpu.memory_space<vmem_shared>>)
          tpu.yield
        }) : () -> ()
        %dma_wait3A_69 = arith.constant 2 : i32
        %dma_wait3A_70 = arith.constant 0 : i32
        %dma_wait3A_71 = tpu.memref_slice %arg8[%dma_wait3A_69, %dma_wait3A_70] : memref<8x128xi32, #tpu.memory_space<vmem>> -> memref<1x128xi32, #tpu.memory_space<vmem>>
        %dma_wait3A_72 = tpu.memref_squeeze %dma_wait3A_71 : memref<1x128xi32, #tpu.memory_space<vmem>> -> memref<128xi32, #tpu.memory_space<vmem>>
        %dma_wait3A_73 = arith.constant 0 : i32
        %dma_wait3A_74 = arith.constant 0 : i32
        %dma_wait3A_75 = tpu.memref_slice %arg3[%dma_wait3A_73, %dma_wait3A_74] : memref<10240x128xf32, #tpu.memory_space<hbm>> -> memref<10240x128xf32, #tpu.memory_space<hbm>>
        tpu.wait_indirect_dma semaphore(%arg13 : memref<!tpu.dma_semaphore, #tpu.memory_space<semaphore_mem>>) src(%dma_wait3A_75 : memref<10240x128xf32, #tpu.memory_space<hbm>>) dst(%arg10 : memref<128x128xf32, #tpu.memory_space<vmem>>)
        %dma_start3A_76 = arith.constant 3 : i32
        %dma_start3A_77 = arith.constant 0 : i32
        %dma_start3A_78 = tpu.memref_slice %arg8[%dma_start3A_76, %dma_start3A_77] : memref<8x128xi32, #tpu.memory_space<vmem>> -> memref<1x128xi32, #tpu.memory_space<vmem>>
        %dma_start3A_79 = tpu.memref_squeeze %dma_start3A_78 : memref<1x128xi32, #tpu.memory_space<vmem>> -> memref<128xi32, #tpu.memory_space<vmem>>
        %dma_start3A_80 = arith.constant 0 : i32
        %dma_start3A_81 = arith.constant 0 : i32
        %dma_start3A_82 = tpu.memref_slice %arg3[%dma_start3A_80, %dma_start3A_81] : memref<10240x128xf32, #tpu.memory_space<hbm>> -> memref<10240x128xf32, #tpu.memory_space<hbm>>
        tpu.enqueue_indirect_dma source(%dma_start3A_82 : memref<10240x128xf32, #tpu.memory_space<hbm>>) target(%arg11 : memref<128x128xf32, #tpu.memory_space<vmem>>) offsets(%dma_start3A_79 : memref<128xi32, #tpu.memory_space<vmem>>) semaphore(%arg14 : memref<!tpu.dma_semaphore, #tpu.memory_space<semaphore_mem>>)
        %run_scoped3A_83 = arith.constant 2 : i32
        "tpu.region"() ({
          %run_scoped3A_152 = tpu.sem_alloc : memref<!tpu.dma_semaphore, #tpu.memory_space<semaphore_mem>>
          %dma_start3A_153 = arith.constant 0 : i32
          %dma_start3A_154 = tpu.memref_slice %arg9[%run_scoped3A_83, %dma_start3A_153] : memref<8x128xi32, #tpu.memory_space<vmem>> -> memref<1x128xi32, #tpu.memory_space<vmem>>
          %dma_start3A_155 = tpu.memref_squeeze %dma_start3A_154 : memref<1x128xi32, #tpu.memory_space<vmem>> -> memref<128xi32, #tpu.memory_space<vmem>>
          %dma_start3A_156 = arith.constant 0 : i32
          %dma_start3A_157 = arith.constant 0 : i32
          %dma_start3A_158 = tpu.memref_slice %arg12[%dma_start3A_156, %dma_start3A_157] : memref<10240x128xf32, #tpu.memory_space<vmem_shared>> -> memref<10240x128xf32, #tpu.memory_space<vmem_shared>>
          tpu.enqueue_indirect_dma source(%arg10 : memref<128x128xf32, #tpu.memory_space<vmem>>) target(%dma_start3A_158 : memref<10240x128xf32, #tpu.memory_space<vmem_shared>>) offsets(%dma_start3A_155 : memref<128xi32, #tpu.memory_space<vmem>>) semaphore(%run_scoped3A_152 : memref<!tpu.dma_semaphore, #tpu.memory_space<semaphore_mem>>) {add = true}
          %dma_wait3A_159 = arith.constant 0 : i32
          %dma_wait3A_160 = tpu.memref_slice %arg9[%run_scoped3A_83, %dma_wait3A_159] : memref<8x128xi32, #tpu.memory_space<vmem>> -> memref<1x128xi32, #tpu.memory_space<vmem>>
          %dma_wait3A_161 = tpu.memref_squeeze %dma_wait3A_160 : memref<1x128xi32, #tpu.memory_space<vmem>> -> memref<128xi32, #tpu.memory_space<vmem>>
          %dma_wait3A_162 = arith.constant 0 : i32
          %dma_wait3A_163 = arith.constant 0 : i32
          %dma_wait3A_164 = tpu.memref_slice %arg12[%dma_wait3A_162, %dma_wait3A_163] : memref<10240x128xf32, #tpu.memory_space<vmem_shared>> -> memref<10240x128xf32, #tpu.memory_space<vmem_shared>>
          tpu.wait_indirect_dma semaphore(%run_scoped3A_152 : memref<!tpu.dma_semaphore, #tpu.memory_space<semaphore_mem>>) src(%arg10 : memref<128x128xf32, #tpu.memory_space<vmem>>) dst(%dma_wait3A_164 : memref<10240x128xf32, #tpu.memory_space<vmem_shared>>)
          tpu.yield
        }) : () -> ()
        %dma_wait3A_84 = arith.constant 3 : i32
        %dma_wait3A_85 = arith.constant 0 : i32
        %dma_wait3A_86 = tpu.memref_slice %arg8[%dma_wait3A_84, %dma_wait3A_85] : memref<8x128xi32, #tpu.memory_space<vmem>> -> memref<1x128xi32, #tpu.memory_space<vmem>>
        %dma_wait3A_87 = tpu.memref_squeeze %dma_wait3A_86 : memref<1x128xi32, #tpu.memory_space<vmem>> -> memref<128xi32, #tpu.memory_space<vmem>>
        %dma_wait3A_88 = arith.constant 0 : i32
        %dma_wait3A_89 = arith.constant 0 : i32
        %dma_wait3A_90 = tpu.memref_slice %arg3[%dma_wait3A_88, %dma_wait3A_89] : memref<10240x128xf32, #tpu.memory_space<hbm>> -> memref<10240x128xf32, #tpu.memory_space<hbm>>
        tpu.wait_indirect_dma semaphore(%arg14 : memref<!tpu.dma_semaphore, #tpu.memory_space<semaphore_mem>>) src(%dma_wait3A_90 : memref<10240x128xf32, #tpu.memory_space<hbm>>) dst(%arg11 : memref<128x128xf32, #tpu.memory_space<vmem>>)
        %dma_start3A_91 = arith.constant 4 : i32
        %dma_start3A_92 = arith.constant 0 : i32
        %dma_start3A_93 = tpu.memref_slice %arg8[%dma_start3A_91, %dma_start3A_92] : memref<8x128xi32, #tpu.memory_space<vmem>> -> memref<1x128xi32, #tpu.memory_space<vmem>>
        %dma_start3A_94 = tpu.memref_squeeze %dma_start3A_93 : memref<1x128xi32, #tpu.memory_space<vmem>> -> memref<128xi32, #tpu.memory_space<vmem>>
        %dma_start3A_95 = arith.constant 0 : i32
        %dma_start3A_96 = arith.constant 0 : i32
        %dma_start3A_97 = tpu.memref_slice %arg3[%dma_start3A_95, %dma_start3A_96] : memref<10240x128xf32, #tpu.memory_space<hbm>> -> memref<10240x128xf32, #tpu.memory_space<hbm>>
        tpu.enqueue_indirect_dma source(%dma_start3A_97 : memref<10240x128xf32, #tpu.memory_space<hbm>>) target(%arg10 : memref<128x128xf32, #tpu.memory_space<vmem>>) offsets(%dma_start3A_94 : memref<128xi32, #tpu.memory_space<vmem>>) semaphore(%arg13 : memref<!tpu.dma_semaphore, #tpu.memory_space<semaphore_mem>>)
        %run_scoped3A_98 = arith.constant 3 : i32
        "tpu.region"() ({
          %run_scoped3A_152 = tpu.sem_alloc : memref<!tpu.dma_semaphore, #tpu.memory_space<semaphore_mem>>
          %dma_start3A_153 = arith.constant 0 : i32
          %dma_start3A_154 = tpu.memref_slice %arg9[%run_scoped3A_98, %dma_start3A_153] : memref<8x128xi32, #tpu.memory_space<vmem>> -> memref<1x128xi32, #tpu.memory_space<vmem>>
          %dma_start3A_155 = tpu.memref_squeeze %dma_start3A_154 : memref<1x128xi32, #tpu.memory_space<vmem>> -> memref<128xi32, #tpu.memory_space<vmem>>
          %dma_start3A_156 = arith.constant 0 : i32
          %dma_start3A_157 = arith.constant 0 : i32
          %dma_start3A_158 = tpu.memref_slice %arg12[%dma_start3A_156, %dma_start3A_157] : memref<10240x128xf32, #tpu.memory_space<vmem_shared>> -> memref<10240x128xf32, #tpu.memory_space<vmem_shared>>
          tpu.enqueue_indirect_dma source(%arg11 : memref<128x128xf32, #tpu.memory_space<vmem>>) target(%dma_start3A_158 : memref<10240x128xf32, #tpu.memory_space<vmem_shared>>) offsets(%dma_start3A_155 : memref<128xi32, #tpu.memory_space<vmem>>) semaphore(%run_scoped3A_152 : memref<!tpu.dma_semaphore, #tpu.memory_space<semaphore_mem>>) {add = true}
          %dma_wait3A_159 = arith.constant 0 : i32
          %dma_wait3A_160 = tpu.memref_slice %arg9[%run_scoped3A_98, %dma_wait3A_159] : memref<8x128xi32, #tpu.memory_space<vmem>> -> memref<1x128xi32, #tpu.memory_space<vmem>>
          %dma_wait3A_161 = tpu.memref_squeeze %dma_wait3A_160 : memref<1x128xi32, #tpu.memory_space<vmem>> -> memref<128xi32, #tpu.memory_space<vmem>>
          %dma_wait3A_162 = arith.constant 0 : i32
          %dma_wait3A_163 = arith.constant 0 : i32
          %dma_wait3A_164 = tpu.memref_slice %arg12[%dma_wait3A_162, %dma_wait3A_163] : memref<10240x128xf32, #tpu.memory_space<vmem_shared>> -> memref<10240x128xf32, #tpu.memory_space<vmem_shared>>
          tpu.wait_indirect_dma semaphore(%run_scoped3A_152 : memref<!tpu.dma_semaphore, #tpu.memory_space<semaphore_mem>>) src(%arg11 : memref<128x128xf32, #tpu.memory_space<vmem>>) dst(%dma_wait3A_164 : memref<10240x128xf32, #tpu.memory_space<vmem_shared>>)
          tpu.yield
        }) : () -> ()
        %dma_wait3A_99 = arith.constant 4 : i32
        %dma_wait3A_100 = arith.constant 0 : i32
        %dma_wait3A_101 = tpu.memref_slice %arg8[%dma_wait3A_99, %dma_wait3A_100] : memref<8x128xi32, #tpu.memory_space<vmem>> -> memref<1x128xi32, #tpu.memory_space<vmem>>
        %dma_wait3A_102 = tpu.memref_squeeze %dma_wait3A_101 : memref<1x128xi32, #tpu.memory_space<vmem>> -> memref<128xi32, #tpu.memory_space<vmem>>
        %dma_wait3A_103 = arith.constant 0 : i32
        %dma_wait3A_104 = arith.constant 0 : i32
        %dma_wait3A_105 = tpu.memref_slice %arg3[%dma_wait3A_103, %dma_wait3A_104] : memref<10240x128xf32, #tpu.memory_space<hbm>> -> memref<10240x128xf32, #tpu.memory_space<hbm>>
        tpu.wait_indirect_dma semaphore(%arg13 : memref<!tpu.dma_semaphore, #tpu.memory_space<semaphore_mem>>) src(%dma_wait3A_105 : memref<10240x128xf32, #tpu.memory_space<hbm>>) dst(%arg10 : memref<128x128xf32, #tpu.memory_space<vmem>>)
        %dma_start3A_106 = arith.constant 5 : i32
        %dma_start3A_107 = arith.constant 0 : i32
        %dma_start3A_108 = tpu.memref_slice %arg8[%dma_start3A_106, %dma_start3A_107] : memref<8x128xi32, #tpu.memory_space<vmem>> -> memref<1x128xi32, #tpu.memory_space<vmem>>
        %dma_start3A_109 = tpu.memref_squeeze %dma_start3A_108 : memref<1x128xi32, #tpu.memory_space<vmem>> -> memref<128xi32, #tpu.memory_space<vmem>>
        %dma_start3A_110 = arith.constant 0 : i32
        %dma_start3A_111 = arith.constant 0 : i32
        %dma_start3A_112 = tpu.memref_slice %arg3[%dma_start3A_110, %dma_start3A_111] : memref<10240x128xf32, #tpu.memory_space<hbm>> -> memref<10240x128xf32, #tpu.memory_space<hbm>>
        tpu.enqueue_indirect_dma source(%dma_start3A_112 : memref<10240x128xf32, #tpu.memory_space<hbm>>) target(%arg11 : memref<128x128xf32, #tpu.memory_space<vmem>>) offsets(%dma_start3A_109 : memref<128xi32, #tpu.memory_space<vmem>>) semaphore(%arg14 : memref<!tpu.dma_semaphore, #tpu.memory_space<semaphore_mem>>)
        %run_scoped3A_113 = arith.constant 4 : i32
        "tpu.region"() ({
          %run_scoped3A_152 = tpu.sem_alloc : memref<!tpu.dma_semaphore, #tpu.memory_space<semaphore_mem>>
          %dma_start3A_153 = arith.constant 0 : i32
          %dma_start3A_154 = tpu.memref_slice %arg9[%run_scoped3A_113, %dma_start3A_153] : memref<8x128xi32, #tpu.memory_space<vmem>> -> memref<1x128xi32, #tpu.memory_space<vmem>>
          %dma_start3A_155 = tpu.memref_squeeze %dma_start3A_154 : memref<1x128xi32, #tpu.memory_space<vmem>> -> memref<128xi32, #tpu.memory_space<vmem>>
          %dma_start3A_156 = arith.constant 0 : i32
          %dma_start3A_157 = arith.constant 0 : i32
          %dma_start3A_158 = tpu.memref_slice %arg12[%dma_start3A_156, %dma_start3A_157] : memref<10240x128xf32, #tpu.memory_space<vmem_shared>> -> memref<10240x128xf32, #tpu.memory_space<vmem_shared>>
          tpu.enqueue_indirect_dma source(%arg10 : memref<128x128xf32, #tpu.memory_space<vmem>>) target(%dma_start3A_158 : memref<10240x128xf32, #tpu.memory_space<vmem_shared>>) offsets(%dma_start3A_155 : memref<128xi32, #tpu.memory_space<vmem>>) semaphore(%run_scoped3A_152 : memref<!tpu.dma_semaphore, #tpu.memory_space<semaphore_mem>>) {add = true}
          %dma_wait3A_159 = arith.constant 0 : i32
          %dma_wait3A_160 = tpu.memref_slice %arg9[%run_scoped3A_113, %dma_wait3A_159] : memref<8x128xi32, #tpu.memory_space<vmem>> -> memref<1x128xi32, #tpu.memory_space<vmem>>
          %dma_wait3A_161 = tpu.memref_squeeze %dma_wait3A_160 : memref<1x128xi32, #tpu.memory_space<vmem>> -> memref<128xi32, #tpu.memory_space<vmem>>
          %dma_wait3A_162 = arith.constant 0 : i32
          %dma_wait3A_163 = arith.constant 0 : i32
          %dma_wait3A_164 = tpu.memref_slice %arg12[%dma_wait3A_162, %dma_wait3A_163] : memref<10240x128xf32, #tpu.memory_space<vmem_shared>> -> memref<10240x128xf32, #tpu.memory_space<vmem_shared>>
          tpu.wait_indirect_dma semaphore(%run_scoped3A_152 : memref<!tpu.dma_semaphore, #tpu.memory_space<semaphore_mem>>) src(%arg10 : memref<128x128xf32, #tpu.memory_space<vmem>>) dst(%dma_wait3A_164 : memref<10240x128xf32, #tpu.memory_space<vmem_shared>>)
          tpu.yield
        }) : () -> ()
        %dma_wait3A_114 = arith.constant 5 : i32
        %dma_wait3A_115 = arith.constant 0 : i32
        %dma_wait3A_116 = tpu.memref_slice %arg8[%dma_wait3A_114, %dma_wait3A_115] : memref<8x128xi32, #tpu.memory_space<vmem>> -> memref<1x128xi32, #tpu.memory_space<vmem>>
        %dma_wait3A_117 = tpu.memref_squeeze %dma_wait3A_116 : memref<1x128xi32, #tpu.memory_space<vmem>> -> memref<128xi32, #tpu.memory_space<vmem>>
        %dma_wait3A_118 = arith.constant 0 : i32
        %dma_wait3A_119 = arith.constant 0 : i32
        %dma_wait3A_120 = tpu.memref_slice %arg3[%dma_wait3A_118, %dma_wait3A_119] : memref<10240x128xf32, #tpu.memory_space<hbm>> -> memref<10240x128xf32, #tpu.memory_space<hbm>>
        tpu.wait_indirect_dma semaphore(%arg14 : memref<!tpu.dma_semaphore, #tpu.memory_space<semaphore_mem>>) src(%dma_wait3A_120 : memref<10240x128xf32, #tpu.memory_space<hbm>>) dst(%arg11 : memref<128x128xf32, #tpu.memory_space<vmem>>)
        %dma_start3A_121 = arith.constant 6 : i32
        %dma_start3A_122 = arith.constant 0 : i32
        %dma_start3A_123 = tpu.memref_slice %arg8[%dma_start3A_121, %dma_start3A_122] : memref<8x128xi32, #tpu.memory_space<vmem>> -> memref<1x128xi32, #tpu.memory_space<vmem>>
        %dma_start3A_124 = tpu.memref_squeeze %dma_start3A_123 : memref<1x128xi32, #tpu.memory_space<vmem>> -> memref<128xi32, #tpu.memory_space<vmem>>
        %dma_start3A_125 = arith.constant 0 : i32
        %dma_start3A_126 = arith.constant 0 : i32
        %dma_start3A_127 = tpu.memref_slice %arg3[%dma_start3A_125, %dma_start3A_126] : memref<10240x128xf32, #tpu.memory_space<hbm>> -> memref<10240x128xf32, #tpu.memory_space<hbm>>
        tpu.enqueue_indirect_dma source(%dma_start3A_127 : memref<10240x128xf32, #tpu.memory_space<hbm>>) target(%arg10 : memref<128x128xf32, #tpu.memory_space<vmem>>) offsets(%dma_start3A_124 : memref<128xi32, #tpu.memory_space<vmem>>) semaphore(%arg13 : memref<!tpu.dma_semaphore, #tpu.memory_space<semaphore_mem>>)
        %run_scoped3A_128 = arith.constant 5 : i32
        "tpu.region"() ({
          %run_scoped3A_152 = tpu.sem_alloc : memref<!tpu.dma_semaphore, #tpu.memory_space<semaphore_mem>>
          %dma_start3A_153 = arith.constant 0 : i32
          %dma_start3A_154 = tpu.memref_slice %arg9[%run_scoped3A_128, %dma_start3A_153] : memref<8x128xi32, #tpu.memory_space<vmem>> -> memref<1x128xi32, #tpu.memory_space<vmem>>
          %dma_start3A_155 = tpu.memref_squeeze %dma_start3A_154 : memref<1x128xi32, #tpu.memory_space<vmem>> -> memref<128xi32, #tpu.memory_space<vmem>>
          %dma_start3A_156 = arith.constant 0 : i32
          %dma_start3A_157 = arith.constant 0 : i32
          %dma_start3A_158 = tpu.memref_slice %arg12[%dma_start3A_156, %dma_start3A_157] : memref<10240x128xf32, #tpu.memory_space<vmem_shared>> -> memref<10240x128xf32, #tpu.memory_space<vmem_shared>>
          tpu.enqueue_indirect_dma source(%arg11 : memref<128x128xf32, #tpu.memory_space<vmem>>) target(%dma_start3A_158 : memref<10240x128xf32, #tpu.memory_space<vmem_shared>>) offsets(%dma_start3A_155 : memref<128xi32, #tpu.memory_space<vmem>>) semaphore(%run_scoped3A_152 : memref<!tpu.dma_semaphore, #tpu.memory_space<semaphore_mem>>) {add = true}
          %dma_wait3A_159 = arith.constant 0 : i32
          %dma_wait3A_160 = tpu.memref_slice %arg9[%run_scoped3A_128, %dma_wait3A_159] : memref<8x128xi32, #tpu.memory_space<vmem>> -> memref<1x128xi32, #tpu.memory_space<vmem>>
          %dma_wait3A_161 = tpu.memref_squeeze %dma_wait3A_160 : memref<1x128xi32, #tpu.memory_space<vmem>> -> memref<128xi32, #tpu.memory_space<vmem>>
          %dma_wait3A_162 = arith.constant 0 : i32
          %dma_wait3A_163 = arith.constant 0 : i32
          %dma_wait3A_164 = tpu.memref_slice %arg12[%dma_wait3A_162, %dma_wait3A_163] : memref<10240x128xf32, #tpu.memory_space<vmem_shared>> -> memref<10240x128xf32, #tpu.memory_space<vmem_shared>>
          tpu.wait_indirect_dma semaphore(%run_scoped3A_152 : memref<!tpu.dma_semaphore, #tpu.memory_space<semaphore_mem>>) src(%arg11 : memref<128x128xf32, #tpu.memory_space<vmem>>) dst(%dma_wait3A_164 : memref<10240x128xf32, #tpu.memory_space<vmem_shared>>)
          tpu.yield
        }) : () -> ()
        %dma_wait3A_129 = arith.constant 6 : i32
        %dma_wait3A_130 = arith.constant 0 : i32
        %dma_wait3A_131 = tpu.memref_slice %arg8[%dma_wait3A_129, %dma_wait3A_130] : memref<8x128xi32, #tpu.memory_space<vmem>> -> memref<1x128xi32, #tpu.memory_space<vmem>>
        %dma_wait3A_132 = tpu.memref_squeeze %dma_wait3A_131 : memref<1x128xi32, #tpu.memory_space<vmem>> -> memref<128xi32, #tpu.memory_space<vmem>>
        %dma_wait3A_133 = arith.constant 0 : i32
        %dma_wait3A_134 = arith.constant 0 : i32
        %dma_wait3A_135 = tpu.memref_slice %arg3[%dma_wait3A_133, %dma_wait3A_134] : memref<10240x128xf32, #tpu.memory_space<hbm>> -> memref<10240x128xf32, #tpu.memory_space<hbm>>
        tpu.wait_indirect_dma semaphore(%arg13 : memref<!tpu.dma_semaphore, #tpu.memory_space<semaphore_mem>>) src(%dma_wait3A_135 : memref<10240x128xf32, #tpu.memory_space<hbm>>) dst(%arg10 : memref<128x128xf32, #tpu.memory_space<vmem>>)
        %dma_start3A_136 = arith.constant 7 : i32
        %dma_start3A_137 = arith.constant 0 : i32
        %dma_start3A_138 = tpu.memref_slice %arg8[%dma_start3A_136, %dma_start3A_137] : memref<8x128xi32, #tpu.memory_space<vmem>> -> memref<1x128xi32, #tpu.memory_space<vmem>>
        %dma_start3A_139 = tpu.memref_squeeze %dma_start3A_138 : memref<1x128xi32, #tpu.memory_space<vmem>> -> memref<128xi32, #tpu.memory_space<vmem>>
        %dma_start3A_140 = arith.constant 0 : i32
        %dma_start3A_141 = arith.constant 0 : i32
        %dma_start3A_142 = tpu.memref_slice %arg3[%dma_start3A_140, %dma_start3A_141] : memref<10240x128xf32, #tpu.memory_space<hbm>> -> memref<10240x128xf32, #tpu.memory_space<hbm>>
        tpu.enqueue_indirect_dma source(%dma_start3A_142 : memref<10240x128xf32, #tpu.memory_space<hbm>>) target(%arg11 : memref<128x128xf32, #tpu.memory_space<vmem>>) offsets(%dma_start3A_139 : memref<128xi32, #tpu.memory_space<vmem>>) semaphore(%arg14 : memref<!tpu.dma_semaphore, #tpu.memory_space<semaphore_mem>>)
        %run_scoped3A_143 = arith.constant 6 : i32
        "tpu.region"() ({
          %run_scoped3A_152 = tpu.sem_alloc : memref<!tpu.dma_semaphore, #tpu.memory_space<semaphore_mem>>
          %dma_start3A_153 = arith.constant 0 : i32
          %dma_start3A_154 = tpu.memref_slice %arg9[%run_scoped3A_143, %dma_start3A_153] : memref<8x128xi32, #tpu.memory_space<vmem>> -> memref<1x128xi32, #tpu.memory_space<vmem>>
          %dma_start3A_155 = tpu.memref_squeeze %dma_start3A_154 : memref<1x128xi32, #tpu.memory_space<vmem>> -> memref<128xi32, #tpu.memory_space<vmem>>
          %dma_start3A_156 = arith.constant 0 : i32
          %dma_start3A_157 = arith.constant 0 : i32
          %dma_start3A_158 = tpu.memref_slice %arg12[%dma_start3A_156, %dma_start3A_157] : memref<10240x128xf32, #tpu.memory_space<vmem_shared>> -> memref<10240x128xf32, #tpu.memory_space<vmem_shared>>
          tpu.enqueue_indirect_dma source(%arg10 : memref<128x128xf32, #tpu.memory_space<vmem>>) target(%dma_start3A_158 : memref<10240x128xf32, #tpu.memory_space<vmem_shared>>) offsets(%dma_start3A_155 : memref<128xi32, #tpu.memory_space<vmem>>) semaphore(%run_scoped3A_152 : memref<!tpu.dma_semaphore, #tpu.memory_space<semaphore_mem>>) {add = true}
          %dma_wait3A_159 = arith.constant 0 : i32
          %dma_wait3A_160 = tpu.memref_slice %arg9[%run_scoped3A_143, %dma_wait3A_159] : memref<8x128xi32, #tpu.memory_space<vmem>> -> memref<1x128xi32, #tpu.memory_space<vmem>>
          %dma_wait3A_161 = tpu.memref_squeeze %dma_wait3A_160 : memref<1x128xi32, #tpu.memory_space<vmem>> -> memref<128xi32, #tpu.memory_space<vmem>>
          %dma_wait3A_162 = arith.constant 0 : i32
          %dma_wait3A_163 = arith.constant 0 : i32
          %dma_wait3A_164 = tpu.memref_slice %arg12[%dma_wait3A_162, %dma_wait3A_163] : memref<10240x128xf32, #tpu.memory_space<vmem_shared>> -> memref<10240x128xf32, #tpu.memory_space<vmem_shared>>
          tpu.wait_indirect_dma semaphore(%run_scoped3A_152 : memref<!tpu.dma_semaphore, #tpu.memory_space<semaphore_mem>>) src(%arg10 : memref<128x128xf32, #tpu.memory_space<vmem>>) dst(%dma_wait3A_164 : memref<10240x128xf32, #tpu.memory_space<vmem_shared>>)
          tpu.yield
        }) : () -> ()
        %dma_wait3A_144 = arith.constant 7 : i32
        %dma_wait3A_145 = arith.constant 0 : i32
        %dma_wait3A_146 = tpu.memref_slice %arg8[%dma_wait3A_144, %dma_wait3A_145] : memref<8x128xi32, #tpu.memory_space<vmem>> -> memref<1x128xi32, #tpu.memory_space<vmem>>
        %dma_wait3A_147 = tpu.memref_squeeze %dma_wait3A_146 : memref<1x128xi32, #tpu.memory_space<vmem>> -> memref<128xi32, #tpu.memory_space<vmem>>
        %dma_wait3A_148 = arith.constant 0 : i32
        %dma_wait3A_149 = arith.constant 0 : i32
        %dma_wait3A_150 = tpu.memref_slice %arg3[%dma_wait3A_148, %dma_wait3A_149] : memref<10240x128xf32, #tpu.memory_space<hbm>> -> memref<10240x128xf32, #tpu.memory_space<hbm>>
        tpu.wait_indirect_dma semaphore(%arg14 : memref<!tpu.dma_semaphore, #tpu.memory_space<semaphore_mem>>) src(%dma_wait3A_150 : memref<10240x128xf32, #tpu.memory_space<hbm>>) dst(%arg11 : memref<128x128xf32, #tpu.memory_space<vmem>>)
        %run_scoped3A_151 = arith.constant 7 : i32
        "tpu.region"() ({
          %run_scoped3A_152 = tpu.sem_alloc : memref<!tpu.dma_semaphore, #tpu.memory_space<semaphore_mem>>
          %dma_start3A_153 = arith.constant 0 : i32
          %dma_start3A_154 = tpu.memref_slice %arg9[%run_scoped3A_151, %dma_start3A_153] : memref<8x128xi32, #tpu.memory_space<vmem>> -> memref<1x128xi32, #tpu.memory_space<vmem>>
          %dma_start3A_155 = tpu.memref_squeeze %dma_start3A_154 : memref<1x128xi32, #tpu.memory_space<vmem>> -> memref<128xi32, #tpu.memory_space<vmem>>
          %dma_start3A_156 = arith.constant 0 : i32
          %dma_start3A_157 = arith.constant 0 : i32
          %dma_start3A_158 = tpu.memref_slice %arg12[%dma_start3A_156, %dma_start3A_157] : memref<10240x128xf32, #tpu.memory_space<vmem_shared>> -> memref<10240x128xf32, #tpu.memory_space<vmem_shared>>
          tpu.enqueue_indirect_dma source(%arg11 : memref<128x128xf32, #tpu.memory_space<vmem>>) target(%dma_start3A_158 : memref<10240x128xf32, #tpu.memory_space<vmem_shared>>) offsets(%dma_start3A_155 : memref<128xi32, #tpu.memory_space<vmem>>) semaphore(%run_scoped3A_152 : memref<!tpu.dma_semaphore, #tpu.memory_space<semaphore_mem>>) {add = true}
          %dma_wait3A_159 = arith.constant 0 : i32
          %dma_wait3A_160 = tpu.memref_slice %arg9[%run_scoped3A_151, %dma_wait3A_159] : memref<8x128xi32, #tpu.memory_space<vmem>> -> memref<1x128xi32, #tpu.memory_space<vmem>>
          %dma_wait3A_161 = tpu.memref_squeeze %dma_wait3A_160 : memref<1x128xi32, #tpu.memory_space<vmem>> -> memref<128xi32, #tpu.memory_space<vmem>>
          %dma_wait3A_162 = arith.constant 0 : i32
          %dma_wait3A_163 = arith.constant 0 : i32
          %dma_wait3A_164 = tpu.memref_slice %arg12[%dma_wait3A_162, %dma_wait3A_163] : memref<10240x128xf32, #tpu.memory_space<vmem_shared>> -> memref<10240x128xf32, #tpu.memory_space<vmem_shared>>
          tpu.wait_indirect_dma semaphore(%run_scoped3A_152 : memref<!tpu.dma_semaphore, #tpu.memory_space<semaphore_mem>>) src(%arg11 : memref<128x128xf32, #tpu.memory_space<vmem>>) dst(%dma_wait3A_164 : memref<10240x128xf32, #tpu.memory_space<vmem_shared>>)
          tpu.yield
        }) : () -> ()
      }
      %scan3A_15 = arith.constant 10 : i32
      %barrier3A_16 = arith.constant 0 : index
      tpu.barrier barrier_id(%barrier3A_16)
      %scan3A_17 = arith.constant 0 : i32
      %scan3A_18 = arith.constant 20 : i32
      %scan3A_19 = arith.addi %scan3A_17, %scan3A_18 : i32
      %scan3A_20 = arith.constant 1 : i32
      scf.for %scan3A_22 = %scan3A_17 to %scan3A_19 step %scan3A_20  : i32 {
        %mul3A = arith.constant 1 : i32
        %mul3A_23 = arith.muli %scan3A_22, %mul3A : i32
        %add3A = arith.constant 0 : i32
        %add3A_24 = arith.addi %add3A, %mul3A_23 : i32
        %mul3A_25 = arith.constant 640 : i32
        %mul3A_26 = arith.muli %arg1, %mul3A_25 : i32
        %mul3A_27 = arith.constant 32 : i32
        %mul3A_28 = arith.muli %add3A_24, %mul3A_27 : i32
        %add3A_29 = arith.addi %mul3A_26, %mul3A_28 : i32
        "tpu.region"() ({
          %run_scoped3A = tpu.sem_alloc : memref<!tpu.dma_semaphore, #tpu.memory_space<semaphore_mem>>
          %dma_start3A = arith.constant 0 : i32
          %dma_start3A_30 = tpu.memref_slice %arg7[%add3A_29, %dma_start3A] : memref<10240x128xf32, #tpu.memory_space<hbm>> -> memref<32x128xf32, #tpu.memory_space<hbm>>
          %dma_start3A_31 = arith.constant 0 : i32
          %dma_start3A_32 = tpu.memref_slice %arg12[%add3A_29, %dma_start3A_31] : memref<10240x128xf32, #tpu.memory_space<vmem_shared>> -> memref<32x128xf32, #tpu.memory_space<vmem_shared>>
          tpu.enqueue_dma source(%dma_start3A_32 : memref<32x128xf32, #tpu.memory_space<vmem_shared>>) target(%dma_start3A_30 : memref<32x128xf32, #tpu.memory_space<hbm>>) target_semaphore(%run_scoped3A : memref<!tpu.dma_semaphore, #tpu.memory_space<semaphore_mem>>)
          %dma_wait3A = arith.constant 0 : i32
          %dma_wait3A_33 = tpu.memref_slice %arg7[%add3A_29, %dma_wait3A] : memref<10240x128xf32, #tpu.memory_space<hbm>> -> memref<32x128xf32, #tpu.memory_space<hbm>>
          %dma_wait3A_34 = arith.constant 0 : i32
          %dma_wait3A_35 = tpu.memref_slice %arg12[%add3A_29, %dma_wait3A_34] : memref<10240x128xf32, #tpu.memory_space<vmem_shared>> -> memref<32x128xf32, #tpu.memory_space<vmem_shared>>
          tpu.wait_dma2 semaphore(%run_scoped3A : memref<!tpu.dma_semaphore, #tpu.memory_space<semaphore_mem>>) src(%dma_wait3A_35 : memref<32x128xf32, #tpu.memory_space<vmem_shared>>) dst(%dma_wait3A_33 : memref<32x128xf32, #tpu.memory_space<hbm>>)
          tpu.yield
        }) : () -> ()
      }
      %scan3A_21 = arith.constant 20 : i32
    } else {
    }
    return
  }
}

#map = affine_map<(d0, d1) -> (0, 0)>
module attributes {stable_mosaic.version = 14 : i64} {
  func.func @k(%arg0: i32, %arg1: i32, %arg2: memref<1280x128xi32, #tpu.memory_space<hbm>>, %arg3: memref<10240x128xf32, #tpu.memory_space<hbm>>, %arg4: memref<10240x128xf32, #tpu.memory_space<hbm>>, %arg5: memref<8x128xi32, #tpu.memory_space<vmem>>, %arg6: memref<128x128xf32, #tpu.memory_space<vmem>>, %arg7: memref<10240x128xf32, #tpu.memory_space<vmem_shared>>) attributes {dimension_semantics = [#tpu.dimension_semantics<core_parallel>, #tpu.dimension_semantics<subcore_parallel>], iteration_bounds = array<i64: 2, 16>, scalar_prefetch = 0 : i64, scratch_operands = 3 : i64, tpu.core_type = #tpu.core_type<sc_vector_subcore>, window_params = [{transform_indices = #map}, {transform_indices = #map}, {transform_indices = #map}]} {
    %mul3A = arith.constant 16 : i32
    %mul3A_0 = arith.muli %arg0, %mul3A : i32
    %add3A = arith.addi %mul3A_0, %arg1 : i32
    %scan3A = arith.constant 0 : i32
    %scan3A_1 = arith.constant 128 : i32
    %scan3A_2 = arith.addi %scan3A, %scan3A_1 : i32
    %scan3A_3 = arith.constant 1 : i32
    scf.for %scan3A_23 = %scan3A to %scan3A_2 step %scan3A_3  : i32 {
      %mul3A_24 = arith.constant 1 : i32
      %mul3A_25 = arith.muli %scan3A_23, %mul3A_24 : i32
      %add3A_26 = arith.constant 0 : i32
      %add3A_27 = arith.addi %add3A_26, %mul3A_25 : i32
      %broadcast_in_dim3A = arith.constant 1.000000e+00 : f32
      %broadcast_in_dim3A_28 = vector.broadcast %broadcast_in_dim3A : f32 to vector<16xf32>
      %swap3A = arith.index_cast %add3A_27 : i32 to index
      %swap3A_29 = arith.constant 0 : index
      %swap3A_30 = tpu.vector_load %arg6[%swap3A, %swap3A_29] {strides = array<i32>} : memref<128x128xf32, #tpu.memory_space<vmem>>, vector<1x16xf32>,
      %swap3A_31 = vector.shape_cast %swap3A_30 : vector<1x16xf32> to vector<16xf32>
      %swap3A_32 = vector.shape_cast %broadcast_in_dim3A_28 : vector<16xf32> to vector<1x16xf32>
      tpu.vector_store %arg6[%swap3A, %swap3A_29], %swap3A_32 {strides = array<i32>} : memref<128x128xf32, #tpu.memory_space<vmem>>, vector<1x16xf32>,
      %broadcast_in_dim3A_33 = arith.constant 1.000000e+00 : f32
      %broadcast_in_dim3A_34 = vector.broadcast %broadcast_in_dim3A_33 : f32 to vector<16xf32>
      %swap3A_35 = arith.index_cast %add3A_27 : i32 to index
      %swap3A_36 = arith.constant 16 : index
      %swap3A_37 = tpu.vector_load %arg6[%swap3A_35, %swap3A_36] {strides = array<i32>} : memref<128x128xf32, #tpu.memory_space<vmem>>, vector<1x16xf32>,
      %swap3A_38 = vector.shape_cast %swap3A_37 : vector<1x16xf32> to vector<16xf32>
      %swap3A_39 = vector.shape_cast %broadcast_in_dim3A_34 : vector<16xf32> to vector<1x16xf32>
      tpu.vector_store %arg6[%swap3A_35, %swap3A_36], %swap3A_39 {strides = array<i32>} : memref<128x128xf32, #tpu.memory_space<vmem>>, vector<1x16xf32>,
      %broadcast_in_dim3A_40 = arith.constant 1.000000e+00 : f32
      %broadcast_in_dim3A_41 = vector.broadcast %broadcast_in_dim3A_40 : f32 to vector<16xf32>
      %swap3A_42 = arith.index_cast %add3A_27 : i32 to index
      %swap3A_43 = arith.constant 32 : index
      %swap3A_44 = tpu.vector_load %arg6[%swap3A_42, %swap3A_43] {strides = array<i32>} : memref<128x128xf32, #tpu.memory_space<vmem>>, vector<1x16xf32>,
      %swap3A_45 = vector.shape_cast %swap3A_44 : vector<1x16xf32> to vector<16xf32>
      %swap3A_46 = vector.shape_cast %broadcast_in_dim3A_41 : vector<16xf32> to vector<1x16xf32>
      tpu.vector_store %arg6[%swap3A_42, %swap3A_43], %swap3A_46 {strides = array<i32>} : memref<128x128xf32, #tpu.memory_space<vmem>>, vector<1x16xf32>,
      %broadcast_in_dim3A_47 = arith.constant 1.000000e+00 : f32
      %broadcast_in_dim3A_48 = vector.broadcast %broadcast_in_dim3A_47 : f32 to vector<16xf32>
      %swap3A_49 = arith.index_cast %add3A_27 : i32 to index
      %swap3A_50 = arith.constant 48 : index
      %swap3A_51 = tpu.vector_load %arg6[%swap3A_49, %swap3A_50] {strides = array<i32>} : memref<128x128xf32, #tpu.memory_space<vmem>>, vector<1x16xf32>,
      %swap3A_52 = vector.shape_cast %swap3A_51 : vector<1x16xf32> to vector<16xf32>
      %swap3A_53 = vector.shape_cast %broadcast_in_dim3A_48 : vector<16xf32> to vector<1x16xf32>
      tpu.vector_store %arg6[%swap3A_49, %swap3A_50], %swap3A_53 {strides = array<i32>} : memref<128x128xf32, #tpu.memory_space<vmem>>, vector<1x16xf32>,
      %broadcast_in_dim3A_54 = arith.constant 1.000000e+00 : f32
      %broadcast_in_dim3A_55 = vector.broadcast %broadcast_in_dim3A_54 : f32 to vector<16xf32>
      %swap3A_56 = arith.index_cast %add3A_27 : i32 to index
      %swap3A_57 = arith.constant 64 : index
      %swap3A_58 = tpu.vector_load %arg6[%swap3A_56, %swap3A_57] {strides = array<i32>} : memref<128x128xf32, #tpu.memory_space<vmem>>, vector<1x16xf32>,
      %swap3A_59 = vector.shape_cast %swap3A_58 : vector<1x16xf32> to vector<16xf32>
      %swap3A_60 = vector.shape_cast %broadcast_in_dim3A_55 : vector<16xf32> to vector<1x16xf32>
      tpu.vector_store %arg6[%swap3A_56, %swap3A_57], %swap3A_60 {strides = array<i32>} : memref<128x128xf32, #tpu.memory_space<vmem>>, vector<1x16xf32>,
      %broadcast_in_dim3A_61 = arith.constant 1.000000e+00 : f32
      %broadcast_in_dim3A_62 = vector.broadcast %broadcast_in_dim3A_61 : f32 to vector<16xf32>
      %swap3A_63 = arith.index_cast %add3A_27 : i32 to index
      %swap3A_64 = arith.constant 80 : index
      %swap3A_65 = tpu.vector_load %arg6[%swap3A_63, %swap3A_64] {strides = array<i32>} : memref<128x128xf32, #tpu.memory_space<vmem>>, vector<1x16xf32>,
      %swap3A_66 = vector.shape_cast %swap3A_65 : vector<1x16xf32> to vector<16xf32>
      %swap3A_67 = vector.shape_cast %broadcast_in_dim3A_62 : vector<16xf32> to vector<1x16xf32>
      tpu.vector_store %arg6[%swap3A_63, %swap3A_64], %swap3A_67 {strides = array<i32>} : memref<128x128xf32, #tpu.memory_space<vmem>>, vector<1x16xf32>,
      %broadcast_in_dim3A_68 = arith.constant 1.000000e+00 : f32
      %broadcast_in_dim3A_69 = vector.broadcast %broadcast_in_dim3A_68 : f32 to vector<16xf32>
      %swap3A_70 = arith.index_cast %add3A_27 : i32 to index
      %swap3A_71 = arith.constant 96 : index
      %swap3A_72 = tpu.vector_load %arg6[%swap3A_70, %swap3A_71] {strides = array<i32>} : memref<128x128xf32, #tpu.memory_space<vmem>>, vector<1x16xf32>,
      %swap3A_73 = vector.shape_cast %swap3A_72 : vector<1x16xf32> to vector<16xf32>
      %swap3A_74 = vector.shape_cast %broadcast_in_dim3A_69 : vector<16xf32> to vector<1x16xf32>
      tpu.vector_store %arg6[%swap3A_70, %swap3A_71], %swap3A_74 {strides = array<i32>} : memref<128x128xf32, #tpu.memory_space<vmem>>, vector<1x16xf32>,
      %broadcast_in_dim3A_75 = arith.constant 1.000000e+00 : f32
      %broadcast_in_dim3A_76 = vector.broadcast %broadcast_in_dim3A_75 : f32 to vector<16xf32>
      %swap3A_77 = arith.index_cast %add3A_27 : i32 to index
      %swap3A_78 = arith.constant 112 : index
      %swap3A_79 = tpu.vector_load %arg6[%swap3A_77, %swap3A_78] {strides = array<i32>} : memref<128x128xf32, #tpu.memory_space<vmem>>, vector<1x16xf32>,
      %swap3A_80 = vector.shape_cast %swap3A_79 : vector<1x16xf32> to vector<16xf32>
      %swap3A_81 = vector.shape_cast %broadcast_in_dim3A_76 : vector<16xf32> to vector<1x16xf32>
      tpu.vector_store %arg6[%swap3A_77, %swap3A_78], %swap3A_81 {strides = array<i32>} : memref<128x128xf32, #tpu.memory_space<vmem>>, vector<1x16xf32>,
    }
    %scan3A_4 = arith.constant 128 : i32
    %scan3A_5 = arith.constant 0 : i32
    %scan3A_6 = arith.constant 20 : i32
    %scan3A_7 = arith.addi %scan3A_5, %scan3A_6 : i32
    %scan3A_8 = arith.constant 1 : i32
    scf.for %scan3A_23 = %scan3A_5 to %scan3A_7 step %scan3A_8  : i32 {
      %mul3A_24 = arith.constant 1 : i32
      %mul3A_25 = arith.muli %scan3A_23, %mul3A_24 : i32
      %add3A_26 = arith.constant 0 : i32
      %add3A_27 = arith.addi %add3A_26, %mul3A_25 : i32
      %mul3A_28 = arith.constant 640 : i32
      %mul3A_29 = arith.muli %arg1, %mul3A_28 : i32
      %mul3A_30 = arith.constant 32 : i32
      %mul3A_31 = arith.muli %add3A_27, %mul3A_30 : i32
      %add3A_32 = arith.addi %mul3A_29, %mul3A_31 : i32
      "tpu.region"() ({
        %run_scoped3A = tpu.sem_alloc : memref<!tpu.dma_semaphore, #tpu.memory_space<semaphore_mem>>
        %dma_start3A = arith.constant 0 : i32
        %dma_start3A_33 = arith.constant 0 : i32
        %dma_start3A_34 = tpu.memref_slice %arg6[%dma_start3A, %dma_start3A_33] : memref<128x128xf32, #tpu.memory_space<vmem>> -> memref<32x128xf32, #tpu.memory_space<vmem>>
        %dma_start3A_35 = arith.constant 0 : i32
        %dma_start3A_36 = tpu.memref_slice %arg7[%add3A_32, %dma_start3A_35] : memref<10240x128xf32, #tpu.memory_space<vmem_shared>> -> memref<32x128xf32, #tpu.memory_space<vmem_shared>>
        %dma_start3A_37 = arith.constant 0 : i32
        %dma_start3A_38 = tpu.memref_slice %arg7[%add3A_32, %dma_start3A_37] : memref<10240x128xf32, #tpu.memory_space<vmem_shared>> -> memref<32x128xf32, #tpu.memory_space<vmem_shared>>
        %dma_start3A_39 = arith.constant 0 : i32
        %dma_start3A_40 = arith.constant 0 : i32
        %dma_start3A_41 = tpu.memref_slice %arg6[%dma_start3A_39, %dma_start3A_40] : memref<128x128xf32, #tpu.memory_space<vmem>> -> memref<32x128xf32, #tpu.memory_space<vmem>>
        tpu.enqueue_dma source(%dma_start3A_41 : memref<32x128xf32, #tpu.memory_space<vmem>>) target(%dma_start3A_38 : memref<32x128xf32, #tpu.memory_space<vmem_shared>>) target_semaphore(%run_scoped3A : memref<!tpu.dma_semaphore, #tpu.memory_space<semaphore_mem>>)
        %dma_wait3A = arith.constant 0 : i32
        %dma_wait3A_42 = arith.constant 0 : i32
        %dma_wait3A_43 = tpu.memref_slice %arg6[%dma_wait3A, %dma_wait3A_42] : memref<128x128xf32, #tpu.memory_space<vmem>> -> memref<32x128xf32, #tpu.memory_space<vmem>>
        %dma_wait3A_44 = arith.constant 0 : i32
        %dma_wait3A_45 = tpu.memref_slice %arg7[%add3A_32, %dma_wait3A_44] : memref<10240x128xf32, #tpu.memory_space<vmem_shared>> -> memref<32x128xf32, #tpu.memory_space<vmem_shared>>
        %dma_wait3A_46 = arith.constant 0 : i32
        %dma_wait3A_47 = tpu.memref_slice %arg7[%add3A_32, %dma_wait3A_46] : memref<10240x128xf32, #tpu.memory_space<vmem_shared>> -> memref<32x128xf32, #tpu.memory_space<vmem_shared>>
        %dma_wait3A_48 = arith.constant 0 : i32
        %dma_wait3A_49 = arith.constant 0 : i32
        %dma_wait3A_50 = tpu.memref_slice %arg6[%dma_wait3A_48, %dma_wait3A_49] : memref<128x128xf32, #tpu.memory_space<vmem>> -> memref<32x128xf32, #tpu.memory_space<vmem>>
        tpu.wait_dma2 semaphore(%run_scoped3A : memref<!tpu.dma_semaphore, #tpu.memory_space<semaphore_mem>>) src(%dma_wait3A_50 : memref<32x128xf32, #tpu.memory_space<vmem>>) dst(%dma_wait3A_47 : memref<32x128xf32, #tpu.memory_space<vmem_shared>>)
        tpu.yield
      }) : () -> ()
    }
    %scan3A_9 = arith.constant 20 : i32
    %barrier3A = arith.constant 0 : index
    tpu.barrier barrier_id(%barrier3A)
    %scan3A_10 = arith.constant 0 : i32
    %scan3A_11 = arith.constant 5 : i32
    %scan3A_12 = arith.addi %scan3A_10, %scan3A_11 : i32
    %scan3A_13 = arith.constant 1 : i32
    scf.for %scan3A_23 = %scan3A_10 to %scan3A_12 step %scan3A_13  : i32 {
      %mul3A_24 = arith.constant 1 : i32
      %mul3A_25 = arith.muli %scan3A_23, %mul3A_24 : i32
      %add3A_26 = arith.constant 0 : i32
      %add3A_27 = arith.addi %add3A_26, %mul3A_25 : i32
      %mul3A_28 = arith.constant 40 : i32
      %mul3A_29 = arith.muli %add3A, %mul3A_28 : i32
      %mul3A_30 = arith.constant 8 : i32
      %mul3A_31 = arith.muli %add3A_27, %mul3A_30 : i32
      %add3A_32 = arith.addi %mul3A_29, %mul3A_31 : i32
      "tpu.region"() ({
        %run_scoped3A_40 = tpu.sem_alloc : memref<!tpu.dma_semaphore, #tpu.memory_space<semaphore_mem>>
        %dma_start3A = arith.constant 0 : i32
        %dma_start3A_41 = tpu.memref_slice %arg2[%add3A_32, %dma_start3A] : memref<1280x128xi32, #tpu.memory_space<hbm>> -> memref<8x128xi32, #tpu.memory_space<hbm>>
        %dma_start3A_42 = arith.constant 0 : i32
        %dma_start3A_43 = tpu.memref_slice %arg2[%add3A_32, %dma_start3A_42] : memref<1280x128xi32, #tpu.memory_space<hbm>> -> memref<8x128xi32, #tpu.memory_space<hbm>>
        tpu.enqueue_dma source(%dma_start3A_43 : memref<8x128xi32, #tpu.memory_space<hbm>>) target(%arg5 : memref<8x128xi32, #tpu.memory_space<vmem>>) target_semaphore(%run_scoped3A_40 : memref<!tpu.dma_semaphore, #tpu.memory_space<semaphore_mem>>)
        %dma_wait3A = arith.constant 0 : i32
        %dma_wait3A_44 = tpu.memref_slice %arg2[%add3A_32, %dma_wait3A] : memref<1280x128xi32, #tpu.memory_space<hbm>> -> memref<8x128xi32, #tpu.memory_space<hbm>>
        %dma_wait3A_45 = arith.constant 0 : i32
        %dma_wait3A_46 = tpu.memref_slice %arg2[%add3A_32, %dma_wait3A_45] : memref<1280x128xi32, #tpu.memory_space<hbm>> -> memref<8x128xi32, #tpu.memory_space<hbm>>
        tpu.wait_dma2 semaphore(%run_scoped3A_40 : memref<!tpu.dma_semaphore, #tpu.memory_space<semaphore_mem>>) src(%dma_wait3A_46 : memref<8x128xi32, #tpu.memory_space<hbm>>) dst(%arg5 : memref<8x128xi32, #tpu.memory_space<vmem>>)
        tpu.yield
      }) : () -> ()
      %run_scoped3A = arith.constant 0 : i32
      "tpu.region"() ({
        %run_scoped3A_40 = tpu.sem_alloc : memref<!tpu.dma_semaphore, #tpu.memory_space<semaphore_mem>>
        %dma_start3A = arith.constant 0 : i32
        %dma_start3A_41 = tpu.memref_slice %arg5[%run_scoped3A, %dma_start3A] : memref<8x128xi32, #tpu.memory_space<vmem>> -> memref<1x128xi32, #tpu.memory_space<vmem>>
        %dma_start3A_42 = tpu.memref_squeeze %dma_start3A_41 : memref<1x128xi32, #tpu.memory_space<vmem>> -> memref<128xi32, #tpu.memory_space<vmem>>
        %dma_start3A_43 = arith.constant 0 : i32
        %dma_start3A_44 = arith.constant 0 : i32
        %dma_start3A_45 = tpu.memref_slice %arg7[%dma_start3A_43, %dma_start3A_44] : memref<10240x128xf32, #tpu.memory_space<vmem_shared>> -> memref<10240x128xf32, #tpu.memory_space<vmem_shared>>
        tpu.enqueue_indirect_dma source(%arg6 : memref<128x128xf32, #tpu.memory_space<vmem>>) target(%dma_start3A_45 : memref<10240x128xf32, #tpu.memory_space<vmem_shared>>) offsets(%dma_start3A_42 : memref<128xi32, #tpu.memory_space<vmem>>) semaphore(%run_scoped3A_40 : memref<!tpu.dma_semaphore, #tpu.memory_space<semaphore_mem>>) {add = true}
        %dma_wait3A = arith.constant 0 : i32
        %dma_wait3A_46 = tpu.memref_slice %arg5[%run_scoped3A, %dma_wait3A] : memref<8x128xi32, #tpu.memory_space<vmem>> -> memref<1x128xi32, #tpu.memory_space<vmem>>
        %dma_wait3A_47 = tpu.memref_squeeze %dma_wait3A_46 : memref<1x128xi32, #tpu.memory_space<vmem>> -> memref<128xi32, #tpu.memory_space<vmem>>
        %dma_wait3A_48 = arith.constant 0 : i32
        %dma_wait3A_49 = arith.constant 0 : i32
        %dma_wait3A_50 = tpu.memref_slice %arg7[%dma_wait3A_48, %dma_wait3A_49] : memref<10240x128xf32, #tpu.memory_space<vmem_shared>> -> memref<10240x128xf32, #tpu.memory_space<vmem_shared>>
        tpu.wait_indirect_dma semaphore(%run_scoped3A_40 : memref<!tpu.dma_semaphore, #tpu.memory_space<semaphore_mem>>) src(%arg6 : memref<128x128xf32, #tpu.memory_space<vmem>>) dst(%dma_wait3A_50 : memref<10240x128xf32, #tpu.memory_space<vmem_shared>>)
        tpu.yield
      }) : () -> ()
      %run_scoped3A_33 = arith.constant 1 : i32
      "tpu.region"() ({
        %run_scoped3A_40 = tpu.sem_alloc : memref<!tpu.dma_semaphore, #tpu.memory_space<semaphore_mem>>
        %dma_start3A = arith.constant 0 : i32
        %dma_start3A_41 = tpu.memref_slice %arg5[%run_scoped3A_33, %dma_start3A] : memref<8x128xi32, #tpu.memory_space<vmem>> -> memref<1x128xi32, #tpu.memory_space<vmem>>
        %dma_start3A_42 = tpu.memref_squeeze %dma_start3A_41 : memref<1x128xi32, #tpu.memory_space<vmem>> -> memref<128xi32, #tpu.memory_space<vmem>>
        %dma_start3A_43 = arith.constant 0 : i32
        %dma_start3A_44 = arith.constant 0 : i32
        %dma_start3A_45 = tpu.memref_slice %arg7[%dma_start3A_43, %dma_start3A_44] : memref<10240x128xf32, #tpu.memory_space<vmem_shared>> -> memref<10240x128xf32, #tpu.memory_space<vmem_shared>>
        tpu.enqueue_indirect_dma source(%arg6 : memref<128x128xf32, #tpu.memory_space<vmem>>) target(%dma_start3A_45 : memref<10240x128xf32, #tpu.memory_space<vmem_shared>>) offsets(%dma_start3A_42 : memref<128xi32, #tpu.memory_space<vmem>>) semaphore(%run_scoped3A_40 : memref<!tpu.dma_semaphore, #tpu.memory_space<semaphore_mem>>) {add = true}
        %dma_wait3A = arith.constant 0 : i32
        %dma_wait3A_46 = tpu.memref_slice %arg5[%run_scoped3A_33, %dma_wait3A] : memref<8x128xi32, #tpu.memory_space<vmem>> -> memref<1x128xi32, #tpu.memory_space<vmem>>
        %dma_wait3A_47 = tpu.memref_squeeze %dma_wait3A_46 : memref<1x128xi32, #tpu.memory_space<vmem>> -> memref<128xi32, #tpu.memory_space<vmem>>
        %dma_wait3A_48 = arith.constant 0 : i32
        %dma_wait3A_49 = arith.constant 0 : i32
        %dma_wait3A_50 = tpu.memref_slice %arg7[%dma_wait3A_48, %dma_wait3A_49] : memref<10240x128xf32, #tpu.memory_space<vmem_shared>> -> memref<10240x128xf32, #tpu.memory_space<vmem_shared>>
        tpu.wait_indirect_dma semaphore(%run_scoped3A_40 : memref<!tpu.dma_semaphore, #tpu.memory_space<semaphore_mem>>) src(%arg6 : memref<128x128xf32, #tpu.memory_space<vmem>>) dst(%dma_wait3A_50 : memref<10240x128xf32, #tpu.memory_space<vmem_shared>>)
        tpu.yield
      }) : () -> ()
      %run_scoped3A_34 = arith.constant 2 : i32
      "tpu.region"() ({
        %run_scoped3A_40 = tpu.sem_alloc : memref<!tpu.dma_semaphore, #tpu.memory_space<semaphore_mem>>
        %dma_start3A = arith.constant 0 : i32
        %dma_start3A_41 = tpu.memref_slice %arg5[%run_scoped3A_34, %dma_start3A] : memref<8x128xi32, #tpu.memory_space<vmem>> -> memref<1x128xi32, #tpu.memory_space<vmem>>
        %dma_start3A_42 = tpu.memref_squeeze %dma_start3A_41 : memref<1x128xi32, #tpu.memory_space<vmem>> -> memref<128xi32, #tpu.memory_space<vmem>>
        %dma_start3A_43 = arith.constant 0 : i32
        %dma_start3A_44 = arith.constant 0 : i32
        %dma_start3A_45 = tpu.memref_slice %arg7[%dma_start3A_43, %dma_start3A_44] : memref<10240x128xf32, #tpu.memory_space<vmem_shared>> -> memref<10240x128xf32, #tpu.memory_space<vmem_shared>>
        tpu.enqueue_indirect_dma source(%arg6 : memref<128x128xf32, #tpu.memory_space<vmem>>) target(%dma_start3A_45 : memref<10240x128xf32, #tpu.memory_space<vmem_shared>>) offsets(%dma_start3A_42 : memref<128xi32, #tpu.memory_space<vmem>>) semaphore(%run_scoped3A_40 : memref<!tpu.dma_semaphore, #tpu.memory_space<semaphore_mem>>) {add = true}
        %dma_wait3A = arith.constant 0 : i32
        %dma_wait3A_46 = tpu.memref_slice %arg5[%run_scoped3A_34, %dma_wait3A] : memref<8x128xi32, #tpu.memory_space<vmem>> -> memref<1x128xi32, #tpu.memory_space<vmem>>
        %dma_wait3A_47 = tpu.memref_squeeze %dma_wait3A_46 : memref<1x128xi32, #tpu.memory_space<vmem>> -> memref<128xi32, #tpu.memory_space<vmem>>
        %dma_wait3A_48 = arith.constant 0 : i32
        %dma_wait3A_49 = arith.constant 0 : i32
        %dma_wait3A_50 = tpu.memref_slice %arg7[%dma_wait3A_48, %dma_wait3A_49] : memref<10240x128xf32, #tpu.memory_space<vmem_shared>> -> memref<10240x128xf32, #tpu.memory_space<vmem_shared>>
        tpu.wait_indirect_dma semaphore(%run_scoped3A_40 : memref<!tpu.dma_semaphore, #tpu.memory_space<semaphore_mem>>) src(%arg6 : memref<128x128xf32, #tpu.memory_space<vmem>>) dst(%dma_wait3A_50 : memref<10240x128xf32, #tpu.memory_space<vmem_shared>>)
        tpu.yield
      }) : () -> ()
      %run_scoped3A_35 = arith.constant 3 : i32
      "tpu.region"() ({
        %run_scoped3A_40 = tpu.sem_alloc : memref<!tpu.dma_semaphore, #tpu.memory_space<semaphore_mem>>
        %dma_start3A = arith.constant 0 : i32
        %dma_start3A_41 = tpu.memref_slice %arg5[%run_scoped3A_35, %dma_start3A] : memref<8x128xi32, #tpu.memory_space<vmem>> -> memref<1x128xi32, #tpu.memory_space<vmem>>
        %dma_start3A_42 = tpu.memref_squeeze %dma_start3A_41 : memref<1x128xi32, #tpu.memory_space<vmem>> -> memref<128xi32, #tpu.memory_space<vmem>>
        %dma_start3A_43 = arith.constant 0 : i32
        %dma_start3A_44 = arith.constant 0 : i32
        %dma_start3A_45 = tpu.memref_slice %arg7[%dma_start3A_43, %dma_start3A_44] : memref<10240x128xf32, #tpu.memory_space<vmem_shared>> -> memref<10240x128xf32, #tpu.memory_space<vmem_shared>>
        tpu.enqueue_indirect_dma source(%arg6 : memref<128x128xf32, #tpu.memory_space<vmem>>) target(%dma_start3A_45 : memref<10240x128xf32, #tpu.memory_space<vmem_shared>>) offsets(%dma_start3A_42 : memref<128xi32, #tpu.memory_space<vmem>>) semaphore(%run_scoped3A_40 : memref<!tpu.dma_semaphore, #tpu.memory_space<semaphore_mem>>) {add = true}
        %dma_wait3A = arith.constant 0 : i32
        %dma_wait3A_46 = tpu.memref_slice %arg5[%run_scoped3A_35, %dma_wait3A] : memref<8x128xi32, #tpu.memory_space<vmem>> -> memref<1x128xi32, #tpu.memory_space<vmem>>
        %dma_wait3A_47 = tpu.memref_squeeze %dma_wait3A_46 : memref<1x128xi32, #tpu.memory_space<vmem>> -> memref<128xi32, #tpu.memory_space<vmem>>
        %dma_wait3A_48 = arith.constant 0 : i32
        %dma_wait3A_49 = arith.constant 0 : i32
        %dma_wait3A_50 = tpu.memref_slice %arg7[%dma_wait3A_48, %dma_wait3A_49] : memref<10240x128xf32, #tpu.memory_space<vmem_shared>> -> memref<10240x128xf32, #tpu.memory_space<vmem_shared>>
        tpu.wait_indirect_dma semaphore(%run_scoped3A_40 : memref<!tpu.dma_semaphore, #tpu.memory_space<semaphore_mem>>) src(%arg6 : memref<128x128xf32, #tpu.memory_space<vmem>>) dst(%dma_wait3A_50 : memref<10240x128xf32, #tpu.memory_space<vmem_shared>>)
        tpu.yield
      }) : () -> ()
      %run_scoped3A_36 = arith.constant 4 : i32
      "tpu.region"() ({
        %run_scoped3A_40 = tpu.sem_alloc : memref<!tpu.dma_semaphore, #tpu.memory_space<semaphore_mem>>
        %dma_start3A = arith.constant 0 : i32
        %dma_start3A_41 = tpu.memref_slice %arg5[%run_scoped3A_36, %dma_start3A] : memref<8x128xi32, #tpu.memory_space<vmem>> -> memref<1x128xi32, #tpu.memory_space<vmem>>
        %dma_start3A_42 = tpu.memref_squeeze %dma_start3A_41 : memref<1x128xi32, #tpu.memory_space<vmem>> -> memref<128xi32, #tpu.memory_space<vmem>>
        %dma_start3A_43 = arith.constant 0 : i32
        %dma_start3A_44 = arith.constant 0 : i32
        %dma_start3A_45 = tpu.memref_slice %arg7[%dma_start3A_43, %dma_start3A_44] : memref<10240x128xf32, #tpu.memory_space<vmem_shared>> -> memref<10240x128xf32, #tpu.memory_space<vmem_shared>>
        tpu.enqueue_indirect_dma source(%arg6 : memref<128x128xf32, #tpu.memory_space<vmem>>) target(%dma_start3A_45 : memref<10240x128xf32, #tpu.memory_space<vmem_shared>>) offsets(%dma_start3A_42 : memref<128xi32, #tpu.memory_space<vmem>>) semaphore(%run_scoped3A_40 : memref<!tpu.dma_semaphore, #tpu.memory_space<semaphore_mem>>) {add = true}
        %dma_wait3A = arith.constant 0 : i32
        %dma_wait3A_46 = tpu.memref_slice %arg5[%run_scoped3A_36, %dma_wait3A] : memref<8x128xi32, #tpu.memory_space<vmem>> -> memref<1x128xi32, #tpu.memory_space<vmem>>
        %dma_wait3A_47 = tpu.memref_squeeze %dma_wait3A_46 : memref<1x128xi32, #tpu.memory_space<vmem>> -> memref<128xi32, #tpu.memory_space<vmem>>
        %dma_wait3A_48 = arith.constant 0 : i32
        %dma_wait3A_49 = arith.constant 0 : i32
        %dma_wait3A_50 = tpu.memref_slice %arg7[%dma_wait3A_48, %dma_wait3A_49] : memref<10240x128xf32, #tpu.memory_space<vmem_shared>> -> memref<10240x128xf32, #tpu.memory_space<vmem_shared>>
        tpu.wait_indirect_dma semaphore(%run_scoped3A_40 : memref<!tpu.dma_semaphore, #tpu.memory_space<semaphore_mem>>) src(%arg6 : memref<128x128xf32, #tpu.memory_space<vmem>>) dst(%dma_wait3A_50 : memref<10240x128xf32, #tpu.memory_space<vmem_shared>>)
        tpu.yield
      }) : () -> ()
      %run_scoped3A_37 = arith.constant 5 : i32
      "tpu.region"() ({
        %run_scoped3A_40 = tpu.sem_alloc : memref<!tpu.dma_semaphore, #tpu.memory_space<semaphore_mem>>
        %dma_start3A = arith.constant 0 : i32
        %dma_start3A_41 = tpu.memref_slice %arg5[%run_scoped3A_37, %dma_start3A] : memref<8x128xi32, #tpu.memory_space<vmem>> -> memref<1x128xi32, #tpu.memory_space<vmem>>
        %dma_start3A_42 = tpu.memref_squeeze %dma_start3A_41 : memref<1x128xi32, #tpu.memory_space<vmem>> -> memref<128xi32, #tpu.memory_space<vmem>>
        %dma_start3A_43 = arith.constant 0 : i32
        %dma_start3A_44 = arith.constant 0 : i32
        %dma_start3A_45 = tpu.memref_slice %arg7[%dma_start3A_43, %dma_start3A_44] : memref<10240x128xf32, #tpu.memory_space<vmem_shared>> -> memref<10240x128xf32, #tpu.memory_space<vmem_shared>>
        tpu.enqueue_indirect_dma source(%arg6 : memref<128x128xf32, #tpu.memory_space<vmem>>) target(%dma_start3A_45 : memref<10240x128xf32, #tpu.memory_space<vmem_shared>>) offsets(%dma_start3A_42 : memref<128xi32, #tpu.memory_space<vmem>>) semaphore(%run_scoped3A_40 : memref<!tpu.dma_semaphore, #tpu.memory_space<semaphore_mem>>) {add = true}
        %dma_wait3A = arith.constant 0 : i32
        %dma_wait3A_46 = tpu.memref_slice %arg5[%run_scoped3A_37, %dma_wait3A] : memref<8x128xi32, #tpu.memory_space<vmem>> -> memref<1x128xi32, #tpu.memory_space<vmem>>
        %dma_wait3A_47 = tpu.memref_squeeze %dma_wait3A_46 : memref<1x128xi32, #tpu.memory_space<vmem>> -> memref<128xi32, #tpu.memory_space<vmem>>
        %dma_wait3A_48 = arith.constant 0 : i32
        %dma_wait3A_49 = arith.constant 0 : i32
        %dma_wait3A_50 = tpu.memref_slice %arg7[%dma_wait3A_48, %dma_wait3A_49] : memref<10240x128xf32, #tpu.memory_space<vmem_shared>> -> memref<10240x128xf32, #tpu.memory_space<vmem_shared>>
        tpu.wait_indirect_dma semaphore(%run_scoped3A_40 : memref<!tpu.dma_semaphore, #tpu.memory_space<semaphore_mem>>) src(%arg6 : memref<128x128xf32, #tpu.memory_space<vmem>>) dst(%dma_wait3A_50 : memref<10240x128xf32, #tpu.memory_space<vmem_shared>>)
        tpu.yield
      }) : () -> ()
      %run_scoped3A_38 = arith.constant 6 : i32
      "tpu.region"() ({
        %run_scoped3A_40 = tpu.sem_alloc : memref<!tpu.dma_semaphore, #tpu.memory_space<semaphore_mem>>
        %dma_start3A = arith.constant 0 : i32
        %dma_start3A_41 = tpu.memref_slice %arg5[%run_scoped3A_38, %dma_start3A] : memref<8x128xi32, #tpu.memory_space<vmem>> -> memref<1x128xi32, #tpu.memory_space<vmem>>
        %dma_start3A_42 = tpu.memref_squeeze %dma_start3A_41 : memref<1x128xi32, #tpu.memory_space<vmem>> -> memref<128xi32, #tpu.memory_space<vmem>>
        %dma_start3A_43 = arith.constant 0 : i32
        %dma_start3A_44 = arith.constant 0 : i32
        %dma_start3A_45 = tpu.memref_slice %arg7[%dma_start3A_43, %dma_start3A_44] : memref<10240x128xf32, #tpu.memory_space<vmem_shared>> -> memref<10240x128xf32, #tpu.memory_space<vmem_shared>>
        tpu.enqueue_indirect_dma source(%arg6 : memref<128x128xf32, #tpu.memory_space<vmem>>) target(%dma_start3A_45 : memref<10240x128xf32, #tpu.memory_space<vmem_shared>>) offsets(%dma_start3A_42 : memref<128xi32, #tpu.memory_space<vmem>>) semaphore(%run_scoped3A_40 : memref<!tpu.dma_semaphore, #tpu.memory_space<semaphore_mem>>) {add = true}
        %dma_wait3A = arith.constant 0 : i32
        %dma_wait3A_46 = tpu.memref_slice %arg5[%run_scoped3A_38, %dma_wait3A] : memref<8x128xi32, #tpu.memory_space<vmem>> -> memref<1x128xi32, #tpu.memory_space<vmem>>
        %dma_wait3A_47 = tpu.memref_squeeze %dma_wait3A_46 : memref<1x128xi32, #tpu.memory_space<vmem>> -> memref<128xi32, #tpu.memory_space<vmem>>
        %dma_wait3A_48 = arith.constant 0 : i32
        %dma_wait3A_49 = arith.constant 0 : i32
        %dma_wait3A_50 = tpu.memref_slice %arg7[%dma_wait3A_48, %dma_wait3A_49] : memref<10240x128xf32, #tpu.memory_space<vmem_shared>> -> memref<10240x128xf32, #tpu.memory_space<vmem_shared>>
        tpu.wait_indirect_dma semaphore(%run_scoped3A_40 : memref<!tpu.dma_semaphore, #tpu.memory_space<semaphore_mem>>) src(%arg6 : memref<128x128xf32, #tpu.memory_space<vmem>>) dst(%dma_wait3A_50 : memref<10240x128xf32, #tpu.memory_space<vmem_shared>>)
        tpu.yield
      }) : () -> ()
      %run_scoped3A_39 = arith.constant 7 : i32
      "tpu.region"() ({
        %run_scoped3A_40 = tpu.sem_alloc : memref<!tpu.dma_semaphore, #tpu.memory_space<semaphore_mem>>
        %dma_start3A = arith.constant 0 : i32
        %dma_start3A_41 = tpu.memref_slice %arg5[%run_scoped3A_39, %dma_start3A] : memref<8x128xi32, #tpu.memory_space<vmem>> -> memref<1x128xi32, #tpu.memory_space<vmem>>
        %dma_start3A_42 = tpu.memref_squeeze %dma_start3A_41 : memref<1x128xi32, #tpu.memory_space<vmem>> -> memref<128xi32, #tpu.memory_space<vmem>>
        %dma_start3A_43 = arith.constant 0 : i32
        %dma_start3A_44 = arith.constant 0 : i32
        %dma_start3A_45 = tpu.memref_slice %arg7[%dma_start3A_43, %dma_start3A_44] : memref<10240x128xf32, #tpu.memory_space<vmem_shared>> -> memref<10240x128xf32, #tpu.memory_space<vmem_shared>>
        tpu.enqueue_indirect_dma source(%arg6 : memref<128x128xf32, #tpu.memory_space<vmem>>) target(%dma_start3A_45 : memref<10240x128xf32, #tpu.memory_space<vmem_shared>>) offsets(%dma_start3A_42 : memref<128xi32, #tpu.memory_space<vmem>>) semaphore(%run_scoped3A_40 : memref<!tpu.dma_semaphore, #tpu.memory_space<semaphore_mem>>) {add = true}
        %dma_wait3A = arith.constant 0 : i32
        %dma_wait3A_46 = tpu.memref_slice %arg5[%run_scoped3A_39, %dma_wait3A] : memref<8x128xi32, #tpu.memory_space<vmem>> -> memref<1x128xi32, #tpu.memory_space<vmem>>
        %dma_wait3A_47 = tpu.memref_squeeze %dma_wait3A_46 : memref<1x128xi32, #tpu.memory_space<vmem>> -> memref<128xi32, #tpu.memory_space<vmem>>
        %dma_wait3A_48 = arith.constant 0 : i32
        %dma_wait3A_49 = arith.constant 0 : i32
        %dma_wait3A_50 = tpu.memref_slice %arg7[%dma_wait3A_48, %dma_wait3A_49] : memref<10240x128xf32, #tpu.memory_space<vmem_shared>> -> memref<10240x128xf32, #tpu.memory_space<vmem_shared>>
        tpu.wait_indirect_dma semaphore(%run_scoped3A_40 : memref<!tpu.dma_semaphore, #tpu.memory_space<semaphore_mem>>) src(%arg6 : memref<128x128xf32, #tpu.memory_space<vmem>>) dst(%dma_wait3A_50 : memref<10240x128xf32, #tpu.memory_space<vmem_shared>>)
        tpu.yield
      }) : () -> ()
    }
    %scan3A_14 = arith.constant 5 : i32
    %barrier3A_15 = arith.constant 0 : index
    tpu.barrier barrier_id(%barrier3A_15)
    %eq3A = arith.constant 0 : i32
    %eq3A_16 = arith.cmpi eq, %arg0, %eq3A : i32
    %convert_element_type3A = arith.extui %eq3A_16 : i1 to i32
    %cond3A = arith.constant 0 : i32
    %cond3A_17 = arith.cmpi ne, %convert_element_type3A, %cond3A : i32
    scf.if %cond3A_17 {
      %scan3A_23 = arith.constant 0 : i32
      %scan3A_24 = arith.constant 20 : i32
      %scan3A_25 = arith.addi %scan3A_23, %scan3A_24 : i32
      %scan3A_26 = arith.constant 1 : i32
      scf.for %scan3A_28 = %scan3A_23 to %scan3A_25 step %scan3A_26  : i32 {
        %mul3A_29 = arith.constant 1 : i32
        %mul3A_30 = arith.muli %scan3A_28, %mul3A_29 : i32
        %add3A_31 = arith.constant 0 : i32
        %add3A_32 = arith.addi %add3A_31, %mul3A_30 : i32
        %mul3A_33 = arith.constant 640 : i32
        %mul3A_34 = arith.muli %arg1, %mul3A_33 : i32
        %mul3A_35 = arith.constant 32 : i32
        %mul3A_36 = arith.muli %add3A_32, %mul3A_35 : i32
        %add3A_37 = arith.addi %mul3A_34, %mul3A_36 : i32
        "tpu.region"() ({
          %run_scoped3A = tpu.sem_alloc : memref<!tpu.dma_semaphore, #tpu.memory_space<semaphore_mem>>
          %dma_start3A = arith.constant 0 : i32
          %dma_start3A_38 = tpu.memref_slice %arg3[%add3A_37, %dma_start3A] : memref<10240x128xf32, #tpu.memory_space<hbm>> -> memref<32x128xf32, #tpu.memory_space<hbm>>
          %dma_start3A_39 = arith.constant 0 : i32
          %dma_start3A_40 = tpu.memref_slice %arg7[%add3A_37, %dma_start3A_39] : memref<10240x128xf32, #tpu.memory_space<vmem_shared>> -> memref<32x128xf32, #tpu.memory_space<vmem_shared>>
          tpu.enqueue_dma source(%dma_start3A_40 : memref<32x128xf32, #tpu.memory_space<vmem_shared>>) target(%dma_start3A_38 : memref<32x128xf32, #tpu.memory_space<hbm>>) target_semaphore(%run_scoped3A : memref<!tpu.dma_semaphore, #tpu.memory_space<semaphore_mem>>)
          %dma_wait3A = arith.constant 0 : i32
          %dma_wait3A_41 = tpu.memref_slice %arg3[%add3A_37, %dma_wait3A] : memref<10240x128xf32, #tpu.memory_space<hbm>> -> memref<32x128xf32, #tpu.memory_space<hbm>>
          %dma_wait3A_42 = arith.constant 0 : i32
          %dma_wait3A_43 = tpu.memref_slice %arg7[%add3A_37, %dma_wait3A_42] : memref<10240x128xf32, #tpu.memory_space<vmem_shared>> -> memref<32x128xf32, #tpu.memory_space<vmem_shared>>
          tpu.wait_dma2 semaphore(%run_scoped3A : memref<!tpu.dma_semaphore, #tpu.memory_space<semaphore_mem>>) src(%dma_wait3A_43 : memref<32x128xf32, #tpu.memory_space<vmem_shared>>) dst(%dma_wait3A_41 : memref<32x128xf32, #tpu.memory_space<hbm>>)
          tpu.yield
        }) : () -> ()
      }
      %scan3A_27 = arith.constant 20 : i32
    } else {
    }
    %eq3A_18 = arith.constant 1 : i32
    %eq3A_19 = arith.cmpi eq, %arg0, %eq3A_18 : i32
    %convert_element_type3A_20 = arith.extui %eq3A_19 : i1 to i32
    %cond3A_21 = arith.constant 0 : i32
    %cond3A_22 = arith.cmpi ne, %convert_element_type3A_20, %cond3A_21 : i32
    scf.if %cond3A_22 {
      %scan3A_23 = arith.constant 0 : i32
      %scan3A_24 = arith.constant 20 : i32
      %scan3A_25 = arith.addi %scan3A_23, %scan3A_24 : i32
      %scan3A_26 = arith.constant 1 : i32
      scf.for %scan3A_28 = %scan3A_23 to %scan3A_25 step %scan3A_26  : i32 {
        %mul3A_29 = arith.constant 1 : i32
        %mul3A_30 = arith.muli %scan3A_28, %mul3A_29 : i32
        %add3A_31 = arith.constant 0 : i32
        %add3A_32 = arith.addi %add3A_31, %mul3A_30 : i32
        %mul3A_33 = arith.constant 640 : i32
        %mul3A_34 = arith.muli %arg1, %mul3A_33 : i32
        %mul3A_35 = arith.constant 32 : i32
        %mul3A_36 = arith.muli %add3A_32, %mul3A_35 : i32
        %add3A_37 = arith.addi %mul3A_34, %mul3A_36 : i32
        "tpu.region"() ({
          %run_scoped3A = tpu.sem_alloc : memref<!tpu.dma_semaphore, #tpu.memory_space<semaphore_mem>>
          %dma_start3A = arith.constant 0 : i32
          %dma_start3A_38 = tpu.memref_slice %arg4[%add3A_37, %dma_start3A] : memref<10240x128xf32, #tpu.memory_space<hbm>> -> memref<32x128xf32, #tpu.memory_space<hbm>>
          %dma_start3A_39 = arith.constant 0 : i32
          %dma_start3A_40 = tpu.memref_slice %arg7[%add3A_37, %dma_start3A_39] : memref<10240x128xf32, #tpu.memory_space<vmem_shared>> -> memref<32x128xf32, #tpu.memory_space<vmem_shared>>
          tpu.enqueue_dma source(%dma_start3A_40 : memref<32x128xf32, #tpu.memory_space<vmem_shared>>) target(%dma_start3A_38 : memref<32x128xf32, #tpu.memory_space<hbm>>) target_semaphore(%run_scoped3A : memref<!tpu.dma_semaphore, #tpu.memory_space<semaphore_mem>>)
          %dma_wait3A = arith.constant 0 : i32
          %dma_wait3A_41 = tpu.memref_slice %arg4[%add3A_37, %dma_wait3A] : memref<10240x128xf32, #tpu.memory_space<hbm>> -> memref<32x128xf32, #tpu.memory_space<hbm>>
          %dma_wait3A_42 = arith.constant 0 : i32
          %dma_wait3A_43 = tpu.memref_slice %arg7[%add3A_37, %dma_wait3A_42] : memref<10240x128xf32, #tpu.memory_space<vmem_shared>> -> memref<32x128xf32, #tpu.memory_space<vmem_shared>>
          tpu.wait_dma2 semaphore(%run_scoped3A : memref<!tpu.dma_semaphore, #tpu.memory_space<semaphore_mem>>) src(%dma_wait3A_43 : memref<32x128xf32, #tpu.memory_space<vmem_shared>>) dst(%dma_wait3A_41 : memref<32x128xf32, #tpu.memory_space<hbm>>)
          tpu.yield
        }) : () -> ()
      }
      %scan3A_27 = arith.constant 20 : i32
    } else {
    }
    return
  }
}

module attributes {stable_mosaic.version = 14 : i64} {
  func.func @body(%arg0: i32, %arg1: memref<1000x256xf32, #tpu.memory_space<vmem>>, %arg2: memref<256x256xf32, #tpu.memory_space<vmem>>, %arg3: memref<1000x128xf32, #tpu.memory_space<vmem>>, %arg4: memref<1000x128xf32, #tpu.memory_space<vmem>>) attributes {dimension_semantics = [#tpu.dimension_semantics<arbitrary>], iteration_bounds = array<i64: 10>, scalar_prefetch = 0 : i64, scratch_operands = 0 : i64, tpu.core_type = #tpu.core_type<tc>, window_params = [{transform_indices = @transform_0, window_bounds = array<i64: 1000, 256>}, {pipeline_mode = #tpu.pipeline_mode<synchronous>, transform_indices = @transform_1, window_bounds = array<i64: 256, 256>}, {transform_indices = @transform_2, window_bounds = array<i64: 1000, 128>}, {transform_indices = @transform_3, window_bounds = array<i64: 1000, 128>}]} {
    %get3A = arith.constant 0 : index
    %get3A_0 = arith.constant 0 : index
    %get3A_1 = vector.load %arg1[%get3A, %get3A_0] : memref<1000x256xf32, #tpu.memory_space<vmem>>, vector<1000x256xf32>
    %get3A_2 = arith.constant 0 : index
    %get3A_3 = arith.constant 0 : index
    %get3A_4 = vector.load %arg2[%get3A_2, %get3A_3] : memref<256x256xf32, #tpu.memory_space<vmem>>, vector<256x256xf32>
    %dot_general3A = arith.constant dense<0.000000e+00> : vector<1000x256xf32>
    %dot_general3A_5 = tpu.matmul %get3A_1, %get3A_4, %dot_general3A {dimension_numbers = #tpu.dot_dimension_numbers<[1], [0], [0], [1], [0, 0, 1, 1], [], []>, transpose_lhs_hint = false} : vector<1000x256xf32>, vector<256x256xf32>, vector<1000x256xf32> -> vector<1000x256xf32>
    %slice3A = vector.extract_strided_slice %dot_general3A_5 {offsets = [0, 0], sizes = [1000, 128], strides = [1, 1]} : vector<1000x256xf32> to vector<1000x128xf32>
    %swap3A = arith.constant 0 : index
    %swap3A_6 = arith.constant 0 : index
    %swap3A_7 = vector.load %arg3[%swap3A, %swap3A_6] : memref<1000x128xf32, #tpu.memory_space<vmem>>, vector<1000x128xf32>
    tpu.vector_store %arg3[%swap3A, %swap3A_6], %slice3A {strides = array<i32>} : memref<1000x128xf32, #tpu.memory_space<vmem>>, vector<1000x128xf32>,
    %slice3A_8 = vector.extract_strided_slice %dot_general3A_5 {offsets = [0, 128], sizes = [1000, 128], strides = [1, 1]} : vector<1000x256xf32> to vector<1000x128xf32>
    %swap3A_9 = arith.constant 0 : index
    %swap3A_10 = arith.constant 0 : index
    %swap3A_11 = vector.load %arg4[%swap3A_9, %swap3A_10] : memref<1000x128xf32, #tpu.memory_space<vmem>>, vector<1000x128xf32>
    tpu.vector_store %arg4[%swap3A_9, %swap3A_10], %slice3A_8 {strides = array<i32>} : memref<1000x128xf32, #tpu.memory_space<vmem>>, vector<1000x128xf32>,
    return
  }
  func.func @transform_0(%arg0: i32) -> (i32, i32) {
    %c0_i32 = arith.constant 0 : i32
    %c0_i32_0 = arith.constant 0 : i32
    return %arg0, %c0_i32 : i32, i32
  }
  func.func @transform_1(%arg0: i32) -> (i32, i32) {
    %c0_i32 = arith.constant 0 : i32
    %c0_i32_0 = arith.constant 0 : i32
    %c0_i32_1 = arith.constant 0 : i32
    return %c0_i32, %c0_i32_0 : i32, i32
  }
  func.func @transform_2(%arg0: i32) -> (i32, i32) {
    %c0_i32 = arith.constant 0 : i32
    %c0_i32_0 = arith.constant 0 : i32
    return %arg0, %c0_i32 : i32, i32
  }
  func.func @transform_3(%arg0: i32) -> (i32, i32) {
    %c0_i32 = arith.constant 0 : i32
    %c0_i32_0 = arith.constant 0 : i32
    return %arg0, %c0_i32 : i32, i32
  }
}

module attributes {stable_mosaic.version = 14 : i64} {
  func.func @body(%arg0: i32, %arg1: memref<1000x128xf32, #tpu.memory_space<vmem>>, %arg2: memref<1000x128xf32, #tpu.memory_space<vmem>>, %arg3: memref<1000x128xf32, #tpu.memory_space<vmem>>, %arg4: memref<1000x128xf32, #tpu.memory_space<vmem>>, %arg5: memref<1000x128xf32, #tpu.memory_space<vmem>>, %arg6: memref<1000x128xf32, #tpu.memory_space<vmem>>, %arg7: memref<1000x128xf32, #tpu.memory_space<vmem>>) attributes {dimension_semantics = [#tpu.dimension_semantics<arbitrary>], iteration_bounds = array<i64: 10>, scalar_prefetch = 0 : i64, scratch_operands = 0 : i64, tpu.core_type = #tpu.core_type<tc>, window_params = [{transform_indices = @transform_0, window_bounds = array<i64: 1000, 128>}, {transform_indices = @transform_1, window_bounds = array<i64: 1000, 128>}, {transform_indices = @transform_2, window_bounds = array<i64: 1000, 128>}, {transform_indices = @transform_3, window_bounds = array<i64: 1000, 128>}, {transform_indices = @transform_4, window_bounds = array<i64: 1000, 128>}, {transform_indices = @transform_5, window_bounds = array<i64: 1000, 128>}, {transform_indices = @transform_6, window_bounds = array<i64: 1000, 128>}]} {
    %get3A = arith.constant 0 : index
    %get3A_0 = arith.constant 0 : index
    %get3A_1 = vector.load %arg3[%get3A, %get3A_0] : memref<1000x128xf32, #tpu.memory_space<vmem>>, vector<1000x128xf32>
    %slice3A = vector.extract_strided_slice %get3A_1 {offsets = [0, 0], sizes = [1000, 1], strides = [1, 1]} : vector<1000x128xf32> to vector<1000x1xf32>
    %get3A_2 = arith.constant 0 : index
    %get3A_3 = arith.constant 0 : index
    %get3A_4 = vector.load %arg4[%get3A_2, %get3A_3] : memref<1000x128xf32, #tpu.memory_space<vmem>>, vector<1000x128xf32>
    %slice3A_5 = vector.extract_strided_slice %get3A_4 {offsets = [0, 0], sizes = [1000, 1], strides = [1, 1]} : vector<1000x128xf32> to vector<1000x1xf32>
    %add3A = arith.addf %slice3A, %slice3A_5 : vector<1000x1xf32>
    %sub3A = arith.constant 1.000000e+00 : f32
    %sub3A_6 = vector.broadcast %sub3A : f32 to vector<1000x1xf32>
    %sub3A_7 = arith.subf %add3A, %sub3A_6 : vector<1000x1xf32>
    %max3A = arith.constant 9.99999996E-13 : f32
    %max3A_8 = vector.broadcast %max3A : f32 to vector<1000x1xf32>
    %max3A_9 = arith.maximumf %sub3A_7, %max3A_8 : vector<1000x1xf32>
    %rsqrt3A = math.rsqrt %max3A_9 : vector<1000x1xf32>
    %broadcast_in_dim3A = vector.shape_cast %rsqrt3A : vector<1000x1xf32> to vector<1000x1xf32>
    %broadcast_in_dim3A_10 = vector.broadcast %broadcast_in_dim3A : vector<1000x1xf32> to vector<1000x128xf32>
    %swap3A = arith.constant 0 : index
    %swap3A_11 = arith.constant 0 : index
    %swap3A_12 = vector.load %arg7[%swap3A, %swap3A_11] : memref<1000x128xf32, #tpu.memory_space<vmem>>, vector<1000x128xf32>
    tpu.vector_store %arg7[%swap3A, %swap3A_11], %broadcast_in_dim3A_10 {strides = array<i32>} : memref<1000x128xf32, #tpu.memory_space<vmem>>, vector<1000x128xf32>,
    %get3A_13 = arith.constant 0 : index
    %get3A_14 = arith.constant 0 : index
    %get3A_15 = vector.load %arg1[%get3A_13, %get3A_14] : memref<1000x128xf32, #tpu.memory_space<vmem>>, vector<1000x128xf32>
    %mul3A = arith.mulf %get3A_15, %broadcast_in_dim3A_10 : vector<1000x128xf32>
    %swap3A_16 = arith.constant 0 : index
    %swap3A_17 = arith.constant 0 : index
    %swap3A_18 = vector.load %arg5[%swap3A_16, %swap3A_17] : memref<1000x128xf32, #tpu.memory_space<vmem>>, vector<1000x128xf32>
    tpu.vector_store %arg5[%swap3A_16, %swap3A_17], %mul3A {strides = array<i32>} : memref<1000x128xf32, #tpu.memory_space<vmem>>, vector<1000x128xf32>,
    %get3A_19 = arith.constant 0 : index
    %get3A_20 = arith.constant 0 : index
    %get3A_21 = vector.load %arg2[%get3A_19, %get3A_20] : memref<1000x128xf32, #tpu.memory_space<vmem>>, vector<1000x128xf32>
    %mul3A_22 = arith.mulf %get3A_21, %broadcast_in_dim3A_10 : vector<1000x128xf32>
    %swap3A_23 = arith.constant 0 : index
    %swap3A_24 = arith.constant 0 : index
    %swap3A_25 = vector.load %arg6[%swap3A_23, %swap3A_24] : memref<1000x128xf32, #tpu.memory_space<vmem>>, vector<1000x128xf32>
    tpu.vector_store %arg6[%swap3A_23, %swap3A_24], %mul3A_22 {strides = array<i32>} : memref<1000x128xf32, #tpu.memory_space<vmem>>, vector<1000x128xf32>,
    return
  }
  func.func @transform_0(%arg0: i32) -> (i32, i32) {
    %c0_i32 = arith.constant 0 : i32
    %c0_i32_0 = arith.constant 0 : i32
    return %arg0, %c0_i32 : i32, i32
  }
  func.func @transform_1(%arg0: i32) -> (i32, i32) {
    %c0_i32 = arith.constant 0 : i32
    %c0_i32_0 = arith.constant 0 : i32
    return %arg0, %c0_i32 : i32, i32
  }
  func.func @transform_2(%arg0: i32) -> (i32, i32) {
    %c0_i32 = arith.constant 0 : i32
    %c0_i32_0 = arith.constant 0 : i32
    return %arg0, %c0_i32 : i32, i32
  }
  func.func @transform_3(%arg0: i32) -> (i32, i32) {
    %c0_i32 = arith.constant 0 : i32
    %c0_i32_0 = arith.constant 0 : i32
    return %arg0, %c0_i32 : i32, i32
  }
  func.func @transform_4(%arg0: i32) -> (i32, i32) {
    %c0_i32 = arith.constant 0 : i32
    %c0_i32_0 = arith.constant 0 : i32
    return %arg0, %c0_i32 : i32, i32
  }
  func.func @transform_5(%arg0: i32) -> (i32, i32) {
    %c0_i32 = arith.constant 0 : i32
    %c0_i32_0 = arith.constant 0 : i32
    return %arg0, %c0_i32 : i32, i32
  }
  func.func @transform_6(%arg0: i32) -> (i32, i32) {
    %c0_i32 = arith.constant 0 : i32
    %c0_i32_0 = arith.constant 0 : i32
    return %arg0, %c0_i32 : i32, i32
  }
}

module attributes {stable_mosaic.version = 14 : i64} {
  func.func @body(%arg0: i32, %arg1: memref<1000x128xf32, #tpu.memory_space<vmem>>, %arg2: memref<1000x128xf32, #tpu.memory_space<vmem>>, %arg3: memref<1000x128xf32, #tpu.memory_space<vmem>>, %arg4: memref<1x256xf32, #tpu.memory_space<vmem>>, %arg5: memref<256x256xf32, #tpu.memory_space<vmem>>, %arg6: memref<1000x128xf32, #tpu.memory_space<vmem>>, %arg7: memref<1000x128xf32, #tpu.memory_space<vmem>>) attributes {dimension_semantics = [#tpu.dimension_semantics<arbitrary>], iteration_bounds = array<i64: 10>, scalar_prefetch = 0 : i64, scratch_operands = 0 : i64, tpu.core_type = #tpu.core_type<tc>, window_params = [{transform_indices = @transform_0, window_bounds = array<i64: 1000, 128>}, {transform_indices = @transform_1, window_bounds = array<i64: 1000, 128>}, {transform_indices = @transform_2, window_bounds = array<i64: 1000, 128>}, {pipeline_mode = #tpu.pipeline_mode<synchronous>, transform_indices = @transform_3, window_bounds = array<i64: 1, 256>}, {pipeline_mode = #tpu.pipeline_mode<synchronous>, transform_indices = @transform_4, window_bounds = array<i64: 256, 256>}, {transform_indices = @transform_5, window_bounds = array<i64: 1000, 128>}, {transform_indices = @transform_6, window_bounds = array<i64: 1000, 128>}]} {
    %get3A = arith.constant 0 : index
    %get3A_0 = arith.constant 0 : index
    %get3A_1 = vector.load %arg3[%get3A, %get3A_0] : memref<1000x128xf32, #tpu.memory_space<vmem>>, vector<1000x128xf32>
    %get3A_2 = arith.constant 0 : index
    %get3A_3 = arith.constant 0 : index
    %get3A_4 = vector.load %arg1[%get3A_2, %get3A_3] : memref<1000x128xf32, #tpu.memory_space<vmem>>, vector<1000x128xf32>
    %mul3A = arith.mulf %get3A_4, %get3A_1 : vector<1000x128xf32>
    %get3A_5 = arith.constant 0 : index
    %get3A_6 = arith.constant 0 : index
    %get3A_7 = vector.load %arg4[%get3A_5, %get3A_6] : memref<1x256xf32, #tpu.memory_space<vmem>>, vector<1x256xf32>
    %slice3A = vector.extract_strided_slice %get3A_7 {offsets = [0, 0], sizes = [1, 128], strides = [1, 1]} : vector<1x256xf32> to vector<1x128xf32>
    %add3A = vector.broadcast %slice3A : vector<1x128xf32> to vector<1000x128xf32>
    %add3A_8 = arith.addf %mul3A, %add3A : vector<1000x128xf32>
    %max3A = arith.constant 0.000000e+00 : f32
    %max3A_9 = vector.broadcast %max3A : f32 to vector<1000x128xf32>
    %max3A_10 = arith.maximumf %add3A_8, %max3A_9 : vector<1000x128xf32>
    %get3A_11 = arith.constant 0 : index
    %get3A_12 = arith.constant 0 : index
    %get3A_13 = vector.load %arg2[%get3A_11, %get3A_12] : memref<1000x128xf32, #tpu.memory_space<vmem>>, vector<1000x128xf32>
    %mul3A_14 = arith.mulf %get3A_13, %get3A_1 : vector<1000x128xf32>
    %get3A_15 = arith.constant 0 : index
    %get3A_16 = arith.constant 0 : index
    %get3A_17 = vector.load %arg4[%get3A_15, %get3A_16] : memref<1x256xf32, #tpu.memory_space<vmem>>, vector<1x256xf32>
    %slice3A_18 = vector.extract_strided_slice %get3A_17 {offsets = [0, 128], sizes = [1, 128], strides = [1, 1]} : vector<1x256xf32> to vector<1x128xf32>
    %add3A_19 = vector.broadcast %slice3A_18 : vector<1x128xf32> to vector<1000x128xf32>
    %add3A_20 = arith.addf %mul3A_14, %add3A_19 : vector<1000x128xf32>
    %max3A_21 = arith.constant 0.000000e+00 : f32
    %max3A_22 = vector.broadcast %max3A_21 : f32 to vector<1000x128xf32>
    %max3A_23 = arith.maximumf %add3A_20, %max3A_22 : vector<1000x128xf32>
    %get3A_24 = arith.constant 0 : index
    %get3A_25 = arith.constant 0 : index
    %get3A_26 = vector.load %arg5[%get3A_24, %get3A_25] : memref<256x256xf32, #tpu.memory_space<vmem>>, vector<256x256xf32>
    %slice3A_27 = vector.extract_strided_slice %get3A_26 {offsets = [0, 0], sizes = [128, 256], strides = [1, 1]} : vector<256x256xf32> to vector<128x256xf32>
    %dot_general3A = arith.constant dense<0.000000e+00> : vector<1000x256xf32>
    %dot_general3A_28 = tpu.matmul %max3A_10, %slice3A_27, %dot_general3A {dimension_numbers = #tpu.dot_dimension_numbers<[1], [0], [0], [1], [0, 0, 1, 1], [], []>, transpose_lhs_hint = false} : vector<1000x128xf32>, vector<128x256xf32>, vector<1000x256xf32> -> vector<1000x256xf32>
    %get3A_29 = arith.constant 0 : index
    %get3A_30 = arith.constant 0 : index
    %get3A_31 = vector.load %arg5[%get3A_29, %get3A_30] : memref<256x256xf32, #tpu.memory_space<vmem>>, vector<256x256xf32>
    %slice3A_32 = vector.extract_strided_slice %get3A_31 {offsets = [128, 0], sizes = [128, 256], strides = [1, 1]} : vector<256x256xf32> to vector<128x256xf32>
    %dot_general3A_33 = arith.constant dense<0.000000e+00> : vector<1000x256xf32>
    %dot_general3A_34 = tpu.matmul %max3A_23, %slice3A_32, %dot_general3A_33 {dimension_numbers = #tpu.dot_dimension_numbers<[1], [0], [0], [1], [0, 0, 1, 1], [], []>, transpose_lhs_hint = false} : vector<1000x128xf32>, vector<128x256xf32>, vector<1000x256xf32> -> vector<1000x256xf32>
    %add3A_35 = arith.addf %dot_general3A_28, %dot_general3A_34 : vector<1000x256xf32>
    %slice3A_36 = vector.extract_strided_slice %add3A_35 {offsets = [0, 0], sizes = [1000, 128], strides = [1, 1]} : vector<1000x256xf32> to vector<1000x128xf32>
    %mul3A_37 = arith.mulf %slice3A_36, %get3A_1 : vector<1000x128xf32>
    %swap3A = arith.constant 0 : index
    %swap3A_38 = arith.constant 0 : index
    %swap3A_39 = vector.load %arg6[%swap3A, %swap3A_38] : memref<1000x128xf32, #tpu.memory_space<vmem>>, vector<1000x128xf32>
    tpu.vector_store %arg6[%swap3A, %swap3A_38], %mul3A_37 {strides = array<i32>} : memref<1000x128xf32, #tpu.memory_space<vmem>>, vector<1000x128xf32>,
    %slice3A_40 = vector.extract_strided_slice %add3A_35 {offsets = [0, 128], sizes = [1000, 128], strides = [1, 1]} : vector<1000x256xf32> to vector<1000x128xf32>
    %mul3A_41 = arith.mulf %slice3A_40, %get3A_1 : vector<1000x128xf32>
    %swap3A_42 = arith.constant 0 : index
    %swap3A_43 = arith.constant 0 : index
    %swap3A_44 = vector.load %arg7[%swap3A_42, %swap3A_43] : memref<1000x128xf32, #tpu.memory_space<vmem>>, vector<1000x128xf32>
    tpu.vector_store %arg7[%swap3A_42, %swap3A_43], %mul3A_41 {strides = array<i32>} : memref<1000x128xf32, #tpu.memory_space<vmem>>, vector<1000x128xf32>,
    return
  }
  func.func @transform_0(%arg0: i32) -> (i32, i32) {
    %c0_i32 = arith.constant 0 : i32
    %c0_i32_0 = arith.constant 0 : i32
    return %arg0, %c0_i32 : i32, i32
  }
  func.func @transform_1(%arg0: i32) -> (i32, i32) {
    %c0_i32 = arith.constant 0 : i32
    %c0_i32_0 = arith.constant 0 : i32
    return %arg0, %c0_i32 : i32, i32
  }
  func.func @transform_2(%arg0: i32) -> (i32, i32) {
    %c0_i32 = arith.constant 0 : i32
    %c0_i32_0 = arith.constant 0 : i32
    return %arg0, %c0_i32 : i32, i32
  }
  func.func @transform_3(%arg0: i32) -> (i32, i32) {
    %c0_i32 = arith.constant 0 : i32
    %c0_i32_0 = arith.constant 0 : i32
    %c0_i32_1 = arith.constant 0 : i32
    return %c0_i32, %c0_i32_0 : i32, i32
  }
  func.func @transform_4(%arg0: i32) -> (i32, i32) {
    %c0_i32 = arith.constant 0 : i32
    %c0_i32_0 = arith.constant 0 : i32
    %c0_i32_1 = arith.constant 0 : i32
    return %c0_i32, %c0_i32_0 : i32, i32
  }
  func.func @transform_5(%arg0: i32) -> (i32, i32) {
    %c0_i32 = arith.constant 0 : i32
    %c0_i32_0 = arith.constant 0 : i32
    return %arg0, %c0_i32 : i32, i32
  }
  func.func @transform_6(%arg0: i32) -> (i32, i32) {
    %c0_i32 = arith.constant 0 : i32
    %c0_i32_0 = arith.constant 0 : i32
    return %arg0, %c0_i32 : i32, i32
  }
}

module attributes {stable_mosaic.version = 14 : i64} {
  func.func @body(%arg0: i32, %arg1: memref<1000x128xf32, #tpu.memory_space<vmem>>, %arg2: memref<1000x128xf32, #tpu.memory_space<vmem>>, %arg3: memref<1000x128xf32, #tpu.memory_space<vmem>>, %arg4: memref<1x256xf32, #tpu.memory_space<vmem>>, %arg5: memref<1x1x1000xi32, #tpu.memory_space<vmem>>, %arg6: memref<256x128xf32, #tpu.memory_space<vmem>>, %arg7: memref<1x128xf32, #tpu.memory_space<vmem>>, %arg8: memref<64x128xf32, #tpu.memory_space<vmem>>, %arg9: memref<64x256xf32, #tpu.memory_space<vmem>>, %arg10: memref<64x128xf32, #tpu.memory_space<vmem>>) attributes {dimension_semantics = [#tpu.dimension_semantics<arbitrary>], iteration_bounds = array<i64: 10>, scalar_prefetch = 0 : i64, scratch_operands = 2 : i64, tpu.core_type = #tpu.core_type<tc>, window_params = [{transform_indices = @transform_0, window_bounds = array<i64: 1000, 128>}, {transform_indices = @transform_1, window_bounds = array<i64: 1000, 128>}, {transform_indices = @transform_2, window_bounds = array<i64: 1000, 128>}, {pipeline_mode = #tpu.pipeline_mode<synchronous>, transform_indices = @transform_3, window_bounds = array<i64: 1, 256>}, {transform_indices = @transform_4, window_bounds = array<i64: 1, 1, 1000>}, {pipeline_mode = #tpu.pipeline_mode<synchronous>, transform_indices = @transform_5, window_bounds = array<i64: 256, 128>}, {pipeline_mode = #tpu.pipeline_mode<synchronous>, transform_indices = @transform_6, window_bounds = array<i64: 1, 128>}, {pipeline_mode = #tpu.pipeline_mode<synchronous>, transform_indices = @transform_7, window_bounds = array<i64: 64, 128>}]} {
    %eq3A = arith.constant 0 : i32
    %eq3A_0 = arith.cmpi eq, %arg0, %eq3A : i32
    %convert_element_type3A = arith.extui %eq3A_0 : i1 to i32
    %cond3A = arith.constant 0 : i32
    %cond3A_1 = arith.cmpi ne, %convert_element_type3A, %cond3A : i32
    scf.if %cond3A_1 {
      %broadcast_in_dim3A_66 = arith.constant 0.000000e+00 : f32
      %broadcast_in_dim3A_67 = vector.broadcast %broadcast_in_dim3A_66 : f32 to vector<64x256xf32>
      %swap3A_68 = arith.constant 0 : index
      %swap3A_69 = arith.constant 0 : index
      %swap3A_70 = vector.load %arg9[%swap3A_68, %swap3A_69] : memref<64x256xf32, #tpu.memory_space<vmem>>, vector<64x256xf32>
      tpu.vector_store %arg9[%swap3A_68, %swap3A_69], %broadcast_in_dim3A_67 {strides = array<i32>} : memref<64x256xf32, #tpu.memory_space<vmem>>, vector<64x256xf32>,
      %broadcast_in_dim3A_71 = arith.constant 0.000000e+00 : f32
      %broadcast_in_dim3A_72 = vector.broadcast %broadcast_in_dim3A_71 : f32 to vector<64x128xf32>
      %swap3A_73 = arith.constant 0 : index
      %swap3A_74 = arith.constant 0 : index
      %swap3A_75 = vector.load %arg10[%swap3A_73, %swap3A_74] : memref<64x128xf32, #tpu.memory_space<vmem>>, vector<64x128xf32>
      tpu.vector_store %arg10[%swap3A_73, %swap3A_74], %broadcast_in_dim3A_72 {strides = array<i32>} : memref<64x128xf32, #tpu.memory_space<vmem>>, vector<64x128xf32>,
    } else {
    }
    %get3A = arith.constant 0 : index
    %get3A_2 = arith.constant 0 : index
    %get3A_3 = vector.load %arg3[%get3A, %get3A_2] : memref<1000x128xf32, #tpu.memory_space<vmem>>, vector<1000x128xf32>
    %get3A_4 = arith.constant 0 : index
    %get3A_5 = arith.constant 0 : index
    %get3A_6 = vector.load %arg1[%get3A_4, %get3A_5] : memref<1000x128xf32, #tpu.memory_space<vmem>>, vector<1000x128xf32>
    %mul3A = arith.mulf %get3A_6, %get3A_3 : vector<1000x128xf32>
    %get3A_7 = arith.constant 0 : index
    %get3A_8 = arith.constant 0 : index
    %get3A_9 = vector.load %arg4[%get3A_7, %get3A_8] : memref<1x256xf32, #tpu.memory_space<vmem>>, vector<1x256xf32>
    %slice3A = vector.extract_strided_slice %get3A_9 {offsets = [0, 0], sizes = [1, 128], strides = [1, 1]} : vector<1x256xf32> to vector<1x128xf32>
    %add3A = vector.broadcast %slice3A : vector<1x128xf32> to vector<1000x128xf32>
    %add3A_10 = arith.addf %mul3A, %add3A : vector<1000x128xf32>
    %max3A = arith.constant 0.000000e+00 : f32
    %max3A_11 = vector.broadcast %max3A : f32 to vector<1000x128xf32>
    %max3A_12 = arith.maximumf %add3A_10, %max3A_11 : vector<1000x128xf32>
    %get3A_13 = arith.constant 0 : index
    %get3A_14 = arith.constant 0 : index
    %get3A_15 = vector.load %arg2[%get3A_13, %get3A_14] : memref<1000x128xf32, #tpu.memory_space<vmem>>, vector<1000x128xf32>
    %mul3A_16 = arith.mulf %get3A_15, %get3A_3 : vector<1000x128xf32>
    %get3A_17 = arith.constant 0 : index
    %get3A_18 = arith.constant 0 : index
    %get3A_19 = vector.load %arg4[%get3A_17, %get3A_18] : memref<1x256xf32, #tpu.memory_space<vmem>>, vector<1x256xf32>
    %slice3A_20 = vector.extract_strided_slice %get3A_19 {offsets = [0, 128], sizes = [1, 128], strides = [1, 1]} : vector<1x256xf32> to vector<1x128xf32>
    %add3A_21 = vector.broadcast %slice3A_20 : vector<1x128xf32> to vector<1000x128xf32>
    %add3A_22 = arith.addf %mul3A_16, %add3A_21 : vector<1000x128xf32>
    %max3A_23 = arith.constant 0.000000e+00 : f32
    %max3A_24 = vector.broadcast %max3A_23 : f32 to vector<1000x128xf32>
    %max3A_25 = arith.maximumf %add3A_22, %max3A_24 : vector<1000x128xf32>
    %get3A_26 = arith.constant 0 : index
    %get3A_27 = arith.constant 0 : index
    %get3A_28 = arith.constant 0 : index
    %get3A_29 = vector.load %arg5[%get3A_26, %get3A_27, %get3A_28] : memref<1x1x1000xi32, #tpu.memory_space<vmem>>, vector<1x1x1000xi32>
    %reshape3A = vector.shape_cast %get3A_29 : vector<1x1x1000xi32> to vector<1x1000xi32>
    %iota3A = tpu.iota {dimensions = array<i32: 0>} : vector<64x1000xi32>
    %broadcast_in_dim3A = vector.shape_cast %reshape3A : vector<1x1000xi32> to vector<1x1000xi32>
    %broadcast_in_dim3A_30 = vector.broadcast %broadcast_in_dim3A : vector<1x1000xi32> to vector<64x1000xi32>
    %eq3A_31 = arith.cmpi eq, %iota3A, %broadcast_in_dim3A_30 : vector<64x1000xi32>
    %convert_element_type3A_32 = arith.extui %eq3A_31 : vector<64x1000xi1> to vector<64x1000xi32>
    %convert_element_type3A_33 = arith.sitofp %convert_element_type3A_32 : vector<64x1000xi32> to vector<64x1000xf32>
    %get3A_34 = arith.constant 0 : index
    %get3A_35 = arith.constant 0 : index
    %get3A_36 = vector.load %arg9[%get3A_34, %get3A_35] : memref<64x256xf32, #tpu.memory_space<vmem>>, vector<64x128xf32>
    %dot_general3A = arith.constant dense<0.000000e+00> : vector<64x128xf32>
    %dot_general3A_37 = tpu.matmul %convert_element_type3A_33, %max3A_12, %dot_general3A {dimension_numbers = #tpu.dot_dimension_numbers<[1], [0], [0], [1], [0, 0, 1, 1], [], []>, transpose_lhs_hint = false} : vector<64x1000xf32>, vector<1000x128xf32>, vector<64x128xf32> -> vector<64x128xf32>
    %add3A_38 = arith.addf %get3A_36, %dot_general3A_37 : vector<64x128xf32>
    %swap3A = arith.constant 0 : index
    %swap3A_39 = arith.constant 0 : index
    %swap3A_40 = vector.load %arg9[%swap3A, %swap3A_39] : memref<64x256xf32, #tpu.memory_space<vmem>>, vector<64x128xf32>
    tpu.vector_store %arg9[%swap3A, %swap3A_39], %add3A_38 {strides = array<i32>} : memref<64x256xf32, #tpu.memory_space<vmem>>, vector<64x128xf32>,
    %get3A_41 = arith.constant 0 : index
    %get3A_42 = arith.constant 128 : index
    %get3A_43 = vector.load %arg9[%get3A_41, %get3A_42] : memref<64x256xf32, #tpu.memory_space<vmem>>, vector<64x128xf32>
    %dot_general3A_44 = arith.constant dense<0.000000e+00> : vector<64x128xf32>
    %dot_general3A_45 = tpu.matmul %convert_element_type3A_33, %max3A_25, %dot_general3A_44 {dimension_numbers = #tpu.dot_dimension_numbers<[1], [0], [0], [1], [0, 0, 1, 1], [], []>, transpose_lhs_hint = false} : vector<64x1000xf32>, vector<1000x128xf32>, vector<64x128xf32> -> vector<64x128xf32>
    %add3A_46 = arith.addf %get3A_43, %dot_general3A_45 : vector<64x128xf32>
    %swap3A_47 = arith.constant 0 : index
    %swap3A_48 = arith.constant 128 : index
    %swap3A_49 = vector.load %arg9[%swap3A_47, %swap3A_48] : memref<64x256xf32, #tpu.memory_space<vmem>>, vector<64x128xf32>
    tpu.vector_store %arg9[%swap3A_47, %swap3A_48], %add3A_46 {strides = array<i32>} : memref<64x256xf32, #tpu.memory_space<vmem>>, vector<64x128xf32>,
    %get3A_50 = arith.constant 0 : index
    %get3A_51 = arith.constant 0 : index
    %get3A_52 = vector.load %arg10[%get3A_50, %get3A_51] : memref<64x128xf32, #tpu.memory_space<vmem>>, vector<64x128xf32>
    %reduce_sum3A = arith.constant dense<0.000000e+00> : vector<64xf32>
    %reduce_sum3A_53 = vector.multi_reduction <add>, %convert_element_type3A_33, %reduce_sum3A [1] : vector<64x1000xf32> to vector<64xf32>
    %broadcast_in_dim3A_54 = vector.shape_cast %reduce_sum3A_53 : vector<64xf32> to vector<64x1xf32>
    %broadcast_in_dim3A_55 = vector.shape_cast %broadcast_in_dim3A_54 : vector<64x1xf32> to vector<64x1xf32>
    %broadcast_in_dim3A_56 = vector.broadcast %broadcast_in_dim3A_55 : vector<64x1xf32> to vector<64x128xf32>
    %add3A_57 = arith.addf %get3A_52, %broadcast_in_dim3A_56 : vector<64x128xf32>
    %swap3A_58 = arith.constant 0 : index
    %swap3A_59 = arith.constant 0 : index
    %swap3A_60 = vector.load %arg10[%swap3A_58, %swap3A_59] : memref<64x128xf32, #tpu.memory_space<vmem>>, vector<64x128xf32>
    tpu.vector_store %arg10[%swap3A_58, %swap3A_59], %add3A_57 {strides = array<i32>} : memref<64x128xf32, #tpu.memory_space<vmem>>, vector<64x128xf32>,
    %eq3A_61 = arith.constant 9 : i32
    %eq3A_62 = arith.cmpi eq, %arg0, %eq3A_61 : i32
    %convert_element_type3A_63 = arith.extui %eq3A_62 : i1 to i32
    %cond3A_64 = arith.constant 0 : i32
    %cond3A_65 = arith.cmpi ne, %convert_element_type3A_63, %cond3A_64 : i32
    scf.if %cond3A_65 {
      %get3A_66 = arith.constant 0 : index
      %get3A_67 = arith.constant 0 : index
      %get3A_68 = vector.load %arg9[%get3A_66, %get3A_67] : memref<64x256xf32, #tpu.memory_space<vmem>>, vector<64x256xf32>
      %get3A_69 = arith.constant 0 : index
      %get3A_70 = arith.constant 0 : index
      %get3A_71 = vector.load %arg10[%get3A_69, %get3A_70] : memref<64x128xf32, #tpu.memory_space<vmem>>, vector<64x128xf32>
      %slice3A_72 = vector.extract_strided_slice %get3A_71 {offsets = [0, 0], sizes = [64, 1], strides = [1, 1]} : vector<64x128xf32> to vector<64x1xf32>
      %max3A_73 = arith.constant 1.000000e+00 : f32
      %max3A_74 = vector.broadcast %max3A_73 : f32 to vector<64x1xf32>
      %max3A_75 = arith.maximumf %slice3A_72, %max3A_74 : vector<64x1xf32>
      %div3A = vector.broadcast %max3A_75 : vector<64x1xf32> to vector<64x256xf32>
      %div3A_76 = arith.divf %get3A_68, %div3A : vector<64x256xf32>
      %get3A_77 = arith.constant 0 : index
      %get3A_78 = arith.constant 0 : index
      %get3A_79 = vector.load %arg6[%get3A_77, %get3A_78] : memref<256x128xf32, #tpu.memory_space<vmem>>, vector<256x128xf32>
      %dot_general3A_80 = arith.constant dense<0.000000e+00> : vector<64x128xf32>
      %dot_general3A_81 = tpu.matmul %div3A_76, %get3A_79, %dot_general3A_80 {dimension_numbers = #tpu.dot_dimension_numbers<[1], [0], [0], [1], [0, 0, 1, 1], [], []>, transpose_lhs_hint = false} : vector<64x256xf32>, vector<256x128xf32>, vector<64x128xf32> -> vector<64x128xf32>
      %get3A_82 = arith.constant 0 : index
      %get3A_83 = arith.constant 0 : index
      %get3A_84 = vector.load %arg7[%get3A_82, %get3A_83] : memref<1x128xf32, #tpu.memory_space<vmem>>, vector<1x128xf32>
      %add3A_85 = vector.broadcast %get3A_84 : vector<1x128xf32> to vector<64x128xf32>
      %add3A_86 = arith.addf %dot_general3A_81, %add3A_85 : vector<64x128xf32>
      %logistic3A = arith.negf %add3A_86 : vector<64x128xf32>
      %logistic3A_87 = math.exp %logistic3A : vector<64x128xf32>
      %logistic3A_88 = arith.constant 1.000000e+00 : f32
      %logistic3A_89 = vector.broadcast %logistic3A_88 : f32 to vector<64x128xf32>
      %logistic3A_90 = arith.addf %logistic3A_89, %logistic3A_87 : vector<64x128xf32>
      %logistic3A_91 = arith.divf %logistic3A_89, %logistic3A_90 : vector<64x128xf32>
      %swap3A_92 = arith.constant 0 : index
      %swap3A_93 = arith.constant 0 : index
      %swap3A_94 = vector.load %arg8[%swap3A_92, %swap3A_93] : memref<64x128xf32, #tpu.memory_space<vmem>>, vector<64x128xf32>
      tpu.vector_store %arg8[%swap3A_92, %swap3A_93], %logistic3A_91 {strides = array<i32>} : memref<64x128xf32, #tpu.memory_space<vmem>>, vector<64x128xf32>,
    } else {
    }
    return
  }
  func.func @transform_0(%arg0: i32) -> (i32, i32) {
    %c0_i32 = arith.constant 0 : i32
    %c0_i32_0 = arith.constant 0 : i32
    return %arg0, %c0_i32 : i32, i32
  }
  func.func @transform_1(%arg0: i32) -> (i32, i32) {
    %c0_i32 = arith.constant 0 : i32
    %c0_i32_0 = arith.constant 0 : i32
    return %arg0, %c0_i32 : i32, i32
  }
  func.func @transform_2(%arg0: i32) -> (i32, i32) {
    %c0_i32 = arith.constant 0 : i32
    %c0_i32_0 = arith.constant 0 : i32
    return %arg0, %c0_i32 : i32, i32
  }
  func.func @transform_3(%arg0: i32) -> (i32, i32) {
    %c0_i32 = arith.constant 0 : i32
    %c0_i32_0 = arith.constant 0 : i32
    %c0_i32_1 = arith.constant 0 : i32
    return %c0_i32, %c0_i32_0 : i32, i32
  }
  func.func @transform_4(%arg0: i32) -> (i32, i32, i32) {
    %c0_i32 = arith.constant 0 : i32
    %c0_i32_0 = arith.constant 0 : i32
    %c0_i32_1 = arith.constant 0 : i32
    return %arg0, %c0_i32, %c0_i32_0 : i32, i32, i32
  }
  func.func @transform_5(%arg0: i32) -> (i32, i32) {
    %c0_i32 = arith.constant 0 : i32
    %c0_i32_0 = arith.constant 0 : i32
    %c0_i32_1 = arith.constant 0 : i32
    return %c0_i32, %c0_i32_0 : i32, i32
  }
  func.func @transform_6(%arg0: i32) -> (i32, i32) {
    %c0_i32 = arith.constant 0 : i32
    %c0_i32_0 = arith.constant 0 : i32
    %c0_i32_1 = arith.constant 0 : i32
    return %c0_i32, %c0_i32_0 : i32, i32
  }
  func.func @transform_7(%arg0: i32) -> (i32, i32) {
    %c0_i32 = arith.constant 0 : i32
    %c0_i32_0 = arith.constant 0 : i32
    %c0_i32_1 = arith.constant 0 : i32
    return %c0_i32, %c0_i32_0 : i32, i32
  }
}

</mosaic_0001>

<sc_bundles>
// kernel: kernel.12.cloned.1.call-start
scs
__scs_entry_jumppad:
0x0: {  	(pc) =	sbr.rel $0x88, $3  }
0x1: {  	(tag) =	ssettag $0x0;
	lr =	simm.s32 $0x1  }
0x2: {  	[smem:$0x3F98] =	sst lr;
	_ =	strace $0xD0000000  }
0x3: {  	_ = 	snop  }
0x4: {  	_ = 	snop  }
0x5: {  	_ = 	snop  }
0x6: {  	_ = 	snop  }
0x7: {  	_ = 	snop  }
__scs_overlays_trampoline_lowered:
0x8: {  	[smem:$0x3FA7] =	sst s0  }
0x9: {  	[smem:$0x3FA8] =	sst s1  }
0xa: {  	[smem:$0x3FA9] =	sst s2  }
0xb: {  	[smem:$0x3FAA] =	sst s3  }
0xc: {  	[smem:$0x3FAB] =	sst s4  }
0xd: {  	[smem:$0x3FAC] =	sst s5  }
0xe: {  	[smem:$0x3FAD] =	sst s6  }
0xf: {  	[smem:$0x3FAE] =	sst s7  }
0x10: {  	[smem:$0x3FAF] =	sst s8  }
0x11: {  	[smem:$0x3FB0] =	sst s9;
	s0 =	simm.s32 @!p0 $0x0  }
0x12: {  	s1 =	sld [smem:$0x3F96];
	s0 =	simm.s32 @p0 $0x1  }
0x13: {  	[smem:$0x3FB1] =	sst s0;
	s0 =	simm.s32 @!p1 $0x0  }
0x14: {  	s2 =	sld [smem:$0x3F95];
	s0 =	simm.s32 @p1 $0x1  }
0x15: {  	[smem:$0x3FB2] =	sst s0;
	s0 =	simm.s32 @!p2 $0x0  }
0x16: {  	s3 =	sld [smem:$0x3FDB];
	s0 =	simm.s32 @p2 $0x1  }
0x17: {  	s4 =	simm.s32 $0x1BF5;
	[smem:$0x3FB4] =	sst s0  }
0x18: {  	s0 =	sld [smem:$0x3F97];
	_ =	swait.ge [sflag:s4], $0x0  }
0x19: {  	s7 =	sld [smem:$0x3F98]  }
0x1a: {  	s8 =	sadd.s32 $0xFFFFE003, lr  }
0x1b: {  	s9 =	sadd.s32 $0xFFFFFEF7, lr;
	s5 =	simm.s32 $0xFFFFFFFF;
	p2 =	slt.u32 s8, $0xFFFFF086  }
0x1c: {  	p1 =	slt.u32 s9, $0xF7A;
	s5 =	simm.s32 @!p2 $0x0  }
0x1d: {  	s5 =	simm.s32 @p1 $0x1;
	p0 =	seq.s32 s7, s2  }
0x1e: {  	s7 =	smul.u32 @!p0 $0xF7A, s2;
	p2 =	seq.s32 @!p0 s5, $0x0  }
0x1f: {  	s9 =	smul.u32 $0xF7A, s1;
	s8 =	simm.s32 @!p0 $0x1BF5;
	p2 =	por !p2, p0  }
0x20: {  	[sflag:s8] =	ssyncset.s32 @!p0 $0xFFFFF086;
	s6 =	sadd.s32 @!p0 s3, s7;
	s7 =	simm.s32 @!p0 $0x108  }
0x21: {  	s3 =	sadd.s32 s3, s9;
	s6 =	sadd.s32 @!p0 $0x88, s6;
	s7 =	simm.s32 @p2 $0x1082  }
0x22: {  	[simem:s7], [sflag:s8] =	dma.local @!p0 [hbm:s6], $0xF7A  }
0x23: {  	s9 =	sor.u32 $0xD0000000, s2;
	s6 =	simm.s32 $0x108;
	_ =	swait.ge @!p0 [sflag:s8], $0x0  }
0x24: {  	s3 =	sadd.s32 $0x88, s3;
	s6 =	simm.s32 @!p1 $0x1082;
	[sflag:s4] =	ssyncset.s32 $0xFFFFF086  }
0x25: {  	[simem:s6], [sflag:s4] =	dma.local [hbm:s3], $0xF7A  }
0x26: {  	[smem:$0x3F98] =	sst s1;
	(tag) =	ssettag s2;
	_ =	strace s9  }
0x27: {  	s1 =	sld [smem:$0x3FA8]  }
0x28: {  	s2 =	sld [smem:$0x3FA9]  }
0x29: {  	s4 =	sld [smem:$0x3FAB]  }
0x2a: {  	p0 =	seq.s32 s5, $0x0;
	s5 =	sld [smem:$0x3FAC]  }
0x2b: {  	s6 =	sld [smem:$0x3FAD]  }
0x2c: {  	s7 =	sld [smem:$0x3FAE]  }
0x2d: {  	s3 =	simm.s32 $0x108;
	s8 =	sld [smem:$0x3FAF]  }
0x2e: {  	s3 =	simm.s32 @!p0 $0x1082;
	s9 =	sld [smem:$0x3FB0]  }
0x2f: {  	lr =	sadd.s32 s0, s3;
	s0 =	sld [smem:$0x3FA7]  }
0x30: {  	s3 =	sld [smem:$0x3FAA]  }
0x31: {  	[smem:$0x3FB3] =	sst s10  }
0x32: {  	s10 =	sld [smem:$0x3FB1];
	_ =	sdelay $0x3  }
0x33: {  	p0 =	seq.s32 s10, $0x1;
	s10 =	sld [smem:$0x3FB3];
	_ =	sdelay $0x3  }
0x34: {  	[smem:$0x3FB3] =	sst s10  }
0x35: {  	s10 =	sld [smem:$0x3FB2];
	_ =	sdelay $0x3  }
0x36: {  	p1 =	seq.s32 s10, $0x1;
	s10 =	sld [smem:$0x3FB3];
	_ =	sdelay $0x3  }
0x37: {  	[smem:$0x3FB3] =	sst s10  }
0x38: {  	s10 =	sld [smem:$0x3FB4]  }
0x39: {  	_ = 	snop;
	(pc) =	sbr.ind lr, $3  }
0x3a: {  	_ = 	snop  }
0x3b: {  	_ = 	snop  }
0x3c: {  	p2 =	seq.s32 s10, $0x1;
	s10 =	sld [smem:$0x3FB3]  }
0x3d: {  	_ =	shalt  }
0x3e: {  	_ =	shalt  }
0x3f: {  	_ =	shalt  }
0x40: {  	_ =	shalt  }
0x41: {  	_ =	shalt  }
0x42: {  	_ =	shalt  }
0x43: {  	_ =	shalt  }
0x44: {  	_ =	shalt  }
0x45: {  	_ =	shalt  }
0x46: {  	_ =	shalt  }
0x47: {  	_ =	shalt  }
0x48: {  	_ =	shalt  }
0x49: {  	_ =	shalt  }
0x4a: {  	_ =	shalt  }
0x4b: {  	_ =	shalt  }
0x4c: {  	_ =	shalt  }
0x4d: {  	_ =	shalt  }
0x4e: {  	_ =	shalt  }
0x4f: {  	_ =	shalt  }
0x50: {  	_ =	shalt  }
0x51: {  	_ =	shalt  }
0x52: {  	_ =	shalt  }
0x53: {  	_ =	shalt  }
0x54: {  	_ =	shalt  }
0x55: {  	_ =	shalt  }
0x56: {  	_ =	shalt  }
0x57: {  	_ =	shalt  }
0x58: {  	_ =	shalt  }
0x59: {  	_ =	shalt  }
0x5a: {  	_ =	shalt  }
0x5b: {  	_ =	shalt  }
0x5c: {  	_ =	shalt  }
0x5d: {  	_ =	shalt  }
0x5e: {  	_ =	shalt  }
0x5f: {  	_ =	shalt  }
0x60: {  	_ =	shalt  }
0x61: {  	_ =	shalt  }
0x62: {  	_ =	shalt  }
0x63: {  	_ =	shalt  }
0x64: {  	_ =	shalt  }
0x65: {  	_ =	shalt  }
0x66: {  	_ =	shalt  }
0x67: {  	_ =	shalt  }
0x68: {  	_ =	shalt  }
0x69: {  	_ =	shalt  }
0x6a: {  	_ =	shalt  }
0x6b: {  	_ =	shalt  }
0x6c: {  	_ =	shalt  }
0x6d: {  	_ =	shalt  }
0x6e: {  	_ =	shalt  }
0x6f: {  	_ =	shalt  }
0x70: {  	_ =	shalt  }
0x71: {  	_ =	shalt  }
0x72: {  	_ =	shalt  }
0x73: {  	_ =	shalt  }
0x74: {  	_ =	shalt  }
0x75: {  	_ =	shalt  }
0x76: {  	_ =	shalt  }
0x77: {  	_ =	shalt  }
0x78: {  	_ =	shalt  }
0x79: {  	_ =	shalt  }
0x7a: {  	_ =	shalt  }
0x7b: {  	_ =	shalt  }
0x7c: {  	_ =	shalt  }
0x7d: {  	_ =	shalt  }
0x7e: {  	_ =	shalt  }
0x7f: {  	_ =	shalt  }
0x80: {  	_ =	shalt  }
0x81: {  	_ =	shalt  }
0x82: {  	_ =	shalt  }
0x83: {  	_ =	shalt  }
0x84: {  	_ =	shalt  }
0x85: {  	_ =	shalt  }
0x86: {  	_ =	shalt  }
0x87: {  	_ =	shalt  }
.Lfunc_end0:
.L_simem_size_0:
called_computation.1_lowered:
.L_overlay_start_0:
0x88: {  	s2 =	sld [smem:$0x3FD9]  }
0x89: {  	s3 =	sld [smem:$0x3FFE];
	_ =	sdelay $0x1  }
0x8a: {  	s1 =	srdreg.scid  }
0x8b: {  	s0 =	sand.u32 $0x1, s1  }
0x8c: {  	s16 =	sshll.u32 s0, $0xA;
	s2 =	sadd.s32 s3, s2  }
0x8d: {  	s2 =	sadd.s32 s2, s16  }
0x8e: {  	[smem:$0x3FBF] =	sst s2  }
0x8f: {  	_ = 	snop  }
0x90: {  	(tm) =	ssettm $0x1  }
0x91: {  	s17 =	sld [smem:$0x3FFB];
	_ =	sdelay $0x3  }
0x92: {  	_ =	strace s17  }
0x93: {  	s2 =	sld [smem:$0x3FFC];
	_ =	sdelay $0x3  }
0x94: {  	_ =	strace s2  }
0x95: {  	s2 =	sld [smem:$0x3FFD];
	_ =	sdelay $0x3  }
0x96: {  	_ =	strace s2  }
0x97: {  	_ =	strace $0x8FFFFFFF  }
0x98: {  	s18 =	sld [smem:$0x3FDB];
	_ =	sdelay $0x1  }
0x99: {  	s19 =	simm.s32 $_scs_section_size  }
0x9a: {  	s4 =	simm.s32 $_size__tile_overlayer_lowered;
	s5 =	simm.s32 $_tile_overlayer_lowered  }
0x9b: {  	s22 =	simm.s32 $0x1BFF;
	s21 =	sshll.u32 s5, $0x1;
	s2 =	sadd.s32 s19, s18  }
0x9c: {  	s6 =	simm.s32 $0x0;
	s20 =	sshll.u32 s4, $0x1;
	s4 =	sadd.s32 s21, s2  }
0x9d: {  	[timem:s6], [sflag:s22] =	dma.local [hbm:s4], s20  }
0x9e: {  	_ =	swait.ge [sflag:s22], s20  }
0x9f: {  	s3 =	ssub.s32 $0x0, s20;
	[sflag:s22] =	ssyncset.done $0x0  }
0xa0: {  	[sflag:s22] =	ssyncadd.s32 s3;
	_ =	sdelay $0x1  }
0xa1: {  	s23 =	simm.s32 $0x1B8B  }
0xa2: {  	_ =	swait.ge [sflag:s23], $0x1  }
0xa3: {  	[sflag:s23] =	ssyncset.done $0x0  }
0xa4: {  	s25 =	simm.s32 $0x1B8E;
	s24 =	sld [smem:$0x3FFE];
	[sflag:s23] =	ssyncadd.s32 $0xFFFFFFFF  }
0xa5: {  	s26 =	simm.s32 $execute0_lowered;
	[smem:$0x3FD2] =	sst s25  }
0xa6: {  	s4 =	sshll.u32 s26, $0x1;
	_ =	strace $0x80000049;
	[dreg:$0x1] =	wrdreg $0xFFFFFFFF  }
0xa7: {  	s28 =	simm.s32 $_size_execute0_lowered;
	s2 =	sadd.s32 s2, s4;
	[dreg:$0x0] =	wrdreg $0x0  }
0xa8: {  	s4 =	sshll.u32 s28, $0x1;
	[dreg:$0x2] =	wrdreg s2  }
0xa9: {  	[dreg:$0x3] =	wrdreg s4  }
0xaa: {  	[dreg:$0x4] =	wrdreg $0xC0  }
0xab: {  	_ =	task [dreg:s6], $0x5FFFF  }
0xac: {  	[dreg:$0x1] =	wrdreg $0xFFFFFFFF  }
0xad: {  	[dreg:$0x0] =	wrdreg $0x60  }
0xae: {  	[dreg:$0x2] =	wrdreg s24  }
0xaf: {  	[dreg:$0x3] =	wrdreg $0x88000  }
0xb0: {  	[dreg:$0x4] =	wrdreg $0x9  }
0xb1: {  	_ =	task.clear_ibuf [dreg:s6], $0x5FFFF;
	_ =	strace $0x90000049  }
0xb2: {  	s29 =	simm.s32 $0x9;
	_ =	strace $0x8000004B  }
0xb3: {  	_ =	swait.ge [sflag:s29], $0x1  }
0xb4: {  	[sflag:s29] =	ssyncadd.s32 $0xFFFFFFFF  }
0xb5: {  	_ =	strace $0x9000004B  }
0xb6: {  	_ =	sfence  }
0xb7: {  	s30 =	sld [smem:$0x0];
	_ =	sdelay $0x2  }
0xb8: {  	s31 =	sshll.u32 s1, $0xD;
	s1 =	sshrl.u32 s1, $0x2  }
0xb9: {  	s3 =	sand.u32 $0x4000, s31;
	s1 =	sadd.s32 s1, s30  }
0xba: {  	s0 =	sor.u32 s3, s0;
	s1 =	sshll.u32 s1, $0x11  }
0xbb: {  	s0 =	sor.u32 s1, s0  }
0xbc: {  	s0 =	sadd.s32 $0x8F2B, s0  }
0xbd: {  	[sflag:s0] =	ssyncadd.remote.s32 $0x1  }
0xbe: {  	_ =	sfence.sel $0xFFFF  }
0xbf: {  	[dreg:$0x0] =	wrdreg $0xFFFFFFFF;
	(pc) =	sbr.abs _section_cstart, $3  }
0xc0: {  	[dreg:$0x1] =	wrdreg $0xFFFFFFFF  }
0xc1: {  	_ =	task.clear_ibuf [dreg:s6], $0x2FFFF;
	_ =	strace $0x9FFFFFFF  }
0xc2: {  	(tm) =	ssettm $0x7FFFFFFF  }
0xc3: {  	_ =	shalt  }
tec
execute0_lowered:
.L_overlay_start_1:
0x0: {  	(tag) =	ssettag $0x1  }
0x1: {  	s0 =	rddreg [dreg:$0x0]  }
0x2: {  	s2 =	rddreg [dreg:$0x1];
	s3 =	simm.s32 $0x0  }
0x3: {  	s11 =	stileid.u32;
	s1 =	srdreg.scid;
	s15 =	simm.s32 $0x3  }
0x4: {  	s16 =	simm.s32 $0x400;
	s17 =	simm.s32 $0x80;
	s18 =	simm.s32 $0x800  }
0x5: {  	s19 =	simm.s32 $0x1;
	s20 =	simm.s32 $0x4800;
	s21 =	simm.s32 $0x2  }
0x6: {  	s28 =	simm.s32 $0x580;
	s29 =	simm.s32 $0x280;
	s30 =	simm.s32 $0x600  }
0x7: {  	s31 =	simm.s32 $0x300;
	[smem:$0x7FF] =	sst s3;
	s6 =	smul.u32 $0x500, s11  }
0x8: {  	s1 =	sand.u32 $0x1, s1;
	s4 =	sadd.s32 $0xD400, s0;
	s7 =	smul.u32 $0x2800, s11  }
0x9: {  	s5 =	sadd.s32 $0x5D400, s0;
	s10 =	smul.u32 $0x50000, s11;
	s25 =	sshll.u32 s11, $0x6  }
0xa: {  	s11 =	simm.s32 $0x0;
	_ =	strace $0x8000004A;
	s8 =	ssub.s32 $0x2, s1  }
0xb: {  	p0 =	seq.s32 s1, $0x1;
	s14 =	sor.u32 $0x1C03, s25;
	s25 =	simm.s32 $0x500  }
0xc: {  	s9 =	sshrl.u32 s8, $0x1;
	s6 =	sadd.s32 s6, s0;
	s0 =	sadd.s32 s7, s0  }
0xd: {  	s23 =	sshrl.u32 s10, $0x2;
	s26 =	sadd.s32 s7, s5;
	s8 =	ssub.s32 s8, s9  }
0xe: {  	s1 =	sadd.s32 s23, s2;
	s9 =	sadd.s32 $0x8400, s6;
	s10 =	sadd.s32 $0x3400, s6  }
0xf: {  	s24 =	sadd.s32 $0x35400, s0;
	[dreg:$0x7] =	wrdreg s26;
	s0 =	sadd.s32 $0x85400, s0  }
.Ltmp0:
0x10: {  	s23 =	simm.s32 $0x480;
	[dreg:$0x5] =	wrdreg s1;
	(pc) =	sbr.rel .LBB2_1-.Ltmp0, $4  }
0x11: {  	s26 =	simm.s32 $0x200;
	s6 =	simm.s32 $0x700;
	[dreg:$0x6] =	wrdreg s24  }
0x12: {  	s22 =	smax.u32 s8, $0x1;
	[dreg:$0x8] =	wrdreg s0;
	s24 =	simm.s32 $0x180  }
0x13: {  	s0 =	simm.s32 $0x680;
	[dreg:$0x3] =	wrdreg s22;
	s22 =	sadd.s32 s7, s4  }
0x14: {  	s1 =	simm.s32 $0x380;
	s8 =	simm.s32 $0x780;
	[dreg:$0x4] =	wrdreg s22  }
.LBB2_15:
0x15: {  	s22 =	rddreg [dreg:$0x4]  }
0x16: {  	[sflag:s15] =	ssyncadd.s32 $0xFFFFFE00;
	s11 =	rddreg [dreg:$0x9]  }
.LBB2_16:
0x17: {  	s11 =	sadd.s32 $0x1, s11;
	s7 =	rddreg [dreg:$0x3]  }
0x18: {  	p1 =	sne.s32 s11, s7  }
.Ltmp1:
0x19: {  	_ = 	snop;
	(pc) =	sbr.rel @!p1 .LBB2_17-.Ltmp1, $1  }
0x1a: {  	_ =	sdelay $0x3  }
.LBB2_1:
.Ltmp2:
0x1b: {  	(pc) =	sbr.rel @!p0 .LBB2_2-.Ltmp2, $2  }
0x1c: {  	_ =	sdelay $0x2  }
0x1d: {  	[dreg:$0x9] =	wrdreg s11  }
0x1e: {  	s22 =	rddreg [dreg:$0x7]  }
0x1f: {  	s12 =	rddreg [dreg:$0x5]  }
0x20: {  	s7 =	sadd.s32 s3, s22;
	s11 =	sshrl.u32 s12, $0x3  }
0x21: {  	[spmem:s11], [sflag:s14] =	dma.local [hbm:s7], $0x200  }
0x22: {  	_ =	swait.ge [sflag:s15], $0x200  }
0x23: {  	s7 =	sadd.s32 $0x200, s3;
	s11 =	sadd.s32 $0x1000, s12;
	[sflag:s15] =	ssyncset.done $0x0  }
.LBB2_10:
0x24: {  	s12 =	sadd.s32 s7, s22  }
0x25: {  	s13 =	sshrl.u32 s11, $0x3;
	[sflag:s15] =	ssyncadd.s32 $0xFFFFFE00;
	p1 =	sne.s32 s7, $0x2600  }
0x26: {  	[spmem:s13], [sflag:s14] =	dma.local [hbm:s12], $0x200  }
.Ltmp3:
0x27: {  	_ = 	snop;
	(pc) =	sbr.rel @p1 .LBB2_10-.Ltmp3, $4  }
0x28: {  	_ = 	snop  }
0x29: {  	s7 =	sadd.s32 $0x200, s7  }
0x2a: {  	_ =	swait.ge [sflag:s15], $0x200  }
0x2b: {  	s11 =	sadd.s32 $0x1000, s11;
	[sflag:s15] =	ssyncset.done $0x0  }
0x2c: {  	[sflag:s15] =	ssyncadd.s32 $0xFFFFFE00  }
0x2d: {  	s7 =	sadd.s32 $0x0, s10;
	[bflag:$0x0] =	sbarrier.arrive $0xFFFF  }
0x2e: {  	[tilespmem:s3], [sflag:$0x3] =	stream.linear.gather [hbm4b:s7+s3], $0x400, $0x38;
	[tilespmem:$0x1C800] =	vst v63  }
0x2f: {  	_ =	swait.ge [sflag:s15], $0x400  }
0x30: {  	[sflag:s15] =	ssyncset.done $0x0  }
0x31: {  	s13 =	sadd.s32 $0x0, s9;
	[sflag:s15] =	ssyncadd.s32 $0xFFFFFC00  }
0x32: {  	[tilespmem:s16], [sflag:$0x3] =	stream.linear.gather [hbm4b:s13+s3], $0x400, $0x38;
	[tilespmem:$0x1C800] =	vst v63  }
0x33: {  	_ =	swait.ge [sflag:s15], $0x400  }
0x34: {  	[sflag:s15] =	ssyncset.done $0x0  }
0x35: {  	[sflag:s15] =	ssyncadd.s32 $0xFFFFFC00  }
0x36: {  	[tilespmem:s18], [sflag:$0x1] =	stream.indirect.gather [hbm4b:s5+s17], $0x80, s3, s17, $0xb8;
	[tilespmem:$0x1C800] =	vst v63  }
0x37: {  	_ =	swait.ge [sflag:s19], $0x4000  }
0x38: {  	[sflag:s19] =	ssyncset.done $0x0  }
0x39: {  	[sflag:s19] =	ssyncadd.s32 $0xFFFFC000  }
0x3a: {  	[tilespmem:s20], [sflag:$0x2] =	stream.indirect.gather [hbm4b:s5+s17], $0x80, s17, s17, $0xb8;
	[tilespmem:$0x1C800] =	vst v63  }
0x3b: {  	_ = 	snop  }
0x3c: {  	[spmem:s2] =	stream.indirect.scatter.add.f32 [tilespmem:s18], [sflag:$0x3], $0x80, s16, s17, $0xb8;
	[tilespmem:$0x1C800] =	vst v63  }
0x3d: {  	_ =	swait.ge [sflag:s15], $0x4000  }
0x3e: {  	[sflag:s15] =	ssyncset.done $0x0  }
0x3f: {  	[sflag:s15] =	ssyncadd.s32 $0xFFFFC000  }
0x40: {  	_ =	swait.ge [sflag:s21], $0x4000  }
0x41: {  	[sflag:s21] =	ssyncset.done $0x0  }
0x42: {  	s22 =	simm.s32 $0x100;
	[sflag:s21] =	ssyncadd.s32 $0xFFFFC000  }
0x43: {  	[tilespmem:s18], [sflag:$0x1] =	stream.indirect.gather [hbm4b:s5+s17], $0x80, s22, s17, $0xb8;
	[tilespmem:$0x1C800] =	vst v63  }
0x44: {  	_ = 	snop  }
0x45: {  	[spmem:s2] =	stream.indirect.scatter.add.f32 [tilespmem:s20], [sflag:$0x3], $0x80, s23, s17, $0xb8;
	[tilespmem:$0x1C800] =	vst v63  }
0x46: {  	_ =	swait.ge [sflag:s15], $0x4000  }
0x47: {  	[sflag:s15] =	ssyncset.done $0x0  }
0x48: {  	[sflag:s15] =	ssyncadd.s32 $0xFFFFC000  }
0x49: {  	_ =	swait.ge [sflag:s19], $0x4000  }
0x4a: {  	[sflag:s19] =	ssyncset.done $0x0  }
0x4b: {  	[sflag:s19] =	ssyncadd.s32 $0xFFFFC000  }
0x4c: {  	[tilespmem:s20], [sflag:$0x2] =	stream.indirect.gather [hbm4b:s5+s17], $0x80, s24, s17, $0xb8;
	[tilespmem:$0x1C800] =	vst v63  }
0x4d: {  	_ = 	snop  }
0x4e: {  	[spmem:s2] =	stream.indirect.scatter.add.f32 [tilespmem:s18], [sflag:$0x3], $0x80, s25, s17, $0xb8;
	[tilespmem:$0x1C800] =	vst v63  }
0x4f: {  	_ =	swait.ge [sflag:s15], $0x4000  }
0x50: {  	[sflag:s15] =	ssyncset.done $0x0  }
0x51: {  	[sflag:s15] =	ssyncadd.s32 $0xFFFFC000  }
0x52: {  	_ =	swait.ge [sflag:s21], $0x4000  }
0x53: {  	[sflag:s21] =	ssyncset.done $0x0  }
0x54: {  	[sflag:s21] =	ssyncadd.s32 $0xFFFFC000  }
0x55: {  	[tilespmem:s18], [sflag:$0x1] =	stream.indirect.gather [hbm4b:s5+s17], $0x80, s26, s17, $0xb8;
	[tilespmem:$0x1C800] =	vst v63  }
0x56: {  	_ = 	snop  }
0x57: {  	[spmem:s2] =	stream.indirect.scatter.add.f32 [tilespmem:s20], [sflag:$0x3], $0x80, s28, s17, $0xb8;
	[tilespmem:$0x1C800] =	vst v63  }
0x58: {  	_ =	swait.ge [sflag:s15], $0x4000  }
0x59: {  	[sflag:s15] =	ssyncset.done $0x0  }
0x5a: {  	[sflag:s15] =	ssyncadd.s32 $0xFFFFC000  }
0x5b: {  	_ =	swait.ge [sflag:s19], $0x4000  }
0x5c: {  	[sflag:s19] =	ssyncset.done $0x0  }
0x5d: {  	[sflag:s19] =	ssyncadd.s32 $0xFFFFC000  }
0x5e: {  	[tilespmem:s20], [sflag:$0x2] =	stream.indirect.gather [hbm4b:s5+s17], $0x80, s29, s17, $0xb8;
	[tilespmem:$0x1C800] =	vst v63  }
0x5f: {  	_ = 	snop  }
0x60: {  	[spmem:s2] =	stream.indirect.scatter.add.f32 [tilespmem:s18], [sflag:$0x3], $0x80, s30, s17, $0xb8;
	[tilespmem:$0x1C800] =	vst v63  }
0x61: {  	_ =	swait.ge [sflag:s15], $0x4000  }
0x62: {  	[sflag:s15] =	ssyncset.done $0x0  }
0x63: {  	[sflag:s15] =	ssyncadd.s32 $0xFFFFC000  }
0x64: {  	_ =	swait.ge [sflag:s21], $0x4000  }
0x65: {  	[sflag:s21] =	ssyncset.done $0x0  }
0x66: {  	[sflag:s21] =	ssyncadd.s32 $0xFFFFC000  }
0x67: {  	[tilespmem:s18], [sflag:$0x1] =	stream.indirect.gather [hbm4b:s5+s17], $0x80, s31, s17, $0xb8;
	[tilespmem:$0x1C800] =	vst v63  }
0x68: {  	_ = 	snop  }
0x69: {  	[spmem:s2] =	stream.indirect.scatter.add.f32 [tilespmem:s20], [sflag:$0x3], $0x80, s0, s17, $0xb8;
	[tilespmem:$0x1C800] =	vst v63  }
0x6a: {  	_ =	swait.ge [sflag:s15], $0x4000  }
0x6b: {  	[sflag:s15] =	ssyncset.done $0x0  }
0x6c: {  	[sflag:s15] =	ssyncadd.s32 $0xFFFFC000  }
0x6d: {  	_ =	swait.ge [sflag:s19], $0x4000  }
0x6e: {  	[sflag:s19] =	ssyncset.done $0x0  }
0x6f: {  	[sflag:s19] =	ssyncadd.s32 $0xFFFFC000  }
0x70: {  	[tilespmem:s20], [sflag:$0x2] =	stream.indirect.gather [hbm4b:s5+s17], $0x80, s1, s17, $0xb8;
	[tilespmem:$0x1C800] =	vst v63  }
0x71: {  	_ = 	snop  }
0x72: {  	[spmem:s2] =	stream.indirect.scatter.add.f32 [tilespmem:s18], [sflag:$0x3], $0x80, s6, s17, $0xb8;
	[tilespmem:$0x1C800] =	vst v63  }
0x73: {  	_ =	swait.ge [sflag:s15], $0x4000  }
0x74: {  	[sflag:s15] =	ssyncset.done $0x0  }
0x75: {  	[sflag:s15] =	ssyncadd.s32 $0xFFFFC000  }
0x76: {  	_ =	swait.ge [sflag:s21], $0x4000  }
0x77: {  	[sflag:s21] =	ssyncset.done $0x0  }
0x78: {  	[sflag:s21] =	ssyncadd.s32 $0xFFFFC000  }
0x79: {  	[spmem:s2] =	stream.indirect.scatter.add.f32 [tilespmem:s20], [sflag:$0x3], $0x80, s8, s17, $0xb8;
	[tilespmem:$0x1C800] =	vst v63  }
0x7a: {  	_ =	swait.ge [sflag:s15], $0x4000  }
0x7b: {  	s12 =	simm.s32 $0x100;
	s7 =	simm.s32 $0x80;
	[sflag:s15] =	ssyncset.done $0x0  }
.LBB2_12:
0x7c: {  	s13 =	sadd.s32 s7, s10  }
0x7d: {  	[sflag:s15] =	ssyncadd.s32 $0xFFFFC000;
	s22 =	smov.u32 s12;
	s11 =	sadd.s32 $0x80, s12  }
0x7e: {  	[tilespmem:s3], [sflag:$0x3] =	stream.linear.gather [hbm4b:s13+s3], $0x400, $0x38;
	[tilespmem:$0x1C800] =	vst v63  }
0x7f: {  	p1 =	sne.s32 s12, $0x480;
	_ =	swait.ge [sflag:s15], $0x400  }
0x80: {  	s12 =	sadd.s32 s7, s9;
	[sflag:s15] =	ssyncset.done $0x0  }
0x81: {  	s7 =	smov.u32 s22;
	s13 =	simm.s32 $0x100;
	[sflag:s15] =	ssyncadd.s32 $0xFFFFFC00  }
0x82: {  	[tilespmem:s16], [sflag:$0x3] =	stream.linear.gather [hbm4b:s12+s3], $0x400, $0x38;
	[tilespmem:$0x1C800] =	vst v63  }
0x83: {  	_ =	swait.ge [sflag:s15], $0x400  }
0x84: {  	[sflag:s15] =	ssyncset.done $0x0  }
0x85: {  	[sflag:s15] =	ssyncadd.s32 $0xFFFFFC00  }
0x86: {  	[tilespmem:s18], [sflag:$0x1] =	stream.indirect.gather [hbm4b:s5+s17], $0x80, s3, s17, $0xb8;
	[tilespmem:$0x1C800] =	vst v63  }
0x87: {  	_ =	swait.ge [sflag:s19], $0x4000  }
0x88: {  	[sflag:s19] =	ssyncset.done $0x0  }
0x89: {  	[sflag:s19] =	ssyncadd.s32 $0xFFFFC000  }
0x8a: {  	[tilespmem:s20], [sflag:$0x2] =	stream.indirect.gather [hbm4b:s5+s17], $0x80, s17, s17, $0xb8;
	[tilespmem:$0x1C800] =	vst v63  }
0x8b: {  	_ = 	snop  }
0x8c: {  	[spmem:s2] =	stream.indirect.scatter.add.f32 [tilespmem:s18], [sflag:$0x3], $0x80, s16, s17, $0xb8;
	[tilespmem:$0x1C800] =	vst v63  }
0x8d: {  	_ =	swait.ge [sflag:s15], $0x4000  }
0x8e: {  	[sflag:s15] =	ssyncset.done $0x0  }
0x8f: {  	[sflag:s15] =	ssyncadd.s32 $0xFFFFC000  }
0x90: {  	_ =	swait.ge [sflag:s21], $0x4000  }
0x91: {  	[sflag:s21] =	ssyncset.done $0x0  }
0x92: {  	[sflag:s21] =	ssyncadd.s32 $0xFFFFC000  }
0x93: {  	[tilespmem:s18], [sflag:$0x1] =	stream.indirect.gather [hbm4b:s5+s17], $0x80, s13, s17, $0xb8;
	[tilespmem:$0x1C800] =	vst v63  }
0x94: {  	_ = 	snop  }
0x95: {  	[spmem:s2] =	stream.indirect.scatter.add.f32 [tilespmem:s20], [sflag:$0x3], $0x80, s23, s17, $0xb8;
	[tilespmem:$0x1C800] =	vst v63  }
0x96: {  	_ =	swait.ge [sflag:s15], $0x4000  }
0x97: {  	[sflag:s15] =	ssyncset.done $0x0  }
0x98: {  	[sflag:s15] =	ssyncadd.s32 $0xFFFFC000  }
0x99: {  	_ =	swait.ge [sflag:s19], $0x4000  }
0x9a: {  	[sflag:s19] =	ssyncset.done $0x0  }
0x9b: {  	[sflag:s19] =	ssyncadd.s32 $0xFFFFC000  }
0x9c: {  	[tilespmem:s20], [sflag:$0x2] =	stream.indirect.gather [hbm4b:s5+s17], $0x80, s24, s17, $0xb8;
	[tilespmem:$0x1C800] =	vst v63  }
0x9d: {  	_ = 	snop  }
0x9e: {  	[spmem:s2] =	stream.indirect.scatter.add.f32 [tilespmem:s18], [sflag:$0x3], $0x80, s25, s17, $0xb8;
	[tilespmem:$0x1C800] =	vst v63  }
0x9f: {  	_ =	swait.ge [sflag:s15], $0x4000  }
0xa0: {  	[sflag:s15] =	ssyncset.done $0x0  }
0xa1: {  	[sflag:s15] =	ssyncadd.s32 $0xFFFFC000  }
0xa2: {  	_ =	swait.ge [sflag:s21], $0x4000  }
0xa3: {  	[sflag:s21] =	ssyncset.done $0x0  }
0xa4: {  	[sflag:s21] =	ssyncadd.s32 $0xFFFFC000  }
0xa5: {  	[tilespmem:s18], [sflag:$0x1] =	stream.indirect.gather [hbm4b:s5+s17], $0x80, s26, s17, $0xb8;
	[tilespmem:$0x1C800] =	vst v63  }
0xa6: {  	_ = 	snop  }
0xa7: {  	[spmem:s2] =	stream.indirect.scatter.add.f32 [tilespmem:s20], [sflag:$0x3], $0x80, s28, s17, $0xb8;
	[tilespmem:$0x1C800] =	vst v63  }
0xa8: {  	_ =	swait.ge [sflag:s15], $0x4000  }
0xa9: {  	[sflag:s15] =	ssyncset.done $0x0  }
0xaa: {  	[sflag:s15] =	ssyncadd.s32 $0xFFFFC000  }
0xab: {  	_ =	swait.ge [sflag:s19], $0x4000  }
0xac: {  	[sflag:s19] =	ssyncset.done $0x0  }
0xad: {  	[sflag:s19] =	ssyncadd.s32 $0xFFFFC000  }
0xae: {  	[tilespmem:s20], [sflag:$0x2] =	stream.indirect.gather [hbm4b:s5+s17], $0x80, s29, s17, $0xb8;
	[tilespmem:$0x1C800] =	vst v63  }
0xaf: {  	_ = 	snop  }
0xb0: {  	[spmem:s2] =	stream.indirect.scatter.add.f32 [tilespmem:s18], [sflag:$0x3], $0x80, s30, s17, $0xb8;
	[tilespmem:$0x1C800] =	vst v63  }
0xb1: {  	_ =	swait.ge [sflag:s15], $0x4000  }
0xb2: {  	[sflag:s15] =	ssyncset.done $0x0  }
0xb3: {  	[sflag:s15] =	ssyncadd.s32 $0xFFFFC000  }
0xb4: {  	_ =	swait.ge [sflag:s21], $0x4000  }
0xb5: {  	[sflag:s21] =	ssyncset.done $0x0  }
0xb6: {  	[sflag:s21] =	ssyncadd.s32 $0xFFFFC000  }
0xb7: {  	[tilespmem:s18], [sflag:$0x1] =	stream.indirect.gather [hbm4b:s5+s17], $0x80, s31, s17, $0xb8;
	[tilespmem:$0x1C800] =	vst v63  }
0xb8: {  	_ = 	snop  }
0xb9: {  	[spmem:s2] =	stream.indirect.scatter.add.f32 [tilespmem:s20], [sflag:$0x3], $0x80, s0, s17, $0xb8;
	[tilespmem:$0x1C800] =	vst v63  }
0xba: {  	_ =	swait.ge [sflag:s15], $0x4000  }
0xbb: {  	[sflag:s15] =	ssyncset.done $0x0  }
0xbc: {  	[sflag:s15] =	ssyncadd.s32 $0xFFFFC000  }
0xbd: {  	_ =	swait.ge [sflag:s19], $0x4000  }
0xbe: {  	[sflag:s19] =	ssyncset.done $0x0  }
0xbf: {  	[sflag:s19] =	ssyncadd.s32 $0xFFFFC000  }
0xc0: {  	[tilespmem:s20], [sflag:$0x2] =	stream.indirect.gather [hbm4b:s5+s17], $0x80, s1, s17, $0xb8;
	[tilespmem:$0x1C800] =	vst v63  }
0xc1: {  	_ = 	snop  }
0xc2: {  	[spmem:s2] =	stream.indirect.scatter.add.f32 [tilespmem:s18], [sflag:$0x3], $0x80, s6, s17, $0xb8;
	[tilespmem:$0x1C800] =	vst v63  }
0xc3: {  	_ =	swait.ge [sflag:s15], $0x4000  }
0xc4: {  	[sflag:s15] =	ssyncset.done $0x0  }
0xc5: {  	[sflag:s15] =	ssyncadd.s32 $0xFFFFC000  }
0xc6: {  	_ =	swait.ge [sflag:s21], $0x4000  }
.Ltmp4:
0xc7: {  	[sflag:s21] =	ssyncset.done $0x0;
	(pc) =	sbr.rel @p1 .LBB2_12-.Ltmp4, $4  }
0xc8: {  	[sflag:s21] =	ssyncadd.s32 $0xFFFFC000  }
0xc9: {  	[spmem:s2] =	stream.indirect.scatter.add.f32 [tilespmem:s20], [sflag:$0x3], $0x80, s8, s17, $0xb8;
	[tilespmem:$0x1C800] =	vst v63  }
0xca: {  	_ =	swait.ge [sflag:s15], $0x4000  }
0xcb: {  	s12 =	smov.u32 s11;
	[sflag:s15] =	ssyncset.done $0x0  }
0xcc: {  	s11 =	sadd.s32 s7, s10;
	[sflag:s15] =	ssyncadd.s32 $0xFFFFC000  }
0xcd: {  	[tilespmem:s3], [sflag:$0x3] =	stream.linear.gather [hbm4b:s11+s3], $0x400, $0x38;
	[tilespmem:$0x1C800] =	vst v63  }
0xce: {  	_ =	swait.ge [sflag:s15], $0x400  }
0xcf: {  	[sflag:s15] =	ssyncset.done $0x0  }
0xd0: {  	s22 =	sadd.s32 s7, s9;
	[sflag:s15] =	ssyncadd.s32 $0xFFFFFC00  }
0xd1: {  	[tilespmem:s16], [sflag:$0x3] =	stream.linear.gather [hbm4b:s22+s3], $0x400, $0x38;
	[tilespmem:$0x1C800] =	vst v63  }
0xd2: {  	_ =	swait.ge [sflag:s15], $0x400  }
0xd3: {  	[sflag:s15] =	ssyncset.done $0x0  }
0xd4: {  	[sflag:s15] =	ssyncadd.s32 $0xFFFFFC00  }
0xd5: {  	[tilespmem:s18], [sflag:$0x1] =	stream.indirect.gather [hbm4b:s5+s17], $0x80, s3, s17, $0xb8;
	[tilespmem:$0x1C800] =	vst v63  }
0xd6: {  	_ =	swait.ge [sflag:s19], $0x4000  }
0xd7: {  	[sflag:s19] =	ssyncset.done $0x0  }
0xd8: {  	[sflag:s19] =	ssyncadd.s32 $0xFFFFC000  }
0xd9: {  	[tilespmem:s20], [sflag:$0x2] =	stream.indirect.gather [hbm4b:s5+s17], $0x80, s17, s17, $0xb8;
	[tilespmem:$0x1C800] =	vst v63  }
0xda: {  	_ = 	snop  }
0xdb: {  	[spmem:s2] =	stream.indirect.scatter.add.f32 [tilespmem:s18], [sflag:$0x3], $0x80, s16, s17, $0xb8;
	[tilespmem:$0x1C800] =	vst v63  }
0xdc: {  	_ =	swait.ge [sflag:s15], $0x4000  }
0xdd: {  	[sflag:s15] =	ssyncset.done $0x0  }
0xde: {  	[sflag:s15] =	ssyncadd.s32 $0xFFFFC000  }
0xdf: {  	_ =	swait.ge [sflag:s21], $0x4000  }
0xe0: {  	[sflag:s21] =	ssyncset.done $0x0  }
0xe1: {  	[sflag:s21] =	ssyncadd.s32 $0xFFFFC000  }
0xe2: {  	[tilespmem:s18], [sflag:$0x1] =	stream.indirect.gather [hbm4b:s5+s17], $0x80, s13, s17, $0xb8;
	[tilespmem:$0x1C800] =	vst v63  }
0xe3: {  	_ = 	snop  }
0xe4: {  	[spmem:s2] =	stream.indirect.scatter.add.f32 [tilespmem:s20], [sflag:$0x3], $0x80, s23, s17, $0xb8;
	[tilespmem:$0x1C800] =	vst v63  }
0xe5: {  	_ =	swait.ge [sflag:s15], $0x4000  }
0xe6: {  	[sflag:s15] =	ssyncset.done $0x0  }
0xe7: {  	[sflag:s15] =	ssyncadd.s32 $0xFFFFC000  }
0xe8: {  	_ =	swait.ge [sflag:s19], $0x4000  }
0xe9: {  	[sflag:s19] =	ssyncset.done $0x0  }
0xea: {  	[sflag:s19] =	ssyncadd.s32 $0xFFFFC000  }
0xeb: {  	[tilespmem:s20], [sflag:$0x2] =	stream.indirect.gather [hbm4b:s5+s17], $0x80, s24, s17, $0xb8;
	[tilespmem:$0x1C800] =	vst v63  }
0xec: {  	_ = 	snop  }
0xed: {  	[spmem:s2] =	stream.indirect.scatter.add.f32 [tilespmem:s18], [sflag:$0x3], $0x80, s25, s17, $0xb8;
	[tilespmem:$0x1C800] =	vst v63  }
0xee: {  	_ =	swait.ge [sflag:s15], $0x4000  }
0xef: {  	[sflag:s15] =	ssyncset.done $0x0  }
0xf0: {  	[sflag:s15] =	ssyncadd.s32 $0xFFFFC000  }
0xf1: {  	_ =	swait.ge [sflag:s21], $0x4000  }
0xf2: {  	[sflag:s21] =	ssyncset.done $0x0  }
0xf3: {  	[sflag:s21] =	ssyncadd.s32 $0xFFFFC000  }
0xf4: {  	[tilespmem:s18], [sflag:$0x1] =	stream.indirect.gather [hbm4b:s5+s17], $0x80, s26, s17, $0xb8;
	[tilespmem:$0x1C800] =	vst v63  }
0xf5: {  	_ = 	snop  }
0xf6: {  	[spmem:s2] =	stream.indirect.scatter.add.f32 [tilespmem:s20], [sflag:$0x3], $0x80, s28, s17, $0xb8;
	[tilespmem:$0x1C800] =	vst v63  }
0xf7: {  	_ =	swait.ge [sflag:s15], $0x4000  }
0xf8: {  	[sflag:s15] =	ssyncset.done $0x0  }
0xf9: {  	[sflag:s15] =	ssyncadd.s32 $0xFFFFC000  }
0xfa: {  	_ =	swait.ge [sflag:s19], $0x4000  }
0xfb: {  	[sflag:s19] =	ssyncset.done $0x0  }
0xfc: {  	[sflag:s19] =	ssyncadd.s32 $0xFFFFC000  }
0xfd: {  	[tilespmem:s20], [sflag:$0x2] =	stream.indirect.gather [hbm4b:s5+s17], $0x80, s29, s17, $0xb8;
	[tilespmem:$0x1C800] =	vst v63  }
0xfe: {  	_ = 	snop  }
0xff: {  	[spmem:s2] =	stream.indirect.scatter.add.f32 [tilespmem:s18], [sflag:$0x3], $0x80, s30, s17, $0xb8;
	[tilespmem:$0x1C800] =	vst v63  }
0x100: {  	_ =	swait.ge [sflag:s15], $0x4000  }
0x101: {  	[sflag:s15] =	ssyncset.done $0x0  }
0x102: {  	[sflag:s15] =	ssyncadd.s32 $0xFFFFC000  }
0x103: {  	_ =	swait.ge [sflag:s21], $0x4000  }
0x104: {  	[sflag:s21] =	ssyncset.done $0x0  }
0x105: {  	[sflag:s21] =	ssyncadd.s32 $0xFFFFC000  }
0x106: {  	[tilespmem:s18], [sflag:$0x1] =	stream.indirect.gather [hbm4b:s5+s17], $0x80, s31, s17, $0xb8;
	[tilespmem:$0x1C800] =	vst v63  }
0x107: {  	_ = 	snop  }
0x108: {  	[spmem:s2] =	stream.indirect.scatter.add.f32 [tilespmem:s20], [sflag:$0x3], $0x80, s0, s17, $0xb8;
	[tilespmem:$0x1C800] =	vst v63  }
0x109: {  	_ =	swait.ge [sflag:s15], $0x4000  }
0x10a: {  	[sflag:s15] =	ssyncset.done $0x0  }
0x10b: {  	[sflag:s15] =	ssyncadd.s32 $0xFFFFC000  }
0x10c: {  	_ =	swait.ge [sflag:s19], $0x4000  }
0x10d: {  	[sflag:s19] =	ssyncset.done $0x0  }
0x10e: {  	[sflag:s19] =	ssyncadd.s32 $0xFFFFC000  }
0x10f: {  	[tilespmem:s20], [sflag:$0x2] =	stream.indirect.gather [hbm4b:s5+s17], $0x80, s1, s17, $0xb8;
	[tilespmem:$0x1C800] =	vst v63  }
0x110: {  	_ = 	snop  }
0x111: {  	[spmem:s2] =	stream.indirect.scatter.add.f32 [tilespmem:s18], [sflag:$0x3], $0x80, s6, s17, $0xb8;
	[tilespmem:$0x1C800] =	vst v63  }
0x112: {  	_ =	swait.ge [sflag:s15], $0x4000  }
0x113: {  	[sflag:s15] =	ssyncset.done $0x0  }
0x114: {  	[sflag:s15] =	ssyncadd.s32 $0xFFFFC000  }
0x115: {  	_ =	swait.ge [sflag:s21], $0x4000  }
0x116: {  	[sflag:s21] =	ssyncset.done $0x0  }
0x117: {  	[sflag:s21] =	ssyncadd.s32 $0xFFFFC000  }
0x118: {  	[spmem:s2] =	stream.indirect.scatter.add.f32 [tilespmem:s20], [sflag:$0x3], $0x80, s8, s17, $0xb8;
	[tilespmem:$0x1C800] =	vst v63  }
0x119: {  	_ =	swait.ge [sflag:s15], $0x4000  }
0x11a: {  	[sflag:s15] =	ssyncset.done $0x0  }
0x11b: {  	[sflag:s15] =	ssyncadd.s32 $0xFFFFC000  }
0x11c: {  	[bflag:$0x0] =	sbarrier.arrive $0xFFFF  }
0x11d: {  	s22 =	rddreg [dreg:$0x8]  }
0x11e: {  	s12 =	rddreg [dreg:$0x5]  }
0x11f: {  	s11 =	sadd.s32 $0x0, s22;
	s13 =	sshrl.u32 s12, $0x3  }
0x120: {  	[hbm:s11], [sflag:s14] =	dma.local [spmem:s13], $0x200  }
0x121: {  	_ =	swait.ge [sflag:s15], $0x200  }
0x122: {  	s7 =	simm.s32 $0x200;
	s11 =	sadd.s32 $0x1000, s12;
	[sflag:s15] =	ssyncset.done $0x0  }
.LBB2_14:
0x123: {  	s12 =	sadd.s32 s7, s22  }
0x124: {  	s13 =	sshrl.u32 s11, $0x3;
	[sflag:s15] =	ssyncadd.s32 $0xFFFFFE00;
	p1 =	sne.s32 s7, $0x2600  }
0x125: {  	[hbm:s12], [sflag:s14] =	dma.local [spmem:s13], $0x200  }
.Ltmp5:
0x126: {  	_ = 	snop;
	(pc) =	sbr.rel @p1 .LBB2_14-.Ltmp5, $4  }
0x127: {  	_ = 	snop  }
0x128: {  	s7 =	sadd.s32 $0x200, s7  }
0x129: {  	_ =	swait.ge [sflag:s15], $0x200  }
0x12a: {  	s11 =	sadd.s32 $0x1000, s11;
	[sflag:s15] =	ssyncset.done $0x0  }
.Ltmp6:
0x12b: {  	_ = 	snop;
	(pc) =	sbr.rel .LBB2_15-.Ltmp6, $1  }
0x12c: {  	_ =	sdelay $0x3  }
.LBB2_2:
0x12d: {  	s12 =	rddreg [dreg:$0x5]  }
0x12e: {  	s7 =	sadd.s32 s3, s22;
	s11 =	sshrl.u32 s12, $0x3  }
0x12f: {  	[spmem:s11], [sflag:s14] =	dma.local [hbm:s7], $0x200  }
0x130: {  	_ =	swait.ge [sflag:s15], $0x200  }
0x131: {  	s7 =	sadd.s32 $0x200, s3;
	s11 =	sadd.s32 $0x1000, s12;
	[sflag:s15] =	ssyncset.done $0x0  }
.LBB2_3:
0x132: {  	s12 =	sadd.s32 s7, s22  }
0x133: {  	s13 =	sshrl.u32 s11, $0x3;
	[sflag:s15] =	ssyncadd.s32 $0xFFFFFE00;
	p1 =	sne.s32 s7, $0x2600  }
0x134: {  	[spmem:s13], [sflag:s14] =	dma.local [hbm:s12], $0x200  }
.Ltmp7:
0x135: {  	_ = 	snop;
	(pc) =	sbr.rel @p1 .LBB2_3-.Ltmp7, $4  }
0x136: {  	_ = 	snop  }
0x137: {  	s7 =	sadd.s32 $0x200, s7  }
0x138: {  	_ =	swait.ge [sflag:s15], $0x200  }
0x139: {  	s11 =	sadd.s32 $0x1000, s11;
	[sflag:s15] =	ssyncset.done $0x0  }
0x13a: {  	[sflag:s15] =	ssyncadd.s32 $0xFFFFFE00  }
0x13b: {  	s7 =	sadd.s32 $0x0, s10;
	[bflag:$0x0] =	sbarrier.arrive $0xFFFF  }
0x13c: {  	[tilespmem:s3], [sflag:$0x3] =	stream.linear.gather [hbm4b:s7+s3], $0x400, $0x38;
	[tilespmem:$0x1C800] =	vst v63  }
0x13d: {  	_ =	swait.ge [sflag:s15], $0x400  }
0x13e: {  	[sflag:s15] =	ssyncset.done $0x0  }
0x13f: {  	s13 =	sadd.s32 $0x0, s9;
	[sflag:s15] =	ssyncadd.s32 $0xFFFFFC00  }
0x140: {  	[tilespmem:s16], [sflag:$0x3] =	stream.linear.gather [hbm4b:s13+s3], $0x400, $0x38;
	[tilespmem:$0x1C800] =	vst v63  }
0x141: {  	_ =	swait.ge [sflag:s15], $0x400  }
0x142: {  	[sflag:s15] =	ssyncset.done $0x0  }
0x143: {  	[sflag:s15] =	ssyncadd.s32 $0xFFFFFC00  }
0x144: {  	[tilespmem:s18], [sflag:$0x1] =	stream.indirect.gather [hbm4b:s4+s17], $0x80, s3, s17, $0xb8;
	[tilespmem:$0x1C800] =	vst v63  }
0x145: {  	_ =	swait.ge [sflag:s19], $0x4000  }
0x146: {  	[sflag:s19] =	ssyncset.done $0x0  }
0x147: {  	[sflag:s19] =	ssyncadd.s32 $0xFFFFC000  }
0x148: {  	[tilespmem:s20], [sflag:$0x2] =	stream.indirect.gather [hbm4b:s4+s17], $0x80, s17, s17, $0xb8;
	[tilespmem:$0x1C800] =	vst v63  }
0x149: {  	_ = 	snop  }
0x14a: {  	[spmem:s2] =	stream.indirect.scatter.add.f32 [tilespmem:s18], [sflag:$0x3], $0x80, s16, s17, $0xb8;
	[tilespmem:$0x1C800] =	vst v63  }
0x14b: {  	_ =	swait.ge [sflag:s15], $0x4000  }
0x14c: {  	[sflag:s15] =	ssyncset.done $0x0  }
0x14d: {  	[sflag:s15] =	ssyncadd.s32 $0xFFFFC000  }
0x14e: {  	_ =	swait.ge [sflag:s21], $0x4000  }
0x14f: {  	[sflag:s21] =	ssyncset.done $0x0  }
0x150: {  	s22 =	simm.s32 $0x100;
	[sflag:s21] =	ssyncadd.s32 $0xFFFFC000  }
0x151: {  	[tilespmem:s18], [sflag:$0x1] =	stream.indirect.gather [hbm4b:s4+s17], $0x80, s22, s17, $0xb8;
	[tilespmem:$0x1C800] =	vst v63  }
0x152: {  	_ = 	snop  }
0x153: {  	[spmem:s2] =	stream.indirect.scatter.add.f32 [tilespmem:s20], [sflag:$0x3], $0x80, s23, s17, $0xb8;
	[tilespmem:$0x1C800] =	vst v63  }
0x154: {  	_ =	swait.ge [sflag:s15], $0x4000  }
0x155: {  	[sflag:s15] =	ssyncset.done $0x0  }
0x156: {  	[sflag:s15] =	ssyncadd.s32 $0xFFFFC000  }
0x157: {  	_ =	swait.ge [sflag:s19], $0x4000  }
0x158: {  	[sflag:s19] =	ssyncset.done $0x0  }
0x159: {  	[sflag:s19] =	ssyncadd.s32 $0xFFFFC000  }
0x15a: {  	[tilespmem:s20], [sflag:$0x2] =	stream.indirect.gather [hbm4b:s4+s17], $0x80, s24, s17, $0xb8;
	[tilespmem:$0x1C800] =	vst v63  }
0x15b: {  	_ = 	snop  }
0x15c: {  	[spmem:s2] =	stream.indirect.scatter.add.f32 [tilespmem:s18], [sflag:$0x3], $0x80, s25, s17, $0xb8;
	[tilespmem:$0x1C800] =	vst v63  }
0x15d: {  	_ =	swait.ge [sflag:s15], $0x4000  }
0x15e: {  	[sflag:s15] =	ssyncset.done $0x0  }
0x15f: {  	[sflag:s15] =	ssyncadd.s32 $0xFFFFC000  }
0x160: {  	_ =	swait.ge [sflag:s21], $0x4000  }
0x161: {  	[sflag:s21] =	ssyncset.done $0x0  }
0x162: {  	[sflag:s21] =	ssyncadd.s32 $0xFFFFC000  }
0x163: {  	[tilespmem:s18], [sflag:$0x1] =	stream.indirect.gather [hbm4b:s4+s17], $0x80, s26, s17, $0xb8;
	[tilespmem:$0x1C800] =	vst v63  }
0x164: {  	_ = 	snop  }
0x165: {  	[spmem:s2] =	stream.indirect.scatter.add.f32 [tilespmem:s20], [sflag:$0x3], $0x80, s28, s17, $0xb8;
	[tilespmem:$0x1C800] =	vst v63  }
0x166: {  	_ =	swait.ge [sflag:s15], $0x4000  }
0x167: {  	[sflag:s15] =	ssyncset.done $0x0  }
0x168: {  	[sflag:s15] =	ssyncadd.s32 $0xFFFFC000  }
0x169: {  	_ =	swait.ge [sflag:s19], $0x4000  }
0x16a: {  	[sflag:s19] =	ssyncset.done $0x0  }
0x16b: {  	[sflag:s19] =	ssyncadd.s32 $0xFFFFC000  }
0x16c: {  	[tilespmem:s20], [sflag:$0x2] =	stream.indirect.gather [hbm4b:s4+s17], $0x80, s29, s17, $0xb8;
	[tilespmem:$0x1C800] =	vst v63  }
0x16d: {  	_ = 	snop  }
0x16e: {  	[spmem:s2] =	stream.indirect.scatter.add.f32 [tilespmem:s18], [sflag:$0x3], $0x80, s30, s17, $0xb8;
	[tilespmem:$0x1C800] =	vst v63  }
0x16f: {  	_ =	swait.ge [sflag:s15], $0x4000  }
0x170: {  	[sflag:s15] =	ssyncset.done $0x0  }
0x171: {  	[sflag:s15] =	ssyncadd.s32 $0xFFFFC000  }
0x172: {  	_ =	swait.ge [sflag:s21], $0x4000  }
0x173: {  	[sflag:s21] =	ssyncset.done $0x0  }
0x174: {  	[sflag:s21] =	ssyncadd.s32 $0xFFFFC000  }
0x175: {  	[tilespmem:s18], [sflag:$0x1] =	stream.indirect.gather [hbm4b:s4+s17], $0x80, s31, s17, $0xb8;
	[tilespmem:$0x1C800] =	vst v63  }
0x176: {  	_ = 	snop  }
0x177: {  	[spmem:s2] =	stream.indirect.scatter.add.f32 [tilespmem:s20], [sflag:$0x3], $0x80, s0, s17, $0xb8;
	[tilespmem:$0x1C800] =	vst v63  }
0x178: {  	_ =	swait.ge [sflag:s15], $0x4000  }
0x179: {  	[sflag:s15] =	ssyncset.done $0x0  }
0x17a: {  	[sflag:s15] =	ssyncadd.s32 $0xFFFFC000  }
0x17b: {  	_ =	swait.ge [sflag:s19], $0x4000  }
0x17c: {  	[sflag:s19] =	ssyncset.done $0x0  }
0x17d: {  	[sflag:s19] =	ssyncadd.s32 $0xFFFFC000  }
0x17e: {  	[tilespmem:s20], [sflag:$0x2] =	stream.indirect.gather [hbm4b:s4+s17], $0x80, s1, s17, $0xb8;
	[tilespmem:$0x1C800] =	vst v63  }
0x17f: {  	_ = 	snop  }
0x180: {  	[spmem:s2] =	stream.indirect.scatter.add.f32 [tilespmem:s18], [sflag:$0x3], $0x80, s6, s17, $0xb8;
	[tilespmem:$0x1C800] =	vst v63  }
0x181: {  	_ =	swait.ge [sflag:s15], $0x4000  }
0x182: {  	[sflag:s15] =	ssyncset.done $0x0  }
0x183: {  	[sflag:s15] =	ssyncadd.s32 $0xFFFFC000  }
0x184: {  	_ =	swait.ge [sflag:s21], $0x4000  }
0x185: {  	[sflag:s21] =	ssyncset.done $0x0  }
0x186: {  	[sflag:s21] =	ssyncadd.s32 $0xFFFFC000  }
0x187: {  	[spmem:s2] =	stream.indirect.scatter.add.f32 [tilespmem:s20], [sflag:$0x3], $0x80, s8, s17, $0xb8;
	[tilespmem:$0x1C800] =	vst v63  }
0x188: {  	_ =	swait.ge [sflag:s15], $0x4000  }
0x189: {  	s11 =	simm.s32 $0x100;
	s7 =	simm.s32 $0x80;
	[sflag:s15] =	ssyncset.done $0x0  }
.LBB2_5:
0x18a: {  	s13 =	sadd.s32 s7, s10  }
0x18b: {  	[sflag:s15] =	ssyncadd.s32 $0xFFFFC000;
	s22 =	smov.u32 s11;
	s12 =	sadd.s32 $0x80, s11  }
0x18c: {  	[tilespmem:s3], [sflag:$0x3] =	stream.linear.gather [hbm4b:s13+s3], $0x400, $0x38;
	[tilespmem:$0x1C800] =	vst v63  }
0x18d: {  	p1 =	sne.s32 s11, $0x480;
	_ =	swait.ge [sflag:s15], $0x400  }
0x18e: {  	s11 =	sadd.s32 s7, s9;
	[sflag:s15] =	ssyncset.done $0x0  }
0x18f: {  	s7 =	smov.u32 s22;
	s13 =	simm.s32 $0x100;
	[sflag:s15] =	ssyncadd.s32 $0xFFFFFC00  }
0x190: {  	[tilespmem:s16], [sflag:$0x3] =	stream.linear.gather [hbm4b:s11+s3], $0x400, $0x38;
	[tilespmem:$0x1C800] =	vst v63  }
0x191: {  	_ =	swait.ge [sflag:s15], $0x400  }
0x192: {  	[sflag:s15] =	ssyncset.done $0x0  }
0x193: {  	[sflag:s15] =	ssyncadd.s32 $0xFFFFFC00  }
0x194: {  	[tilespmem:s18], [sflag:$0x1] =	stream.indirect.gather [hbm4b:s4+s17], $0x80, s3, s17, $0xb8;
	[tilespmem:$0x1C800] =	vst v63  }
0x195: {  	_ =	swait.ge [sflag:s19], $0x4000  }
0x196: {  	[sflag:s19] =	ssyncset.done $0x0  }
0x197: {  	[sflag:s19] =	ssyncadd.s32 $0xFFFFC000  }
0x198: {  	[tilespmem:s20], [sflag:$0x2] =	stream.indirect.gather [hbm4b:s4+s17], $0x80, s17, s17, $0xb8;
	[tilespmem:$0x1C800] =	vst v63  }
0x199: {  	_ = 	snop  }
0x19a: {  	[spmem:s2] =	stream.indirect.scatter.add.f32 [tilespmem:s18], [sflag:$0x3], $0x80, s16, s17, $0xb8;
	[tilespmem:$0x1C800] =	vst v63  }
0x19b: {  	_ =	swait.ge [sflag:s15], $0x4000  }
0x19c: {  	[sflag:s15] =	ssyncset.done $0x0  }
0x19d: {  	[sflag:s15] =	ssyncadd.s32 $0xFFFFC000  }
0x19e: {  	_ =	swait.ge [sflag:s21], $0x4000  }
0x19f: {  	[sflag:s21] =	ssyncset.done $0x0  }
0x1a0: {  	[sflag:s21] =	ssyncadd.s32 $0xFFFFC000  }
0x1a1: {  	[tilespmem:s18], [sflag:$0x1] =	stream.indirect.gather [hbm4b:s4+s17], $0x80, s13, s17, $0xb8;
	[tilespmem:$0x1C800] =	vst v63  }
0x1a2: {  	_ = 	snop  }
0x1a3: {  	[spmem:s2] =	stream.indirect.scatter.add.f32 [tilespmem:s20], [sflag:$0x3], $0x80, s23, s17, $0xb8;
	[tilespmem:$0x1C800] =	vst v63  }
0x1a4: {  	_ =	swait.ge [sflag:s15], $0x4000  }
0x1a5: {  	[sflag:s15] =	ssyncset.done $0x0  }
0x1a6: {  	[sflag:s15] =	ssyncadd.s32 $0xFFFFC000  }
0x1a7: {  	_ =	swait.ge [sflag:s19], $0x4000  }
0x1a8: {  	[sflag:s19] =	ssyncset.done $0x0  }
0x1a9: {  	[sflag:s19] =	ssyncadd.s32 $0xFFFFC000  }
0x1aa: {  	[tilespmem:s20], [sflag:$0x2] =	stream.indirect.gather [hbm4b:s4+s17], $0x80, s24, s17, $0xb8;
	[tilespmem:$0x1C800] =	vst v63  }
0x1ab: {  	_ = 	snop  }
0x1ac: {  	[spmem:s2] =	stream.indirect.scatter.add.f32 [tilespmem:s18], [sflag:$0x3], $0x80, s25, s17, $0xb8;
	[tilespmem:$0x1C800] =	vst v63  }
0x1ad: {  	_ =	swait.ge [sflag:s15], $0x4000  }
0x1ae: {  	[sflag:s15] =	ssyncset.done $0x0  }
0x1af: {  	[sflag:s15] =	ssyncadd.s32 $0xFFFFC000  }
0x1b0: {  	_ =	swait.ge [sflag:s21], $0x4000  }
0x1b1: {  	[sflag:s21] =	ssyncset.done $0x0  }
0x1b2: {  	[sflag:s21] =	ssyncadd.s32 $0xFFFFC000  }
0x1b3: {  	[tilespmem:s18], [sflag:$0x1] =	stream.indirect.gather [hbm4b:s4+s17], $0x80, s26, s17, $0xb8;
	[tilespmem:$0x1C800] =	vst v63  }
0x1b4: {  	_ = 	snop  }
0x1b5: {  	[spmem:s2] =	stream.indirect.scatter.add.f32 [tilespmem:s20], [sflag:$0x3], $0x80, s28, s17, $0xb8;
	[tilespmem:$0x1C800] =	vst v63  }
0x1b6: {  	_ =	swait.ge [sflag:s15], $0x4000  }
0x1b7: {  	[sflag:s15] =	ssyncset.done $0x0  }
0x1b8: {  	[sflag:s15] =	ssyncadd.s32 $0xFFFFC000  }
0x1b9: {  	_ =	swait.ge [sflag:s19], $0x4000  }
0x1ba: {  	[sflag:s19] =	ssyncset.done $0x0  }
0x1bb: {  	[sflag:s19] =	ssyncadd.s32 $0xFFFFC000  }
0x1bc: {  	[tilespmem:s20], [sflag:$0x2] =	stream.indirect.gather [hbm4b:s4+s17], $0x80, s29, s17, $0xb8;
	[tilespmem:$0x1C800] =	vst v63  }
0x1bd: {  	_ = 	snop  }
0x1be: {  	[spmem:s2] =	stream.indirect.scatter.add.f32 [tilespmem:s18], [sflag:$0x3], $0x80, s30, s17, $0xb8;
	[tilespmem:$0x1C800] =	vst v63  }
0x1bf: {  	_ =	swait.ge [sflag:s15], $0x4000  }
0x1c0: {  	[sflag:s15] =	ssyncset.done $0x0  }
0x1c1: {  	[sflag:s15] =	ssyncadd.s32 $0xFFFFC000  }
0x1c2: {  	_ =	swait.ge [sflag:s21], $0x4000  }
0x1c3: {  	[sflag:s21] =	ssyncset.done $0x0  }
0x1c4: {  	[sflag:s21] =	ssyncadd.s32 $0xFFFFC000  }
0x1c5: {  	[tilespmem:s18], [sflag:$0x1] =	stream.indirect.gather [hbm4b:s4+s17], $0x80, s31, s17, $0xb8;
	[tilespmem:$0x1C800] =	vst v63  }
0x1c6: {  	_ = 	snop  }
0x1c7: {  	[spmem:s2] =	stream.indirect.scatter.add.f32 [tilespmem:s20], [sflag:$0x3], $0x80, s0, s17, $0xb8;
	[tilespmem:$0x1C800] =	vst v63  }
0x1c8: {  	_ =	swait.ge [sflag:s15], $0x4000  }
0x1c9: {  	[sflag:s15] =	ssyncset.done $0x0  }
0x1ca: {  	[sflag:s15] =	ssyncadd.s32 $0xFFFFC000  }
0x1cb: {  	_ =	swait.ge [sflag:s19], $0x4000  }
0x1cc: {  	[sflag:s19] =	ssyncset.done $0x0  }
0x1cd: {  	[sflag:s19] =	ssyncadd.s32 $0xFFFFC000  }
0x1ce: {  	[tilespmem:s20], [sflag:$0x2] =	stream.indirect.gather [hbm4b:s4+s17], $0x80, s1, s17, $0xb8;
	[tilespmem:$0x1C800] =	vst v63  }
0x1cf: {  	_ = 	snop  }
0x1d0: {  	[spmem:s2] =	stream.indirect.scatter.add.f32 [tilespmem:s18], [sflag:$0x3], $0x80, s6, s17, $0xb8;
	[tilespmem:$0x1C800] =	vst v63  }
0x1d1: {  	_ =	swait.ge [sflag:s15], $0x4000  }
0x1d2: {  	[sflag:s15] =	ssyncset.done $0x0  }
0x1d3: {  	[sflag:s15] =	ssyncadd.s32 $0xFFFFC000  }
0x1d4: {  	_ =	swait.ge [sflag:s21], $0x4000  }
.Ltmp8:
0x1d5: {  	[sflag:s21] =	ssyncset.done $0x0;
	(pc) =	sbr.rel @p1 .LBB2_5-.Ltmp8, $4  }
0x1d6: {  	[sflag:s21] =	ssyncadd.s32 $0xFFFFC000  }
0x1d7: {  	[spmem:s2] =	stream.indirect.scatter.add.f32 [tilespmem:s20], [sflag:$0x3], $0x80, s8, s17, $0xb8;
	[tilespmem:$0x1C800] =	vst v63  }
0x1d8: {  	_ =	swait.ge [sflag:s15], $0x4000  }
0x1d9: {  	s11 =	smov.u32 s12;
	[sflag:s15] =	ssyncset.done $0x0  }
0x1da: {  	s11 =	sadd.s32 s7, s10;
	[sflag:s15] =	ssyncadd.s32 $0xFFFFC000  }
0x1db: {  	[tilespmem:s3], [sflag:$0x3] =	stream.linear.gather [hbm4b:s11+s3], $0x400, $0x38;
	[tilespmem:$0x1C800] =	vst v63  }
0x1dc: {  	_ =	swait.ge [sflag:s15], $0x400  }
0x1dd: {  	[sflag:s15] =	ssyncset.done $0x0  }
0x1de: {  	s22 =	sadd.s32 s7, s9;
	[sflag:s15] =	ssyncadd.s32 $0xFFFFFC00  }
0x1df: {  	[tilespmem:s16], [sflag:$0x3] =	stream.linear.gather [hbm4b:s22+s3], $0x400, $0x38;
	[tilespmem:$0x1C800] =	vst v63  }
0x1e0: {  	_ =	swait.ge [sflag:s15], $0x400  }
0x1e1: {  	[sflag:s15] =	ssyncset.done $0x0  }
0x1e2: {  	[sflag:s15] =	ssyncadd.s32 $0xFFFFFC00  }
0x1e3: {  	[tilespmem:s18], [sflag:$0x1] =	stream.indirect.gather [hbm4b:s4+s17], $0x80, s3, s17, $0xb8;
	[tilespmem:$0x1C800] =	vst v63  }
0x1e4: {  	_ =	swait.ge [sflag:s19], $0x4000  }
0x1e5: {  	[sflag:s19] =	ssyncset.done $0x0  }
0x1e6: {  	[sflag:s19] =	ssyncadd.s32 $0xFFFFC000  }
0x1e7: {  	[tilespmem:s20], [sflag:$0x2] =	stream.indirect.gather [hbm4b:s4+s17], $0x80, s17, s17, $0xb8;
	[tilespmem:$0x1C800] =	vst v63  }
0x1e8: {  	_ = 	snop  }
0x1e9: {  	[spmem:s2] =	stream.indirect.scatter.add.f32 [tilespmem:s18], [sflag:$0x3], $0x80, s16, s17, $0xb8;
	[tilespmem:$0x1C800] =	vst v63  }
0x1ea: {  	_ =	swait.ge [sflag:s15], $0x4000  }
0x1eb: {  	[sflag:s15] =	ssyncset.done $0x0  }
0x1ec: {  	[sflag:s15] =	ssyncadd.s32 $0xFFFFC000  }
0x1ed: {  	_ =	swait.ge [sflag:s21], $0x4000  }
0x1ee: {  	[sflag:s21] =	ssyncset.done $0x0  }
0x1ef: {  	[sflag:s21] =	ssyncadd.s32 $0xFFFFC000  }
0x1f0: {  	[tilespmem:s18], [sflag:$0x1] =	stream.indirect.gather [hbm4b:s4+s17], $0x80, s13, s17, $0xb8;
	[tilespmem:$0x1C800] =	vst v63  }
0x1f1: {  	_ = 	snop  }
0x1f2: {  	[spmem:s2] =	stream.indirect.scatter.add.f32 [tilespmem:s20], [sflag:$0x3], $0x80, s23, s17, $0xb8;
	[tilespmem:$0x1C800] =	vst v63  }
0x1f3: {  	_ =	swait.ge [sflag:s15], $0x4000  }
0x1f4: {  	[sflag:s15] =	ssyncset.done $0x0  }
0x1f5: {  	[sflag:s15] =	ssyncadd.s32 $0xFFFFC000  }
0x1f6: {  	_ =	swait.ge [sflag:s19], $0x4000  }
0x1f7: {  	[sflag:s19] =	ssyncset.done $0x0  }
0x1f8: {  	[sflag:s19] =	ssyncadd.s32 $0xFFFFC000  }
0x1f9: {  	[tilespmem:s20], [sflag:$0x2] =	stream.indirect.gather [hbm4b:s4+s17], $0x80, s24, s17, $0xb8;
	[tilespmem:$0x1C800] =	vst v63  }
0x1fa: {  	_ = 	snop  }
0x1fb: {  	[spmem:s2] =	stream.indirect.scatter.add.f32 [tilespmem:s18], [sflag:$0x3], $0x80, s25, s17, $0xb8;
	[tilespmem:$0x1C800] =	vst v63  }
0x1fc: {  	_ =	swait.ge [sflag:s15], $0x4000  }
0x1fd: {  	[sflag:s15] =	ssyncset.done $0x0  }
0x1fe: {  	[sflag:s15] =	ssyncadd.s32 $0xFFFFC000  }
0x1ff: {  	_ =	swait.ge [sflag:s21], $0x4000  }
0x200: {  	[sflag:s21] =	ssyncset.done $0x0  }
0x201: {  	[sflag:s21] =	ssyncadd.s32 $0xFFFFC000  }
0x202: {  	[tilespmem:s18], [sflag:$0x1] =	stream.indirect.gather [hbm4b:s4+s17], $0x80, s26, s17, $0xb8;
	[tilespmem:$0x1C800] =	vst v63  }
0x203: {  	_ = 	snop  }
0x204: {  	[spmem:s2] =	stream.indirect.scatter.add.f32 [tilespmem:s20], [sflag:$0x3], $0x80, s28, s17, $0xb8;
	[tilespmem:$0x1C800] =	vst v63  }
0x205: {  	_ =	swait.ge [sflag:s15], $0x4000  }
0x206: {  	[sflag:s15] =	ssyncset.done $0x0  }
0x207: {  	[sflag:s15] =	ssyncadd.s32 $0xFFFFC000  }
0x208: {  	_ =	swait.ge [sflag:s19], $0x4000  }
0x209: {  	[sflag:s19] =	ssyncset.done $0x0  }
0x20a: {  	[sflag:s19] =	ssyncadd.s32 $0xFFFFC000  }
0x20b: {  	[tilespmem:s20], [sflag:$0x2] =	stream.indirect.gather [hbm4b:s4+s17], $0x80, s29, s17, $0xb8;
	[tilespmem:$0x1C800] =	vst v63  }
0x20c: {  	_ = 	snop  }
0x20d: {  	[spmem:s2] =	stream.indirect.scatter.add.f32 [tilespmem:s18], [sflag:$0x3], $0x80, s30, s17, $0xb8;
	[tilespmem:$0x1C800] =	vst v63  }
0x20e: {  	_ =	swait.ge [sflag:s15], $0x4000  }
0x20f: {  	[sflag:s15] =	ssyncset.done $0x0  }
0x210: {  	[sflag:s15] =	ssyncadd.s32 $0xFFFFC000  }
0x211: {  	_ =	swait.ge [sflag:s21], $0x4000  }
0x212: {  	[sflag:s21] =	ssyncset.done $0x0  }
0x213: {  	[sflag:s21] =	ssyncadd.s32 $0xFFFFC000  }
0x214: {  	[tilespmem:s18], [sflag:$0x1] =	stream.indirect.gather [hbm4b:s4+s17], $0x80, s31, s17, $0xb8;
	[tilespmem:$0x1C800] =	vst v63  }
0x215: {  	_ = 	snop  }
0x216: {  	[spmem:s2] =	stream.indirect.scatter.add.f32 [tilespmem:s20], [sflag:$0x3], $0x80, s0, s17, $0xb8;
	[tilespmem:$0x1C800] =	vst v63  }
0x217: {  	_ =	swait.ge [sflag:s15], $0x4000  }
0x218: {  	[sflag:s15] =	ssyncset.done $0x0  }
0x219: {  	[sflag:s15] =	ssyncadd.s32 $0xFFFFC000  }
0x21a: {  	_ =	swait.ge [sflag:s19], $0x4000  }
0x21b: {  	[sflag:s19] =	ssyncset.done $0x0  }
0x21c: {  	[sflag:s19] =	ssyncadd.s32 $0xFFFFC000  }
0x21d: {  	[tilespmem:s20], [sflag:$0x2] =	stream.indirect.gather [hbm4b:s4+s17], $0x80, s1, s17, $0xb8;
	[tilespmem:$0x1C800] =	vst v63  }
0x21e: {  	_ = 	snop  }
0x21f: {  	[spmem:s2] =	stream.indirect.scatter.add.f32 [tilespmem:s18], [sflag:$0x3], $0x80, s6, s17, $0xb8;
	[tilespmem:$0x1C800] =	vst v63  }
0x220: {  	_ =	swait.ge [sflag:s15], $0x4000  }
0x221: {  	[sflag:s15] =	ssyncset.done $0x0  }
0x222: {  	[sflag:s15] =	ssyncadd.s32 $0xFFFFC000  }
0x223: {  	_ =	swait.ge [sflag:s21], $0x4000  }
0x224: {  	[sflag:s21] =	ssyncset.done $0x0  }
0x225: {  	[sflag:s21] =	ssyncadd.s32 $0xFFFFC000  }
0x226: {  	[spmem:s2] =	stream.indirect.scatter.add.f32 [tilespmem:s20], [sflag:$0x3], $0x80, s8, s17, $0xb8;
	[tilespmem:$0x1C800] =	vst v63  }
0x227: {  	_ =	swait.ge [sflag:s15], $0x4000  }
0x228: {  	[sflag:s15] =	ssyncset.done $0x0  }
0x229: {  	[sflag:s15] =	ssyncadd.s32 $0xFFFFC000  }
0x22a: {  	[bflag:$0x0] =	sbarrier.arrive $0xFFFF  }
0x22b: {  	s22 =	rddreg [dreg:$0x6]  }
0x22c: {  	s12 =	rddreg [dreg:$0x5]  }
0x22d: {  	s11 =	sadd.s32 $0x0, s22;
	s13 =	sshrl.u32 s12, $0x3  }
0x22e: {  	[hbm:s11], [sflag:s14] =	dma.local [spmem:s13], $0x200  }
0x22f: {  	_ =	swait.ge [sflag:s15], $0x200  }
0x230: {  	s7 =	simm.s32 $0x200;
	s11 =	sadd.s32 $0x1000, s12;
	[sflag:s15] =	ssyncset.done $0x0  }
.LBB2_7:
0x231: {  	s12 =	sadd.s32 s7, s22  }
0x232: {  	s13 =	sshrl.u32 s11, $0x3;
	[sflag:s15] =	ssyncadd.s32 $0xFFFFFE00;
	p1 =	seq.s32 s7, $0x2600  }
0x233: {  	[hbm:s12], [sflag:s14] =	dma.local [spmem:s13], $0x200  }
.Ltmp9:
0x234: {  	_ = 	snop;
	(pc) =	sbr.rel @!p1 .LBB2_7-.Ltmp9, $4  }
0x235: {  	_ = 	snop  }
0x236: {  	s7 =	sadd.s32 $0x200, s7  }
0x237: {  	_ =	swait.ge [sflag:s15], $0x200  }
0x238: {  	s11 =	sadd.s32 $0x1000, s11;
	[sflag:s15] =	ssyncset.done $0x0  }
.Ltmp10:
0x239: {  	(pc) =	sbr.rel .LBB2_16-.Ltmp10, $3  }
0x23a: {  	_ =	sdelay $0x1  }
0x23b: {  	s22 =	rddreg [dreg:$0x4]  }
0x23c: {  	[sflag:s15] =	ssyncadd.s32 $0xFFFFFE00;
	s11 =	rddreg [dreg:$0x9]  }
.LBB2_17:
0x23d: {  	_ =	sfence.sel $0x180000  }
0x23e: {  	[bflag:$0x0] =	sbarrier.arrive $0xFFFF  }
0x23f: {  	_ =	strace $0x9000004A  }
0x240: {  	s0 =	stileid.u32;
	[bflag:$0x2] =	sbarrier.arrive $0xFFFF  }
0x241: {  	p0 =	sne.s32 s0, $0x0;
	s0 =	rddreg [dreg:$0x2]  }
0x242: {  	s0 =	sadd.s32 @!p0 $0x100000, s0  }
0x243: {  	[sflag:s0] =	ssyncadd.tile.s32 @!p0 $0x1;
	_ =	shalt  }
.Lfunc_end2:
_tile_overlayer_lowered:
.L_overlay_start_2:
0x244: {  	(tag) =	ssettag $0x2  }
0x245: {  	s0 =	rddreg [dreg:$0x0];
	s2 =	stileid.u32  }
0x246: {  	s1 =	rddreg [dreg:$0x1];
	p0 =	sne.s32 s2, $0x0  }
0x247: {  	s3 =	rddreg [dreg:$0x2];
	[bflag:$0x3] =	sbarrier.arrive $0xFFFF;
	s2 =	simm.s32 @!p0 $0x1C03  }
0x248: {  	[timem:s3], [sflag:s2] =	dma.local @!p0 [hbm:s0], s1  }
0x249: {  	s0 =	simm.s32 @!p0 $0x3  }
0x24a: {  	_ =	swait.ge @!p0 [sflag:s0], s1  }
0x24b: {  	s1 =	ssub.s32 @!p0 $0x0, s1;
	[sflag:s0] =	ssyncset.done @!p0 $0x0  }
0x24c: {  	[sflag:s0] =	ssyncadd.s32 @!p0 s1  }
0x24d: {  	[bflag:$0x3] =	sbarrier.arrive $0xFFFF  }
0x24e: {  	_ =	shalt  }

// kernel: kernel.15.cloned.1.call-start
scs
__scs_entry_jumppad:
0x0: {  	(pc) =	sbr.rel $0x88, $3  }
0x1: {  	(tag) =	ssettag $0x0;
	lr =	simm.s32 $0x1  }
0x2: {  	[smem:$0x3F98] =	sst lr;
	_ =	strace $0xD0000000  }
0x3: {  	_ = 	snop  }
0x4: {  	_ = 	snop  }
0x5: {  	_ = 	snop  }
0x6: {  	_ = 	snop  }
0x7: {  	_ = 	snop  }
__scs_overlays_trampoline_lowered:
0x8: {  	[smem:$0x3FA7] =	sst s0  }
0x9: {  	[smem:$0x3FA8] =	sst s1  }
0xa: {  	[smem:$0x3FA9] =	sst s2  }
0xb: {  	[smem:$0x3FAA] =	sst s3  }
0xc: {  	[smem:$0x3FAB] =	sst s4  }
0xd: {  	[smem:$0x3FAC] =	sst s5  }
0xe: {  	[smem:$0x3FAD] =	sst s6  }
0xf: {  	[smem:$0x3FAE] =	sst s7  }
0x10: {  	[smem:$0x3FAF] =	sst s8  }
0x11: {  	[smem:$0x3FB0] =	sst s9;
	s0 =	simm.s32 @!p0 $0x0  }
0x12: {  	s1 =	sld [smem:$0x3F96];
	s0 =	simm.s32 @p0 $0x1  }
0x13: {  	[smem:$0x3FB1] =	sst s0;
	s0 =	simm.s32 @!p1 $0x0  }
0x14: {  	s2 =	sld [smem:$0x3F95];
	s0 =	simm.s32 @p1 $0x1  }
0x15: {  	[smem:$0x3FB2] =	sst s0;
	s0 =	simm.s32 @!p2 $0x0  }
0x16: {  	s3 =	sld [smem:$0x3FDB];
	s0 =	simm.s32 @p2 $0x1  }
0x17: {  	s4 =	simm.s32 $0x1BF5;
	[smem:$0x3FB4] =	sst s0  }
0x18: {  	s0 =	sld [smem:$0x3F97];
	_ =	swait.ge [sflag:s4], $0x0  }
0x19: {  	s7 =	sld [smem:$0x3F98]  }
0x1a: {  	s8 =	sadd.s32 $0xFFFFE003, lr  }
0x1b: {  	s9 =	sadd.s32 $0xFFFFFEF7, lr;
	s5 =	simm.s32 $0xFFFFFFFF;
	p2 =	slt.u32 s8, $0xFFFFF086  }
0x1c: {  	p1 =	slt.u32 s9, $0xF7A;
	s5 =	simm.s32 @!p2 $0x0  }
0x1d: {  	s5 =	simm.s32 @p1 $0x1;
	p0 =	seq.s32 s7, s2  }
0x1e: {  	s7 =	smul.u32 @!p0 $0xF7A, s2;
	p2 =	seq.s32 @!p0 s5, $0x0  }
0x1f: {  	s9 =	smul.u32 $0xF7A, s1;
	s8 =	simm.s32 @!p0 $0x1BF5;
	p2 =	por !p2, p0  }
0x20: {  	[sflag:s8] =	ssyncset.s32 @!p0 $0xFFFFF086;
	s6 =	sadd.s32 @!p0 s3, s7;
	s7 =	simm.s32 @!p0 $0x108  }
0x21: {  	s3 =	sadd.s32 s3, s9;
	s6 =	sadd.s32 @!p0 $0x88, s6;
	s7 =	simm.s32 @p2 $0x1082  }
0x22: {  	[simem:s7], [sflag:s8] =	dma.local @!p0 [hbm:s6], $0xF7A  }
0x23: {  	s9 =	sor.u32 $0xD0000000, s2;
	s6 =	simm.s32 $0x108;
	_ =	swait.ge @!p0 [sflag:s8], $0x0  }
0x24: {  	s3 =	sadd.s32 $0x88, s3;
	s6 =	simm.s32 @!p1 $0x1082;
	[sflag:s4] =	ssyncset.s32 $0xFFFFF086  }
0x25: {  	[simem:s6], [sflag:s4] =	dma.local [hbm:s3], $0xF7A  }
0x26: {  	[smem:$0x3F98] =	sst s1;
	(tag) =	ssettag s2;
	_ =	strace s9  }
0x27: {  	s1 =	sld [smem:$0x3FA8]  }
0x28: {  	s2 =	sld [smem:$0x3FA9]  }
0x29: {  	s4 =	sld [smem:$0x3FAB]  }
0x2a: {  	p0 =	seq.s32 s5, $0x0;
	s5 =	sld [smem:$0x3FAC]  }
0x2b: {  	s6 =	sld [smem:$0x3FAD]  }
0x2c: {  	s7 =	sld [smem:$0x3FAE]  }
0x2d: {  	s3 =	simm.s32 $0x108;
	s8 =	sld [smem:$0x3FAF]  }
0x2e: {  	s3 =	simm.s32 @!p0 $0x1082;
	s9 =	sld [smem:$0x3FB0]  }
0x2f: {  	lr =	sadd.s32 s0, s3;
	s0 =	sld [smem:$0x3FA7]  }
0x30: {  	s3 =	sld [smem:$0x3FAA]  }
0x31: {  	[smem:$0x3FB3] =	sst s10  }
0x32: {  	s10 =	sld [smem:$0x3FB1];
	_ =	sdelay $0x3  }
0x33: {  	p0 =	seq.s32 s10, $0x1;
	s10 =	sld [smem:$0x3FB3];
	_ =	sdelay $0x3  }
0x34: {  	[smem:$0x3FB3] =	sst s10  }
0x35: {  	s10 =	sld [smem:$0x3FB2];
	_ =	sdelay $0x3  }
0x36: {  	p1 =	seq.s32 s10, $0x1;
	s10 =	sld [smem:$0x3FB3];
	_ =	sdelay $0x3  }
0x37: {  	[smem:$0x3FB3] =	sst s10  }
0x38: {  	s10 =	sld [smem:$0x3FB4]  }
0x39: {  	_ = 	snop;
	(pc) =	sbr.ind lr, $3  }
0x3a: {  	_ = 	snop  }
0x3b: {  	_ = 	snop  }
0x3c: {  	p2 =	seq.s32 s10, $0x1;
	s10 =	sld [smem:$0x3FB3]  }
0x3d: {  	_ =	shalt  }
0x3e: {  	_ =	shalt  }
0x3f: {  	_ =	shalt  }
0x40: {  	_ =	shalt  }
0x41: {  	_ =	shalt  }
0x42: {  	_ =	shalt  }
0x43: {  	_ =	shalt  }
0x44: {  	_ =	shalt  }
0x45: {  	_ =	shalt  }
0x46: {  	_ =	shalt  }
0x47: {  	_ =	shalt  }
0x48: {  	_ =	shalt  }
0x49: {  	_ =	shalt  }
0x4a: {  	_ =	shalt  }
0x4b: {  	_ =	shalt  }
0x4c: {  	_ =	shalt  }
0x4d: {  	_ =	shalt  }
0x4e: {  	_ =	shalt  }
0x4f: {  	_ =	shalt  }
0x50: {  	_ =	shalt  }
0x51: {  	_ =	shalt  }
0x52: {  	_ =	shalt  }
0x53: {  	_ =	shalt  }
0x54: {  	_ =	shalt  }
0x55: {  	_ =	shalt  }
0x56: {  	_ =	shalt  }
0x57: {  	_ =	shalt  }
0x58: {  	_ =	shalt  }
0x59: {  	_ =	shalt  }
0x5a: {  	_ =	shalt  }
0x5b: {  	_ =	shalt  }
0x5c: {  	_ =	shalt  }
0x5d: {  	_ =	shalt  }
0x5e: {  	_ =	shalt  }
0x5f: {  	_ =	shalt  }
0x60: {  	_ =	shalt  }
0x61: {  	_ =	shalt  }
0x62: {  	_ =	shalt  }
0x63: {  	_ =	shalt  }
0x64: {  	_ =	shalt  }
0x65: {  	_ =	shalt  }
0x66: {  	_ =	shalt  }
0x67: {  	_ =	shalt  }
0x68: {  	_ =	shalt  }
0x69: {  	_ =	shalt  }
0x6a: {  	_ =	shalt  }
0x6b: {  	_ =	shalt  }
0x6c: {  	_ =	shalt  }
0x6d: {  	_ =	shalt  }
0x6e: {  	_ =	shalt  }
0x6f: {  	_ =	shalt  }
0x70: {  	_ =	shalt  }
0x71: {  	_ =	shalt  }
0x72: {  	_ =	shalt  }
0x73: {  	_ =	shalt  }
0x74: {  	_ =	shalt  }
0x75: {  	_ =	shalt  }
0x76: {  	_ =	shalt  }
0x77: {  	_ =	shalt  }
0x78: {  	_ =	shalt  }
0x79: {  	_ =	shalt  }
0x7a: {  	_ =	shalt  }
0x7b: {  	_ =	shalt  }
0x7c: {  	_ =	shalt  }
0x7d: {  	_ =	shalt  }
0x7e: {  	_ =	shalt  }
0x7f: {  	_ =	shalt  }
0x80: {  	_ =	shalt  }
0x81: {  	_ =	shalt  }
0x82: {  	_ =	shalt  }
0x83: {  	_ =	shalt  }
0x84: {  	_ =	shalt  }
0x85: {  	_ =	shalt  }
0x86: {  	_ =	shalt  }
0x87: {  	_ =	shalt  }
.Lfunc_end0:
.L_simem_size_0:
called_computation.2_lowered:
.L_overlay_start_0:
0x88: {  	s2 =	sld [smem:$0x3FD9]  }
0x89: {  	s3 =	sld [smem:$0x3FFE];
	_ =	sdelay $0x1  }
0x8a: {  	s1 =	srdreg.scid  }
0x8b: {  	s0 =	sand.u32 $0x1, s1  }
0x8c: {  	s16 =	sshll.u32 s0, $0xA;
	s2 =	sadd.s32 s3, s2  }
0x8d: {  	s2 =	sadd.s32 s2, s16  }
0x8e: {  	[smem:$0x3FBF] =	sst s2  }
0x8f: {  	_ = 	snop  }
0x90: {  	(tm) =	ssettm $0x1  }
0x91: {  	s17 =	sld [smem:$0x3FFB];
	_ =	sdelay $0x3  }
0x92: {  	_ =	strace s17  }
0x93: {  	s2 =	sld [smem:$0x3FFC];
	_ =	sdelay $0x3  }
0x94: {  	_ =	strace s2  }
0x95: {  	s2 =	sld [smem:$0x3FFD];
	_ =	sdelay $0x3  }
0x96: {  	_ =	strace s2  }
0x97: {  	_ =	strace $0x8FFFFFFF  }
0x98: {  	s18 =	sld [smem:$0x3FDB];
	_ =	sdelay $0x1  }
0x99: {  	s19 =	simm.s32 $_scs_section_size  }
0x9a: {  	s4 =	simm.s32 $_size__tile_overlayer_lowered;
	s5 =	simm.s32 $_tile_overlayer_lowered  }
0x9b: {  	s22 =	simm.s32 $0x1BFF;
	s21 =	sshll.u32 s5, $0x1;
	s2 =	sadd.s32 s19, s18  }
0x9c: {  	s6 =	simm.s32 $0x0;
	s20 =	sshll.u32 s4, $0x1;
	s4 =	sadd.s32 s21, s2  }
0x9d: {  	[timem:s6], [sflag:s22] =	dma.local [hbm:s4], s20  }
0x9e: {  	_ =	swait.ge [sflag:s22], s20  }
0x9f: {  	s3 =	ssub.s32 $0x0, s20;
	[sflag:s22] =	ssyncset.done $0x0  }
0xa0: {  	[sflag:s22] =	ssyncadd.s32 s3;
	_ =	sdelay $0x1  }
0xa1: {  	s23 =	simm.s32 $0x1B8B  }
0xa2: {  	_ =	swait.ge [sflag:s23], $0x1  }
0xa3: {  	[sflag:s23] =	ssyncset.done $0x0  }
0xa4: {  	s25 =	simm.s32 $0x1B8E;
	s24 =	sld [smem:$0x3FFE];
	[sflag:s23] =	ssyncadd.s32 $0xFFFFFFFF  }
0xa5: {  	s26 =	simm.s32 $execute0_lowered;
	[smem:$0x3FD2] =	sst s25  }
0xa6: {  	s4 =	sshll.u32 s26, $0x1;
	_ =	strace $0x8000004C;
	[dreg:$0x1] =	wrdreg $0xFFFFFFFF  }
0xa7: {  	s28 =	simm.s32 $_size_execute0_lowered;
	s2 =	sadd.s32 s2, s4;
	[dreg:$0x0] =	wrdreg $0x0  }
0xa8: {  	s4 =	sshll.u32 s28, $0x1;
	[dreg:$0x2] =	wrdreg s2  }
0xa9: {  	[dreg:$0x3] =	wrdreg s4  }
0xaa: {  	[dreg:$0x4] =	wrdreg $0xC0  }
0xab: {  	_ =	task [dreg:s6], $0x5FFFF  }
0xac: {  	[dreg:$0x1] =	wrdreg $0xFFFFFFFF  }
0xad: {  	[dreg:$0x0] =	wrdreg $0x60  }
0xae: {  	[dreg:$0x2] =	wrdreg s24  }
0xaf: {  	[dreg:$0x3] =	wrdreg $0x88000  }
0xb0: {  	[dreg:$0x4] =	wrdreg $0x9  }
0xb1: {  	_ =	task.clear_ibuf [dreg:s6], $0x5FFFF;
	_ =	strace $0x9000004C  }
0xb2: {  	s29 =	simm.s32 $0x9;
	_ =	strace $0x8000004E  }
0xb3: {  	_ =	swait.ge [sflag:s29], $0x1  }
0xb4: {  	[sflag:s29] =	ssyncadd.s32 $0xFFFFFFFF  }
0xb5: {  	_ =	strace $0x9000004E  }
0xb6: {  	_ =	sfence  }
0xb7: {  	s30 =	sld [smem:$0x0];
	_ =	sdelay $0x2  }
0xb8: {  	s31 =	sshll.u32 s1, $0xD;
	s1 =	sshrl.u32 s1, $0x2  }
0xb9: {  	s3 =	sand.u32 $0x4000, s31;
	s1 =	sadd.s32 s1, s30  }
0xba: {  	s0 =	sor.u32 s3, s0;
	s1 =	sshll.u32 s1, $0x11  }
0xbb: {  	s0 =	sor.u32 s1, s0  }
0xbc: {  	s0 =	sadd.s32 $0x8F2B, s0  }
0xbd: {  	[sflag:s0] =	ssyncadd.remote.s32 $0x1  }
0xbe: {  	_ =	sfence.sel $0xFFFF  }
0xbf: {  	[dreg:$0x0] =	wrdreg $0xFFFFFFFF;
	(pc) =	sbr.abs _section_cstart, $3  }
0xc0: {  	[dreg:$0x1] =	wrdreg $0xFFFFFFFF  }
0xc1: {  	_ =	task.clear_ibuf [dreg:s6], $0x2FFFF;
	_ =	strace $0x9FFFFFFF  }
0xc2: {  	(tm) =	ssettm $0x7FFFFFFF  }
0xc3: {  	_ =	shalt  }
tec
execute0_lowered:
.L_overlay_start_1:
0x0: {  	(tag) =	ssettag $0x1  }
0x1: {  	s0 =	rddreg [dreg:$0x0]  }
0x2: {  	s2 =	rddreg [dreg:$0x1];
	s3 =	simm.s32 $0x0  }
0x3: {  	s11 =	stileid.u32;
	s1 =	srdreg.scid;
	s15 =	simm.s32 $0x3  }
0x4: {  	s16 =	simm.s32 $0x400;
	s17 =	simm.s32 $0x80;
	s18 =	simm.s32 $0x800  }
0x5: {  	s19 =	simm.s32 $0x1;
	s20 =	simm.s32 $0x4800;
	s21 =	simm.s32 $0x2  }
0x6: {  	s28 =	simm.s32 $0x580;
	s29 =	simm.s32 $0x280;
	s30 =	simm.s32 $0x600  }
0x7: {  	s31 =	simm.s32 $0x300;
	[smem:$0x7FF] =	sst s3;
	s6 =	smul.u32 $0x500, s11  }
0x8: {  	s1 =	sand.u32 $0x1, s1;
	s4 =	sadd.s32 $0xD400, s0;
	s7 =	smul.u32 $0x2800, s11  }
0x9: {  	s5 =	sadd.s32 $0x35400, s0;
	s10 =	smul.u32 $0x50000, s11;
	s25 =	sshll.u32 s11, $0x6  }
0xa: {  	s11 =	simm.s32 $0x0;
	_ =	strace $0x8000004D;
	s8 =	ssub.s32 $0x2, s1  }
0xb: {  	p0 =	seq.s32 s1, $0x1;
	s14 =	sor.u32 $0x1C03, s25;
	s25 =	simm.s32 $0x500  }
0xc: {  	s9 =	sshrl.u32 s8, $0x1;
	s6 =	sadd.s32 s6, s0;
	s0 =	sadd.s32 s7, s0  }
0xd: {  	s23 =	sshrl.u32 s10, $0x2;
	s26 =	sadd.s32 s7, s5;
	s8 =	ssub.s32 s8, s9  }
0xe: {  	s1 =	sadd.s32 s23, s2;
	s9 =	sadd.s32 $0x8400, s6;
	s10 =	sadd.s32 $0x3400, s6  }
0xf: {  	s24 =	sadd.s32 $0x5D400, s0;
	[dreg:$0x7] =	wrdreg s26;
	s0 =	sadd.s32 $0x85400, s0  }
.Ltmp0:
0x10: {  	s23 =	simm.s32 $0x480;
	[dreg:$0x5] =	wrdreg s1;
	(pc) =	sbr.rel .LBB2_1-.Ltmp0, $4  }
0x11: {  	s26 =	simm.s32 $0x200;
	s6 =	simm.s32 $0x700;
	[dreg:$0x6] =	wrdreg s24  }
0x12: {  	s22 =	smax.u32 s8, $0x1;
	[dreg:$0x8] =	wrdreg s0;
	s24 =	simm.s32 $0x180  }
0x13: {  	s0 =	simm.s32 $0x680;
	[dreg:$0x3] =	wrdreg s22;
	s22 =	sadd.s32 s7, s4  }
0x14: {  	s1 =	simm.s32 $0x380;
	s8 =	simm.s32 $0x780;
	[dreg:$0x4] =	wrdreg s22  }
.LBB2_15:
0x15: {  	s22 =	rddreg [dreg:$0x4]  }
0x16: {  	[sflag:s15] =	ssyncadd.s32 $0xFFFFFE00;
	s11 =	rddreg [dreg:$0x9]  }
.LBB2_16:
0x17: {  	s11 =	sadd.s32 $0x1, s11;
	s7 =	rddreg [dreg:$0x3]  }
0x18: {  	p1 =	sne.s32 s11, s7  }
.Ltmp1:
0x19: {  	_ = 	snop;
	(pc) =	sbr.rel @!p1 .LBB2_17-.Ltmp1, $1  }
0x1a: {  	_ =	sdelay $0x3  }
.LBB2_1:
.Ltmp2:
0x1b: {  	(pc) =	sbr.rel @!p0 .LBB2_2-.Ltmp2, $2  }
0x1c: {  	_ =	sdelay $0x2  }
0x1d: {  	[dreg:$0x9] =	wrdreg s11  }
0x1e: {  	s22 =	rddreg [dreg:$0x7]  }
0x1f: {  	s12 =	rddreg [dreg:$0x5]  }
0x20: {  	s7 =	sadd.s32 s3, s22;
	s11 =	sshrl.u32 s12, $0x3  }
0x21: {  	[spmem:s11], [sflag:s14] =	dma.local [hbm:s7], $0x200  }
0x22: {  	_ =	swait.ge [sflag:s15], $0x200  }
0x23: {  	s7 =	sadd.s32 $0x200, s3;
	s11 =	sadd.s32 $0x1000, s12;
	[sflag:s15] =	ssyncset.done $0x0  }
.LBB2_10:
0x24: {  	s12 =	sadd.s32 s7, s22  }
0x25: {  	s13 =	sshrl.u32 s11, $0x3;
	[sflag:s15] =	ssyncadd.s32 $0xFFFFFE00;
	p1 =	sne.s32 s7, $0x2600  }
0x26: {  	[spmem:s13], [sflag:s14] =	dma.local [hbm:s12], $0x200  }
.Ltmp3:
0x27: {  	_ = 	snop;
	(pc) =	sbr.rel @p1 .LBB2_10-.Ltmp3, $4  }
0x28: {  	_ = 	snop  }
0x29: {  	s7 =	sadd.s32 $0x200, s7  }
0x2a: {  	_ =	swait.ge [sflag:s15], $0x200  }
0x2b: {  	s11 =	sadd.s32 $0x1000, s11;
	[sflag:s15] =	ssyncset.done $0x0  }
0x2c: {  	[sflag:s15] =	ssyncadd.s32 $0xFFFFFE00  }
0x2d: {  	s7 =	sadd.s32 $0x0, s10;
	[bflag:$0x0] =	sbarrier.arrive $0xFFFF  }
0x2e: {  	[tilespmem:s3], [sflag:$0x3] =	stream.linear.gather [hbm4b:s7+s3], $0x400, $0x38;
	[tilespmem:$0x1C800] =	vst v63  }
0x2f: {  	_ =	swait.ge [sflag:s15], $0x400  }
0x30: {  	[sflag:s15] =	ssyncset.done $0x0  }
0x31: {  	s13 =	sadd.s32 $0x0, s9;
	[sflag:s15] =	ssyncadd.s32 $0xFFFFFC00  }
0x32: {  	[tilespmem:s16], [sflag:$0x3] =	stream.linear.gather [hbm4b:s13+s3], $0x400, $0x38;
	[tilespmem:$0x1C800] =	vst v63  }
0x33: {  	_ =	swait.ge [sflag:s15], $0x400  }
0x34: {  	[sflag:s15] =	ssyncset.done $0x0  }
0x35: {  	[sflag:s15] =	ssyncadd.s32 $0xFFFFFC00  }
0x36: {  	[tilespmem:s18], [sflag:$0x1] =	stream.indirect.gather [hbm4b:s5+s17], $0x80, s3, s17, $0xb8;
	[tilespmem:$0x1C800] =	vst v63  }
0x37: {  	_ =	swait.ge [sflag:s19], $0x4000  }
0x38: {  	[sflag:s19] =	ssyncset.done $0x0  }
0x39: {  	[sflag:s19] =	ssyncadd.s32 $0xFFFFC000  }
0x3a: {  	[tilespmem:s20], [sflag:$0x2] =	stream.indirect.gather [hbm4b:s5+s17], $0x80, s17, s17, $0xb8;
	[tilespmem:$0x1C800] =	vst v63  }
0x3b: {  	_ = 	snop  }
0x3c: {  	[spmem:s2] =	stream.indirect.scatter.add.f32 [tilespmem:s18], [sflag:$0x3], $0x80, s16, s17, $0xb8;
	[tilespmem:$0x1C800] =	vst v63  }
0x3d: {  	_ =	swait.ge [sflag:s15], $0x4000  }
0x3e: {  	[sflag:s15] =	ssyncset.done $0x0  }
0x3f: {  	[sflag:s15] =	ssyncadd.s32 $0xFFFFC000  }
0x40: {  	_ =	swait.ge [sflag:s21], $0x4000  }
0x41: {  	[sflag:s21] =	ssyncset.done $0x0  }
0x42: {  	s22 =	simm.s32 $0x100;
	[sflag:s21] =	ssyncadd.s32 $0xFFFFC000  }
0x43: {  	[tilespmem:s18], [sflag:$0x1] =	stream.indirect.gather [hbm4b:s5+s17], $0x80, s22, s17, $0xb8;
	[tilespmem:$0x1C800] =	vst v63  }
0x44: {  	_ = 	snop  }
0x45: {  	[spmem:s2] =	stream.indirect.scatter.add.f32 [tilespmem:s20], [sflag:$0x3], $0x80, s23, s17, $0xb8;
	[tilespmem:$0x1C800] =	vst v63  }
0x46: {  	_ =	swait.ge [sflag:s15], $0x4000  }
0x47: {  	[sflag:s15] =	ssyncset.done $0x0  }
0x48: {  	[sflag:s15] =	ssyncadd.s32 $0xFFFFC000  }
0x49: {  	_ =	swait.ge [sflag:s19], $0x4000  }
0x4a: {  	[sflag:s19] =	ssyncset.done $0x0  }
0x4b: {  	[sflag:s19] =	ssyncadd.s32 $0xFFFFC000  }
0x4c: {  	[tilespmem:s20], [sflag:$0x2] =	stream.indirect.gather [hbm4b:s5+s17], $0x80, s24, s17, $0xb8;
	[tilespmem:$0x1C800] =	vst v63  }
0x4d: {  	_ = 	snop  }
0x4e: {  	[spmem:s2] =	stream.indirect.scatter.add.f32 [tilespmem:s18], [sflag:$0x3], $0x80, s25, s17, $0xb8;
	[tilespmem:$0x1C800] =	vst v63  }
0x4f: {  	_ =	swait.ge [sflag:s15], $0x4000  }
0x50: {  	[sflag:s15] =	ssyncset.done $0x0  }
0x51: {  	[sflag:s15] =	ssyncadd.s32 $0xFFFFC000  }
0x52: {  	_ =	swait.ge [sflag:s21], $0x4000  }
0x53: {  	[sflag:s21] =	ssyncset.done $0x0  }
0x54: {  	[sflag:s21] =	ssyncadd.s32 $0xFFFFC000  }
0x55: {  	[tilespmem:s18], [sflag:$0x1] =	stream.indirect.gather [hbm4b:s5+s17], $0x80, s26, s17, $0xb8;
	[tilespmem:$0x1C800] =	vst v63  }
0x56: {  	_ = 	snop  }
0x57: {  	[spmem:s2] =	stream.indirect.scatter.add.f32 [tilespmem:s20], [sflag:$0x3], $0x80, s28, s17, $0xb8;
	[tilespmem:$0x1C800] =	vst v63  }
0x58: {  	_ =	swait.ge [sflag:s15], $0x4000  }
0x59: {  	[sflag:s15] =	ssyncset.done $0x0  }
0x5a: {  	[sflag:s15] =	ssyncadd.s32 $0xFFFFC000  }
0x5b: {  	_ =	swait.ge [sflag:s19], $0x4000  }
0x5c: {  	[sflag:s19] =	ssyncset.done $0x0  }
0x5d: {  	[sflag:s19] =	ssyncadd.s32 $0xFFFFC000  }
0x5e: {  	[tilespmem:s20], [sflag:$0x2] =	stream.indirect.gather [hbm4b:s5+s17], $0x80, s29, s17, $0xb8;
	[tilespmem:$0x1C800] =	vst v63  }
0x5f: {  	_ = 	snop  }
0x60: {  	[spmem:s2] =	stream.indirect.scatter.add.f32 [tilespmem:s18], [sflag:$0x3], $0x80, s30, s17, $0xb8;
	[tilespmem:$0x1C800] =	vst v63  }
0x61: {  	_ =	swait.ge [sflag:s15], $0x4000  }
0x62: {  	[sflag:s15] =	ssyncset.done $0x0  }
0x63: {  	[sflag:s15] =	ssyncadd.s32 $0xFFFFC000  }
0x64: {  	_ =	swait.ge [sflag:s21], $0x4000  }
0x65: {  	[sflag:s21] =	ssyncset.done $0x0  }
0x66: {  	[sflag:s21] =	ssyncadd.s32 $0xFFFFC000  }
0x67: {  	[tilespmem:s18], [sflag:$0x1] =	stream.indirect.gather [hbm4b:s5+s17], $0x80, s31, s17, $0xb8;
	[tilespmem:$0x1C800] =	vst v63  }
0x68: {  	_ = 	snop  }
0x69: {  	[spmem:s2] =	stream.indirect.scatter.add.f32 [tilespmem:s20], [sflag:$0x3], $0x80, s0, s17, $0xb8;
	[tilespmem:$0x1C800] =	vst v63  }
0x6a: {  	_ =	swait.ge [sflag:s15], $0x4000  }
0x6b: {  	[sflag:s15] =	ssyncset.done $0x0  }
0x6c: {  	[sflag:s15] =	ssyncadd.s32 $0xFFFFC000  }
0x6d: {  	_ =	swait.ge [sflag:s19], $0x4000  }
0x6e: {  	[sflag:s19] =	ssyncset.done $0x0  }
0x6f: {  	[sflag:s19] =	ssyncadd.s32 $0xFFFFC000  }
0x70: {  	[tilespmem:s20], [sflag:$0x2] =	stream.indirect.gather [hbm4b:s5+s17], $0x80, s1, s17, $0xb8;
	[tilespmem:$0x1C800] =	vst v63  }
0x71: {  	_ = 	snop  }
0x72: {  	[spmem:s2] =	stream.indirect.scatter.add.f32 [tilespmem:s18], [sflag:$0x3], $0x80, s6, s17, $0xb8;
	[tilespmem:$0x1C800] =	vst v63  }
0x73: {  	_ =	swait.ge [sflag:s15], $0x4000  }
0x74: {  	[sflag:s15] =	ssyncset.done $0x0  }
0x75: {  	[sflag:s15] =	ssyncadd.s32 $0xFFFFC000  }
0x76: {  	_ =	swait.ge [sflag:s21], $0x4000  }
0x77: {  	[sflag:s21] =	ssyncset.done $0x0  }
0x78: {  	[sflag:s21] =	ssyncadd.s32 $0xFFFFC000  }
0x79: {  	[spmem:s2] =	stream.indirect.scatter.add.f32 [tilespmem:s20], [sflag:$0x3], $0x80, s8, s17, $0xb8;
	[tilespmem:$0x1C800] =	vst v63  }
0x7a: {  	_ =	swait.ge [sflag:s15], $0x4000  }
0x7b: {  	s12 =	simm.s32 $0x100;
	s7 =	simm.s32 $0x80;
	[sflag:s15] =	ssyncset.done $0x0  }
.LBB2_12:
0x7c: {  	s13 =	sadd.s32 s7, s10  }
0x7d: {  	[sflag:s15] =	ssyncadd.s32 $0xFFFFC000;
	s22 =	smov.u32 s12;
	s11 =	sadd.s32 $0x80, s12  }
0x7e: {  	[tilespmem:s3], [sflag:$0x3] =	stream.linear.gather [hbm4b:s13+s3], $0x400, $0x38;
	[tilespmem:$0x1C800] =	vst v63  }
0x7f: {  	p1 =	sne.s32 s12, $0x480;
	_ =	swait.ge [sflag:s15], $0x400  }
0x80: {  	s12 =	sadd.s32 s7, s9;
	[sflag:s15] =	ssyncset.done $0x0  }
0x81: {  	s7 =	smov.u32 s22;
	s13 =	simm.s32 $0x100;
	[sflag:s15] =	ssyncadd.s32 $0xFFFFFC00  }
0x82: {  	[tilespmem:s16], [sflag:$0x3] =	stream.linear.gather [hbm4b:s12+s3], $0x400, $0x38;
	[tilespmem:$0x1C800] =	vst v63  }
0x83: {  	_ =	swait.ge [sflag:s15], $0x400  }
0x84: {  	[sflag:s15] =	ssyncset.done $0x0  }
0x85: {  	[sflag:s15] =	ssyncadd.s32 $0xFFFFFC00  }
0x86: {  	[tilespmem:s18], [sflag:$0x1] =	stream.indirect.gather [hbm4b:s5+s17], $0x80, s3, s17, $0xb8;
	[tilespmem:$0x1C800] =	vst v63  }
0x87: {  	_ =	swait.ge [sflag:s19], $0x4000  }
0x88: {  	[sflag:s19] =	ssyncset.done $0x0  }
0x89: {  	[sflag:s19] =	ssyncadd.s32 $0xFFFFC000  }
0x8a: {  	[tilespmem:s20], [sflag:$0x2] =	stream.indirect.gather [hbm4b:s5+s17], $0x80, s17, s17, $0xb8;
	[tilespmem:$0x1C800] =	vst v63  }
0x8b: {  	_ = 	snop  }
0x8c: {  	[spmem:s2] =	stream.indirect.scatter.add.f32 [tilespmem:s18], [sflag:$0x3], $0x80, s16, s17, $0xb8;
	[tilespmem:$0x1C800] =	vst v63  }
0x8d: {  	_ =	swait.ge [sflag:s15], $0x4000  }
0x8e: {  	[sflag:s15] =	ssyncset.done $0x0  }
0x8f: {  	[sflag:s15] =	ssyncadd.s32 $0xFFFFC000  }
0x90: {  	_ =	swait.ge [sflag:s21], $0x4000  }
0x91: {  	[sflag:s21] =	ssyncset.done $0x0  }
0x92: {  	[sflag:s21] =	ssyncadd.s32 $0xFFFFC000  }
0x93: {  	[tilespmem:s18], [sflag:$0x1] =	stream.indirect.gather [hbm4b:s5+s17], $0x80, s13, s17, $0xb8;
	[tilespmem:$0x1C800] =	vst v63  }
0x94: {  	_ = 	snop  }
0x95: {  	[spmem:s2] =	stream.indirect.scatter.add.f32 [tilespmem:s20], [sflag:$0x3], $0x80, s23, s17, $0xb8;
	[tilespmem:$0x1C800] =	vst v63  }
0x96: {  	_ =	swait.ge [sflag:s15], $0x4000  }
0x97: {  	[sflag:s15] =	ssyncset.done $0x0  }
0x98: {  	[sflag:s15] =	ssyncadd.s32 $0xFFFFC000  }
0x99: {  	_ =	swait.ge [sflag:s19], $0x4000  }
0x9a: {  	[sflag:s19] =	ssyncset.done $0x0  }
0x9b: {  	[sflag:s19] =	ssyncadd.s32 $0xFFFFC000  }
0x9c: {  	[tilespmem:s20], [sflag:$0x2] =	stream.indirect.gather [hbm4b:s5+s17], $0x80, s24, s17, $0xb8;
	[tilespmem:$0x1C800] =	vst v63  }
0x9d: {  	_ = 	snop  }
0x9e: {  	[spmem:s2] =	stream.indirect.scatter.add.f32 [tilespmem:s18], [sflag:$0x3], $0x80, s25, s17, $0xb8;
	[tilespmem:$0x1C800] =	vst v63  }
0x9f: {  	_ =	swait.ge [sflag:s15], $0x4000  }
0xa0: {  	[sflag:s15] =	ssyncset.done $0x0  }
0xa1: {  	[sflag:s15] =	ssyncadd.s32 $0xFFFFC000  }
0xa2: {  	_ =	swait.ge [sflag:s21], $0x4000  }
0xa3: {  	[sflag:s21] =	ssyncset.done $0x0  }
0xa4: {  	[sflag:s21] =	ssyncadd.s32 $0xFFFFC000  }
0xa5: {  	[tilespmem:s18], [sflag:$0x1] =	stream.indirect.gather [hbm4b:s5+s17], $0x80, s26, s17, $0xb8;
	[tilespmem:$0x1C800] =	vst v63  }
0xa6: {  	_ = 	snop  }
0xa7: {  	[spmem:s2] =	stream.indirect.scatter.add.f32 [tilespmem:s20], [sflag:$0x3], $0x80, s28, s17, $0xb8;
	[tilespmem:$0x1C800] =	vst v63  }
0xa8: {  	_ =	swait.ge [sflag:s15], $0x4000  }
0xa9: {  	[sflag:s15] =	ssyncset.done $0x0  }
0xaa: {  	[sflag:s15] =	ssyncadd.s32 $0xFFFFC000  }
0xab: {  	_ =	swait.ge [sflag:s19], $0x4000  }
0xac: {  	[sflag:s19] =	ssyncset.done $0x0  }
0xad: {  	[sflag:s19] =	ssyncadd.s32 $0xFFFFC000  }
0xae: {  	[tilespmem:s20], [sflag:$0x2] =	stream.indirect.gather [hbm4b:s5+s17], $0x80, s29, s17, $0xb8;
	[tilespmem:$0x1C800] =	vst v63  }
0xaf: {  	_ = 	snop  }
0xb0: {  	[spmem:s2] =	stream.indirect.scatter.add.f32 [tilespmem:s18], [sflag:$0x3], $0x80, s30, s17, $0xb8;
	[tilespmem:$0x1C800] =	vst v63  }
0xb1: {  	_ =	swait.ge [sflag:s15], $0x4000  }
0xb2: {  	[sflag:s15] =	ssyncset.done $0x0  }
0xb3: {  	[sflag:s15] =	ssyncadd.s32 $0xFFFFC000  }
0xb4: {  	_ =	swait.ge [sflag:s21], $0x4000  }
0xb5: {  	[sflag:s21] =	ssyncset.done $0x0  }
0xb6: {  	[sflag:s21] =	ssyncadd.s32 $0xFFFFC000  }
0xb7: {  	[tilespmem:s18], [sflag:$0x1] =	stream.indirect.gather [hbm4b:s5+s17], $0x80, s31, s17, $0xb8;
	[tilespmem:$0x1C800] =	vst v63  }
0xb8: {  	_ = 	snop  }
0xb9: {  	[spmem:s2] =	stream.indirect.scatter.add.f32 [tilespmem:s20], [sflag:$0x3], $0x80, s0, s17, $0xb8;
	[tilespmem:$0x1C800] =	vst v63  }
0xba: {  	_ =	swait.ge [sflag:s15], $0x4000  }
0xbb: {  	[sflag:s15] =	ssyncset.done $0x0  }
0xbc: {  	[sflag:s15] =	ssyncadd.s32 $0xFFFFC000  }
0xbd: {  	_ =	swait.ge [sflag:s19], $0x4000  }
0xbe: {  	[sflag:s19] =	ssyncset.done $0x0  }
0xbf: {  	[sflag:s19] =	ssyncadd.s32 $0xFFFFC000  }
0xc0: {  	[tilespmem:s20], [sflag:$0x2] =	stream.indirect.gather [hbm4b:s5+s17], $0x80, s1, s17, $0xb8;
	[tilespmem:$0x1C800] =	vst v63  }
0xc1: {  	_ = 	snop  }
0xc2: {  	[spmem:s2] =	stream.indirect.scatter.add.f32 [tilespmem:s18], [sflag:$0x3], $0x80, s6, s17, $0xb8;
	[tilespmem:$0x1C800] =	vst v63  }
0xc3: {  	_ =	swait.ge [sflag:s15], $0x4000  }
0xc4: {  	[sflag:s15] =	ssyncset.done $0x0  }
0xc5: {  	[sflag:s15] =	ssyncadd.s32 $0xFFFFC000  }
0xc6: {  	_ =	swait.ge [sflag:s21], $0x4000  }
.Ltmp4:
0xc7: {  	[sflag:s21] =	ssyncset.done $0x0;
	(pc) =	sbr.rel @p1 .LBB2_12-.Ltmp4, $4  }
0xc8: {  	[sflag:s21] =	ssyncadd.s32 $0xFFFFC000  }
0xc9: {  	[spmem:s2] =	stream.indirect.scatter.add.f32 [tilespmem:s20], [sflag:$0x3], $0x80, s8, s17, $0xb8;
	[tilespmem:$0x1C800] =	vst v63  }
0xca: {  	_ =	swait.ge [sflag:s15], $0x4000  }
0xcb: {  	s12 =	smov.u32 s11;
	[sflag:s15] =	ssyncset.done $0x0  }
0xcc: {  	s11 =	sadd.s32 s7, s10;
	[sflag:s15] =	ssyncadd.s32 $0xFFFFC000  }
0xcd: {  	[tilespmem:s3], [sflag:$0x3] =	stream.linear.gather [hbm4b:s11+s3], $0x400, $0x38;
	[tilespmem:$0x1C800] =	vst v63  }
0xce: {  	_ =	swait.ge [sflag:s15], $0x400  }
0xcf: {  	[sflag:s15] =	ssyncset.done $0x0  }
0xd0: {  	s22 =	sadd.s32 s7, s9;
	[sflag:s15] =	ssyncadd.s32 $0xFFFFFC00  }
0xd1: {  	[tilespmem:s16], [sflag:$0x3] =	stream.linear.gather [hbm4b:s22+s3], $0x400, $0x38;
	[tilespmem:$0x1C800] =	vst v63  }
0xd2: {  	_ =	swait.ge [sflag:s15], $0x400  }
0xd3: {  	[sflag:s15] =	ssyncset.done $0x0  }
0xd4: {  	[sflag:s15] =	ssyncadd.s32 $0xFFFFFC00  }
0xd5: {  	[tilespmem:s18], [sflag:$0x1] =	stream.indirect.gather [hbm4b:s5+s17], $0x80, s3, s17, $0xb8;
	[tilespmem:$0x1C800] =	vst v63  }
0xd6: {  	_ =	swait.ge [sflag:s19], $0x4000  }
0xd7: {  	[sflag:s19] =	ssyncset.done $0x0  }
0xd8: {  	[sflag:s19] =	ssyncadd.s32 $0xFFFFC000  }
0xd9: {  	[tilespmem:s20], [sflag:$0x2] =	stream.indirect.gather [hbm4b:s5+s17], $0x80, s17, s17, $0xb8;
	[tilespmem:$0x1C800] =	vst v63  }
0xda: {  	_ = 	snop  }
0xdb: {  	[spmem:s2] =	stream.indirect.scatter.add.f32 [tilespmem:s18], [sflag:$0x3], $0x80, s16, s17, $0xb8;
	[tilespmem:$0x1C800] =	vst v63  }
0xdc: {  	_ =	swait.ge [sflag:s15], $0x4000  }
0xdd: {  	[sflag:s15] =	ssyncset.done $0x0  }
0xde: {  	[sflag:s15] =	ssyncadd.s32 $0xFFFFC000  }
0xdf: {  	_ =	swait.ge [sflag:s21], $0x4000  }
0xe0: {  	[sflag:s21] =	ssyncset.done $0x0  }
0xe1: {  	[sflag:s21] =	ssyncadd.s32 $0xFFFFC000  }
0xe2: {  	[tilespmem:s18], [sflag:$0x1] =	stream.indirect.gather [hbm4b:s5+s17], $0x80, s13, s17, $0xb8;
	[tilespmem:$0x1C800] =	vst v63  }
0xe3: {  	_ = 	snop  }
0xe4: {  	[spmem:s2] =	stream.indirect.scatter.add.f32 [tilespmem:s20], [sflag:$0x3], $0x80, s23, s17, $0xb8;
	[tilespmem:$0x1C800] =	vst v63  }
0xe5: {  	_ =	swait.ge [sflag:s15], $0x4000  }
0xe6: {  	[sflag:s15] =	ssyncset.done $0x0  }
0xe7: {  	[sflag:s15] =	ssyncadd.s32 $0xFFFFC000  }
0xe8: {  	_ =	swait.ge [sflag:s19], $0x4000  }
0xe9: {  	[sflag:s19] =	ssyncset.done $0x0  }
0xea: {  	[sflag:s19] =	ssyncadd.s32 $0xFFFFC000  }
0xeb: {  	[tilespmem:s20], [sflag:$0x2] =	stream.indirect.gather [hbm4b:s5+s17], $0x80, s24, s17, $0xb8;
	[tilespmem:$0x1C800] =	vst v63  }
0xec: {  	_ = 	snop  }
0xed: {  	[spmem:s2] =	stream.indirect.scatter.add.f32 [tilespmem:s18], [sflag:$0x3], $0x80, s25, s17, $0xb8;
	[tilespmem:$0x1C800] =	vst v63  }
0xee: {  	_ =	swait.ge [sflag:s15], $0x4000  }
0xef: {  	[sflag:s15] =	ssyncset.done $0x0  }
0xf0: {  	[sflag:s15] =	ssyncadd.s32 $0xFFFFC000  }
0xf1: {  	_ =	swait.ge [sflag:s21], $0x4000  }
0xf2: {  	[sflag:s21] =	ssyncset.done $0x0  }
0xf3: {  	[sflag:s21] =	ssyncadd.s32 $0xFFFFC000  }
0xf4: {  	[tilespmem:s18], [sflag:$0x1] =	stream.indirect.gather [hbm4b:s5+s17], $0x80, s26, s17, $0xb8;
	[tilespmem:$0x1C800] =	vst v63  }
0xf5: {  	_ = 	snop  }
0xf6: {  	[spmem:s2] =	stream.indirect.scatter.add.f32 [tilespmem:s20], [sflag:$0x3], $0x80, s28, s17, $0xb8;
	[tilespmem:$0x1C800] =	vst v63  }
0xf7: {  	_ =	swait.ge [sflag:s15], $0x4000  }
0xf8: {  	[sflag:s15] =	ssyncset.done $0x0  }
0xf9: {  	[sflag:s15] =	ssyncadd.s32 $0xFFFFC000  }
0xfa: {  	_ =	swait.ge [sflag:s19], $0x4000  }
0xfb: {  	[sflag:s19] =	ssyncset.done $0x0  }
0xfc: {  	[sflag:s19] =	ssyncadd.s32 $0xFFFFC000  }
0xfd: {  	[tilespmem:s20], [sflag:$0x2] =	stream.indirect.gather [hbm4b:s5+s17], $0x80, s29, s17, $0xb8;
	[tilespmem:$0x1C800] =	vst v63  }
0xfe: {  	_ = 	snop  }
0xff: {  	[spmem:s2] =	stream.indirect.scatter.add.f32 [tilespmem:s18], [sflag:$0x3], $0x80, s30, s17, $0xb8;
	[tilespmem:$0x1C800] =	vst v63  }
0x100: {  	_ =	swait.ge [sflag:s15], $0x4000  }
0x101: {  	[sflag:s15] =	ssyncset.done $0x0  }
0x102: {  	[sflag:s15] =	ssyncadd.s32 $0xFFFFC000  }
0x103: {  	_ =	swait.ge [sflag:s21], $0x4000  }
0x104: {  	[sflag:s21] =	ssyncset.done $0x0  }
0x105: {  	[sflag:s21] =	ssyncadd.s32 $0xFFFFC000  }
0x106: {  	[tilespmem:s18], [sflag:$0x1] =	stream.indirect.gather [hbm4b:s5+s17], $0x80, s31, s17, $0xb8;
	[tilespmem:$0x1C800] =	vst v63  }
0x107: {  	_ = 	snop  }
0x108: {  	[spmem:s2] =	stream.indirect.scatter.add.f32 [tilespmem:s20], [sflag:$0x3], $0x80, s0, s17, $0xb8;
	[tilespmem:$0x1C800] =	vst v63  }
0x109: {  	_ =	swait.ge [sflag:s15], $0x4000  }
0x10a: {  	[sflag:s15] =	ssyncset.done $0x0  }
0x10b: {  	[sflag:s15] =	ssyncadd.s32 $0xFFFFC000  }
0x10c: {  	_ =	swait.ge [sflag:s19], $0x4000  }
0x10d: {  	[sflag:s19] =	ssyncset.done $0x0  }
0x10e: {  	[sflag:s19] =	ssyncadd.s32 $0xFFFFC000  }
0x10f: {  	[tilespmem:s20], [sflag:$0x2] =	stream.indirect.gather [hbm4b:s5+s17], $0x80, s1, s17, $0xb8;
	[tilespmem:$0x1C800] =	vst v63  }
0x110: {  	_ = 	snop  }
0x111: {  	[spmem:s2] =	stream.indirect.scatter.add.f32 [tilespmem:s18], [sflag:$0x3], $0x80, s6, s17, $0xb8;
	[tilespmem:$0x1C800] =	vst v63  }
0x112: {  	_ =	swait.ge [sflag:s15], $0x4000  }
0x113: {  	[sflag:s15] =	ssyncset.done $0x0  }
0x114: {  	[sflag:s15] =	ssyncadd.s32 $0xFFFFC000  }
0x115: {  	_ =	swait.ge [sflag:s21], $0x4000  }
0x116: {  	[sflag:s21] =	ssyncset.done $0x0  }
0x117: {  	[sflag:s21] =	ssyncadd.s32 $0xFFFFC000  }
0x118: {  	[spmem:s2] =	stream.indirect.scatter.add.f32 [tilespmem:s20], [sflag:$0x3], $0x80, s8, s17, $0xb8;
	[tilespmem:$0x1C800] =	vst v63  }
0x119: {  	_ =	swait.ge [sflag:s15], $0x4000  }
0x11a: {  	[sflag:s15] =	ssyncset.done $0x0  }
0x11b: {  	[sflag:s15] =	ssyncadd.s32 $0xFFFFC000  }
0x11c: {  	[bflag:$0x0] =	sbarrier.arrive $0xFFFF  }
0x11d: {  	s22 =	rddreg [dreg:$0x8]  }
0x11e: {  	s12 =	rddreg [dreg:$0x5]  }
0x11f: {  	s11 =	sadd.s32 $0x0, s22;
	s13 =	sshrl.u32 s12, $0x3  }
0x120: {  	[hbm:s11], [sflag:s14] =	dma.local [spmem:s13], $0x200  }
0x121: {  	_ =	swait.ge [sflag:s15], $0x200  }
0x122: {  	s7 =	simm.s32 $0x200;
	s11 =	sadd.s32 $0x1000, s12;
	[sflag:s15] =	ssyncset.done $0x0  }
.LBB2_14:
0x123: {  	s12 =	sadd.s32 s7, s22  }
0x124: {  	s13 =	sshrl.u32 s11, $0x3;
	[sflag:s15] =	ssyncadd.s32 $0xFFFFFE00;
	p1 =	sne.s32 s7, $0x2600  }
0x125: {  	[hbm:s12], [sflag:s14] =	dma.local [spmem:s13], $0x200  }
.Ltmp5:
0x126: {  	_ = 	snop;
	(pc) =	sbr.rel @p1 .LBB2_14-.Ltmp5, $4  }
0x127: {  	_ = 	snop  }
0x128: {  	s7 =	sadd.s32 $0x200, s7  }
0x129: {  	_ =	swait.ge [sflag:s15], $0x200  }
0x12a: {  	s11 =	sadd.s32 $0x1000, s11;
	[sflag:s15] =	ssyncset.done $0x0  }
.Ltmp6:
0x12b: {  	_ = 	snop;
	(pc) =	sbr.rel .LBB2_15-.Ltmp6, $1  }
0x12c: {  	_ =	sdelay $0x3  }
.LBB2_2:
0x12d: {  	s12 =	rddreg [dreg:$0x5]  }
0x12e: {  	s7 =	sadd.s32 s3, s22;
	s11 =	sshrl.u32 s12, $0x3  }
0x12f: {  	[spmem:s11], [sflag:s14] =	dma.local [hbm:s7], $0x200  }
0x130: {  	_ =	swait.ge [sflag:s15], $0x200  }
0x131: {  	s7 =	sadd.s32 $0x200, s3;
	s11 =	sadd.s32 $0x1000, s12;
	[sflag:s15] =	ssyncset.done $0x0  }
.LBB2_3:
0x132: {  	s12 =	sadd.s32 s7, s22  }
0x133: {  	s13 =	sshrl.u32 s11, $0x3;
	[sflag:s15] =	ssyncadd.s32 $0xFFFFFE00;
	p1 =	sne.s32 s7, $0x2600  }
0x134: {  	[spmem:s13], [sflag:s14] =	dma.local [hbm:s12], $0x200  }
.Ltmp7:
0x135: {  	_ = 	snop;
	(pc) =	sbr.rel @p1 .LBB2_3-.Ltmp7, $4  }
0x136: {  	_ = 	snop  }
0x137: {  	s7 =	sadd.s32 $0x200, s7  }
0x138: {  	_ =	swait.ge [sflag:s15], $0x200  }
0x139: {  	s11 =	sadd.s32 $0x1000, s11;
	[sflag:s15] =	ssyncset.done $0x0  }
0x13a: {  	[sflag:s15] =	ssyncadd.s32 $0xFFFFFE00  }
0x13b: {  	s7 =	sadd.s32 $0x0, s10;
	[bflag:$0x0] =	sbarrier.arrive $0xFFFF  }
0x13c: {  	[tilespmem:s3], [sflag:$0x3] =	stream.linear.gather [hbm4b:s7+s3], $0x400, $0x38;
	[tilespmem:$0x1C800] =	vst v63  }
0x13d: {  	_ =	swait.ge [sflag:s15], $0x400  }
0x13e: {  	[sflag:s15] =	ssyncset.done $0x0  }
0x13f: {  	s13 =	sadd.s32 $0x0, s9;
	[sflag:s15] =	ssyncadd.s32 $0xFFFFFC00  }
0x140: {  	[tilespmem:s16], [sflag:$0x3] =	stream.linear.gather [hbm4b:s13+s3], $0x400, $0x38;
	[tilespmem:$0x1C800] =	vst v63  }
0x141: {  	_ =	swait.ge [sflag:s15], $0x400  }
0x142: {  	[sflag:s15] =	ssyncset.done $0x0  }
0x143: {  	[sflag:s15] =	ssyncadd.s32 $0xFFFFFC00  }
0x144: {  	[tilespmem:s18], [sflag:$0x1] =	stream.indirect.gather [hbm4b:s4+s17], $0x80, s3, s17, $0xb8;
	[tilespmem:$0x1C800] =	vst v63  }
0x145: {  	_ =	swait.ge [sflag:s19], $0x4000  }
0x146: {  	[sflag:s19] =	ssyncset.done $0x0  }
0x147: {  	[sflag:s19] =	ssyncadd.s32 $0xFFFFC000  }
0x148: {  	[tilespmem:s20], [sflag:$0x2] =	stream.indirect.gather [hbm4b:s4+s17], $0x80, s17, s17, $0xb8;
	[tilespmem:$0x1C800] =	vst v63  }
0x149: {  	_ = 	snop  }
0x14a: {  	[spmem:s2] =	stream.indirect.scatter.add.f32 [tilespmem:s18], [sflag:$0x3], $0x80, s16, s17, $0xb8;
	[tilespmem:$0x1C800] =	vst v63  }
0x14b: {  	_ =	swait.ge [sflag:s15], $0x4000  }
0x14c: {  	[sflag:s15] =	ssyncset.done $0x0  }
0x14d: {  	[sflag:s15] =	ssyncadd.s32 $0xFFFFC000  }
0x14e: {  	_ =	swait.ge [sflag:s21], $0x4000  }
0x14f: {  	[sflag:s21] =	ssyncset.done $0x0  }
0x150: {  	s22 =	simm.s32 $0x100;
	[sflag:s21] =	ssyncadd.s32 $0xFFFFC000  }
0x151: {  	[tilespmem:s18], [sflag:$0x1] =	stream.indirect.gather [hbm4b:s4+s17], $0x80, s22, s17, $0xb8;
	[tilespmem:$0x1C800] =	vst v63  }
0x152: {  	_ = 	snop  }
0x153: {  	[spmem:s2] =	stream.indirect.scatter.add.f32 [tilespmem:s20], [sflag:$0x3], $0x80, s23, s17, $0xb8;
	[tilespmem:$0x1C800] =	vst v63  }
0x154: {  	_ =	swait.ge [sflag:s15], $0x4000  }
0x155: {  	[sflag:s15] =	ssyncset.done $0x0  }
0x156: {  	[sflag:s15] =	ssyncadd.s32 $0xFFFFC000  }
0x157: {  	_ =	swait.ge [sflag:s19], $0x4000  }
0x158: {  	[sflag:s19] =	ssyncset.done $0x0  }
0x159: {  	[sflag:s19] =	ssyncadd.s32 $0xFFFFC000  }
0x15a: {  	[tilespmem:s20], [sflag:$0x2] =	stream.indirect.gather [hbm4b:s4+s17], $0x80, s24, s17, $0xb8;
	[tilespmem:$0x1C800] =	vst v63  }
0x15b: {  	_ = 	snop  }
0x15c: {  	[spmem:s2] =	stream.indirect.scatter.add.f32 [tilespmem:s18], [sflag:$0x3], $0x80, s25, s17, $0xb8;
	[tilespmem:$0x1C800] =	vst v63  }
0x15d: {  	_ =	swait.ge [sflag:s15], $0x4000  }
0x15e: {  	[sflag:s15] =	ssyncset.done $0x0  }
0x15f: {  	[sflag:s15] =	ssyncadd.s32 $0xFFFFC000  }
0x160: {  	_ =	swait.ge [sflag:s21], $0x4000  }
0x161: {  	[sflag:s21] =	ssyncset.done $0x0  }
0x162: {  	[sflag:s21] =	ssyncadd.s32 $0xFFFFC000  }
0x163: {  	[tilespmem:s18], [sflag:$0x1] =	stream.indirect.gather [hbm4b:s4+s17], $0x80, s26, s17, $0xb8;
	[tilespmem:$0x1C800] =	vst v63  }
0x164: {  	_ = 	snop  }
0x165: {  	[spmem:s2] =	stream.indirect.scatter.add.f32 [tilespmem:s20], [sflag:$0x3], $0x80, s28, s17, $0xb8;
	[tilespmem:$0x1C800] =	vst v63  }
0x166: {  	_ =	swait.ge [sflag:s15], $0x4000  }
0x167: {  	[sflag:s15] =	ssyncset.done $0x0  }
0x168: {  	[sflag:s15] =	ssyncadd.s32 $0xFFFFC000  }
0x169: {  	_ =	swait.ge [sflag:s19], $0x4000  }
0x16a: {  	[sflag:s19] =	ssyncset.done $0x0  }
0x16b: {  	[sflag:s19] =	ssyncadd.s32 $0xFFFFC000  }
0x16c: {  	[tilespmem:s20], [sflag:$0x2] =	stream.indirect.gather [hbm4b:s4+s17], $0x80, s29, s17, $0xb8;
	[tilespmem:$0x1C800] =	vst v63  }
0x16d: {  	_ = 	snop  }
0x16e: {  	[spmem:s2] =	stream.indirect.scatter.add.f32 [tilespmem:s18], [sflag:$0x3], $0x80, s30, s17, $0xb8;
	[tilespmem:$0x1C800] =	vst v63  }
0x16f: {  	_ =	swait.ge [sflag:s15], $0x4000  }
0x170: {  	[sflag:s15] =	ssyncset.done $0x0  }
0x171: {  	[sflag:s15] =	ssyncadd.s32 $0xFFFFC000  }
0x172: {  	_ =	swait.ge [sflag:s21], $0x4000  }
0x173: {  	[sflag:s21] =	ssyncset.done $0x0  }
0x174: {  	[sflag:s21] =	ssyncadd.s32 $0xFFFFC000  }
0x175: {  	[tilespmem:s18], [sflag:$0x1] =	stream.indirect.gather [hbm4b:s4+s17], $0x80, s31, s17, $0xb8;
	[tilespmem:$0x1C800] =	vst v63  }
0x176: {  	_ = 	snop  }
0x177: {  	[spmem:s2] =	stream.indirect.scatter.add.f32 [tilespmem:s20], [sflag:$0x3], $0x80, s0, s17, $0xb8;
	[tilespmem:$0x1C800] =	vst v63  }
0x178: {  	_ =	swait.ge [sflag:s15], $0x4000  }
0x179: {  	[sflag:s15] =	ssyncset.done $0x0  }
0x17a: {  	[sflag:s15] =	ssyncadd.s32 $0xFFFFC000  }
0x17b: {  	_ =	swait.ge [sflag:s19], $0x4000  }
0x17c: {  	[sflag:s19] =	ssyncset.done $0x0  }
0x17d: {  	[sflag:s19] =	ssyncadd.s32 $0xFFFFC000  }
0x17e: {  	[tilespmem:s20], [sflag:$0x2] =	stream.indirect.gather [hbm4b:s4+s17], $0x80, s1, s17, $0xb8;
	[tilespmem:$0x1C800] =	vst v63  }
0x17f: {  	_ = 	snop  }
0x180: {  	[spmem:s2] =	stream.indirect.scatter.add.f32 [tilespmem:s18], [sflag:$0x3], $0x80, s6, s17, $0xb8;
	[tilespmem:$0x1C800] =	vst v63  }
0x181: {  	_ =	swait.ge [sflag:s15], $0x4000  }
0x182: {  	[sflag:s15] =	ssyncset.done $0x0  }
0x183: {  	[sflag:s15] =	ssyncadd.s32 $0xFFFFC000  }
0x184: {  	_ =	swait.ge [sflag:s21], $0x4000  }
0x185: {  	[sflag:s21] =	ssyncset.done $0x0  }
0x186: {  	[sflag:s21] =	ssyncadd.s32 $0xFFFFC000  }
0x187: {  	[spmem:s2] =	stream.indirect.scatter.add.f32 [tilespmem:s20], [sflag:$0x3], $0x80, s8, s17, $0xb8;
	[tilespmem:$0x1C800] =	vst v63  }
0x188: {  	_ =	swait.ge [sflag:s15], $0x4000  }
0x189: {  	s11 =	simm.s32 $0x100;
	s7 =	simm.s32 $0x80;
	[sflag:s15] =	ssyncset.done $0x0  }
.LBB2_5:
0x18a: {  	s13 =	sadd.s32 s7, s10  }
0x18b: {  	[sflag:s15] =	ssyncadd.s32 $0xFFFFC000;
	s22 =	smov.u32 s11;
	s12 =	sadd.s32 $0x80, s11  }
0x18c: {  	[tilespmem:s3], [sflag:$0x3] =	stream.linear.gather [hbm4b:s13+s3], $0x400, $0x38;
	[tilespmem:$0x1C800] =	vst v63  }
0x18d: {  	p1 =	sne.s32 s11, $0x480;
	_ =	swait.ge [sflag:s15], $0x400  }
0x18e: {  	s11 =	sadd.s32 s7, s9;
	[sflag:s15] =	ssyncset.done $0x0  }
0x18f: {  	s7 =	smov.u32 s22;
	s13 =	simm.s32 $0x100;
	[sflag:s15] =	ssyncadd.s32 $0xFFFFFC00  }
0x190: {  	[tilespmem:s16], [sflag:$0x3] =	stream.linear.gather [hbm4b:s11+s3], $0x400, $0x38;
	[tilespmem:$0x1C800] =	vst v63  }
0x191: {  	_ =	swait.ge [sflag:s15], $0x400  }
0x192: {  	[sflag:s15] =	ssyncset.done $0x0  }
0x193: {  	[sflag:s15] =	ssyncadd.s32 $0xFFFFFC00  }
0x194: {  	[tilespmem:s18], [sflag:$0x1] =	stream.indirect.gather [hbm4b:s4+s17], $0x80, s3, s17, $0xb8;
	[tilespmem:$0x1C800] =	vst v63  }
0x195: {  	_ =	swait.ge [sflag:s19], $0x4000  }
0x196: {  	[sflag:s19] =	ssyncset.done $0x0  }
0x197: {  	[sflag:s19] =	ssyncadd.s32 $0xFFFFC000  }
0x198: {  	[tilespmem:s20], [sflag:$0x2] =	stream.indirect.gather [hbm4b:s4+s17], $0x80, s17, s17, $0xb8;
	[tilespmem:$0x1C800] =	vst v63  }
0x199: {  	_ = 	snop  }
0x19a: {  	[spmem:s2] =	stream.indirect.scatter.add.f32 [tilespmem:s18], [sflag:$0x3], $0x80, s16, s17, $0xb8;
	[tilespmem:$0x1C800] =	vst v63  }
0x19b: {  	_ =	swait.ge [sflag:s15], $0x4000  }
0x19c: {  	[sflag:s15] =	ssyncset.done $0x0  }
0x19d: {  	[sflag:s15] =	ssyncadd.s32 $0xFFFFC000  }
0x19e: {  	_ =	swait.ge [sflag:s21], $0x4000  }
0x19f: {  	[sflag:s21] =	ssyncset.done $0x0  }
0x1a0: {  	[sflag:s21] =	ssyncadd.s32 $0xFFFFC000  }
0x1a1: {  	[tilespmem:s18], [sflag:$0x1] =	stream.indirect.gather [hbm4b:s4+s17], $0x80, s13, s17, $0xb8;
	[tilespmem:$0x1C800] =	vst v63  }
0x1a2: {  	_ = 	snop  }
0x1a3: {  	[spmem:s2] =	stream.indirect.scatter.add.f32 [tilespmem:s20], [sflag:$0x3], $0x80, s23, s17, $0xb8;
	[tilespmem:$0x1C800] =	vst v63  }
0x1a4: {  	_ =	swait.ge [sflag:s15], $0x4000  }
0x1a5: {  	[sflag:s15] =	ssyncset.done $0x0  }
0x1a6: {  	[sflag:s15] =	ssyncadd.s32 $0xFFFFC000  }
0x1a7: {  	_ =	swait.ge [sflag:s19], $0x4000  }
0x1a8: {  	[sflag:s19] =	ssyncset.done $0x0  }
0x1a9: {  	[sflag:s19] =	ssyncadd.s32 $0xFFFFC000  }
0x1aa: {  	[tilespmem:s20], [sflag:$0x2] =	stream.indirect.gather [hbm4b:s4+s17], $0x80, s24, s17, $0xb8;
	[tilespmem:$0x1C800] =	vst v63  }
0x1ab: {  	_ = 	snop  }
0x1ac: {  	[spmem:s2] =	stream.indirect.scatter.add.f32 [tilespmem:s18], [sflag:$0x3], $0x80, s25, s17, $0xb8;
	[tilespmem:$0x1C800] =	vst v63  }
0x1ad: {  	_ =	swait.ge [sflag:s15], $0x4000  }
0x1ae: {  	[sflag:s15] =	ssyncset.done $0x0  }
0x1af: {  	[sflag:s15] =	ssyncadd.s32 $0xFFFFC000  }
0x1b0: {  	_ =	swait.ge [sflag:s21], $0x4000  }
0x1b1: {  	[sflag:s21] =	ssyncset.done $0x0  }
0x1b2: {  	[sflag:s21] =	ssyncadd.s32 $0xFFFFC000  }
0x1b3: {  	[tilespmem:s18], [sflag:$0x1] =	stream.indirect.gather [hbm4b:s4+s17], $0x80, s26, s17, $0xb8;
	[tilespmem:$0x1C800] =	vst v63  }
0x1b4: {  	_ = 	snop  }
0x1b5: {  	[spmem:s2] =	stream.indirect.scatter.add.f32 [tilespmem:s20], [sflag:$0x3], $0x80, s28, s17, $0xb8;
	[tilespmem:$0x1C800] =	vst v63  }
0x1b6: {  	_ =	swait.ge [sflag:s15], $0x4000  }
0x1b7: {  	[sflag:s15] =	ssyncset.done $0x0  }
0x1b8: {  	[sflag:s15] =	ssyncadd.s32 $0xFFFFC000  }
0x1b9: {  	_ =	swait.ge [sflag:s19], $0x4000  }
0x1ba: {  	[sflag:s19] =	ssyncset.done $0x0  }
0x1bb: {  	[sflag:s19] =	ssyncadd.s32 $0xFFFFC000  }
0x1bc: {  	[tilespmem:s20], [sflag:$0x2] =	stream.indirect.gather [hbm4b:s4+s17], $0x80, s29, s17, $0xb8;
	[tilespmem:$0x1C800] =	vst v63  }
0x1bd: {  	_ = 	snop  }
0x1be: {  	[spmem:s2] =	stream.indirect.scatter.add.f32 [tilespmem:s18], [sflag:$0x3], $0x80, s30, s17, $0xb8;
	[tilespmem:$0x1C800] =	vst v63  }
0x1bf: {  	_ =	swait.ge [sflag:s15], $0x4000  }
0x1c0: {  	[sflag:s15] =	ssyncset.done $0x0  }
0x1c1: {  	[sflag:s15] =	ssyncadd.s32 $0xFFFFC000  }
0x1c2: {  	_ =	swait.ge [sflag:s21], $0x4000  }
0x1c3: {  	[sflag:s21] =	ssyncset.done $0x0  }
0x1c4: {  	[sflag:s21] =	ssyncadd.s32 $0xFFFFC000  }
0x1c5: {  	[tilespmem:s18], [sflag:$0x1] =	stream.indirect.gather [hbm4b:s4+s17], $0x80, s31, s17, $0xb8;
	[tilespmem:$0x1C800] =	vst v63  }
0x1c6: {  	_ = 	snop  }
0x1c7: {  	[spmem:s2] =	stream.indirect.scatter.add.f32 [tilespmem:s20], [sflag:$0x3], $0x80, s0, s17, $0xb8;
	[tilespmem:$0x1C800] =	vst v63  }
0x1c8: {  	_ =	swait.ge [sflag:s15], $0x4000  }
0x1c9: {  	[sflag:s15] =	ssyncset.done $0x0  }
0x1ca: {  	[sflag:s15] =	ssyncadd.s32 $0xFFFFC000  }
0x1cb: {  	_ =	swait.ge [sflag:s19], $0x4000  }
0x1cc: {  	[sflag:s19] =	ssyncset.done $0x0  }
0x1cd: {  	[sflag:s19] =	ssyncadd.s32 $0xFFFFC000  }
0x1ce: {  	[tilespmem:s20], [sflag:$0x2] =	stream.indirect.gather [hbm4b:s4+s17], $0x80, s1, s17, $0xb8;
	[tilespmem:$0x1C800] =	vst v63  }
0x1cf: {  	_ = 	snop  }
0x1d0: {  	[spmem:s2] =	stream.indirect.scatter.add.f32 [tilespmem:s18], [sflag:$0x3], $0x80, s6, s17, $0xb8;
	[tilespmem:$0x1C800] =	vst v63  }
0x1d1: {  	_ =	swait.ge [sflag:s15], $0x4000  }
0x1d2: {  	[sflag:s15] =	ssyncset.done $0x0  }
0x1d3: {  	[sflag:s15] =	ssyncadd.s32 $0xFFFFC000  }
0x1d4: {  	_ =	swait.ge [sflag:s21], $0x4000  }
.Ltmp8:
0x1d5: {  	[sflag:s21] =	ssyncset.done $0x0;
	(pc) =	sbr.rel @p1 .LBB2_5-.Ltmp8, $4  }
0x1d6: {  	[sflag:s21] =	ssyncadd.s32 $0xFFFFC000  }
0x1d7: {  	[spmem:s2] =	stream.indirect.scatter.add.f32 [tilespmem:s20], [sflag:$0x3], $0x80, s8, s17, $0xb8;
	[tilespmem:$0x1C800] =	vst v63  }
0x1d8: {  	_ =	swait.ge [sflag:s15], $0x4000  }
0x1d9: {  	s11 =	smov.u32 s12;
	[sflag:s15] =	ssyncset.done $0x0  }
0x1da: {  	s11 =	sadd.s32 s7, s10;
	[sflag:s15] =	ssyncadd.s32 $0xFFFFC000  }
0x1db: {  	[tilespmem:s3], [sflag:$0x3] =	stream.linear.gather [hbm4b:s11+s3], $0x400, $0x38;
	[tilespmem:$0x1C800] =	vst v63  }
0x1dc: {  	_ =	swait.ge [sflag:s15], $0x400  }
0x1dd: {  	[sflag:s15] =	ssyncset.done $0x0  }
0x1de: {  	s22 =	sadd.s32 s7, s9;
	[sflag:s15] =	ssyncadd.s32 $0xFFFFFC00  }
0x1df: {  	[tilespmem:s16], [sflag:$0x3] =	stream.linear.gather [hbm4b:s22+s3], $0x400, $0x38;
	[tilespmem:$0x1C800] =	vst v63  }
0x1e0: {  	_ =	swait.ge [sflag:s15], $0x400  }
0x1e1: {  	[sflag:s15] =	ssyncset.done $0x0  }
0x1e2: {  	[sflag:s15] =	ssyncadd.s32 $0xFFFFFC00  }
0x1e3: {  	[tilespmem:s18], [sflag:$0x1] =	stream.indirect.gather [hbm4b:s4+s17], $0x80, s3, s17, $0xb8;
	[tilespmem:$0x1C800] =	vst v63  }
0x1e4: {  	_ =	swait.ge [sflag:s19], $0x4000  }
0x1e5: {  	[sflag:s19] =	ssyncset.done $0x0  }
0x1e6: {  	[sflag:s19] =	ssyncadd.s32 $0xFFFFC000  }
0x1e7: {  	[tilespmem:s20], [sflag:$0x2] =	stream.indirect.gather [hbm4b:s4+s17], $0x80, s17, s17, $0xb8;
	[tilespmem:$0x1C800] =	vst v63  }
0x1e8: {  	_ = 	snop  }
0x1e9: {  	[spmem:s2] =	stream.indirect.scatter.add.f32 [tilespmem:s18], [sflag:$0x3], $0x80, s16, s17, $0xb8;
	[tilespmem:$0x1C800] =	vst v63  }
0x1ea: {  	_ =	swait.ge [sflag:s15], $0x4000  }
0x1eb: {  	[sflag:s15] =	ssyncset.done $0x0  }
0x1ec: {  	[sflag:s15] =	ssyncadd.s32 $0xFFFFC000  }
0x1ed: {  	_ =	swait.ge [sflag:s21], $0x4000  }
0x1ee: {  	[sflag:s21] =	ssyncset.done $0x0  }
0x1ef: {  	[sflag:s21] =	ssyncadd.s32 $0xFFFFC000  }
0x1f0: {  	[tilespmem:s18], [sflag:$0x1] =	stream.indirect.gather [hbm4b:s4+s17], $0x80, s13, s17, $0xb8;
	[tilespmem:$0x1C800] =	vst v63  }
0x1f1: {  	_ = 	snop  }
0x1f2: {  	[spmem:s2] =	stream.indirect.scatter.add.f32 [tilespmem:s20], [sflag:$0x3], $0x80, s23, s17, $0xb8;
	[tilespmem:$0x1C800] =	vst v63  }
0x1f3: {  	_ =	swait.ge [sflag:s15], $0x4000  }
0x1f4: {  	[sflag:s15] =	ssyncset.done $0x0  }
0x1f5: {  	[sflag:s15] =	ssyncadd.s32 $0xFFFFC000  }
0x1f6: {  	_ =	swait.ge [sflag:s19], $0x4000  }
0x1f7: {  	[sflag:s19] =	ssyncset.done $0x0  }
0x1f8: {  	[sflag:s19] =	ssyncadd.s32 $0xFFFFC000  }
0x1f9: {  	[tilespmem:s20], [sflag:$0x2] =	stream.indirect.gather [hbm4b:s4+s17], $0x80, s24, s17, $0xb8;
	[tilespmem:$0x1C800] =	vst v63  }
0x1fa: {  	_ = 	snop  }
0x1fb: {  	[spmem:s2] =	stream.indirect.scatter.add.f32 [tilespmem:s18], [sflag:$0x3], $0x80, s25, s17, $0xb8;
	[tilespmem:$0x1C800] =	vst v63  }
0x1fc: {  	_ =	swait.ge [sflag:s15], $0x4000  }
0x1fd: {  	[sflag:s15] =	ssyncset.done $0x0  }
0x1fe: {  	[sflag:s15] =	ssyncadd.s32 $0xFFFFC000  }
0x1ff: {  	_ =	swait.ge [sflag:s21], $0x4000  }
0x200: {  	[sflag:s21] =	ssyncset.done $0x0  }
0x201: {  	[sflag:s21] =	ssyncadd.s32 $0xFFFFC000  }
0x202: {  	[tilespmem:s18], [sflag:$0x1] =	stream.indirect.gather [hbm4b:s4+s17], $0x80, s26, s17, $0xb8;
	[tilespmem:$0x1C800] =	vst v63  }
0x203: {  	_ = 	snop  }
0x204: {  	[spmem:s2] =	stream.indirect.scatter.add.f32 [tilespmem:s20], [sflag:$0x3], $0x80, s28, s17, $0xb8;
	[tilespmem:$0x1C800] =	vst v63  }
0x205: {  	_ =	swait.ge [sflag:s15], $0x4000  }
0x206: {  	[sflag:s15] =	ssyncset.done $0x0  }
0x207: {  	[sflag:s15] =	ssyncadd.s32 $0xFFFFC000  }
0x208: {  	_ =	swait.ge [sflag:s19], $0x4000  }
0x209: {  	[sflag:s19] =	ssyncset.done $0x0  }
0x20a: {  	[sflag:s19] =	ssyncadd.s32 $0xFFFFC000  }
0x20b: {  	[tilespmem:s20], [sflag:$0x2] =	stream.indirect.gather [hbm4b:s4+s17], $0x80, s29, s17, $0xb8;
	[tilespmem:$0x1C800] =	vst v63  }
0x20c: {  	_ = 	snop  }
0x20d: {  	[spmem:s2] =	stream.indirect.scatter.add.f32 [tilespmem:s18], [sflag:$0x3], $0x80, s30, s17, $0xb8;
	[tilespmem:$0x1C800] =	vst v63  }
0x20e: {  	_ =	swait.ge [sflag:s15], $0x4000  }
0x20f: {  	[sflag:s15] =	ssyncset.done $0x0  }
0x210: {  	[sflag:s15] =	ssyncadd.s32 $0xFFFFC000  }
0x211: {  	_ =	swait.ge [sflag:s21], $0x4000  }
0x212: {  	[sflag:s21] =	ssyncset.done $0x0  }
0x213: {  	[sflag:s21] =	ssyncadd.s32 $0xFFFFC000  }
0x214: {  	[tilespmem:s18], [sflag:$0x1] =	stream.indirect.gather [hbm4b:s4+s17], $0x80, s31, s17, $0xb8;
	[tilespmem:$0x1C800] =	vst v63  }
0x215: {  	_ = 	snop  }
0x216: {  	[spmem:s2] =	stream.indirect.scatter.add.f32 [tilespmem:s20], [sflag:$0x3], $0x80, s0, s17, $0xb8;
	[tilespmem:$0x1C800] =	vst v63  }
0x217: {  	_ =	swait.ge [sflag:s15], $0x4000  }
0x218: {  	[sflag:s15] =	ssyncset.done $0x0  }
0x219: {  	[sflag:s15] =	ssyncadd.s32 $0xFFFFC000  }
0x21a: {  	_ =	swait.ge [sflag:s19], $0x4000  }
0x21b: {  	[sflag:s19] =	ssyncset.done $0x0  }
0x21c: {  	[sflag:s19] =	ssyncadd.s32 $0xFFFFC000  }
0x21d: {  	[tilespmem:s20], [sflag:$0x2] =	stream.indirect.gather [hbm4b:s4+s17], $0x80, s1, s17, $0xb8;
	[tilespmem:$0x1C800] =	vst v63  }
0x21e: {  	_ = 	snop  }
0x21f: {  	[spmem:s2] =	stream.indirect.scatter.add.f32 [tilespmem:s18], [sflag:$0x3], $0x80, s6, s17, $0xb8;
	[tilespmem:$0x1C800] =	vst v63  }
0x220: {  	_ =	swait.ge [sflag:s15], $0x4000  }
0x221: {  	[sflag:s15] =	ssyncset.done $0x0  }
0x222: {  	[sflag:s15] =	ssyncadd.s32 $0xFFFFC000  }
0x223: {  	_ =	swait.ge [sflag:s21], $0x4000  }
0x224: {  	[sflag:s21] =	ssyncset.done $0x0  }
0x225: {  	[sflag:s21] =	ssyncadd.s32 $0xFFFFC000  }
0x226: {  	[spmem:s2] =	stream.indirect.scatter.add.f32 [tilespmem:s20], [sflag:$0x3], $0x80, s8, s17, $0xb8;
	[tilespmem:$0x1C800] =	vst v63  }
0x227: {  	_ =	swait.ge [sflag:s15], $0x4000  }
0x228: {  	[sflag:s15] =	ssyncset.done $0x0  }
0x229: {  	[sflag:s15] =	ssyncadd.s32 $0xFFFFC000  }
0x22a: {  	[bflag:$0x0] =	sbarrier.arrive $0xFFFF  }
0x22b: {  	s22 =	rddreg [dreg:$0x6]  }
0x22c: {  	s12 =	rddreg [dreg:$0x5]  }
0x22d: {  	s11 =	sadd.s32 $0x0, s22;
	s13 =	sshrl.u32 s12, $0x3  }
0x22e: {  	[hbm:s11], [sflag:s14] =	dma.local [spmem:s13], $0x200  }
0x22f: {  	_ =	swait.ge [sflag:s15], $0x200  }
0x230: {  	s7 =	simm.s32 $0x200;
	s11 =	sadd.s32 $0x1000, s12;
	[sflag:s15] =	ssyncset.done $0x0  }
.LBB2_7:
0x231: {  	s12 =	sadd.s32 s7, s22  }
0x232: {  	s13 =	sshrl.u32 s11, $0x3;
	[sflag:s15] =	ssyncadd.s32 $0xFFFFFE00;
	p1 =	seq.s32 s7, $0x2600  }
0x233: {  	[hbm:s12], [sflag:s14] =	dma.local [spmem:s13], $0x200  }
.Ltmp9:
0x234: {  	_ = 	snop;
	(pc) =	sbr.rel @!p1 .LBB2_7-.Ltmp9, $4  }
0x235: {  	_ = 	snop  }
0x236: {  	s7 =	sadd.s32 $0x200, s7  }
0x237: {  	_ =	swait.ge [sflag:s15], $0x200  }
0x238: {  	s11 =	sadd.s32 $0x1000, s11;
	[sflag:s15] =	ssyncset.done $0x0  }
.Ltmp10:
0x239: {  	(pc) =	sbr.rel .LBB2_16-.Ltmp10, $3  }
0x23a: {  	_ =	sdelay $0x1  }
0x23b: {  	s22 =	rddreg [dreg:$0x4]  }
0x23c: {  	[sflag:s15] =	ssyncadd.s32 $0xFFFFFE00;
	s11 =	rddreg [dreg:$0x9]  }
.LBB2_17:
0x23d: {  	_ =	sfence.sel $0x180000  }
0x23e: {  	[bflag:$0x0] =	sbarrier.arrive $0xFFFF  }
0x23f: {  	_ =	strace $0x9000004D  }
0x240: {  	s0 =	stileid.u32;
	[bflag:$0x2] =	sbarrier.arrive $0xFFFF  }
0x241: {  	p0 =	sne.s32 s0, $0x0;
	s0 =	rddreg [dreg:$0x2]  }
0x242: {  	s0 =	sadd.s32 @!p0 $0x100000, s0  }
0x243: {  	[sflag:s0] =	ssyncadd.tile.s32 @!p0 $0x1;
	_ =	shalt  }
.Lfunc_end2:
_tile_overlayer_lowered:
.L_overlay_start_2:
0x244: {  	(tag) =	ssettag $0x2  }
0x245: {  	s0 =	rddreg [dreg:$0x0];
	s2 =	stileid.u32  }
0x246: {  	s1 =	rddreg [dreg:$0x1];
	p0 =	sne.s32 s2, $0x0  }
0x247: {  	s3 =	rddreg [dreg:$0x2];
	[bflag:$0x3] =	sbarrier.arrive $0xFFFF;
	s2 =	simm.s32 @!p0 $0x1C03  }
0x248: {  	[timem:s3], [sflag:s2] =	dma.local @!p0 [hbm:s0], s1  }
0x249: {  	s0 =	simm.s32 @!p0 $0x3  }
0x24a: {  	_ =	swait.ge @!p0 [sflag:s0], s1  }
0x24b: {  	s1 =	ssub.s32 @!p0 $0x0, s1;
	[sflag:s0] =	ssyncset.done @!p0 $0x0  }
0x24c: {  	[sflag:s0] =	ssyncadd.s32 @!p0 s1  }
0x24d: {  	[bflag:$0x3] =	sbarrier.arrive $0xFFFF  }
0x24e: {  	_ =	shalt  }

// kernel: kernel.9.cloned.1.call-start
scs
__scs_entry_jumppad:
0x0: {  	(pc) =	sbr.rel $0x88, $3  }
0x1: {  	(tag) =	ssettag $0x0;
	lr =	simm.s32 $0x1  }
0x2: {  	[smem:$0x3F98] =	sst lr;
	_ =	strace $0xD0000000  }
0x3: {  	_ = 	snop  }
0x4: {  	_ = 	snop  }
0x5: {  	_ = 	snop  }
0x6: {  	_ = 	snop  }
0x7: {  	_ = 	snop  }
__scs_overlays_trampoline_lowered:
0x8: {  	[smem:$0x3FA7] =	sst s0  }
0x9: {  	[smem:$0x3FA8] =	sst s1  }
0xa: {  	[smem:$0x3FA9] =	sst s2  }
0xb: {  	[smem:$0x3FAA] =	sst s3  }
0xc: {  	[smem:$0x3FAB] =	sst s4  }
0xd: {  	[smem:$0x3FAC] =	sst s5  }
0xe: {  	[smem:$0x3FAD] =	sst s6  }
0xf: {  	[smem:$0x3FAE] =	sst s7  }
0x10: {  	[smem:$0x3FAF] =	sst s8  }
0x11: {  	[smem:$0x3FB0] =	sst s9;
	s0 =	simm.s32 @!p0 $0x0  }
0x12: {  	s1 =	sld [smem:$0x3F96];
	s0 =	simm.s32 @p0 $0x1  }
0x13: {  	[smem:$0x3FB1] =	sst s0;
	s0 =	simm.s32 @!p1 $0x0  }
0x14: {  	s2 =	sld [smem:$0x3F95];
	s0 =	simm.s32 @p1 $0x1  }
0x15: {  	[smem:$0x3FB2] =	sst s0;
	s0 =	simm.s32 @!p2 $0x0  }
0x16: {  	s3 =	sld [smem:$0x3FDB];
	s0 =	simm.s32 @p2 $0x1  }
0x17: {  	s4 =	simm.s32 $0x1BF5;
	[smem:$0x3FB4] =	sst s0  }
0x18: {  	s0 =	sld [smem:$0x3F97];
	_ =	swait.ge [sflag:s4], $0x0  }
0x19: {  	s7 =	sld [smem:$0x3F98]  }
0x1a: {  	s8 =	sadd.s32 $0xFFFFE003, lr  }
0x1b: {  	s9 =	sadd.s32 $0xFFFFFEF7, lr;
	s5 =	simm.s32 $0xFFFFFFFF;
	p2 =	slt.u32 s8, $0xFFFFF086  }
0x1c: {  	p1 =	slt.u32 s9, $0xF7A;
	s5 =	simm.s32 @!p2 $0x0  }
0x1d: {  	s5 =	simm.s32 @p1 $0x1;
	p0 =	seq.s32 s7, s2  }
0x1e: {  	s7 =	smul.u32 @!p0 $0xF7A, s2;
	p2 =	seq.s32 @!p0 s5, $0x0  }
0x1f: {  	s9 =	smul.u32 $0xF7A, s1;
	s8 =	simm.s32 @!p0 $0x1BF5;
	p2 =	por !p2, p0  }
0x20: {  	[sflag:s8] =	ssyncset.s32 @!p0 $0xFFFFF086;
	s6 =	sadd.s32 @!p0 s3, s7;
	s7 =	simm.s32 @!p0 $0x108  }
0x21: {  	s3 =	sadd.s32 s3, s9;
	s6 =	sadd.s32 @!p0 $0x88, s6;
	s7 =	simm.s32 @p2 $0x1082  }
0x22: {  	[simem:s7], [sflag:s8] =	dma.local @!p0 [hbm:s6], $0xF7A  }
0x23: {  	s9 =	sor.u32 $0xD0000000, s2;
	s6 =	simm.s32 $0x108;
	_ =	swait.ge @!p0 [sflag:s8], $0x0  }
0x24: {  	s3 =	sadd.s32 $0x88, s3;
	s6 =	simm.s32 @!p1 $0x1082;
	[sflag:s4] =	ssyncset.s32 $0xFFFFF086  }
0x25: {  	[simem:s6], [sflag:s4] =	dma.local [hbm:s3], $0xF7A  }
0x26: {  	[smem:$0x3F98] =	sst s1;
	(tag) =	ssettag s2;
	_ =	strace s9  }
0x27: {  	s1 =	sld [smem:$0x3FA8]  }
0x28: {  	s2 =	sld [smem:$0x3FA9]  }
0x29: {  	s4 =	sld [smem:$0x3FAB]  }
0x2a: {  	p0 =	seq.s32 s5, $0x0;
	s5 =	sld [smem:$0x3FAC]  }
0x2b: {  	s6 =	sld [smem:$0x3FAD]  }
0x2c: {  	s7 =	sld [smem:$0x3FAE]  }
0x2d: {  	s3 =	simm.s32 $0x108;
	s8 =	sld [smem:$0x3FAF]  }
0x2e: {  	s3 =	simm.s32 @!p0 $0x1082;
	s9 =	sld [smem:$0x3FB0]  }
0x2f: {  	lr =	sadd.s32 s0, s3;
	s0 =	sld [smem:$0x3FA7]  }
0x30: {  	s3 =	sld [smem:$0x3FAA]  }
0x31: {  	[smem:$0x3FB3] =	sst s10  }
0x32: {  	s10 =	sld [smem:$0x3FB1];
	_ =	sdelay $0x3  }
0x33: {  	p0 =	seq.s32 s10, $0x1;
	s10 =	sld [smem:$0x3FB3];
	_ =	sdelay $0x3  }
0x34: {  	[smem:$0x3FB3] =	sst s10  }
0x35: {  	s10 =	sld [smem:$0x3FB2];
	_ =	sdelay $0x3  }
0x36: {  	p1 =	seq.s32 s10, $0x1;
	s10 =	sld [smem:$0x3FB3];
	_ =	sdelay $0x3  }
0x37: {  	[smem:$0x3FB3] =	sst s10  }
0x38: {  	s10 =	sld [smem:$0x3FB4]  }
0x39: {  	_ = 	snop;
	(pc) =	sbr.ind lr, $3  }
0x3a: {  	_ = 	snop  }
0x3b: {  	_ = 	snop  }
0x3c: {  	p2 =	seq.s32 s10, $0x1;
	s10 =	sld [smem:$0x3FB3]  }
0x3d: {  	_ =	shalt  }
0x3e: {  	_ =	shalt  }
0x3f: {  	_ =	shalt  }
0x40: {  	_ =	shalt  }
0x41: {  	_ =	shalt  }
0x42: {  	_ =	shalt  }
0x43: {  	_ =	shalt  }
0x44: {  	_ =	shalt  }
0x45: {  	_ =	shalt  }
0x46: {  	_ =	shalt  }
0x47: {  	_ =	shalt  }
0x48: {  	_ =	shalt  }
0x49: {  	_ =	shalt  }
0x4a: {  	_ =	shalt  }
0x4b: {  	_ =	shalt  }
0x4c: {  	_ =	shalt  }
0x4d: {  	_ =	shalt  }
0x4e: {  	_ =	shalt  }
0x4f: {  	_ =	shalt  }
0x50: {  	_ =	shalt  }
0x51: {  	_ =	shalt  }
0x52: {  	_ =	shalt  }
0x53: {  	_ =	shalt  }
0x54: {  	_ =	shalt  }
0x55: {  	_ =	shalt  }
0x56: {  	_ =	shalt  }
0x57: {  	_ =	shalt  }
0x58: {  	_ =	shalt  }
0x59: {  	_ =	shalt  }
0x5a: {  	_ =	shalt  }
0x5b: {  	_ =	shalt  }
0x5c: {  	_ =	shalt  }
0x5d: {  	_ =	shalt  }
0x5e: {  	_ =	shalt  }
0x5f: {  	_ =	shalt  }
0x60: {  	_ =	shalt  }
0x61: {  	_ =	shalt  }
0x62: {  	_ =	shalt  }
0x63: {  	_ =	shalt  }
0x64: {  	_ =	shalt  }
0x65: {  	_ =	shalt  }
0x66: {  	_ =	shalt  }
0x67: {  	_ =	shalt  }
0x68: {  	_ =	shalt  }
0x69: {  	_ =	shalt  }
0x6a: {  	_ =	shalt  }
0x6b: {  	_ =	shalt  }
0x6c: {  	_ =	shalt  }
0x6d: {  	_ =	shalt  }
0x6e: {  	_ =	shalt  }
0x6f: {  	_ =	shalt  }
0x70: {  	_ =	shalt  }
0x71: {  	_ =	shalt  }
0x72: {  	_ =	shalt  }
0x73: {  	_ =	shalt  }
0x74: {  	_ =	shalt  }
0x75: {  	_ =	shalt  }
0x76: {  	_ =	shalt  }
0x77: {  	_ =	shalt  }
0x78: {  	_ =	shalt  }
0x79: {  	_ =	shalt  }
0x7a: {  	_ =	shalt  }
0x7b: {  	_ =	shalt  }
0x7c: {  	_ =	shalt  }
0x7d: {  	_ =	shalt  }
0x7e: {  	_ =	shalt  }
0x7f: {  	_ =	shalt  }
0x80: {  	_ =	shalt  }
0x81: {  	_ =	shalt  }
0x82: {  	_ =	shalt  }
0x83: {  	_ =	shalt  }
0x84: {  	_ =	shalt  }
0x85: {  	_ =	shalt  }
0x86: {  	_ =	shalt  }
0x87: {  	_ =	shalt  }
.Lfunc_end0:
.L_simem_size_0:
called_computation_lowered:
.L_overlay_start_0:
0x88: {  	s2 =	sld [smem:$0x3FD9]  }
0x89: {  	s3 =	sld [smem:$0x3FFE];
	_ =	sdelay $0x1  }
0x8a: {  	s1 =	srdreg.scid  }
0x8b: {  	s0 =	sand.u32 $0x1, s1  }
0x8c: {  	s16 =	sshll.u32 s0, $0xA;
	s2 =	sadd.s32 s3, s2  }
0x8d: {  	s2 =	sadd.s32 s2, s16  }
0x8e: {  	[smem:$0x3FBF] =	sst s2  }
0x8f: {  	_ = 	snop  }
0x90: {  	(tm) =	ssettm $0x1  }
0x91: {  	s17 =	sld [smem:$0x3FFB];
	_ =	sdelay $0x3  }
0x92: {  	_ =	strace s17  }
0x93: {  	s2 =	sld [smem:$0x3FFC];
	_ =	sdelay $0x3  }
0x94: {  	_ =	strace s2  }
0x95: {  	s2 =	sld [smem:$0x3FFD];
	_ =	sdelay $0x3  }
0x96: {  	_ =	strace s2  }
0x97: {  	_ =	strace $0x8FFFFFFF  }
0x98: {  	s18 =	sld [smem:$0x3FDB];
	_ =	sdelay $0x1  }
0x99: {  	s19 =	simm.s32 $_scs_section_size  }
0x9a: {  	s4 =	simm.s32 $_size__tile_overlayer_lowered;
	s5 =	simm.s32 $_tile_overlayer_lowered  }
0x9b: {  	s22 =	simm.s32 $0x1BFF;
	s21 =	sshll.u32 s5, $0x1;
	s2 =	sadd.s32 s19, s18  }
0x9c: {  	s6 =	simm.s32 $0x0;
	s20 =	sshll.u32 s4, $0x1;
	s4 =	sadd.s32 s21, s2  }
0x9d: {  	[timem:s6], [sflag:s22] =	dma.local [hbm:s4], s20  }
0x9e: {  	_ =	swait.ge [sflag:s22], s20  }
0x9f: {  	s3 =	ssub.s32 $0x0, s20;
	[sflag:s22] =	ssyncset.done $0x0  }
0xa0: {  	[sflag:s22] =	ssyncadd.s32 s3;
	_ =	sdelay $0x1  }
0xa1: {  	s23 =	simm.s32 $0x1B8B  }
0xa2: {  	_ =	swait.ge [sflag:s23], $0x1  }
0xa3: {  	[sflag:s23] =	ssyncset.done $0x0  }
0xa4: {  	s25 =	simm.s32 $0x1B8E;
	s24 =	sld [smem:$0x3FFE];
	[sflag:s23] =	ssyncadd.s32 $0xFFFFFFFF  }
0xa5: {  	s26 =	simm.s32 $execute0_lowered;
	[smem:$0x3FD2] =	sst s25  }
0xa6: {  	s4 =	sshll.u32 s26, $0x1;
	_ =	strace $0x80000046;
	[dreg:$0x1] =	wrdreg $0xFFFFFFFF  }
0xa7: {  	s28 =	simm.s32 $_size_execute0_lowered;
	s2 =	sadd.s32 s2, s4;
	[dreg:$0x0] =	wrdreg $0x0  }
0xa8: {  	s4 =	sshll.u32 s28, $0x1;
	[dreg:$0x2] =	wrdreg s2  }
0xa9: {  	[dreg:$0x3] =	wrdreg s4  }
0xaa: {  	[dreg:$0x4] =	wrdreg $0xC0  }
0xab: {  	_ =	task [dreg:s6], $0x5FFFF  }
0xac: {  	[dreg:$0x1] =	wrdreg $0xFFFFFFFF  }
0xad: {  	[dreg:$0x0] =	wrdreg $0x60  }
0xae: {  	[dreg:$0x2] =	wrdreg s24  }
0xaf: {  	[dreg:$0x3] =	wrdreg $0x44000  }
0xb0: {  	[dreg:$0x4] =	wrdreg $0x9  }
0xb1: {  	_ =	task.clear_ibuf [dreg:s6], $0x5FFFF;
	_ =	strace $0x90000046  }
0xb2: {  	s29 =	simm.s32 $0x9;
	_ =	strace $0x80000048  }
0xb3: {  	_ =	swait.ge [sflag:s29], $0x1  }
0xb4: {  	[sflag:s29] =	ssyncadd.s32 $0xFFFFFFFF  }
0xb5: {  	_ =	strace $0x90000048  }
0xb6: {  	_ =	sfence  }
0xb7: {  	s30 =	sld [smem:$0x0];
	_ =	sdelay $0x2  }
0xb8: {  	s31 =	sshll.u32 s1, $0xD;
	s1 =	sshrl.u32 s1, $0x2  }
0xb9: {  	s3 =	sand.u32 $0x4000, s31;
	s1 =	sadd.s32 s1, s30  }
0xba: {  	s0 =	sor.u32 s3, s0;
	s1 =	sshll.u32 s1, $0x11  }
0xbb: {  	s0 =	sor.u32 s1, s0  }
0xbc: {  	s0 =	sadd.s32 $0x8F2B, s0  }
0xbd: {  	[sflag:s0] =	ssyncadd.remote.s32 $0x1  }
0xbe: {  	_ =	sfence.sel $0xFFFF  }
0xbf: {  	[dreg:$0x0] =	wrdreg $0xFFFFFFFF;
	(pc) =	sbr.abs _section_cstart, $3  }
0xc0: {  	[dreg:$0x1] =	wrdreg $0xFFFFFFFF  }
0xc1: {  	_ =	task.clear_ibuf [dreg:s6], $0x2FFFF;
	_ =	strace $0x9FFFFFFF  }
0xc2: {  	(tm) =	ssettm $0x7FFFFFFF  }
0xc3: {  	_ =	shalt  }
tec
execute0_lowered:
.L_overlay_start_1:
0x0: {  	(tag) =	ssettag $0x1  }
0x1: {  	s0 =	rddreg [dreg:$0x0]  }
0x2: {  	s1 =	rddreg [dreg:$0x1]  }
0x3: {  	s2 =	srdreg.scid;
	s3 =	simm.s32 $0x0;
	s9 =	stileid.u32  }
0x4: {  	s29 =	simm.s32 $0x400;
	s30 =	simm.s32 $0x1;
	s5 =	smul.u32 $0x50000, s9  }
0x5: {  	s31 =	simm.s32 $0x80;
	s2 =	sand.u32 $0x1, s2;
	s6 =	smul.u32 $0x2800, s9  }
0x6: {  	[smem:$0x7FF] =	sst s3;
	s26 =	smul.u32 $0x280, s9;
	s7 =	ssub.s32 $0x2, s2  }
0x7: {  	s9 =	simm.s32 $0x0;
	s4 =	smul.u32 $0x2800, s2;
	s14 =	sshrl.u32 s7, $0x1  }
0x8: {  	_ =	strace $0x80000047;
	s5 =	sshrl.u32 s5, $0x2;
	s15 =	ssub.s32 s7, s14  }
0x9: {  	s8 =	sadd.s32 s4, s0;
	s4 =	sadd.s32 s5, s1;
	s16 =	smax.u32 s15, $0x1  }
0xa: {  	p0 =	seq.s32 s2, $0x1;
	s17 =	sadd.s32 $0x1000, s4;
	[dreg:$0x3] =	wrdreg s16  }
0xb: {  	s0 =	sadd.s32 s6, s0;
	s18 =	sadd.s32 $0x2000, s4;
	[dreg:$0x4] =	wrdreg s17  }
0xc: {  	s5 =	simm.s32 $0x200;
	s19 =	sadd.s32 $0x3000, s4;
	[dreg:$0x5] =	wrdreg s18  }
0xd: {  	s6 =	simm.s32 $0x280;
	s20 =	sadd.s32 $0x4000, s4;
	[dreg:$0x6] =	wrdreg s19  }
0xe: {  	s7 =	simm.s32 $0x300;
	s21 =	sadd.s32 $0x5000, s4;
	[dreg:$0x7] =	wrdreg s20  }
0xf: {  	s22 =	sadd.s32 $0x6000, s4;
	s23 =	sadd.s32 $0x7000, s4;
	[dreg:$0x8] =	wrdreg s21  }
0x10: {  	s24 =	sadd.s32 $0x8000, s4;
	s25 =	sadd.s32 $0x9000, s4;
	[dreg:$0x9] =	wrdreg s22  }
0x11: {  	s15 =	sadd.s32 $0xA000, s4;
	s2 =	sadd.s32 s26, s8;
	[dreg:$0xa] =	wrdreg s23  }
0x12: {  	s26 =	sadd.s32 $0x12000, s4;
	s28 =	sadd.s32 $0x13000, s4;
	[dreg:$0xb] =	wrdreg s24  }
.Ltmp0:
0x13: {  	s8 =	simm.s32 $0x380;
	[dreg:$0xc] =	wrdreg s25;
	(pc) =	sbr.rel .LBB2_1-.Ltmp0, $4  }
0x14: {  	s16 =	sadd.s32 $0xB000, s4;
	s17 =	sadd.s32 $0xC000, s4;
	s18 =	sadd.s32 $0xD000, s4  }
0x15: {  	s19 =	sadd.s32 $0xE000, s4;
	s20 =	sadd.s32 $0xF000, s4;
	s21 =	sadd.s32 $0x10000, s4  }
0x16: {  	s22 =	sadd.s32 $0x11000, s4;
	s23 =	sadd.s32 $0x8400, s2;
	s24 =	sadd.s32 $0xD400, s0  }
0x17: {  	v0 =	vimm.f32 $1.000000000e+00;
	s25 =	sadd.s32 $0x35400, s0;
	s0 =	simm.s32 $0x100;
	s2 =	simm.s32 $0x180  }
.LBB2_8:
0x18: {  	[sflag:s30] =	ssyncset.done $0x0  }
0x19: {  	[sflag:s30] =	ssyncadd.s32 $0xFFFFFE00  }
.LBB2_12:
0x1a: {  	s9 =	sadd.s32 $0x1, s9;
	s10 =	rddreg [dreg:$0x3]  }
0x1b: {  	p1 =	sne.s32 s9, s10  }
.Ltmp1:
0x1c: {  	_ = 	snop;
	(pc) =	sbr.rel @!p1 .LBB2_13-.Ltmp1, $1  }
0x1d: {  	_ =	sdelay $0x3  }
.LBB2_1:
0x1e: {  	s10 =	simm.s32 $0x0;
	s11 =	simm.s32 $0x200  }
.LBB2_2:
0x1f: {  	p1 =	sne.s32 s11, $0xFE00;
	[tilespmem:s10+$0x470] =	vst v0  }
0x20: {  	[tilespmem:s10+$0x400] =	vst v0  }
0x21: {  	[tilespmem:s10+$0x410] =	vst v0  }
.Ltmp2:
0x22: {  	[tilespmem:s10+$0x420] =	vst v0;
	(pc) =	sbr.rel @p1 .LBB2_2-.Ltmp2, $4  }
0x23: {  	[tilespmem:s10+$0x430] =	vst v0  }
0x24: {  	[tilespmem:s10+$0x440] =	vst v0  }
0x25: {  	[tilespmem:s10+$0x450] =	vst v0  }
0x26: {  	[tilespmem:s10+$0x460] =	vst v0;
	s10 =	sshra.s32 s11, $0x2;
	s11 =	sadd.s32 $0x200, s11  }
0x27: {  	[tilespmem:s10+$0x470] =	vst v0  }
0x28: {  	[tilespmem:s10+$0x400] =	vst v0  }
0x29: {  	[tilespmem:s10+$0x410] =	vst v0  }
0x2a: {  	[tilespmem:s10+$0x420] =	vst v0  }
0x2b: {  	[tilespmem:s10+$0x430] =	vst v0  }
0x2c: {  	[tilespmem:s10+$0x440] =	vst v0  }
0x2d: {  	[tilespmem:s10+$0x450] =	vst v0  }
0x2e: {  	[tilespmem:s10+$0x460] =	vst v0  }
0x2f: {  	[spmem:s4] =	stream.linear.scatter [tilespmem:s29], [sflag:$0x1], $0x1000, $0x38;
	[tilespmem:$0x18400] =	vst v63  }
0x30: {  	_ =	swait.ge [sflag:s30], $0x1000  }
0x31: {  	[sflag:s30] =	ssyncset.done $0x0  }
0x32: {  	s13 =	rddreg [dreg:$0x4];
	[sflag:s30] =	ssyncadd.s32 $0xFFFFF000  }
0x33: {  	[spmem:s13] =	stream.linear.scatter [tilespmem:s29], [sflag:$0x1], $0x1000, $0x38;
	[tilespmem:$0x18400] =	vst v63  }
0x34: {  	_ =	swait.ge [sflag:s30], $0x1000  }
0x35: {  	[sflag:s30] =	ssyncset.done $0x0  }
0x36: {  	s14 =	rddreg [dreg:$0x5];
	[sflag:s30] =	ssyncadd.s32 $0xFFFFF000  }
0x37: {  	[spmem:s14] =	stream.linear.scatter [tilespmem:s29], [sflag:$0x1], $0x1000, $0x38;
	[tilespmem:$0x18400] =	vst v63  }
0x38: {  	_ =	swait.ge [sflag:s30], $0x1000  }
0x39: {  	[sflag:s30] =	ssyncset.done $0x0  }
0x3a: {  	s11 =	rddreg [dreg:$0x6];
	[sflag:s30] =	ssyncadd.s32 $0xFFFFF000  }
0x3b: {  	[spmem:s11] =	stream.linear.scatter [tilespmem:s29], [sflag:$0x1], $0x1000, $0x38;
	[tilespmem:$0x18400] =	vst v63  }
0x3c: {  	_ =	swait.ge [sflag:s30], $0x1000  }
0x3d: {  	[sflag:s30] =	ssyncset.done $0x0  }
0x3e: {  	s12 =	rddreg [dreg:$0x7];
	[sflag:s30] =	ssyncadd.s32 $0xFFFFF000  }
0x3f: {  	[spmem:s12] =	stream.linear.scatter [tilespmem:s29], [sflag:$0x1], $0x1000, $0x38;
	[tilespmem:$0x18400] =	vst v63  }
0x40: {  	_ =	swait.ge [sflag:s30], $0x1000  }
0x41: {  	[sflag:s30] =	ssyncset.done $0x0  }
0x42: {  	s13 =	rddreg [dreg:$0x8];
	[sflag:s30] =	ssyncadd.s32 $0xFFFFF000  }
0x43: {  	[spmem:s13] =	stream.linear.scatter [tilespmem:s29], [sflag:$0x1], $0x1000, $0x38;
	[tilespmem:$0x18400] =	vst v63  }
0x44: {  	_ =	swait.ge [sflag:s30], $0x1000  }
0x45: {  	[sflag:s30] =	ssyncset.done $0x0  }
0x46: {  	s14 =	rddreg [dreg:$0x9];
	[sflag:s30] =	ssyncadd.s32 $0xFFFFF000  }
0x47: {  	[spmem:s14] =	stream.linear.scatter [tilespmem:s29], [sflag:$0x1], $0x1000, $0x38;
	[tilespmem:$0x18400] =	vst v63  }
0x48: {  	_ =	swait.ge [sflag:s30], $0x1000  }
0x49: {  	[sflag:s30] =	ssyncset.done $0x0  }
0x4a: {  	s11 =	rddreg [dreg:$0xa];
	[sflag:s30] =	ssyncadd.s32 $0xFFFFF000  }
0x4b: {  	[spmem:s11] =	stream.linear.scatter [tilespmem:s29], [sflag:$0x1], $0x1000, $0x38;
	[tilespmem:$0x18400] =	vst v63  }
0x4c: {  	_ =	swait.ge [sflag:s30], $0x1000  }
0x4d: {  	[sflag:s30] =	ssyncset.done $0x0  }
0x4e: {  	s12 =	rddreg [dreg:$0xb];
	[sflag:s30] =	ssyncadd.s32 $0xFFFFF000  }
0x4f: {  	[spmem:s12] =	stream.linear.scatter [tilespmem:s29], [sflag:$0x1], $0x1000, $0x38;
	[tilespmem:$0x18400] =	vst v63  }
0x50: {  	_ =	swait.ge [sflag:s30], $0x1000  }
0x51: {  	[sflag:s30] =	ssyncset.done $0x0  }
0x52: {  	s13 =	rddreg [dreg:$0xc];
	[sflag:s30] =	ssyncadd.s32 $0xFFFFF000  }
0x53: {  	[spmem:s13] =	stream.linear.scatter [tilespmem:s29], [sflag:$0x1], $0x1000, $0x38;
	[tilespmem:$0x18400] =	vst v63  }
0x54: {  	_ =	swait.ge [sflag:s30], $0x1000  }
0x55: {  	[sflag:s30] =	ssyncset.done $0x0  }
0x56: {  	[sflag:s30] =	ssyncadd.s32 $0xFFFFF000  }
0x57: {  	[spmem:s15] =	stream.linear.scatter [tilespmem:s29], [sflag:$0x1], $0x1000, $0x38;
	[tilespmem:$0x18400] =	vst v63  }
0x58: {  	_ =	swait.ge [sflag:s30], $0x1000  }
0x59: {  	[sflag:s30] =	ssyncset.done $0x0  }
0x5a: {  	[sflag:s30] =	ssyncadd.s32 $0xFFFFF000  }
0x5b: {  	[spmem:s16] =	stream.linear.scatter [tilespmem:s29], [sflag:$0x1], $0x1000, $0x38;
	[tilespmem:$0x18400] =	vst v63  }
0x5c: {  	_ =	swait.ge [sflag:s30], $0x1000  }
0x5d: {  	[sflag:s30] =	ssyncset.done $0x0  }
0x5e: {  	[sflag:s30] =	ssyncadd.s32 $0xFFFFF000  }
0x5f: {  	[spmem:s17] =	stream.linear.scatter [tilespmem:s29], [sflag:$0x1], $0x1000, $0x38;
	[tilespmem:$0x18400] =	vst v63  }
0x60: {  	_ =	swait.ge [sflag:s30], $0x1000  }
0x61: {  	[sflag:s30] =	ssyncset.done $0x0  }
0x62: {  	[sflag:s30] =	ssyncadd.s32 $0xFFFFF000  }
0x63: {  	[spmem:s18] =	stream.linear.scatter [tilespmem:s29], [sflag:$0x1], $0x1000, $0x38;
	[tilespmem:$0x18400] =	vst v63  }
0x64: {  	_ =	swait.ge [sflag:s30], $0x1000  }
0x65: {  	[sflag:s30] =	ssyncset.done $0x0  }
0x66: {  	[sflag:s30] =	ssyncadd.s32 $0xFFFFF000  }
0x67: {  	[spmem:s19] =	stream.linear.scatter [tilespmem:s29], [sflag:$0x1], $0x1000, $0x38;
	[tilespmem:$0x18400] =	vst v63  }
0x68: {  	_ =	swait.ge [sflag:s30], $0x1000  }
0x69: {  	[sflag:s30] =	ssyncset.done $0x0  }
0x6a: {  	[sflag:s30] =	ssyncadd.s32 $0xFFFFF000  }
0x6b: {  	[spmem:s20] =	stream.linear.scatter [tilespmem:s29], [sflag:$0x1], $0x1000, $0x38;
	[tilespmem:$0x18400] =	vst v63  }
0x6c: {  	_ =	swait.ge [sflag:s30], $0x1000  }
0x6d: {  	[sflag:s30] =	ssyncset.done $0x0  }
0x6e: {  	[sflag:s30] =	ssyncadd.s32 $0xFFFFF000  }
0x6f: {  	[spmem:s21] =	stream.linear.scatter [tilespmem:s29], [sflag:$0x1], $0x1000, $0x38;
	[tilespmem:$0x18400] =	vst v63  }
0x70: {  	_ =	swait.ge [sflag:s30], $0x1000  }
0x71: {  	[sflag:s30] =	ssyncset.done $0x0  }
0x72: {  	[sflag:s30] =	ssyncadd.s32 $0xFFFFF000  }
0x73: {  	[spmem:s22] =	stream.linear.scatter [tilespmem:s29], [sflag:$0x1], $0x1000, $0x38;
	[tilespmem:$0x18400] =	vst v63  }
0x74: {  	_ =	swait.ge [sflag:s30], $0x1000  }
0x75: {  	[sflag:s30] =	ssyncset.done $0x0  }
0x76: {  	[sflag:s30] =	ssyncadd.s32 $0xFFFFF000  }
0x77: {  	[spmem:s26] =	stream.linear.scatter [tilespmem:s29], [sflag:$0x1], $0x1000, $0x38;
	[tilespmem:$0x18400] =	vst v63  }
0x78: {  	_ =	swait.ge [sflag:s30], $0x1000  }
0x79: {  	[sflag:s30] =	ssyncset.done $0x0  }
0x7a: {  	[sflag:s30] =	ssyncadd.s32 $0xFFFFF000  }
0x7b: {  	[spmem:s28] =	stream.linear.scatter [tilespmem:s29], [sflag:$0x1], $0x1000, $0x38;
	[tilespmem:$0x18400] =	vst v63  }
0x7c: {  	_ =	swait.ge [sflag:s30], $0x1000  }
0x7d: {  	[sflag:s30] =	ssyncset.done $0x0  }
0x7e: {  	[sflag:s30] =	ssyncadd.s32 $0xFFFFF000  }
0x7f: {  	s14 =	sadd.s32 $0x0, s23;
	[bflag:$0x0] =	sbarrier.arrive $0xFFFF  }
0x80: {  	[tilespmem:s3], [sflag:$0x1] =	stream.linear.gather [hbm4b:s14+s3], $0x400, $0x38;
	[tilespmem:$0x18400] =	vst v63  }
0x81: {  	_ =	swait.ge [sflag:s30], $0x400  }
0x82: {  	[sflag:s30] =	ssyncset.done $0x0  }
0x83: {  	[sflag:s30] =	ssyncadd.s32 $0xFFFFFC00  }
0x84: {  	[spmem:s1] =	stream.indirect.scatter.add.f32 [tilespmem:s29], [sflag:$0x1], $0x80, s3, s31, $0xb8;
	[tilespmem:$0x18400] =	vst v63  }
0x85: {  	_ =	swait.ge [sflag:s30], $0x4000  }
0x86: {  	[sflag:s30] =	ssyncset.done $0x0  }
0x87: {  	[sflag:s30] =	ssyncadd.s32 $0xFFFFC000  }
0x88: {  	[spmem:s1] =	stream.indirect.scatter.add.f32 [tilespmem:s29], [sflag:$0x1], $0x80, s31, s31, $0xb8;
	[tilespmem:$0x18400] =	vst v63  }
0x89: {  	_ =	swait.ge [sflag:s30], $0x4000  }
0x8a: {  	[sflag:s30] =	ssyncset.done $0x0  }
0x8b: {  	[sflag:s30] =	ssyncadd.s32 $0xFFFFC000  }
0x8c: {  	[spmem:s1] =	stream.indirect.scatter.add.f32 [tilespmem:s29], [sflag:$0x1], $0x80, s0, s31, $0xb8;
	[tilespmem:$0x18400] =	vst v63  }
0x8d: {  	_ =	swait.ge [sflag:s30], $0x4000  }
0x8e: {  	[sflag:s30] =	ssyncset.done $0x0  }
0x8f: {  	[sflag:s30] =	ssyncadd.s32 $0xFFFFC000  }
0x90: {  	[spmem:s1] =	stream.indirect.scatter.add.f32 [tilespmem:s29], [sflag:$0x1], $0x80, s2, s31, $0xb8;
	[tilespmem:$0x18400] =	vst v63  }
0x91: {  	_ =	swait.ge [sflag:s30], $0x4000  }
0x92: {  	[sflag:s30] =	ssyncset.done $0x0  }
0x93: {  	[sflag:s30] =	ssyncadd.s32 $0xFFFFC000  }
0x94: {  	[spmem:s1] =	stream.indirect.scatter.add.f32 [tilespmem:s29], [sflag:$0x1], $0x80, s5, s31, $0xb8;
	[tilespmem:$0x18400] =	vst v63  }
0x95: {  	_ =	swait.ge [sflag:s30], $0x4000  }
0x96: {  	[sflag:s30] =	ssyncset.done $0x0  }
0x97: {  	[sflag:s30] =	ssyncadd.s32 $0xFFFFC000  }
0x98: {  	[spmem:s1] =	stream.indirect.scatter.add.f32 [tilespmem:s29], [sflag:$0x1], $0x80, s6, s31, $0xb8;
	[tilespmem:$0x18400] =	vst v63  }
0x99: {  	_ =	swait.ge [sflag:s30], $0x4000  }
0x9a: {  	[sflag:s30] =	ssyncset.done $0x0  }
0x9b: {  	[sflag:s30] =	ssyncadd.s32 $0xFFFFC000  }
0x9c: {  	[spmem:s1] =	stream.indirect.scatter.add.f32 [tilespmem:s29], [sflag:$0x1], $0x80, s7, s31, $0xb8;
	[tilespmem:$0x18400] =	vst v63  }
0x9d: {  	_ =	swait.ge [sflag:s30], $0x4000  }
0x9e: {  	[sflag:s30] =	ssyncset.done $0x0  }
0x9f: {  	[sflag:s30] =	ssyncadd.s32 $0xFFFFC000  }
0xa0: {  	[spmem:s1] =	stream.indirect.scatter.add.f32 [tilespmem:s29], [sflag:$0x1], $0x80, s8, s31, $0xb8;
	[tilespmem:$0x18400] =	vst v63  }
0xa1: {  	_ =	swait.ge [sflag:s30], $0x4000  }
0xa2: {  	s10 =	simm.s32 $0x80;
	s12 =	simm.s32 $0x100;
	[sflag:s30] =	ssyncset.done $0x0  }
.LBB2_4:
0xa3: {  	s13 =	sadd.s32 s10, s23  }
0xa4: {  	[sflag:s30] =	ssyncadd.s32 $0xFFFFC000;
	s10 =	smov.u32 s12;
	s11 =	sadd.s32 $0x80, s12  }
0xa5: {  	[tilespmem:s3], [sflag:$0x1] =	stream.linear.gather [hbm4b:s13+s3], $0x400, $0x38;
	[tilespmem:$0x18400] =	vst v63  }
0xa6: {  	p1 =	sne.s32 s12, $0x200;
	_ =	swait.ge [sflag:s30], $0x400  }
0xa7: {  	[sflag:s30] =	ssyncset.done $0x0  }
0xa8: {  	[sflag:s30] =	ssyncadd.s32 $0xFFFFFC00  }
0xa9: {  	[spmem:s1] =	stream.indirect.scatter.add.f32 [tilespmem:s29], [sflag:$0x1], $0x80, s3, s31, $0xb8;
	[tilespmem:$0x18400] =	vst v63  }
0xaa: {  	_ =	swait.ge [sflag:s30], $0x4000  }
0xab: {  	[sflag:s30] =	ssyncset.done $0x0  }
0xac: {  	[sflag:s30] =	ssyncadd.s32 $0xFFFFC000  }
0xad: {  	[spmem:s1] =	stream.indirect.scatter.add.f32 [tilespmem:s29], [sflag:$0x1], $0x80, s31, s31, $0xb8;
	[tilespmem:$0x18400] =	vst v63  }
0xae: {  	_ =	swait.ge [sflag:s30], $0x4000  }
0xaf: {  	[sflag:s30] =	ssyncset.done $0x0  }
0xb0: {  	[sflag:s30] =	ssyncadd.s32 $0xFFFFC000  }
0xb1: {  	[spmem:s1] =	stream.indirect.scatter.add.f32 [tilespmem:s29], [sflag:$0x1], $0x80, s0, s31, $0xb8;
	[tilespmem:$0x18400] =	vst v63  }
0xb2: {  	_ =	swait.ge [sflag:s30], $0x4000  }
0xb3: {  	[sflag:s30] =	ssyncset.done $0x0  }
0xb4: {  	[sflag:s30] =	ssyncadd.s32 $0xFFFFC000  }
0xb5: {  	[spmem:s1] =	stream.indirect.scatter.add.f32 [tilespmem:s29], [sflag:$0x1], $0x80, s2, s31, $0xb8;
	[tilespmem:$0x18400] =	vst v63  }
0xb6: {  	_ =	swait.ge [sflag:s30], $0x4000  }
0xb7: {  	[sflag:s30] =	ssyncset.done $0x0  }
0xb8: {  	[sflag:s30] =	ssyncadd.s32 $0xFFFFC000  }
0xb9: {  	[spmem:s1] =	stream.indirect.scatter.add.f32 [tilespmem:s29], [sflag:$0x1], $0x80, s5, s31, $0xb8;
	[tilespmem:$0x18400] =	vst v63  }
0xba: {  	_ =	swait.ge [sflag:s30], $0x4000  }
0xbb: {  	[sflag:s30] =	ssyncset.done $0x0  }
0xbc: {  	[sflag:s30] =	ssyncadd.s32 $0xFFFFC000  }
0xbd: {  	[spmem:s1] =	stream.indirect.scatter.add.f32 [tilespmem:s29], [sflag:$0x1], $0x80, s6, s31, $0xb8;
	[tilespmem:$0x18400] =	vst v63  }
0xbe: {  	_ =	swait.ge [sflag:s30], $0x4000  }
0xbf: {  	[sflag:s30] =	ssyncset.done $0x0  }
0xc0: {  	[sflag:s30] =	ssyncadd.s32 $0xFFFFC000  }
0xc1: {  	[spmem:s1] =	stream.indirect.scatter.add.f32 [tilespmem:s29], [sflag:$0x1], $0x80, s7, s31, $0xb8;
	[tilespmem:$0x18400] =	vst v63  }
0xc2: {  	_ =	swait.ge [sflag:s30], $0x4000  }
.Ltmp3:
0xc3: {  	[sflag:s30] =	ssyncset.done $0x0;
	(pc) =	sbr.rel @p1 .LBB2_4-.Ltmp3, $4  }
0xc4: {  	[sflag:s30] =	ssyncadd.s32 $0xFFFFC000  }
0xc5: {  	[spmem:s1] =	stream.indirect.scatter.add.f32 [tilespmem:s29], [sflag:$0x1], $0x80, s8, s31, $0xb8;
	[tilespmem:$0x18400] =	vst v63  }
0xc6: {  	_ =	swait.ge [sflag:s30], $0x4000  }
0xc7: {  	s12 =	smov.u32 s11;
	[sflag:s30] =	ssyncset.done $0x0  }
0xc8: {  	s10 =	sadd.s32 s10, s23;
	[sflag:s30] =	ssyncadd.s32 $0xFFFFC000  }
0xc9: {  	[tilespmem:s3], [sflag:$0x1] =	stream.linear.gather [hbm4b:s10+s3], $0x400, $0x38;
	[tilespmem:$0x18400] =	vst v63  }
0xca: {  	_ =	swait.ge [sflag:s30], $0x400  }
0xcb: {  	[sflag:s30] =	ssyncset.done $0x0  }
0xcc: {  	[sflag:s30] =	ssyncadd.s32 $0xFFFFFC00  }
0xcd: {  	[spmem:s1] =	stream.indirect.scatter.add.f32 [tilespmem:s29], [sflag:$0x1], $0x80, s3, s31, $0xb8;
	[tilespmem:$0x18400] =	vst v63  }
0xce: {  	_ =	swait.ge [sflag:s30], $0x4000  }
0xcf: {  	[sflag:s30] =	ssyncset.done $0x0  }
0xd0: {  	[sflag:s30] =	ssyncadd.s32 $0xFFFFC000  }
0xd1: {  	[spmem:s1] =	stream.indirect.scatter.add.f32 [tilespmem:s29], [sflag:$0x1], $0x80, s31, s31, $0xb8;
	[tilespmem:$0x18400] =	vst v63  }
0xd2: {  	_ =	swait.ge [sflag:s30], $0x4000  }
0xd3: {  	[sflag:s30] =	ssyncset.done $0x0  }
0xd4: {  	[sflag:s30] =	ssyncadd.s32 $0xFFFFC000  }
0xd5: {  	[spmem:s1] =	stream.indirect.scatter.add.f32 [tilespmem:s29], [sflag:$0x1], $0x80, s0, s31, $0xb8;
	[tilespmem:$0x18400] =	vst v63  }
0xd6: {  	_ =	swait.ge [sflag:s30], $0x4000  }
0xd7: {  	[sflag:s30] =	ssyncset.done $0x0  }
0xd8: {  	[sflag:s30] =	ssyncadd.s32 $0xFFFFC000  }
0xd9: {  	[spmem:s1] =	stream.indirect.scatter.add.f32 [tilespmem:s29], [sflag:$0x1], $0x80, s2, s31, $0xb8;
	[tilespmem:$0x18400] =	vst v63  }
0xda: {  	_ =	swait.ge [sflag:s30], $0x4000  }
0xdb: {  	[sflag:s30] =	ssyncset.done $0x0  }
0xdc: {  	[sflag:s30] =	ssyncadd.s32 $0xFFFFC000  }
0xdd: {  	[spmem:s1] =	stream.indirect.scatter.add.f32 [tilespmem:s29], [sflag:$0x1], $0x80, s5, s31, $0xb8;
	[tilespmem:$0x18400] =	vst v63  }
0xde: {  	_ =	swait.ge [sflag:s30], $0x4000  }
0xdf: {  	[sflag:s30] =	ssyncset.done $0x0  }
0xe0: {  	[sflag:s30] =	ssyncadd.s32 $0xFFFFC000  }
0xe1: {  	[spmem:s1] =	stream.indirect.scatter.add.f32 [tilespmem:s29], [sflag:$0x1], $0x80, s6, s31, $0xb8;
	[tilespmem:$0x18400] =	vst v63  }
0xe2: {  	_ =	swait.ge [sflag:s30], $0x4000  }
0xe3: {  	[sflag:s30] =	ssyncset.done $0x0  }
0xe4: {  	[sflag:s30] =	ssyncadd.s32 $0xFFFFC000  }
0xe5: {  	[spmem:s1] =	stream.indirect.scatter.add.f32 [tilespmem:s29], [sflag:$0x1], $0x80, s7, s31, $0xb8;
	[tilespmem:$0x18400] =	vst v63  }
0xe6: {  	_ =	swait.ge [sflag:s30], $0x4000  }
0xe7: {  	[sflag:s30] =	ssyncset.done $0x0  }
0xe8: {  	[sflag:s30] =	ssyncadd.s32 $0xFFFFC000  }
0xe9: {  	[spmem:s1] =	stream.indirect.scatter.add.f32 [tilespmem:s29], [sflag:$0x1], $0x80, s8, s31, $0xb8;
	[tilespmem:$0x18400] =	vst v63  }
.Ltmp4:
0xea: {  	_ =	swait.ge [sflag:s30], $0x4000;
	(pc) =	sbr.rel @!p0 .LBB2_6-.Ltmp4, $4  }
0xeb: {  	[sflag:s30] =	ssyncset.done $0x0  }
0xec: {  	[sflag:s30] =	ssyncadd.s32 $0xFFFFC000  }
0xed: {  	s14 =	stileid.u32;
	[bflag:$0x0] =	sbarrier.arrive $0xFFFF  }
0xee: {  	s11 =	simm.s32 $0x0;
	s10 =	sshll.u32 s14, $0x6  }
0xef: {  	s12 =	sadd.s32 s11, s25;
	s10 =	sor.u32 $0x1C01, s10;
	s13 =	sshrl.u32 s4, $0x3  }
0xf0: {  	[hbm:s12], [sflag:s10] =	dma.local [spmem:s13], $0x200  }
0xf1: {  	s11 =	sadd.s32 $0x200, s11;
	s12 =	sadd.s32 $0x1000, s4;
	_ =	swait.ge [sflag:s30], $0x200  }
.LBB2_10:
0xf2: {  	s13 =	sadd.s32 s11, s25;
	[sflag:s30] =	ssyncset.done $0x0;
	p1 =	sne.s32 s11, $0x2600  }
.Ltmp5:
0xf3: {  	s14 =	sshrl.u32 s12, $0x3;
	[sflag:s30] =	ssyncadd.s32 $0xFFFFFE00;
	(pc) =	sbr.rel @p1 .LBB2_10-.Ltmp5, $3  }
0xf4: {  	[hbm:s13], [sflag:s10] =	dma.local [spmem:s14], $0x200  }
0xf5: {  	s11 =	sadd.s32 $0x200, s11;
	_ =	sdelay $0x1  }
0xf6: {  	s12 =	sadd.s32 $0x1000, s12;
	_ =	swait.ge [sflag:s30], $0x200  }
.Ltmp6:
0xf7: {  	(pc) =	sbr.rel .LBB2_12-.Ltmp6, $3  }
0xf8: {  	_ =	sdelay $0x1  }
0xf9: {  	[sflag:s30] =	ssyncset.done $0x0  }
0xfa: {  	[sflag:s30] =	ssyncadd.s32 $0xFFFFFE00  }
.LBB2_6:
0xfb: {  	s12 =	sadd.s32 s11, s24;
	s10 =	sor.u32 $0x1C01, s10;
	s13 =	sshrl.u32 s4, $0x3  }
0xfc: {  	[hbm:s12], [sflag:s10] =	dma.local [spmem:s13], $0x200  }
0xfd: {  	s11 =	sadd.s32 $0x200, s11;
	s12 =	sadd.s32 $0x1000, s4;
	_ =	swait.ge [sflag:s30], $0x200  }
.LBB2_7:
0xfe: {  	s13 =	sadd.s32 s11, s24;
	[sflag:s30] =	ssyncset.done $0x0;
	p1 =	seq.s32 s11, $0x2600  }
.Ltmp7:
0xff: {  	s14 =	sshrl.u32 s12, $0x3;
	[sflag:s30] =	ssyncadd.s32 $0xFFFFFE00;
	(pc) =	sbr.rel @!p1 .LBB2_7-.Ltmp7, $3  }
0x100: {  	[hbm:s13], [sflag:s10] =	dma.local [spmem:s14], $0x200  }
0x101: {  	s11 =	sadd.s32 $0x200, s11;
	_ =	sdelay $0x1  }
0x102: {  	s12 =	sadd.s32 $0x1000, s12;
	_ =	swait.ge [sflag:s30], $0x200  }
.Ltmp8:
0x103: {  	_ = 	snop;
	(pc) =	sbr.rel .LBB2_8-.Ltmp8, $1  }
0x104: {  	_ =	sdelay $0x3  }
.LBB2_13:
0x105: {  	_ =	sfence.sel $0x180000  }
0x106: {  	[bflag:$0x0] =	sbarrier.arrive $0xFFFF  }
0x107: {  	_ =	strace $0x90000047  }
0x108: {  	s0 =	stileid.u32;
	[bflag:$0x2] =	sbarrier.arrive $0xFFFF  }
0x109: {  	p0 =	sne.s32 s0, $0x0;
	s0 =	rddreg [dreg:$0x2]  }
0x10a: {  	s0 =	sadd.s32 @!p0 $0x100000, s0  }
0x10b: {  	[sflag:s0] =	ssyncadd.tile.s32 @!p0 $0x1;
	_ =	shalt  }
.Lfunc_end2:
_tile_overlayer_lowered:
.L_overlay_start_2:
0x10c: {  	(tag) =	ssettag $0x2  }
0x10d: {  	s0 =	rddreg [dreg:$0x0];
	s2 =	stileid.u32  }
0x10e: {  	s1 =	rddreg [dreg:$0x1];
	p0 =	sne.s32 s2, $0x0  }
0x10f: {  	s3 =	rddreg [dreg:$0x2];
	[bflag:$0x3] =	sbarrier.arrive $0xFFFF;
	s2 =	simm.s32 @!p0 $0x1C01  }
0x110: {  	[timem:s3], [sflag:s2] =	dma.local @!p0 [hbm:s0], s1  }
0x111: {  	s0 =	simm.s32 @!p0 $0x1  }
0x112: {  	_ =	swait.ge @!p0 [sflag:s0], s1  }
0x113: {  	s1 =	ssub.s32 @!p0 $0x0, s1;
	[sflag:s0] =	ssyncset.done @!p0 $0x0  }
0x114: {  	[sflag:s0] =	ssyncadd.s32 @!p0 s1  }
0x115: {  	[bflag:$0x3] =	sbarrier.arrive $0xFFFF  }
0x116: {  	_ =	shalt  }

</sc_bundles>
